<compile_context>
chip_gen: v7x
topology: tpu7x:2x2x1
jax: 0.10.2.dev20260603
libtpu: 0.0.44.dev20260713+nightly
codegen_flags: <defaults>
</compile_context>

<pallas_src>
import functools

import jax
import jax.numpy as jnp
from jax import lax
from jax.experimental import pallas as pl
from jax.experimental.pallas import tpu as pltpu
from jax.experimental.pallas import tpu_sc as plsc

N_NODES = 100000
E_EDGES = 1600000
N_GRAPHS = 64
BLK = 2048
N_PAD = 49 * BLK
NSUB = 16
STRIPE = N_PAD // NSUB
C1 = 1000
C2 = 200
NBUF = 4

_sc_mesh = plsc.VectorSubcoreMesh(core_axis_name="c", subcore_axis_name="s")
_sc_params = pltpu.CompilerParams(use_tc_tiling_on_sc=False)


@functools.partial(
    pl.kernel,
    out_type=jax.ShapeDtypeStruct((2, N_PAD), jnp.float32),
    mesh=_sc_mesh,
    scratch_types=[
        pltpu.VMEM((NBUF, C1), jnp.int32),
        pltpu.VMEM((NBUF, C1), jnp.int32),
        pltpu.VMEM((NBUF, C1), jnp.float32),
        pltpu.VMEM_SHARED((N_PAD,), jnp.float32),
        pltpu.VMEM_SHARED((N_PAD,), jnp.float32),
    ] + [pltpu.SemaphoreType.DMA] * (2 * NBUF),
    compiler_params=_sc_params,
)
def _sc1(feat_hbm, src_hbm, dst_hbm, zeros_hbm, out_hbm,
         sbuf, dbuf, vbuf, feat_sh, table, *sems):
    cid = lax.axis_index("c")
    sid = lax.axis_index("s")
    wid = cid * NSUB + sid
    pltpu.sync_copy(feat_hbm.at[pl.ds(sid * STRIPE, STRIPE)],
                    feat_sh.at[pl.ds(sid * STRIPE, STRIPE)])
    pltpu.sync_copy(zeros_hbm.at[pl.ds(sid * STRIPE, STRIPE)],
                    table.at[pl.ds(sid * STRIPE, STRIPE)])
    plsc.subcore_barrier()

    per_tile = E_EDGES // 32
    base = wid * per_tile
    nch = per_tile // C1
    gsems = sems[:NBUF]
    isems = sems[NBUF:]

    def fire_idx(ch, b):
        eb = base + ch * C1
        pltpu.async_copy(src_hbm.at[pl.ds(eb, C1)], sbuf.at[b], isems[b])
        pltpu.async_copy(dst_hbm.at[pl.ds(eb, C1)], dbuf.at[b], isems[b])

    def wait_idx(b):
        pltpu.make_async_copy(src_hbm.at[pl.ds(0, C1)], sbuf.at[b],
                              isems[b]).wait()
        pltpu.make_async_copy(dst_hbm.at[pl.ds(0, C1)], dbuf.at[b],
                              isems[b]).wait()

    def fire_gather(b):
        pltpu.async_copy(feat_sh.at[sbuf.at[b]], vbuf.at[b], gsems[b])

    def wait_gather(b):
        pltpu.make_async_copy(feat_hbm.at[pl.ds(0, C1)], vbuf.at[b],
                              gsems[b]).wait()

    for c in range(NBUF - 1):
        fire_idx(c, c)
        wait_idx(c)
        fire_gather(c)
    fire_idx(NBUF - 1, NBUF - 1)

    def quad(i4, carry):
        for b in range(NBUF):
            ch = NBUF * i4 + b

            @pl.when(ch < nch)
            def _():
                nb = (b + NBUF - 1) % NBUF

                @pl.when(ch + NBUF - 1 < nch)
                def _():
                    wait_idx(nb)
                    fire_gather(nb)

                wait_gather(b)
                pltpu.sync_copy(vbuf.at[b], table.at[dbuf.at[b]], add=True)

                @pl.when(ch + NBUF < nch)
                def _():
                    fire_idx(ch + NBUF, b)
        return carry

    lax.fori_loop(0, (nch + NBUF - 1) // NBUF, quad, 0)
    plsc.subcore_barrier()
    pltpu.sync_copy(table.at[pl.ds(sid * STRIPE, STRIPE)],
                    out_hbm.at[cid, pl.ds(sid * STRIPE, STRIPE)])


@functools.partial(
    pl.kernel,
    out_type=(jax.ShapeDtypeStruct((N_PAD, 16), jnp.float32),
              jax.ShapeDtypeStruct((N_PAD, 16), jnp.float32)),
    mesh=_sc_mesh,
    scratch_types=[
        pltpu.VMEM((NBUF, C2), jnp.int32),
        pltpu.VMEM((NBUF, C2), jnp.int32),
        pltpu.VMEM((NBUF, C2, 16), jnp.float32),
        pltpu.VMEM_SHARED((N_PAD, 16), jnp.float32),
    ] + [pltpu.SemaphoreType.DMA] * (2 * NBUF),
    compiler_params=_sc_params,
)
def _sc2(g0_hbm, g1_hbm, r0_hbm, r1_hbm, src_hbm, dst_hbm, o0_hbm, o1_hbm,
         sbuf, dbuf, rows, table, *sems):
    cid = lax.axis_index("c")
    sid = lax.axis_index("s")

    @pl.when(cid == 0)
    def _():
        pltpu.sync_copy(r0_hbm.at[pl.ds(sid * STRIPE, STRIPE)],
                        table.at[pl.ds(sid * STRIPE, STRIPE)])

    @pl.when(cid == 1)
    def _():
        pltpu.sync_copy(r1_hbm.at[pl.ds(sid * STRIPE, STRIPE)],
                        table.at[pl.ds(sid * STRIPE, STRIPE)])

    plsc.subcore_barrier()

    per_tile = E_EDGES // NSUB
    base = sid * per_tile
    nch = per_tile // C2
    gsems = sems[:NBUF]
    isems = sems[NBUF:]

    def fire_idx(ch, b):
        eb = base + ch * C2
        pltpu.async_copy(src_hbm.at[pl.ds(eb, C2)], sbuf.at[b], isems[b])
        pltpu.async_copy(dst_hbm.at[pl.ds(eb, C2)], dbuf.at[b], isems[b])

    def wait_idx(b):
        pltpu.make_async_copy(src_hbm.at[pl.ds(0, C2)], sbuf.at[b],
                              isems[b]).wait()
        pltpu.make_async_copy(dst_hbm.at[pl.ds(0, C2)], dbuf.at[b],
                              isems[b]).wait()

    def fire_gather(b):
        @pl.when(cid == 0)
        def _():
            pltpu.async_copy(g0_hbm.at[sbuf.at[b]], rows.at[b], gsems[b])

        @pl.when(cid == 1)
        def _():
            pltpu.async_copy(g1_hbm.at[sbuf.at[b]], rows.at[b], gsems[b])

    def wait_gather(b):
        pltpu.make_async_copy(g0_hbm.at[sbuf.at[b]], rows.at[b],
                              gsems[b]).wait()

    for c in range(NBUF - 1):
        fire_idx(c, c)
        wait_idx(c)
        fire_gather(c)
    fire_idx(NBUF - 1, NBUF - 1)

    def quad(i4, carry):
        for b in range(NBUF):
            ch = NBUF * i4 + b

            @pl.when(ch < nch)
            def _():
                nb = (b + NBUF - 1) % NBUF

                @pl.when(ch + NBUF - 1 < nch)
                def _():
                    wait_idx(nb)
                    fire_gather(nb)

                wait_gather(b)
                pltpu.sync_copy(rows.at[b], table.at[dbuf.at[b]], add=True)

                @pl.when(ch + NBUF < nch)
                def _():
                    fire_idx(ch + NBUF, b)
        return carry

    lax.fori_loop(0, (nch + NBUF - 1) // NBUF, quad, 0)
    plsc.subcore_barrier()

    @pl.when(cid == 0)
    def _():
        pltpu.sync_copy(table.at[pl.ds(sid * STRIPE, STRIPE)],
                        o0_hbm.at[pl.ds(sid * STRIPE, STRIPE)])

    @pl.when(cid == 1)
    def _():
        pltpu.sync_copy(table.at[pl.ds(sid * STRIPE, STRIPE)],
                        o1_hbm.at[pl.ds(sid * STRIPE, STRIPE)])


PBLK = BLK // 8


def _kron8(w, bi, bj):
    t = jnp.concatenate([w] * 8, axis=0)
    t = jnp.concatenate([t] * 8, axis=1)
    ii = lax.broadcasted_iota(jnp.int32, (8 * bi, 8 * bj), 0) // bi
    jj = lax.broadcasted_iota(jnp.int32, (8 * bi, 8 * bj), 1) // bj
    return t * (ii == jj).astype(jnp.float32)


def _tile8(v):
    return jnp.concatenate([v] * 8)


def _tc1_body(agg_ref, feat_ref, wr1_ref, br1_ref, wq1_ref, wr2_ref, br2_ref,
              wq2_ref, g0_ref, g1_ref, r0_ref, r1_ref):
    a_p = agg_ref[0] + agg_ref[1]
    f_p = feat_ref[...]
    rsel = (lax.broadcasted_iota(jnp.int32, (8, 512), 0)
            == lax.broadcasted_iota(jnp.int32, (8, 512), 1) // 64
            ).astype(jnp.float32)
    a_e = jnp.dot(a_p, rsel, preferred_element_type=jnp.float32)
    f_e = jnp.dot(f_p, rsel, preferred_element_type=jnp.float32)
    wr1 = _tile8(wr1_ref[0, :])
    wq1 = _tile8(wq1_ref[0, :])
    br1 = _tile8(br1_ref[:])
    h1 = jnp.maximum(a_e * wr1[None, :] + f_e * wq1[None, :]
                     + br1[None, :], 0.0)
    w2 = wr2_ref[...]
    q2 = wq2_ref[...]
    g0_ref[...] = jnp.dot(h1, _kron8(w2[:, :16], 64, 16),
                          preferred_element_type=jnp.float32)
    g1_ref[...] = jnp.dot(h1, _kron8(w2[:, 16:], 64, 16),
                          preferred_element_type=jnp.float32)
    b2a = _tile8(br2_ref[:16])
    b2b = _tile8(br2_ref[16:])
    r0_ref[...] = jnp.dot(h1, _kron8(q2[:, :16], 64, 16),
                          preferred_element_type=jnp.float32) + b2a[None, :]
    r1_ref[...] = jnp.dot(h1, _kron8(q2[:, 16:], 64, 16),
                          preferred_element_type=jnp.float32) + b2b[None, :]


_tc1 = pl.pallas_call(
    _tc1_body,
    grid=(N_PAD // BLK,),
    in_specs=[
        pl.BlockSpec((2, PBLK, 8), lambda i: (0, i, 0)),
        pl.BlockSpec((PBLK, 8), lambda i: (i, 0)),
        pl.BlockSpec((1, 64), lambda i: (0, 0)),
        pl.BlockSpec((64,), lambda i: (0,)),
        pl.BlockSpec((1, 64), lambda i: (0, 0)),
        pl.BlockSpec((64, 32), lambda i: (0, 0)),
        pl.BlockSpec((32,), lambda i: (0,)),
        pl.BlockSpec((64, 32), lambda i: (0, 0)),
    ],
    out_specs=[
        pl.BlockSpec((PBLK, 128), lambda i: (i, 0)),
        pl.BlockSpec((PBLK, 128), lambda i: (i, 0)),
        pl.BlockSpec((PBLK, 128), lambda i: (i, 0)),
        pl.BlockSpec((PBLK, 128), lambda i: (i, 0)),
    ],
    out_shape=[jax.ShapeDtypeStruct((N_PAD // 8, 128), jnp.float32)] * 4,
)


def _tc2_body(o0_ref, o1_ref, bt_ref, w1_ref, bb1_ref, w2_ref, bb2_ref,
              w3_ref, bb3_ref, out_ref, acc):
    i = pl.program_id(0)

    @pl.when(i == 0)
    def _():
        acc[...] = jnp.zeros_like(acc)

    h0 = jnp.maximum(o0_ref[...], 0.0)
    h1 = jnp.maximum(o1_ref[...], 0.0)
    w1 = w1_ref[...]
    z = jnp.maximum(
        jnp.dot(h0, _kron8(w1[:16, :], 16, 16),
                preferred_element_type=jnp.float32)
        + jnp.dot(h1, _kron8(w1[16:, :], 16, 16),
                  preferred_element_type=jnp.float32)
        + _tile8(bb1_ref[:])[None, :], 0.0)
    z = jnp.maximum(
        jnp.dot(z, _kron8(w2_ref[...], 16, 8),
                preferred_element_type=jnp.float32)
        + _tile8(bb2_ref[:])[None, :], 0.0)
    y = (jnp.dot(z, _kron8(w3_ref[...], 8, 1),
                 preferred_element_type=jnp.float32)
         + bb3_ref[0])
    ones = jnp.ones((PBLK, 1), jnp.float32)
    gcol = lax.broadcasted_iota(jnp.int32, (N_GRAPHS, PBLK), 0)
    for n in range(8):
        bn = bt_ref[n:n + 1, :]
        oh = (jnp.broadcast_to(bn, (N_GRAPHS, PBLK)) == gcol
              ).astype(jnp.float32)
        rhs = jnp.concatenate([y[:, n:n + 1], ones], axis=1)
        acc[...] += jnp.dot(oh, rhs, preferred_element_type=jnp.float32)

    @pl.when(i == pl.num_programs(0) - 1)
    def _():
        pooled = acc[:, 0] / jnp.maximum(acc[:, 1], 1.0)
        out_ref[...] = jax.nn.sigmoid(pooled)


_tc2 = pl.pallas_call(
    _tc2_body,
    grid=(N_PAD // BLK,),
    in_specs=[
        pl.BlockSpec((PBLK, 128), lambda i: (i, 0)),
        pl.BlockSpec((PBLK, 128), lambda i: (i, 0)),
        pl.BlockSpec((8, PBLK), lambda i: (0, i)),
        pl.BlockSpec((32, 16), lambda i: (0, 0)),
        pl.BlockSpec((16,), lambda i: (0,)),
        pl.BlockSpec((16, 8), lambda i: (0, 0)),
        pl.BlockSpec((8,), lambda i: (0,)),
        pl.BlockSpec((8, 1), lambda i: (0, 0)),
        pl.BlockSpec((1,), lambda i: (0,)),
    ],
    out_specs=pl.BlockSpec((N_GRAPHS,), lambda i: (0,)),
    out_shape=jax.ShapeDtypeStruct((N_GRAPHS,), jnp.float32),
    scratch_shapes=[
        pltpu.VMEM((N_GRAPHS, 2), jnp.float32),
    ],
)


def kernel(feat, edge_index, b, W_rel1, b_rel1, W_root1, W_rel2, b_rel2,
           W_root2, W1, bb1, W2, bb2, W3, bb3):
    src = edge_index[0]
    dst = edge_index[1]
    feat_p = jnp.zeros((N_PAD,), jnp.float32).at[:N_NODES].set(feat[:, 0])
    b_p = jnp.full((N_PAD,), N_GRAPHS, jnp.int32).at[:N_NODES].set(b)
    zeros_n = jnp.zeros((N_PAD,), jnp.float32)

    agg1 = _sc1(feat_p, src, dst, zeros_n)
    agg1_p = agg1.reshape(2, N_PAD // 8, 8)
    feat_pp = feat_p.reshape(N_PAD // 8, 8)
    b_pt = b_p.reshape(N_PAD // 8, 8).T
    g0, g1, r0, r1 = _tc1(agg1_p, feat_pp, W_rel1, b_rel1, W_root1,
                          W_rel2, b_rel2, W_root2)
    g0, g1, r0, r1 = (x.reshape(N_PAD, 16) for x in (g0, g1, r0, r1))
    o0, o1 = _sc2(g0, g1, r0, r1, src, dst)
    o0 = o0.reshape(N_PAD // 8, 128)
    o1 = o1.reshape(N_PAD // 8, 128)
    return _tc2(o0, o1, b_pt, W1, bb1, W2, bb2, W3, bb3)

# --- scband reference (transcript-rebuilt; emitter-appended) ---
"""Pipeline reference for scband-colored-net-30709016167062 (READ-ONLY COPY).

The authoritative reference and input builder live on the scoring server;
editing this copy changes nothing except your own understanding.
"""

import jax, jax.numpy as jnp
import numpy as np

N = 100000
E = 1600000
NUM_GRAPHS = 64


def setup_inputs(seed: int = 0) -> dict:
    key = jax.random.key(seed)
    ks = jax.random.split(key, 20)
    feat = jax.random.normal(ks[0], (N, 1), dtype=jnp.float32)
    edge_index = jax.random.randint(ks[1], (2, E), 0, N, dtype=jnp.int32)
    b = jnp.sort(jax.random.randint(ks[2], (N,), 0, NUM_GRAPHS, dtype=jnp.int32))
    # GraphConv(1, 64): lin_rel (weight+bias) applied to aggregated neighbors, lin_root (no bias) applied to self
    W_rel1 = jax.random.normal(ks[3], (1, 64), dtype=jnp.float32) * 0.5
    b_rel1 = jnp.zeros((64,), dtype=jnp.float32)
    W_root1 = jax.random.normal(ks[4], (1, 64), dtype=jnp.float32) * 0.5
    # GraphConv(64, 32)
    W_rel2 = jax.random.normal(ks[5], (64, 32), dtype=jnp.float32) * (1.0 / np.sqrt(64))
    b_rel2 = jnp.zeros((32,), dtype=jnp.float32)
    W_root2 = jax.random.normal(ks[6], (64, 32), dtype=jnp.float32) * (1.0 / np.sqrt(64))
    # MLP: Linear(32,16) -> ReLU -> Linear(16,8) -> ReLU -> Linear(8,1)
    W1 = jax.random.normal(ks[7], (32, 16), dtype=jnp.float32) * (1.0 / np.sqrt(32))
    bb1 = jnp.zeros((16,), dtype=jnp.float32)
    W2 = jax.random.normal(ks[8], (16, 8), dtype=jnp.float32) * (1.0 / np.sqrt(16))
    bb2 = jnp.zeros((8,), dtype=jnp.float32)
    W3 = jax.random.normal(ks[9], (8, 1), dtype=jnp.float32) * (1.0 / np.sqrt(8))
    bb3 = jnp.zeros((1,), dtype=jnp.float32)
    return {"feat": feat, "edge_index": edge_index, "b": b,
            "W_rel1": W_rel1, "b_rel1": b_rel1, "W_root1": W_root1,
            "W_rel2": W_rel2, "b_rel2": b_rel2, "W_root2": W_root2,
            "W1": W1, "bb1": bb1, "W2": W2, "bb2": bb2, "W3": W3, "bb3": bb3}


def reference(feat, edge_index, b, W_rel1, b_rel1, W_root1, W_rel2, b_rel2, W_root2, W1, bb1, W2, bb2, W3, bb3):
    src = edge_index[0]
    dst = edge_index[1]
    n = feat.shape[0]

    def gconv(x, Wr, br, Wroot):
        # PyG GraphConv, aggr='add': out_i = lin_rel(sum_{j in N(i)} x_j) + lin_root(x_i)
        msgs = jnp.take(x, src, axis=0)
        agg = jax.ops.segment_sum(msgs, dst, num_segments=n)
        return agg @ Wr + br + x @ Wroot

    x = feat.astype(jnp.float32)
    h = jax.nn.relu(gconv(x, W_rel1, b_rel1, W_root1))
    # dropout is identity at inference
    h = jax.nn.relu(gconv(h, W_rel2, b_rel2, W_root2))
    h = jax.nn.relu(h @ W1 + bb1)
    h = jax.nn.relu(h @ W2 + bb2)
    h = h @ W3 + bb3
    # global_mean_pool over batch vector b
    sums = jax.ops.segment_sum(h, b, num_segments=NUM_GRAPHS)
    counts = jax.ops.segment_sum(jnp.ones((n, 1), dtype=jnp.float32), b, num_segments=NUM_GRAPHS)
    pooled = sums / jnp.maximum(counts, 1.0)
    out = jax.nn.sigmoid(jnp.squeeze(pooled, axis=-1))
    return out

if __name__ == "__main__":
    import jax
    _d = setup_inputs()
    print(jax.jit(kernel)(*tuple(_d.values())))

</pallas_src>

<mosaic_0001>
#map = affine_map<(d0, d1) -> (0, 0)>
#map1 = affine_map<(d0, d1) -> (0)>
module attributes {stable_mosaic.version = 14 : i64} {
  func.func @_sc2(%arg0: i32, %arg1: i32, %arg2: memref<100352x16xf32, #tpu.memory_space<hbm>>, %arg3: memref<100352x16xf32, #tpu.memory_space<hbm>>, %arg4: memref<100352x16xf32, #tpu.memory_space<hbm>>, %arg5: memref<100352x16xf32, #tpu.memory_space<hbm>>, %arg6: memref<1600000xi32, #tpu.memory_space<hbm>>, %arg7: memref<1600000xi32, #tpu.memory_space<hbm>>, %arg8: memref<100352x16xf32, #tpu.memory_space<hbm>>, %arg9: memref<100352x16xf32, #tpu.memory_space<hbm>>, %arg10: memref<4x200xi32, #tpu.memory_space<vmem>>, %arg11: memref<4x200xi32, #tpu.memory_space<vmem>>, %arg12: memref<4x200x16xf32, #tpu.memory_space<vmem>>, %arg13: memref<100352x16xf32, #tpu.memory_space<vmem_shared>>, %arg14: memref<!tpu.dma_semaphore, #tpu.memory_space<semaphore_mem>>, %arg15: memref<!tpu.dma_semaphore, #tpu.memory_space<semaphore_mem>>, %arg16: memref<!tpu.dma_semaphore, #tpu.memory_space<semaphore_mem>>, %arg17: memref<!tpu.dma_semaphore, #tpu.memory_space<semaphore_mem>>, %arg18: memref<!tpu.dma_semaphore, #tpu.memory_space<semaphore_mem>>, %arg19: memref<!tpu.dma_semaphore, #tpu.memory_space<semaphore_mem>>, %arg20: memref<!tpu.dma_semaphore, #tpu.memory_space<semaphore_mem>>, %arg21: memref<!tpu.dma_semaphore, #tpu.memory_space<semaphore_mem>>) attributes {dimension_semantics = [#tpu.dimension_semantics<core_parallel>, #tpu.dimension_semantics<subcore_parallel>], iteration_bounds = array<i64: 2, 16>, scalar_prefetch = 0 : i64, scratch_operands = 12 : i64, tpu.core_type = #tpu.core_type<sc_vector_subcore>, window_params = [{transform_indices = #map}, {transform_indices = #map}, {transform_indices = #map}, {transform_indices = #map}, {transform_indices = #map1}, {transform_indices = #map1}, {transform_indices = #map}, {transform_indices = #map}]} {
    %eq3A = arith.constant 0 : i32
    %eq3A_0 = arith.cmpi eq, %arg0, %eq3A : i32
    %convert_element_type3A = arith.extui %eq3A_0 : i1 to i32
    %cond3A = arith.constant 0 : i32
    %cond3A_1 = arith.cmpi ne, %convert_element_type3A, %cond3A : i32
    scf.if %cond3A_1 {
      %mul3A_197 = arith.constant 6272 : i32
      %mul3A_198 = arith.muli %arg1, %mul3A_197 : i32
      %mul3A_199 = arith.constant 6272 : i32
      %mul3A_200 = arith.muli %arg1, %mul3A_199 : i32
      "tpu.region"() ({
        %run_scoped3A = tpu.sem_alloc : memref<!tpu.dma_semaphore, #tpu.memory_space<semaphore_mem>>
        %dma_start3A_201 = arith.constant 0 : i32
        %dma_start3A_202 = tpu.memref_slice %arg13[%mul3A_200, %dma_start3A_201] : memref<100352x16xf32, #tpu.memory_space<vmem_shared>> -> memref<6272x16xf32, #tpu.memory_space<vmem_shared>>
        %dma_start3A_203 = arith.constant 0 : i32
        %dma_start3A_204 = tpu.memref_slice %arg4[%mul3A_198, %dma_start3A_203] : memref<100352x16xf32, #tpu.memory_space<hbm>> -> memref<6272x16xf32, #tpu.memory_space<hbm>>
        tpu.enqueue_dma source(%dma_start3A_204 : memref<6272x16xf32, #tpu.memory_space<hbm>>) target(%dma_start3A_202 : memref<6272x16xf32, #tpu.memory_space<vmem_shared>>) target_semaphore(%run_scoped3A : memref<!tpu.dma_semaphore, #tpu.memory_space<semaphore_mem>>)
        %dma_wait3A_205 = arith.constant 0 : i32
        %dma_wait3A_206 = tpu.memref_slice %arg13[%mul3A_200, %dma_wait3A_205] : memref<100352x16xf32, #tpu.memory_space<vmem_shared>> -> memref<6272x16xf32, #tpu.memory_space<vmem_shared>>
        %dma_wait3A_207 = arith.constant 0 : i32
        %dma_wait3A_208 = tpu.memref_slice %arg4[%mul3A_198, %dma_wait3A_207] : memref<100352x16xf32, #tpu.memory_space<hbm>> -> memref<6272x16xf32, #tpu.memory_space<hbm>>
        tpu.wait_dma2 semaphore(%run_scoped3A : memref<!tpu.dma_semaphore, #tpu.memory_space<semaphore_mem>>) src(%dma_wait3A_208 : memref<6272x16xf32, #tpu.memory_space<hbm>>) dst(%dma_wait3A_206 : memref<6272x16xf32, #tpu.memory_space<vmem_shared>>)
        tpu.yield
      }) : () -> ()
    } else {
    }
    %eq3A_2 = arith.constant 1 : i32
    %eq3A_3 = arith.cmpi eq, %arg0, %eq3A_2 : i32
    %convert_element_type3A_4 = arith.extui %eq3A_3 : i1 to i32
    %cond3A_5 = arith.constant 0 : i32
    %cond3A_6 = arith.cmpi ne, %convert_element_type3A_4, %cond3A_5 : i32
    scf.if %cond3A_6 {
      %mul3A_197 = arith.constant 6272 : i32
      %mul3A_198 = arith.muli %arg1, %mul3A_197 : i32
      %mul3A_199 = arith.constant 6272 : i32
      %mul3A_200 = arith.muli %arg1, %mul3A_199 : i32
      "tpu.region"() ({
        %run_scoped3A = tpu.sem_alloc : memref<!tpu.dma_semaphore, #tpu.memory_space<semaphore_mem>>
        %dma_start3A_201 = arith.constant 0 : i32
        %dma_start3A_202 = tpu.memref_slice %arg13[%mul3A_200, %dma_start3A_201] : memref<100352x16xf32, #tpu.memory_space<vmem_shared>> -> memref<6272x16xf32, #tpu.memory_space<vmem_shared>>
        %dma_start3A_203 = arith.constant 0 : i32
        %dma_start3A_204 = tpu.memref_slice %arg5[%mul3A_198, %dma_start3A_203] : memref<100352x16xf32, #tpu.memory_space<hbm>> -> memref<6272x16xf32, #tpu.memory_space<hbm>>
        tpu.enqueue_dma source(%dma_start3A_204 : memref<6272x16xf32, #tpu.memory_space<hbm>>) target(%dma_start3A_202 : memref<6272x16xf32, #tpu.memory_space<vmem_shared>>) target_semaphore(%run_scoped3A : memref<!tpu.dma_semaphore, #tpu.memory_space<semaphore_mem>>)
        %dma_wait3A_205 = arith.constant 0 : i32
        %dma_wait3A_206 = tpu.memref_slice %arg13[%mul3A_200, %dma_wait3A_205] : memref<100352x16xf32, #tpu.memory_space<vmem_shared>> -> memref<6272x16xf32, #tpu.memory_space<vmem_shared>>
        %dma_wait3A_207 = arith.constant 0 : i32
        %dma_wait3A_208 = tpu.memref_slice %arg5[%mul3A_198, %dma_wait3A_207] : memref<100352x16xf32, #tpu.memory_space<hbm>> -> memref<6272x16xf32, #tpu.memory_space<hbm>>
        tpu.wait_dma2 semaphore(%run_scoped3A : memref<!tpu.dma_semaphore, #tpu.memory_space<semaphore_mem>>) src(%dma_wait3A_208 : memref<6272x16xf32, #tpu.memory_space<hbm>>) dst(%dma_wait3A_206 : memref<6272x16xf32, #tpu.memory_space<vmem_shared>>)
        tpu.yield
      }) : () -> ()
    } else {
    }
    %barrier3A = arith.constant 0 : index
    tpu.barrier barrier_id(%barrier3A)
    %mul3A = arith.constant 100000 : i32
    %mul3A_7 = arith.muli %arg1, %mul3A : i32
    %add3A = arith.constant 0 : i32
    %add3A_8 = arith.addi %mul3A_7, %add3A : i32
    %dma_start3A = arith.constant 0 : i32
    %dma_start3A_9 = arith.constant 0 : i32
    %dma_start3A_10 = tpu.memref_slice %arg10[%dma_start3A, %dma_start3A_9] : memref<4x200xi32, #tpu.memory_space<vmem>> -> memref<1x200xi32, #tpu.memory_space<vmem>>
    %dma_start3A_11 = tpu.memref_squeeze %dma_start3A_10 : memref<1x200xi32, #tpu.memory_space<vmem>> -> memref<200xi32, #tpu.memory_space<vmem>>
    %dma_start3A_12 = tpu.memref_slice %arg6[%add3A_8] : memref<1600000xi32, #tpu.memory_space<hbm>> -> memref<200xi32, #tpu.memory_space<hbm>>
    %dma_start3A_13 = arith.constant 0 : i32
    %dma_start3A_14 = tpu.memref_slice %arg10[%dma_start3A, %dma_start3A_13] : memref<4x200xi32, #tpu.memory_space<vmem>> -> memref<1x200xi32, #tpu.memory_space<vmem>>
    %dma_start3A_15 = tpu.memref_squeeze %dma_start3A_14 : memref<1x200xi32, #tpu.memory_space<vmem>> -> memref<200xi32, #tpu.memory_space<vmem>>
    %dma_start3A_16 = tpu.memref_slice %arg6[%add3A_8] : memref<1600000xi32, #tpu.memory_space<hbm>> -> memref<200xi32, #tpu.memory_space<hbm>>
    tpu.enqueue_dma source(%dma_start3A_16 : memref<200xi32, #tpu.memory_space<hbm>>) target(%dma_start3A_15 : memref<200xi32, #tpu.memory_space<vmem>>) target_semaphore(%arg18 : memref<!tpu.dma_semaphore, #tpu.memory_space<semaphore_mem>>)
    %dma_start3A_17 = arith.constant 0 : i32
    %dma_start3A_18 = arith.constant 0 : i32
    %dma_start3A_19 = tpu.memref_slice %arg11[%dma_start3A_17, %dma_start3A_18] : memref<4x200xi32, #tpu.memory_space<vmem>> -> memref<1x200xi32, #tpu.memory_space<vmem>>
    %dma_start3A_20 = tpu.memref_squeeze %dma_start3A_19 : memref<1x200xi32, #tpu.memory_space<vmem>> -> memref<200xi32, #tpu.memory_space<vmem>>
    %dma_start3A_21 = tpu.memref_slice %arg7[%add3A_8] : memref<1600000xi32, #tpu.memory_space<hbm>> -> memref<200xi32, #tpu.memory_space<hbm>>
    %dma_start3A_22 = arith.constant 0 : i32
    %dma_start3A_23 = tpu.memref_slice %arg11[%dma_start3A_17, %dma_start3A_22] : memref<4x200xi32, #tpu.memory_space<vmem>> -> memref<1x200xi32, #tpu.memory_space<vmem>>
    %dma_start3A_24 = tpu.memref_squeeze %dma_start3A_23 : memref<1x200xi32, #tpu.memory_space<vmem>> -> memref<200xi32, #tpu.memory_space<vmem>>
    %dma_start3A_25 = tpu.memref_slice %arg7[%add3A_8] : memref<1600000xi32, #tpu.memory_space<hbm>> -> memref<200xi32, #tpu.memory_space<hbm>>
    tpu.enqueue_dma source(%dma_start3A_25 : memref<200xi32, #tpu.memory_space<hbm>>) target(%dma_start3A_24 : memref<200xi32, #tpu.memory_space<vmem>>) target_semaphore(%arg18 : memref<!tpu.dma_semaphore, #tpu.memory_space<semaphore_mem>>)
    %dma_wait3A = arith.constant 0 : i32
    %dma_wait3A_26 = arith.constant 0 : i32
    %dma_wait3A_27 = tpu.memref_slice %arg10[%dma_wait3A, %dma_wait3A_26] : memref<4x200xi32, #tpu.memory_space<vmem>> -> memref<1x200xi32, #tpu.memory_space<vmem>>
    %dma_wait3A_28 = tpu.memref_squeeze %dma_wait3A_27 : memref<1x200xi32, #tpu.memory_space<vmem>> -> memref<200xi32, #tpu.memory_space<vmem>>
    %dma_wait3A_29 = arith.constant 0 : i32
    %dma_wait3A_30 = tpu.memref_slice %arg6[%dma_wait3A_29] : memref<1600000xi32, #tpu.memory_space<hbm>> -> memref<200xi32, #tpu.memory_space<hbm>>
    %dma_wait3A_31 = arith.constant 0 : i32
    %dma_wait3A_32 = tpu.memref_slice %arg10[%dma_wait3A, %dma_wait3A_31] : memref<4x200xi32, #tpu.memory_space<vmem>> -> memref<1x200xi32, #tpu.memory_space<vmem>>
    %dma_wait3A_33 = tpu.memref_squeeze %dma_wait3A_32 : memref<1x200xi32, #tpu.memory_space<vmem>> -> memref<200xi32, #tpu.memory_space<vmem>>
    %dma_wait3A_34 = arith.constant 0 : i32
    %dma_wait3A_35 = tpu.memref_slice %arg6[%dma_wait3A_34] : memref<1600000xi32, #tpu.memory_space<hbm>> -> memref<200xi32, #tpu.memory_space<hbm>>
    tpu.wait_dma2 semaphore(%arg18 : memref<!tpu.dma_semaphore, #tpu.memory_space<semaphore_mem>>) src(%dma_wait3A_35 : memref<200xi32, #tpu.memory_space<hbm>>) dst(%dma_wait3A_33 : memref<200xi32, #tpu.memory_space<vmem>>)
    %dma_wait3A_36 = arith.constant 0 : i32
    %dma_wait3A_37 = arith.constant 0 : i32
    %dma_wait3A_38 = tpu.memref_slice %arg11[%dma_wait3A_36, %dma_wait3A_37] : memref<4x200xi32, #tpu.memory_space<vmem>> -> memref<1x200xi32, #tpu.memory_space<vmem>>
    %dma_wait3A_39 = tpu.memref_squeeze %dma_wait3A_38 : memref<1x200xi32, #tpu.memory_space<vmem>> -> memref<200xi32, #tpu.memory_space<vmem>>
    %dma_wait3A_40 = arith.constant 0 : i32
    %dma_wait3A_41 = tpu.memref_slice %arg7[%dma_wait3A_40] : memref<1600000xi32, #tpu.memory_space<hbm>> -> memref<200xi32, #tpu.memory_space<hbm>>
    %dma_wait3A_42 = arith.constant 0 : i32
    %dma_wait3A_43 = tpu.memref_slice %arg11[%dma_wait3A_36, %dma_wait3A_42] : memref<4x200xi32, #tpu.memory_space<vmem>> -> memref<1x200xi32, #tpu.memory_space<vmem>>
    %dma_wait3A_44 = tpu.memref_squeeze %dma_wait3A_43 : memref<1x200xi32, #tpu.memory_space<vmem>> -> memref<200xi32, #tpu.memory_space<vmem>>
    %dma_wait3A_45 = arith.constant 0 : i32
    %dma_wait3A_46 = tpu.memref_slice %arg7[%dma_wait3A_45] : memref<1600000xi32, #tpu.memory_space<hbm>> -> memref<200xi32, #tpu.memory_space<hbm>>
    tpu.wait_dma2 semaphore(%arg18 : memref<!tpu.dma_semaphore, #tpu.memory_space<semaphore_mem>>) src(%dma_wait3A_46 : memref<200xi32, #tpu.memory_space<hbm>>) dst(%dma_wait3A_44 : memref<200xi32, #tpu.memory_space<vmem>>)
    %eq3A_47 = arith.constant 0 : i32
    %eq3A_48 = arith.cmpi eq, %arg0, %eq3A_47 : i32
    %convert_element_type3A_49 = arith.extui %eq3A_48 : i1 to i32
    %cond3A_50 = arith.constant 0 : i32
    %cond3A_51 = arith.cmpi ne, %convert_element_type3A_49, %cond3A_50 : i32
    scf.if %cond3A_51 {
      %dma_start3A_197 = arith.constant 0 : i32
      %dma_start3A_198 = arith.constant 0 : i32
      %dma_start3A_199 = arith.constant 0 : i32
      %dma_start3A_200 = arith.constant 0 : i32
      %dma_start3A_201 = tpu.memref_slice %arg12[%dma_start3A_198, %dma_start3A_199, %dma_start3A_200] : memref<4x200x16xf32, #tpu.memory_space<vmem>> -> memref<1x200x16xf32, #tpu.memory_space<vmem>>
      %dma_start3A_202 = tpu.memref_squeeze %dma_start3A_201 : memref<1x200x16xf32, #tpu.memory_space<vmem>> -> memref<200x16xf32, #tpu.memory_space<vmem>>
      %dma_start3A_203 = arith.constant 0 : i32
      %dma_start3A_204 = tpu.memref_slice %arg10[%dma_start3A_197, %dma_start3A_203] : memref<4x200xi32, #tpu.memory_space<vmem>> -> memref<1x200xi32, #tpu.memory_space<vmem>>
      %dma_start3A_205 = tpu.memref_squeeze %dma_start3A_204 : memref<1x200xi32, #tpu.memory_space<vmem>> -> memref<200xi32, #tpu.memory_space<vmem>>
      %dma_start3A_206 = arith.constant 0 : i32
      %dma_start3A_207 = arith.constant 0 : i32
      %dma_start3A_208 = tpu.memref_slice %arg2[%dma_start3A_206, %dma_start3A_207] : memref<100352x16xf32, #tpu.memory_space<hbm>> -> memref<100352x16xf32, #tpu.memory_space<hbm>>
      tpu.enqueue_indirect_dma source(%dma_start3A_208 : memref<100352x16xf32, #tpu.memory_space<hbm>>) target(%dma_start3A_202 : memref<200x16xf32, #tpu.memory_space<vmem>>) offsets(%dma_start3A_205 : memref<200xi32, #tpu.memory_space<vmem>>) semaphore(%arg14 : memref<!tpu.dma_semaphore, #tpu.memory_space<semaphore_mem>>)
    } else {
    }
    %eq3A_52 = arith.constant 1 : i32
    %eq3A_53 = arith.cmpi eq, %arg0, %eq3A_52 : i32
    %convert_element_type3A_54 = arith.extui %eq3A_53 : i1 to i32
    %cond3A_55 = arith.constant 0 : i32
    %cond3A_56 = arith.cmpi ne, %convert_element_type3A_54, %cond3A_55 : i32
    scf.if %cond3A_56 {
      %dma_start3A_197 = arith.constant 0 : i32
      %dma_start3A_198 = arith.constant 0 : i32
      %dma_start3A_199 = arith.constant 0 : i32
      %dma_start3A_200 = arith.constant 0 : i32
      %dma_start3A_201 = tpu.memref_slice %arg12[%dma_start3A_198, %dma_start3A_199, %dma_start3A_200] : memref<4x200x16xf32, #tpu.memory_space<vmem>> -> memref<1x200x16xf32, #tpu.memory_space<vmem>>
      %dma_start3A_202 = tpu.memref_squeeze %dma_start3A_201 : memref<1x200x16xf32, #tpu.memory_space<vmem>> -> memref<200x16xf32, #tpu.memory_space<vmem>>
      %dma_start3A_203 = arith.constant 0 : i32
      %dma_start3A_204 = tpu.memref_slice %arg10[%dma_start3A_197, %dma_start3A_203] : memref<4x200xi32, #tpu.memory_space<vmem>> -> memref<1x200xi32, #tpu.memory_space<vmem>>
      %dma_start3A_205 = tpu.memref_squeeze %dma_start3A_204 : memref<1x200xi32, #tpu.memory_space<vmem>> -> memref<200xi32, #tpu.memory_space<vmem>>
      %dma_start3A_206 = arith.constant 0 : i32
      %dma_start3A_207 = arith.constant 0 : i32
      %dma_start3A_208 = tpu.memref_slice %arg3[%dma_start3A_206, %dma_start3A_207] : memref<100352x16xf32, #tpu.memory_space<hbm>> -> memref<100352x16xf32, #tpu.memory_space<hbm>>
      tpu.enqueue_indirect_dma source(%dma_start3A_208 : memref<100352x16xf32, #tpu.memory_space<hbm>>) target(%dma_start3A_202 : memref<200x16xf32, #tpu.memory_space<vmem>>) offsets(%dma_start3A_205 : memref<200xi32, #tpu.memory_space<vmem>>) semaphore(%arg14 : memref<!tpu.dma_semaphore, #tpu.memory_space<semaphore_mem>>)
    } else {
    }
    %add3A_57 = arith.constant 200 : i32
    %add3A_58 = arith.addi %mul3A_7, %add3A_57 : i32
    %dma_start3A_59 = arith.constant 1 : i32
    %dma_start3A_60 = arith.constant 0 : i32
    %dma_start3A_61 = tpu.memref_slice %arg10[%dma_start3A_59, %dma_start3A_60] : memref<4x200xi32, #tpu.memory_space<vmem>> -> memref<1x200xi32, #tpu.memory_space<vmem>>
    %dma_start3A_62 = tpu.memref_squeeze %dma_start3A_61 : memref<1x200xi32, #tpu.memory_space<vmem>> -> memref<200xi32, #tpu.memory_space<vmem>>
    %dma_start3A_63 = tpu.memref_slice %arg6[%add3A_58] : memref<1600000xi32, #tpu.memory_space<hbm>> -> memref<200xi32, #tpu.memory_space<hbm>>
    %dma_start3A_64 = arith.constant 0 : i32
    %dma_start3A_65 = tpu.memref_slice %arg10[%dma_start3A_59, %dma_start3A_64] : memref<4x200xi32, #tpu.memory_space<vmem>> -> memref<1x200xi32, #tpu.memory_space<vmem>>
    %dma_start3A_66 = tpu.memref_squeeze %dma_start3A_65 : memref<1x200xi32, #tpu.memory_space<vmem>> -> memref<200xi32, #tpu.memory_space<vmem>>
    %dma_start3A_67 = tpu.memref_slice %arg6[%add3A_58] : memref<1600000xi32, #tpu.memory_space<hbm>> -> memref<200xi32, #tpu.memory_space<hbm>>
    tpu.enqueue_dma source(%dma_start3A_67 : memref<200xi32, #tpu.memory_space<hbm>>) target(%dma_start3A_66 : memref<200xi32, #tpu.memory_space<vmem>>) target_semaphore(%arg19 : memref<!tpu.dma_semaphore, #tpu.memory_space<semaphore_mem>>)
    %dma_start3A_68 = arith.constant 1 : i32
    %dma_start3A_69 = arith.constant 0 : i32
    %dma_start3A_70 = tpu.memref_slice %arg11[%dma_start3A_68, %dma_start3A_69] : memref<4x200xi32, #tpu.memory_space<vmem>> -> memref<1x200xi32, #tpu.memory_space<vmem>>
    %dma_start3A_71 = tpu.memref_squeeze %dma_start3A_70 : memref<1x200xi32, #tpu.memory_space<vmem>> -> memref<200xi32, #tpu.memory_space<vmem>>
    %dma_start3A_72 = tpu.memref_slice %arg7[%add3A_58] : memref<1600000xi32, #tpu.memory_space<hbm>> -> memref<200xi32, #tpu.memory_space<hbm>>
    %dma_start3A_73 = arith.constant 0 : i32
    %dma_start3A_74 = tpu.memref_slice %arg11[%dma_start3A_68, %dma_start3A_73] : memref<4x200xi32, #tpu.memory_space<vmem>> -> memref<1x200xi32, #tpu.memory_space<vmem>>
    %dma_start3A_75 = tpu.memref_squeeze %dma_start3A_74 : memref<1x200xi32, #tpu.memory_space<vmem>> -> memref<200xi32, #tpu.memory_space<vmem>>
    %dma_start3A_76 = tpu.memref_slice %arg7[%add3A_58] : memref<1600000xi32, #tpu.memory_space<hbm>> -> memref<200xi32, #tpu.memory_space<hbm>>
    tpu.enqueue_dma source(%dma_start3A_76 : memref<200xi32, #tpu.memory_space<hbm>>) target(%dma_start3A_75 : memref<200xi32, #tpu.memory_space<vmem>>) target_semaphore(%arg19 : memref<!tpu.dma_semaphore, #tpu.memory_space<semaphore_mem>>)
    %dma_wait3A_77 = arith.constant 1 : i32
    %dma_wait3A_78 = arith.constant 0 : i32
    %dma_wait3A_79 = tpu.memref_slice %arg10[%dma_wait3A_77, %dma_wait3A_78] : memref<4x200xi32, #tpu.memory_space<vmem>> -> memref<1x200xi32, #tpu.memory_space<vmem>>
    %dma_wait3A_80 = tpu.memref_squeeze %dma_wait3A_79 : memref<1x200xi32, #tpu.memory_space<vmem>> -> memref<200xi32, #tpu.memory_space<vmem>>
    %dma_wait3A_81 = arith.constant 0 : i32
    %dma_wait3A_82 = tpu.memref_slice %arg6[%dma_wait3A_81] : memref<1600000xi32, #tpu.memory_space<hbm>> -> memref<200xi32, #tpu.memory_space<hbm>>
    %dma_wait3A_83 = arith.constant 0 : i32
    %dma_wait3A_84 = tpu.memref_slice %arg10[%dma_wait3A_77, %dma_wait3A_83] : memref<4x200xi32, #tpu.memory_space<vmem>> -> memref<1x200xi32, #tpu.memory_space<vmem>>
    %dma_wait3A_85 = tpu.memref_squeeze %dma_wait3A_84 : memref<1x200xi32, #tpu.memory_space<vmem>> -> memref<200xi32, #tpu.memory_space<vmem>>
    %dma_wait3A_86 = arith.constant 0 : i32
    %dma_wait3A_87 = tpu.memref_slice %arg6[%dma_wait3A_86] : memref<1600000xi32, #tpu.memory_space<hbm>> -> memref<200xi32, #tpu.memory_space<hbm>>
    tpu.wait_dma2 semaphore(%arg19 : memref<!tpu.dma_semaphore, #tpu.memory_space<semaphore_mem>>) src(%dma_wait3A_87 : memref<200xi32, #tpu.memory_space<hbm>>) dst(%dma_wait3A_85 : memref<200xi32, #tpu.memory_space<vmem>>)
    %dma_wait3A_88 = arith.constant 1 : i32
    %dma_wait3A_89 = arith.constant 0 : i32
    %dma_wait3A_90 = tpu.memref_slice %arg11[%dma_wait3A_88, %dma_wait3A_89] : memref<4x200xi32, #tpu.memory_space<vmem>> -> memref<1x200xi32, #tpu.memory_space<vmem>>
    %dma_wait3A_91 = tpu.memref_squeeze %dma_wait3A_90 : memref<1x200xi32, #tpu.memory_space<vmem>> -> memref<200xi32, #tpu.memory_space<vmem>>
    %dma_wait3A_92 = arith.constant 0 : i32
    %dma_wait3A_93 = tpu.memref_slice %arg7[%dma_wait3A_92] : memref<1600000xi32, #tpu.memory_space<hbm>> -> memref<200xi32, #tpu.memory_space<hbm>>
    %dma_wait3A_94 = arith.constant 0 : i32
    %dma_wait3A_95 = tpu.memref_slice %arg11[%dma_wait3A_88, %dma_wait3A_94] : memref<4x200xi32, #tpu.memory_space<vmem>> -> memref<1x200xi32, #tpu.memory_space<vmem>>
    %dma_wait3A_96 = tpu.memref_squeeze %dma_wait3A_95 : memref<1x200xi32, #tpu.memory_space<vmem>> -> memref<200xi32, #tpu.memory_space<vmem>>
    %dma_wait3A_97 = arith.constant 0 : i32
    %dma_wait3A_98 = tpu.memref_slice %arg7[%dma_wait3A_97] : memref<1600000xi32, #tpu.memory_space<hbm>> -> memref<200xi32, #tpu.memory_space<hbm>>
    tpu.wait_dma2 semaphore(%arg19 : memref<!tpu.dma_semaphore, #tpu.memory_space<semaphore_mem>>) src(%dma_wait3A_98 : memref<200xi32, #tpu.memory_space<hbm>>) dst(%dma_wait3A_96 : memref<200xi32, #tpu.memory_space<vmem>>)
    %eq3A_99 = arith.constant 0 : i32
    %eq3A_100 = arith.cmpi eq, %arg0, %eq3A_99 : i32
    %convert_element_type3A_101 = arith.extui %eq3A_100 : i1 to i32
    %cond3A_102 = arith.constant 0 : i32
    %cond3A_103 = arith.cmpi ne, %convert_element_type3A_101, %cond3A_102 : i32
    scf.if %cond3A_103 {
      %dma_start3A_197 = arith.constant 1 : i32
      %dma_start3A_198 = arith.constant 1 : i32
      %dma_start3A_199 = arith.constant 0 : i32
      %dma_start3A_200 = arith.constant 0 : i32
      %dma_start3A_201 = tpu.memref_slice %arg12[%dma_start3A_198, %dma_start3A_199, %dma_start3A_200] : memref<4x200x16xf32, #tpu.memory_space<vmem>> -> memref<1x200x16xf32, #tpu.memory_space<vmem>>
      %dma_start3A_202 = tpu.memref_squeeze %dma_start3A_201 : memref<1x200x16xf32, #tpu.memory_space<vmem>> -> memref<200x16xf32, #tpu.memory_space<vmem>>
      %dma_start3A_203 = arith.constant 0 : i32
      %dma_start3A_204 = tpu.memref_slice %arg10[%dma_start3A_197, %dma_start3A_203] : memref<4x200xi32, #tpu.memory_space<vmem>> -> memref<1x200xi32, #tpu.memory_space<vmem>>
      %dma_start3A_205 = tpu.memref_squeeze %dma_start3A_204 : memref<1x200xi32, #tpu.memory_space<vmem>> -> memref<200xi32, #tpu.memory_space<vmem>>
      %dma_start3A_206 = arith.constant 0 : i32
      %dma_start3A_207 = arith.constant 0 : i32
      %dma_start3A_208 = tpu.memref_slice %arg2[%dma_start3A_206, %dma_start3A_207] : memref<100352x16xf32, #tpu.memory_space<hbm>> -> memref<100352x16xf32, #tpu.memory_space<hbm>>
      tpu.enqueue_indirect_dma source(%dma_start3A_208 : memref<100352x16xf32, #tpu.memory_space<hbm>>) target(%dma_start3A_202 : memref<200x16xf32, #tpu.memory_space<vmem>>) offsets(%dma_start3A_205 : memref<200xi32, #tpu.memory_space<vmem>>) semaphore(%arg15 : memref<!tpu.dma_semaphore, #tpu.memory_space<semaphore_mem>>)
    } else {
    }
    %eq3A_104 = arith.constant 1 : i32
    %eq3A_105 = arith.cmpi eq, %arg0, %eq3A_104 : i32
    %convert_element_type3A_106 = arith.extui %eq3A_105 : i1 to i32
    %cond3A_107 = arith.constant 0 : i32
    %cond3A_108 = arith.cmpi ne, %convert_element_type3A_106, %cond3A_107 : i32
    scf.if %cond3A_108 {
      %dma_start3A_197 = arith.constant 1 : i32
      %dma_start3A_198 = arith.constant 1 : i32
      %dma_start3A_199 = arith.constant 0 : i32
      %dma_start3A_200 = arith.constant 0 : i32
      %dma_start3A_201 = tpu.memref_slice %arg12[%dma_start3A_198, %dma_start3A_199, %dma_start3A_200] : memref<4x200x16xf32, #tpu.memory_space<vmem>> -> memref<1x200x16xf32, #tpu.memory_space<vmem>>
      %dma_start3A_202 = tpu.memref_squeeze %dma_start3A_201 : memref<1x200x16xf32, #tpu.memory_space<vmem>> -> memref<200x16xf32, #tpu.memory_space<vmem>>
      %dma_start3A_203 = arith.constant 0 : i32
      %dma_start3A_204 = tpu.memref_slice %arg10[%dma_start3A_197, %dma_start3A_203] : memref<4x200xi32, #tpu.memory_space<vmem>> -> memref<1x200xi32, #tpu.memory_space<vmem>>
      %dma_start3A_205 = tpu.memref_squeeze %dma_start3A_204 : memref<1x200xi32, #tpu.memory_space<vmem>> -> memref<200xi32, #tpu.memory_space<vmem>>
      %dma_start3A_206 = arith.constant 0 : i32
      %dma_start3A_207 = arith.constant 0 : i32
      %dma_start3A_208 = tpu.memref_slice %arg3[%dma_start3A_206, %dma_start3A_207] : memref<100352x16xf32, #tpu.memory_space<hbm>> -> memref<100352x16xf32, #tpu.memory_space<hbm>>
      tpu.enqueue_indirect_dma source(%dma_start3A_208 : memref<100352x16xf32, #tpu.memory_space<hbm>>) target(%dma_start3A_202 : memref<200x16xf32, #tpu.memory_space<vmem>>) offsets(%dma_start3A_205 : memref<200xi32, #tpu.memory_space<vmem>>) semaphore(%arg15 : memref<!tpu.dma_semaphore, #tpu.memory_space<semaphore_mem>>)
    } else {
    }
    %add3A_109 = arith.constant 400 : i32
    %add3A_110 = arith.addi %mul3A_7, %add3A_109 : i32
    %dma_start3A_111 = arith.constant 2 : i32
    %dma_start3A_112 = arith.constant 0 : i32
    %dma_start3A_113 = tpu.memref_slice %arg10[%dma_start3A_111, %dma_start3A_112] : memref<4x200xi32, #tpu.memory_space<vmem>> -> memref<1x200xi32, #tpu.memory_space<vmem>>
    %dma_start3A_114 = tpu.memref_squeeze %dma_start3A_113 : memref<1x200xi32, #tpu.memory_space<vmem>> -> memref<200xi32, #tpu.memory_space<vmem>>
    %dma_start3A_115 = tpu.memref_slice %arg6[%add3A_110] : memref<1600000xi32, #tpu.memory_space<hbm>> -> memref<200xi32, #tpu.memory_space<hbm>>
    %dma_start3A_116 = arith.constant 0 : i32
    %dma_start3A_117 = tpu.memref_slice %arg10[%dma_start3A_111, %dma_start3A_116] : memref<4x200xi32, #tpu.memory_space<vmem>> -> memref<1x200xi32, #tpu.memory_space<vmem>>
    %dma_start3A_118 = tpu.memref_squeeze %dma_start3A_117 : memref<1x200xi32, #tpu.memory_space<vmem>> -> memref<200xi32, #tpu.memory_space<vmem>>
    %dma_start3A_119 = tpu.memref_slice %arg6[%add3A_110] : memref<1600000xi32, #tpu.memory_space<hbm>> -> memref<200xi32, #tpu.memory_space<hbm>>
    tpu.enqueue_dma source(%dma_start3A_119 : memref<200xi32, #tpu.memory_space<hbm>>) target(%dma_start3A_118 : memref<200xi32, #tpu.memory_space<vmem>>) target_semaphore(%arg20 : memref<!tpu.dma_semaphore, #tpu.memory_space<semaphore_mem>>)
    %dma_start3A_120 = arith.constant 2 : i32
    %dma_start3A_121 = arith.constant 0 : i32
    %dma_start3A_122 = tpu.memref_slice %arg11[%dma_start3A_120, %dma_start3A_121] : memref<4x200xi32, #tpu.memory_space<vmem>> -> memref<1x200xi32, #tpu.memory_space<vmem>>
    %dma_start3A_123 = tpu.memref_squeeze %dma_start3A_122 : memref<1x200xi32, #tpu.memory_space<vmem>> -> memref<200xi32, #tpu.memory_space<vmem>>
    %dma_start3A_124 = tpu.memref_slice %arg7[%add3A_110] : memref<1600000xi32, #tpu.memory_space<hbm>> -> memref<200xi32, #tpu.memory_space<hbm>>
    %dma_start3A_125 = arith.constant 0 : i32
    %dma_start3A_126 = tpu.memref_slice %arg11[%dma_start3A_120, %dma_start3A_125] : memref<4x200xi32, #tpu.memory_space<vmem>> -> memref<1x200xi32, #tpu.memory_space<vmem>>
    %dma_start3A_127 = tpu.memref_squeeze %dma_start3A_126 : memref<1x200xi32, #tpu.memory_space<vmem>> -> memref<200xi32, #tpu.memory_space<vmem>>
    %dma_start3A_128 = tpu.memref_slice %arg7[%add3A_110] : memref<1600000xi32, #tpu.memory_space<hbm>> -> memref<200xi32, #tpu.memory_space<hbm>>
    tpu.enqueue_dma source(%dma_start3A_128 : memref<200xi32, #tpu.memory_space<hbm>>) target(%dma_start3A_127 : memref<200xi32, #tpu.memory_space<vmem>>) target_semaphore(%arg20 : memref<!tpu.dma_semaphore, #tpu.memory_space<semaphore_mem>>)
    %dma_wait3A_129 = arith.constant 2 : i32
    %dma_wait3A_130 = arith.constant 0 : i32
    %dma_wait3A_131 = tpu.memref_slice %arg10[%dma_wait3A_129, %dma_wait3A_130] : memref<4x200xi32, #tpu.memory_space<vmem>> -> memref<1x200xi32, #tpu.memory_space<vmem>>
    %dma_wait3A_132 = tpu.memref_squeeze %dma_wait3A_131 : memref<1x200xi32, #tpu.memory_space<vmem>> -> memref<200xi32, #tpu.memory_space<vmem>>
    %dma_wait3A_133 = arith.constant 0 : i32
    %dma_wait3A_134 = tpu.memref_slice %arg6[%dma_wait3A_133] : memref<1600000xi32, #tpu.memory_space<hbm>> -> memref<200xi32, #tpu.memory_space<hbm>>
    %dma_wait3A_135 = arith.constant 0 : i32
    %dma_wait3A_136 = tpu.memref_slice %arg10[%dma_wait3A_129, %dma_wait3A_135] : memref<4x200xi32, #tpu.memory_space<vmem>> -> memref<1x200xi32, #tpu.memory_space<vmem>>
    %dma_wait3A_137 = tpu.memref_squeeze %dma_wait3A_136 : memref<1x200xi32, #tpu.memory_space<vmem>> -> memref<200xi32, #tpu.memory_space<vmem>>
    %dma_wait3A_138 = arith.constant 0 : i32
    %dma_wait3A_139 = tpu.memref_slice %arg6[%dma_wait3A_138] : memref<1600000xi32, #tpu.memory_space<hbm>> -> memref<200xi32, #tpu.memory_space<hbm>>
    tpu.wait_dma2 semaphore(%arg20 : memref<!tpu.dma_semaphore, #tpu.memory_space<semaphore_mem>>) src(%dma_wait3A_139 : memref<200xi32, #tpu.memory_space<hbm>>) dst(%dma_wait3A_137 : memref<200xi32, #tpu.memory_space<vmem>>)
    %dma_wait3A_140 = arith.constant 2 : i32
    %dma_wait3A_141 = arith.constant 0 : i32
    %dma_wait3A_142 = tpu.memref_slice %arg11[%dma_wait3A_140, %dma_wait3A_141] : memref<4x200xi32, #tpu.memory_space<vmem>> -> memref<1x200xi32, #tpu.memory_space<vmem>>
    %dma_wait3A_143 = tpu.memref_squeeze %dma_wait3A_142 : memref<1x200xi32, #tpu.memory_space<vmem>> -> memref<200xi32, #tpu.memory_space<vmem>>
    %dma_wait3A_144 = arith.constant 0 : i32
    %dma_wait3A_145 = tpu.memref_slice %arg7[%dma_wait3A_144] : memref<1600000xi32, #tpu.memory_space<hbm>> -> memref<200xi32, #tpu.memory_space<hbm>>
    %dma_wait3A_146 = arith.constant 0 : i32
    %dma_wait3A_147 = tpu.memref_slice %arg11[%dma_wait3A_140, %dma_wait3A_146] : memref<4x200xi32, #tpu.memory_space<vmem>> -> memref<1x200xi32, #tpu.memory_space<vmem>>
    %dma_wait3A_148 = tpu.memref_squeeze %dma_wait3A_147 : memref<1x200xi32, #tpu.memory_space<vmem>> -> memref<200xi32, #tpu.memory_space<vmem>>
    %dma_wait3A_149 = arith.constant 0 : i32
    %dma_wait3A_150 = tpu.memref_slice %arg7[%dma_wait3A_149] : memref<1600000xi32, #tpu.memory_space<hbm>> -> memref<200xi32, #tpu.memory_space<hbm>>
    tpu.wait_dma2 semaphore(%arg20 : memref<!tpu.dma_semaphore, #tpu.memory_space<semaphore_mem>>) src(%dma_wait3A_150 : memref<200xi32, #tpu.memory_space<hbm>>) dst(%dma_wait3A_148 : memref<200xi32, #tpu.memory_space<vmem>>)
    %eq3A_151 = arith.constant 0 : i32
    %eq3A_152 = arith.cmpi eq, %arg0, %eq3A_151 : i32
    %convert_element_type3A_153 = arith.extui %eq3A_152 : i1 to i32
    %cond3A_154 = arith.constant 0 : i32
    %cond3A_155 = arith.cmpi ne, %convert_element_type3A_153, %cond3A_154 : i32
    scf.if %cond3A_155 {
      %dma_start3A_197 = arith.constant 2 : i32
      %dma_start3A_198 = arith.constant 2 : i32
      %dma_start3A_199 = arith.constant 0 : i32
      %dma_start3A_200 = arith.constant 0 : i32
      %dma_start3A_201 = tpu.memref_slice %arg12[%dma_start3A_198, %dma_start3A_199, %dma_start3A_200] : memref<4x200x16xf32, #tpu.memory_space<vmem>> -> memref<1x200x16xf32, #tpu.memory_space<vmem>>
      %dma_start3A_202 = tpu.memref_squeeze %dma_start3A_201 : memref<1x200x16xf32, #tpu.memory_space<vmem>> -> memref<200x16xf32, #tpu.memory_space<vmem>>
      %dma_start3A_203 = arith.constant 0 : i32
      %dma_start3A_204 = tpu.memref_slice %arg10[%dma_start3A_197, %dma_start3A_203] : memref<4x200xi32, #tpu.memory_space<vmem>> -> memref<1x200xi32, #tpu.memory_space<vmem>>
      %dma_start3A_205 = tpu.memref_squeeze %dma_start3A_204 : memref<1x200xi32, #tpu.memory_space<vmem>> -> memref<200xi32, #tpu.memory_space<vmem>>
      %dma_start3A_206 = arith.constant 0 : i32
      %dma_start3A_207 = arith.constant 0 : i32
      %dma_start3A_208 = tpu.memref_slice %arg2[%dma_start3A_206, %dma_start3A_207] : memref<100352x16xf32, #tpu.memory_space<hbm>> -> memref<100352x16xf32, #tpu.memory_space<hbm>>
      tpu.enqueue_indirect_dma source(%dma_start3A_208 : memref<100352x16xf32, #tpu.memory_space<hbm>>) target(%dma_start3A_202 : memref<200x16xf32, #tpu.memory_space<vmem>>) offsets(%dma_start3A_205 : memref<200xi32, #tpu.memory_space<vmem>>) semaphore(%arg16 : memref<!tpu.dma_semaphore, #tpu.memory_space<semaphore_mem>>)
    } else {
    }
    %eq3A_156 = arith.constant 1 : i32
    %eq3A_157 = arith.cmpi eq, %arg0, %eq3A_156 : i32
    %convert_element_type3A_158 = arith.extui %eq3A_157 : i1 to i32
    %cond3A_159 = arith.constant 0 : i32
    %cond3A_160 = arith.cmpi ne, %convert_element_type3A_158, %cond3A_159 : i32
    scf.if %cond3A_160 {
      %dma_start3A_197 = arith.constant 2 : i32
      %dma_start3A_198 = arith.constant 2 : i32
      %dma_start3A_199 = arith.constant 0 : i32
      %dma_start3A_200 = arith.constant 0 : i32
      %dma_start3A_201 = tpu.memref_slice %arg12[%dma_start3A_198, %dma_start3A_199, %dma_start3A_200] : memref<4x200x16xf32, #tpu.memory_space<vmem>> -> memref<1x200x16xf32, #tpu.memory_space<vmem>>
      %dma_start3A_202 = tpu.memref_squeeze %dma_start3A_201 : memref<1x200x16xf32, #tpu.memory_space<vmem>> -> memref<200x16xf32, #tpu.memory_space<vmem>>
      %dma_start3A_203 = arith.constant 0 : i32
      %dma_start3A_204 = tpu.memref_slice %arg10[%dma_start3A_197, %dma_start3A_203] : memref<4x200xi32, #tpu.memory_space<vmem>> -> memref<1x200xi32, #tpu.memory_space<vmem>>
      %dma_start3A_205 = tpu.memref_squeeze %dma_start3A_204 : memref<1x200xi32, #tpu.memory_space<vmem>> -> memref<200xi32, #tpu.memory_space<vmem>>
      %dma_start3A_206 = arith.constant 0 : i32
      %dma_start3A_207 = arith.constant 0 : i32
      %dma_start3A_208 = tpu.memref_slice %arg3[%dma_start3A_206, %dma_start3A_207] : memref<100352x16xf32, #tpu.memory_space<hbm>> -> memref<100352x16xf32, #tpu.memory_space<hbm>>
      tpu.enqueue_indirect_dma source(%dma_start3A_208 : memref<100352x16xf32, #tpu.memory_space<hbm>>) target(%dma_start3A_202 : memref<200x16xf32, #tpu.memory_space<vmem>>) offsets(%dma_start3A_205 : memref<200xi32, #tpu.memory_space<vmem>>) semaphore(%arg16 : memref<!tpu.dma_semaphore, #tpu.memory_space<semaphore_mem>>)
    } else {
    }
    %add3A_161 = arith.constant 600 : i32
    %add3A_162 = arith.addi %mul3A_7, %add3A_161 : i32
    %dma_start3A_163 = arith.constant 3 : i32
    %dma_start3A_164 = arith.constant 0 : i32
    %dma_start3A_165 = tpu.memref_slice %arg10[%dma_start3A_163, %dma_start3A_164] : memref<4x200xi32, #tpu.memory_space<vmem>> -> memref<1x200xi32, #tpu.memory_space<vmem>>
    %dma_start3A_166 = tpu.memref_squeeze %dma_start3A_165 : memref<1x200xi32, #tpu.memory_space<vmem>> -> memref<200xi32, #tpu.memory_space<vmem>>
    %dma_start3A_167 = tpu.memref_slice %arg6[%add3A_162] : memref<1600000xi32, #tpu.memory_space<hbm>> -> memref<200xi32, #tpu.memory_space<hbm>>
    %dma_start3A_168 = arith.constant 0 : i32
    %dma_start3A_169 = tpu.memref_slice %arg10[%dma_start3A_163, %dma_start3A_168] : memref<4x200xi32, #tpu.memory_space<vmem>> -> memref<1x200xi32, #tpu.memory_space<vmem>>
    %dma_start3A_170 = tpu.memref_squeeze %dma_start3A_169 : memref<1x200xi32, #tpu.memory_space<vmem>> -> memref<200xi32, #tpu.memory_space<vmem>>
    %dma_start3A_171 = tpu.memref_slice %arg6[%add3A_162] : memref<1600000xi32, #tpu.memory_space<hbm>> -> memref<200xi32, #tpu.memory_space<hbm>>
    tpu.enqueue_dma source(%dma_start3A_171 : memref<200xi32, #tpu.memory_space<hbm>>) target(%dma_start3A_170 : memref<200xi32, #tpu.memory_space<vmem>>) target_semaphore(%arg21 : memref<!tpu.dma_semaphore, #tpu.memory_space<semaphore_mem>>)
    %dma_start3A_172 = arith.constant 3 : i32
    %dma_start3A_173 = arith.constant 0 : i32
    %dma_start3A_174 = tpu.memref_slice %arg11[%dma_start3A_172, %dma_start3A_173] : memref<4x200xi32, #tpu.memory_space<vmem>> -> memref<1x200xi32, #tpu.memory_space<vmem>>
    %dma_start3A_175 = tpu.memref_squeeze %dma_start3A_174 : memref<1x200xi32, #tpu.memory_space<vmem>> -> memref<200xi32, #tpu.memory_space<vmem>>
    %dma_start3A_176 = tpu.memref_slice %arg7[%add3A_162] : memref<1600000xi32, #tpu.memory_space<hbm>> -> memref<200xi32, #tpu.memory_space<hbm>>
    %dma_start3A_177 = arith.constant 0 : i32
    %dma_start3A_178 = tpu.memref_slice %arg11[%dma_start3A_172, %dma_start3A_177] : memref<4x200xi32, #tpu.memory_space<vmem>> -> memref<1x200xi32, #tpu.memory_space<vmem>>
    %dma_start3A_179 = tpu.memref_squeeze %dma_start3A_178 : memref<1x200xi32, #tpu.memory_space<vmem>> -> memref<200xi32, #tpu.memory_space<vmem>>
    %dma_start3A_180 = tpu.memref_slice %arg7[%add3A_162] : memref<1600000xi32, #tpu.memory_space<hbm>> -> memref<200xi32, #tpu.memory_space<hbm>>
    tpu.enqueue_dma source(%dma_start3A_180 : memref<200xi32, #tpu.memory_space<hbm>>) target(%dma_start3A_179 : memref<200xi32, #tpu.memory_space<vmem>>) target_semaphore(%arg21 : memref<!tpu.dma_semaphore, #tpu.memory_space<semaphore_mem>>)
    %scan3A = arith.constant 0 : i32
    %scan3A_181 = arith.constant 0 : i32
    %scan3A_182 = arith.constant 125 : i32
    %scan3A_183 = arith.addi %scan3A_181, %scan3A_182 : i32
    %scan3A_184 = arith.constant 1 : i32
    scf.for %scan3A_197 = %scan3A_181 to %scan3A_183 step %scan3A_184  : i32 {
      %mul3A_198 = arith.constant 4 : i32
      %mul3A_199 = arith.muli %mul3A_198, %scan3A_197 : i32
      %add3A_200 = arith.constant 0 : i32
      %add3A_201 = arith.addi %mul3A_199, %add3A_200 : i32
      %lt3A = arith.constant 500 : i32
      %lt3A_202 = arith.cmpi slt, %add3A_201, %lt3A : i32
      %convert_element_type3A_203 = arith.extui %lt3A_202 : i1 to i32
      %cond3A_204 = arith.constant 0 : i32
      %cond3A_205 = arith.cmpi ne, %convert_element_type3A_203, %cond3A_204 : i32
      scf.if %cond3A_205 {
        %add3A_233 = arith.constant 4 : i32
        %add3A_234 = arith.addi %add3A_201, %add3A_233 : i32
        %sub3A = arith.constant 1 : i32
        %sub3A_235 = arith.subi %add3A_234, %sub3A : i32
        %lt3A_236 = arith.constant 500 : i32
        %lt3A_237 = arith.cmpi slt, %sub3A_235, %lt3A_236 : i32
        %convert_element_type3A_238 = arith.extui %lt3A_237 : i1 to i32
        %cond3A_239 = arith.constant 0 : i32
        %cond3A_240 = arith.cmpi ne, %convert_element_type3A_238, %cond3A_239 : i32
        scf.if %cond3A_240 {
          %dma_wait3A_261 = arith.constant 3 : i32
          %dma_wait3A_262 = arith.constant 0 : i32
          %dma_wait3A_263 = tpu.memref_slice %arg10[%dma_wait3A_261, %dma_wait3A_262] : memref<4x200xi32, #tpu.memory_space<vmem>> -> memref<1x200xi32, #tpu.memory_space<vmem>>
          %dma_wait3A_264 = tpu.memref_squeeze %dma_wait3A_263 : memref<1x200xi32, #tpu.memory_space<vmem>> -> memref<200xi32, #tpu.memory_space<vmem>>
          %dma_wait3A_265 = arith.constant 0 : i32
          %dma_wait3A_266 = tpu.memref_slice %arg6[%dma_wait3A_265] : memref<1600000xi32, #tpu.memory_space<hbm>> -> memref<200xi32, #tpu.memory_space<hbm>>
          %dma_wait3A_267 = arith.constant 0 : i32
          %dma_wait3A_268 = tpu.memref_slice %arg10[%dma_wait3A_261, %dma_wait3A_267] : memref<4x200xi32, #tpu.memory_space<vmem>> -> memref<1x200xi32, #tpu.memory_space<vmem>>
          %dma_wait3A_269 = tpu.memref_squeeze %dma_wait3A_268 : memref<1x200xi32, #tpu.memory_space<vmem>> -> memref<200xi32, #tpu.memory_space<vmem>>
          %dma_wait3A_270 = arith.constant 0 : i32
          %dma_wait3A_271 = tpu.memref_slice %arg6[%dma_wait3A_270] : memref<1600000xi32, #tpu.memory_space<hbm>> -> memref<200xi32, #tpu.memory_space<hbm>>
          tpu.wait_dma2 semaphore(%arg21 : memref<!tpu.dma_semaphore, #tpu.memory_space<semaphore_mem>>) src(%dma_wait3A_271 : memref<200xi32, #tpu.memory_space<hbm>>) dst(%dma_wait3A_269 : memref<200xi32, #tpu.memory_space<vmem>>)
          %dma_wait3A_272 = arith.constant 3 : i32
          %dma_wait3A_273 = arith.constant 0 : i32
          %dma_wait3A_274 = tpu.memref_slice %arg11[%dma_wait3A_272, %dma_wait3A_273] : memref<4x200xi32, #tpu.memory_space<vmem>> -> memref<1x200xi32, #tpu.memory_space<vmem>>
          %dma_wait3A_275 = tpu.memref_squeeze %dma_wait3A_274 : memref<1x200xi32, #tpu.memory_space<vmem>> -> memref<200xi32, #tpu.memory_space<vmem>>
          %dma_wait3A_276 = arith.constant 0 : i32
          %dma_wait3A_277 = tpu.memref_slice %arg7[%dma_wait3A_276] : memref<1600000xi32, #tpu.memory_space<hbm>> -> memref<200xi32, #tpu.memory_space<hbm>>
          %dma_wait3A_278 = arith.constant 0 : i32
          %dma_wait3A_279 = tpu.memref_slice %arg11[%dma_wait3A_272, %dma_wait3A_278] : memref<4x200xi32, #tpu.memory_space<vmem>> -> memref<1x200xi32, #tpu.memory_space<vmem>>
          %dma_wait3A_280 = tpu.memref_squeeze %dma_wait3A_279 : memref<1x200xi32, #tpu.memory_space<vmem>> -> memref<200xi32, #tpu.memory_space<vmem>>
          %dma_wait3A_281 = arith.constant 0 : i32
          %dma_wait3A_282 = tpu.memref_slice %arg7[%dma_wait3A_281] : memref<1600000xi32, #tpu.memory_space<hbm>> -> memref<200xi32, #tpu.memory_space<hbm>>
          tpu.wait_dma2 semaphore(%arg21 : memref<!tpu.dma_semaphore, #tpu.memory_space<semaphore_mem>>) src(%dma_wait3A_282 : memref<200xi32, #tpu.memory_space<hbm>>) dst(%dma_wait3A_280 : memref<200xi32, #tpu.memory_space<vmem>>)
          %eq3A_283 = arith.constant 0 : i32
          %eq3A_284 = arith.cmpi eq, %arg0, %eq3A_283 : i32
          %convert_element_type3A_285 = arith.extui %eq3A_284 : i1 to i32
          %cond3A_286 = arith.constant 0 : i32
          %cond3A_287 = arith.cmpi ne, %convert_element_type3A_285, %cond3A_286 : i32
          scf.if %cond3A_287 {
            %dma_start3A_293 = arith.constant 3 : i32
            %dma_start3A_294 = arith.constant 3 : i32
            %dma_start3A_295 = arith.constant 0 : i32
            %dma_start3A_296 = arith.constant 0 : i32
            %dma_start3A_297 = tpu.memref_slice %arg12[%dma_start3A_294, %dma_start3A_295, %dma_start3A_296] : memref<4x200x16xf32, #tpu.memory_space<vmem>> -> memref<1x200x16xf32, #tpu.memory_space<vmem>>
            %dma_start3A_298 = tpu.memref_squeeze %dma_start3A_297 : memref<1x200x16xf32, #tpu.memory_space<vmem>> -> memref<200x16xf32, #tpu.memory_space<vmem>>
            %dma_start3A_299 = arith.constant 0 : i32
            %dma_start3A_300 = tpu.memref_slice %arg10[%dma_start3A_293, %dma_start3A_299] : memref<4x200xi32, #tpu.memory_space<vmem>> -> memref<1x200xi32, #tpu.memory_space<vmem>>
            %dma_start3A_301 = tpu.memref_squeeze %dma_start3A_300 : memref<1x200xi32, #tpu.memory_space<vmem>> -> memref<200xi32, #tpu.memory_space<vmem>>
            %dma_start3A_302 = arith.constant 0 : i32
            %dma_start3A_303 = arith.constant 0 : i32
            %dma_start3A_304 = tpu.memref_slice %arg2[%dma_start3A_302, %dma_start3A_303] : memref<100352x16xf32, #tpu.memory_space<hbm>> -> memref<100352x16xf32, #tpu.memory_space<hbm>>
            tpu.enqueue_indirect_dma source(%dma_start3A_304 : memref<100352x16xf32, #tpu.memory_space<hbm>>) target(%dma_start3A_298 : memref<200x16xf32, #tpu.memory_space<vmem>>) offsets(%dma_start3A_301 : memref<200xi32, #tpu.memory_space<vmem>>) semaphore(%arg17 : memref<!tpu.dma_semaphore, #tpu.memory_space<semaphore_mem>>)
          } else {
          }
          %eq3A_288 = arith.constant 1 : i32
          %eq3A_289 = arith.cmpi eq, %arg0, %eq3A_288 : i32
          %convert_element_type3A_290 = arith.extui %eq3A_289 : i1 to i32
          %cond3A_291 = arith.constant 0 : i32
          %cond3A_292 = arith.cmpi ne, %convert_element_type3A_290, %cond3A_291 : i32
          scf.if %cond3A_292 {
            %dma_start3A_293 = arith.constant 3 : i32
            %dma_start3A_294 = arith.constant 3 : i32
            %dma_start3A_295 = arith.constant 0 : i32
            %dma_start3A_296 = arith.constant 0 : i32
            %dma_start3A_297 = tpu.memref_slice %arg12[%dma_start3A_294, %dma_start3A_295, %dma_start3A_296] : memref<4x200x16xf32, #tpu.memory_space<vmem>> -> memref<1x200x16xf32, #tpu.memory_space<vmem>>
            %dma_start3A_298 = tpu.memref_squeeze %dma_start3A_297 : memref<1x200x16xf32, #tpu.memory_space<vmem>> -> memref<200x16xf32, #tpu.memory_space<vmem>>
            %dma_start3A_299 = arith.constant 0 : i32
            %dma_start3A_300 = tpu.memref_slice %arg10[%dma_start3A_293, %dma_start3A_299] : memref<4x200xi32, #tpu.memory_space<vmem>> -> memref<1x200xi32, #tpu.memory_space<vmem>>
            %dma_start3A_301 = tpu.memref_squeeze %dma_start3A_300 : memref<1x200xi32, #tpu.memory_space<vmem>> -> memref<200xi32, #tpu.memory_space<vmem>>
            %dma_start3A_302 = arith.constant 0 : i32
            %dma_start3A_303 = arith.constant 0 : i32
            %dma_start3A_304 = tpu.memref_slice %arg3[%dma_start3A_302, %dma_start3A_303] : memref<100352x16xf32, #tpu.memory_space<hbm>> -> memref<100352x16xf32, #tpu.memory_space<hbm>>
            tpu.enqueue_indirect_dma source(%dma_start3A_304 : memref<100352x16xf32, #tpu.memory_space<hbm>>) target(%dma_start3A_298 : memref<200x16xf32, #tpu.memory_space<vmem>>) offsets(%dma_start3A_301 : memref<200xi32, #tpu.memory_space<vmem>>) semaphore(%arg17 : memref<!tpu.dma_semaphore, #tpu.memory_space<semaphore_mem>>)
          } else {
          }
        } else {
        }
        %dma_wait3A_241 = arith.constant 0 : i32
        %dma_wait3A_242 = arith.constant 0 : i32
        %dma_wait3A_243 = arith.constant 0 : i32
        %dma_wait3A_244 = arith.constant 0 : i32
        %dma_wait3A_245 = tpu.memref_slice %arg12[%dma_wait3A_242, %dma_wait3A_243, %dma_wait3A_244] : memref<4x200x16xf32, #tpu.memory_space<vmem>> -> memref<1x200x16xf32, #tpu.memory_space<vmem>>
        %dma_wait3A_246 = tpu.memref_squeeze %dma_wait3A_245 : memref<1x200x16xf32, #tpu.memory_space<vmem>> -> memref<200x16xf32, #tpu.memory_space<vmem>>
        %dma_wait3A_247 = arith.constant 0 : i32
        %dma_wait3A_248 = tpu.memref_slice %arg10[%dma_wait3A_241, %dma_wait3A_247] : memref<4x200xi32, #tpu.memory_space<vmem>> -> memref<1x200xi32, #tpu.memory_space<vmem>>
        %dma_wait3A_249 = tpu.memref_squeeze %dma_wait3A_248 : memref<1x200xi32, #tpu.memory_space<vmem>> -> memref<200xi32, #tpu.memory_space<vmem>>
        %dma_wait3A_250 = arith.constant 0 : i32
        %dma_wait3A_251 = arith.constant 0 : i32
        %dma_wait3A_252 = tpu.memref_slice %arg2[%dma_wait3A_250, %dma_wait3A_251] : memref<100352x16xf32, #tpu.memory_space<hbm>> -> memref<100352x16xf32, #tpu.memory_space<hbm>>
        tpu.wait_indirect_dma semaphore(%arg14 : memref<!tpu.dma_semaphore, #tpu.memory_space<semaphore_mem>>) src(%dma_wait3A_252 : memref<100352x16xf32, #tpu.memory_space<hbm>>) dst(%dma_wait3A_246 : memref<200x16xf32, #tpu.memory_space<vmem>>)
        %run_scoped3A = arith.constant 0 : i32
        %run_scoped3A_253 = arith.constant 0 : i32
        "tpu.region"() ({
          %run_scoped3A_261 = tpu.sem_alloc : memref<!tpu.dma_semaphore, #tpu.memory_space<semaphore_mem>>
          %dma_start3A_262 = arith.constant 0 : i32
          %dma_start3A_263 = arith.constant 0 : i32
          %dma_start3A_264 = tpu.memref_slice %arg12[%run_scoped3A, %dma_start3A_262, %dma_start3A_263] : memref<4x200x16xf32, #tpu.memory_space<vmem>> -> memref<1x200x16xf32, #tpu.memory_space<vmem>>
          %dma_start3A_265 = tpu.memref_squeeze %dma_start3A_264 : memref<1x200x16xf32, #tpu.memory_space<vmem>> -> memref<200x16xf32, #tpu.memory_space<vmem>>
          %dma_start3A_266 = arith.constant 0 : i32
          %dma_start3A_267 = tpu.memref_slice %arg11[%run_scoped3A_253, %dma_start3A_266] : memref<4x200xi32, #tpu.memory_space<vmem>> -> memref<1x200xi32, #tpu.memory_space<vmem>>
          %dma_start3A_268 = tpu.memref_squeeze %dma_start3A_267 : memref<1x200xi32, #tpu.memory_space<vmem>> -> memref<200xi32, #tpu.memory_space<vmem>>
          %dma_start3A_269 = arith.constant 0 : i32
          %dma_start3A_270 = arith.constant 0 : i32
          %dma_start3A_271 = tpu.memref_slice %arg13[%dma_start3A_269, %dma_start3A_270] : memref<100352x16xf32, #tpu.memory_space<vmem_shared>> -> memref<100352x16xf32, #tpu.memory_space<vmem_shared>>
          tpu.enqueue_indirect_dma source(%dma_start3A_265 : memref<200x16xf32, #tpu.memory_space<vmem>>) target(%dma_start3A_271 : memref<100352x16xf32, #tpu.memory_space<vmem_shared>>) offsets(%dma_start3A_268 : memref<200xi32, #tpu.memory_space<vmem>>) semaphore(%run_scoped3A_261 : memref<!tpu.dma_semaphore, #tpu.memory_space<semaphore_mem>>) {add = true}
          %dma_wait3A_272 = arith.constant 0 : i32
          %dma_wait3A_273 = arith.constant 0 : i32
          %dma_wait3A_274 = tpu.memref_slice %arg12[%run_scoped3A, %dma_wait3A_272, %dma_wait3A_273] : memref<4x200x16xf32, #tpu.memory_space<vmem>> -> memref<1x200x16xf32, #tpu.memory_space<vmem>>
          %dma_wait3A_275 = tpu.memref_squeeze %dma_wait3A_274 : memref<1x200x16xf32, #tpu.memory_space<vmem>> -> memref<200x16xf32, #tpu.memory_space<vmem>>
          %dma_wait3A_276 = arith.constant 0 : i32
          %dma_wait3A_277 = tpu.memref_slice %arg11[%run_scoped3A_253, %dma_wait3A_276] : memref<4x200xi32, #tpu.memory_space<vmem>> -> memref<1x200xi32, #tpu.memory_space<vmem>>
          %dma_wait3A_278 = tpu.memref_squeeze %dma_wait3A_277 : memref<1x200xi32, #tpu.memory_space<vmem>> -> memref<200xi32, #tpu.memory_space<vmem>>
          %dma_wait3A_279 = arith.constant 0 : i32
          %dma_wait3A_280 = arith.constant 0 : i32
          %dma_wait3A_281 = tpu.memref_slice %arg13[%dma_wait3A_279, %dma_wait3A_280] : memref<100352x16xf32, #tpu.memory_space<vmem_shared>> -> memref<100352x16xf32, #tpu.memory_space<vmem_shared>>
          tpu.wait_indirect_dma semaphore(%run_scoped3A_261 : memref<!tpu.dma_semaphore, #tpu.memory_space<semaphore_mem>>) src(%dma_wait3A_275 : memref<200x16xf32, #tpu.memory_space<vmem>>) dst(%dma_wait3A_281 : memref<100352x16xf32, #tpu.memory_space<vmem_shared>>)
          tpu.yield
        }) : () -> ()
        %add3A_254 = arith.constant 4 : i32
        %add3A_255 = arith.addi %add3A_201, %add3A_254 : i32
        %lt3A_256 = arith.constant 500 : i32
        %lt3A_257 = arith.cmpi slt, %add3A_255, %lt3A_256 : i32
        %convert_element_type3A_258 = arith.extui %lt3A_257 : i1 to i32
        %cond3A_259 = arith.constant 0 : i32
        %cond3A_260 = arith.cmpi ne, %convert_element_type3A_258, %cond3A_259 : i32
        scf.if %cond3A_260 {
          %add3A_261 = arith.constant 4 : i32
          %add3A_262 = arith.addi %add3A_201, %add3A_261 : i32
          %mul3A_263 = arith.constant 200 : i32
          %mul3A_264 = arith.muli %add3A_262, %mul3A_263 : i32
          %add3A_265 = arith.addi %mul3A_7, %mul3A_264 : i32
          %dma_start3A_266 = arith.constant 0 : i32
          %dma_start3A_267 = arith.constant 0 : i32
          %dma_start3A_268 = tpu.memref_slice %arg10[%dma_start3A_266, %dma_start3A_267] : memref<4x200xi32, #tpu.memory_space<vmem>> -> memref<1x200xi32, #tpu.memory_space<vmem>>
          %dma_start3A_269 = tpu.memref_squeeze %dma_start3A_268 : memref<1x200xi32, #tpu.memory_space<vmem>> -> memref<200xi32, #tpu.memory_space<vmem>>
          %dma_start3A_270 = tpu.memref_slice %arg6[%add3A_265] : memref<1600000xi32, #tpu.memory_space<hbm>> -> memref<200xi32, #tpu.memory_space<hbm>>
          %dma_start3A_271 = arith.constant 0 : i32
          %dma_start3A_272 = tpu.memref_slice %arg10[%dma_start3A_266, %dma_start3A_271] : memref<4x200xi32, #tpu.memory_space<vmem>> -> memref<1x200xi32, #tpu.memory_space<vmem>>
          %dma_start3A_273 = tpu.memref_squeeze %dma_start3A_272 : memref<1x200xi32, #tpu.memory_space<vmem>> -> memref<200xi32, #tpu.memory_space<vmem>>
          %dma_start3A_274 = tpu.memref_slice %arg6[%add3A_265] : memref<1600000xi32, #tpu.memory_space<hbm>> -> memref<200xi32, #tpu.memory_space<hbm>>
          tpu.enqueue_dma source(%dma_start3A_274 : memref<200xi32, #tpu.memory_space<hbm>>) target(%dma_start3A_273 : memref<200xi32, #tpu.memory_space<vmem>>) target_semaphore(%arg18 : memref<!tpu.dma_semaphore, #tpu.memory_space<semaphore_mem>>)
          %dma_start3A_275 = arith.constant 0 : i32
          %dma_start3A_276 = arith.constant 0 : i32
          %dma_start3A_277 = tpu.memref_slice %arg11[%dma_start3A_275, %dma_start3A_276] : memref<4x200xi32, #tpu.memory_space<vmem>> -> memref<1x200xi32, #tpu.memory_space<vmem>>
          %dma_start3A_278 = tpu.memref_squeeze %dma_start3A_277 : memref<1x200xi32, #tpu.memory_space<vmem>> -> memref<200xi32, #tpu.memory_space<vmem>>
          %dma_start3A_279 = tpu.memref_slice %arg7[%add3A_265] : memref<1600000xi32, #tpu.memory_space<hbm>> -> memref<200xi32, #tpu.memory_space<hbm>>
          %dma_start3A_280 = arith.constant 0 : i32
          %dma_start3A_281 = tpu.memref_slice %arg11[%dma_start3A_275, %dma_start3A_280] : memref<4x200xi32, #tpu.memory_space<vmem>> -> memref<1x200xi32, #tpu.memory_space<vmem>>
          %dma_start3A_282 = tpu.memref_squeeze %dma_start3A_281 : memref<1x200xi32, #tpu.memory_space<vmem>> -> memref<200xi32, #tpu.memory_space<vmem>>
          %dma_start3A_283 = tpu.memref_slice %arg7[%add3A_265] : memref<1600000xi32, #tpu.memory_space<hbm>> -> memref<200xi32, #tpu.memory_space<hbm>>
          tpu.enqueue_dma source(%dma_start3A_283 : memref<200xi32, #tpu.memory_space<hbm>>) target(%dma_start3A_282 : memref<200xi32, #tpu.memory_space<vmem>>) target_semaphore(%arg18 : memref<!tpu.dma_semaphore, #tpu.memory_space<semaphore_mem>>)
        } else {
        }
      } else {
      }
      %mul3A_206 = arith.constant 4 : i32
      %mul3A_207 = arith.muli %mul3A_206, %scan3A_197 : i32
      %add3A_208 = arith.constant 1 : i32
      %add3A_209 = arith.addi %mul3A_207, %add3A_208 : i32
      %lt3A_210 = arith.constant 500 : i32
      %lt3A_211 = arith.cmpi slt, %add3A_209, %lt3A_210 : i32
      %convert_element_type3A_212 = arith.extui %lt3A_211 : i1 to i32
      %cond3A_213 = arith.constant 0 : i32
      %cond3A_214 = arith.cmpi ne, %convert_element_type3A_212, %cond3A_213 : i32
      scf.if %cond3A_214 {
        %add3A_233 = arith.constant 4 : i32
        %add3A_234 = arith.addi %add3A_209, %add3A_233 : i32
        %sub3A = arith.constant 1 : i32
        %sub3A_235 = arith.subi %add3A_234, %sub3A : i32
        %lt3A_236 = arith.constant 500 : i32
        %lt3A_237 = arith.cmpi slt, %sub3A_235, %lt3A_236 : i32
        %convert_element_type3A_238 = arith.extui %lt3A_237 : i1 to i32
        %cond3A_239 = arith.constant 0 : i32
        %cond3A_240 = arith.cmpi ne, %convert_element_type3A_238, %cond3A_239 : i32
        scf.if %cond3A_240 {
          %dma_wait3A_261 = arith.constant 0 : i32
          %dma_wait3A_262 = arith.constant 0 : i32
          %dma_wait3A_263 = tpu.memref_slice %arg10[%dma_wait3A_261, %dma_wait3A_262] : memref<4x200xi32, #tpu.memory_space<vmem>> -> memref<1x200xi32, #tpu.memory_space<vmem>>
          %dma_wait3A_264 = tpu.memref_squeeze %dma_wait3A_263 : memref<1x200xi32, #tpu.memory_space<vmem>> -> memref<200xi32, #tpu.memory_space<vmem>>
          %dma_wait3A_265 = arith.constant 0 : i32
          %dma_wait3A_266 = tpu.memref_slice %arg6[%dma_wait3A_265] : memref<1600000xi32, #tpu.memory_space<hbm>> -> memref<200xi32, #tpu.memory_space<hbm>>
          %dma_wait3A_267 = arith.constant 0 : i32
          %dma_wait3A_268 = tpu.memref_slice %arg10[%dma_wait3A_261, %dma_wait3A_267] : memref<4x200xi32, #tpu.memory_space<vmem>> -> memref<1x200xi32, #tpu.memory_space<vmem>>
          %dma_wait3A_269 = tpu.memref_squeeze %dma_wait3A_268 : memref<1x200xi32, #tpu.memory_space<vmem>> -> memref<200xi32, #tpu.memory_space<vmem>>
          %dma_wait3A_270 = arith.constant 0 : i32
          %dma_wait3A_271 = tpu.memref_slice %arg6[%dma_wait3A_270] : memref<1600000xi32, #tpu.memory_space<hbm>> -> memref<200xi32, #tpu.memory_space<hbm>>
          tpu.wait_dma2 semaphore(%arg18 : memref<!tpu.dma_semaphore, #tpu.memory_space<semaphore_mem>>) src(%dma_wait3A_271 : memref<200xi32, #tpu.memory_space<hbm>>) dst(%dma_wait3A_269 : memref<200xi32, #tpu.memory_space<vmem>>)
          %dma_wait3A_272 = arith.constant 0 : i32
          %dma_wait3A_273 = arith.constant 0 : i32
          %dma_wait3A_274 = tpu.memref_slice %arg11[%dma_wait3A_272, %dma_wait3A_273] : memref<4x200xi32, #tpu.memory_space<vmem>> -> memref<1x200xi32, #tpu.memory_space<vmem>>
          %dma_wait3A_275 = tpu.memref_squeeze %dma_wait3A_274 : memref<1x200xi32, #tpu.memory_space<vmem>> -> memref<200xi32, #tpu.memory_space<vmem>>
          %dma_wait3A_276 = arith.constant 0 : i32
          %dma_wait3A_277 = tpu.memref_slice %arg7[%dma_wait3A_276] : memref<1600000xi32, #tpu.memory_space<hbm>> -> memref<200xi32, #tpu.memory_space<hbm>>
          %dma_wait3A_278 = arith.constant 0 : i32
          %dma_wait3A_279 = tpu.memref_slice %arg11[%dma_wait3A_272, %dma_wait3A_278] : memref<4x200xi32, #tpu.memory_space<vmem>> -> memref<1x200xi32, #tpu.memory_space<vmem>>
          %dma_wait3A_280 = tpu.memref_squeeze %dma_wait3A_279 : memref<1x200xi32, #tpu.memory_space<vmem>> -> memref<200xi32, #tpu.memory_space<vmem>>
          %dma_wait3A_281 = arith.constant 0 : i32
          %dma_wait3A_282 = tpu.memref_slice %arg7[%dma_wait3A_281] : memref<1600000xi32, #tpu.memory_space<hbm>> -> memref<200xi32, #tpu.memory_space<hbm>>
          tpu.wait_dma2 semaphore(%arg18 : memref<!tpu.dma_semaphore, #tpu.memory_space<semaphore_mem>>) src(%dma_wait3A_282 : memref<200xi32, #tpu.memory_space<hbm>>) dst(%dma_wait3A_280 : memref<200xi32, #tpu.memory_space<vmem>>)
          %eq3A_283 = arith.constant 0 : i32
          %eq3A_284 = arith.cmpi eq, %arg0, %eq3A_283 : i32
          %convert_element_type3A_285 = arith.extui %eq3A_284 : i1 to i32
          %cond3A_286 = arith.constant 0 : i32
          %cond3A_287 = arith.cmpi ne, %convert_element_type3A_285, %cond3A_286 : i32
          scf.if %cond3A_287 {
            %dma_start3A_293 = arith.constant 0 : i32
            %dma_start3A_294 = arith.constant 0 : i32
            %dma_start3A_295 = arith.constant 0 : i32
            %dma_start3A_296 = arith.constant 0 : i32
            %dma_start3A_297 = tpu.memref_slice %arg12[%dma_start3A_294, %dma_start3A_295, %dma_start3A_296] : memref<4x200x16xf32, #tpu.memory_space<vmem>> -> memref<1x200x16xf32, #tpu.memory_space<vmem>>
            %dma_start3A_298 = tpu.memref_squeeze %dma_start3A_297 : memref<1x200x16xf32, #tpu.memory_space<vmem>> -> memref<200x16xf32, #tpu.memory_space<vmem>>
            %dma_start3A_299 = arith.constant 0 : i32
            %dma_start3A_300 = tpu.memref_slice %arg10[%dma_start3A_293, %dma_start3A_299] : memref<4x200xi32, #tpu.memory_space<vmem>> -> memref<1x200xi32, #tpu.memory_space<vmem>>
            %dma_start3A_301 = tpu.memref_squeeze %dma_start3A_300 : memref<1x200xi32, #tpu.memory_space<vmem>> -> memref<200xi32, #tpu.memory_space<vmem>>
            %dma_start3A_302 = arith.constant 0 : i32
            %dma_start3A_303 = arith.constant 0 : i32
            %dma_start3A_304 = tpu.memref_slice %arg2[%dma_start3A_302, %dma_start3A_303] : memref<100352x16xf32, #tpu.memory_space<hbm>> -> memref<100352x16xf32, #tpu.memory_space<hbm>>
            tpu.enqueue_indirect_dma source(%dma_start3A_304 : memref<100352x16xf32, #tpu.memory_space<hbm>>) target(%dma_start3A_298 : memref<200x16xf32, #tpu.memory_space<vmem>>) offsets(%dma_start3A_301 : memref<200xi32, #tpu.memory_space<vmem>>) semaphore(%arg14 : memref<!tpu.dma_semaphore, #tpu.memory_space<semaphore_mem>>)
          } else {
          }
          %eq3A_288 = arith.constant 1 : i32
          %eq3A_289 = arith.cmpi eq, %arg0, %eq3A_288 : i32
          %convert_element_type3A_290 = arith.extui %eq3A_289 : i1 to i32
          %cond3A_291 = arith.constant 0 : i32
          %cond3A_292 = arith.cmpi ne, %convert_element_type3A_290, %cond3A_291 : i32
          scf.if %cond3A_292 {
            %dma_start3A_293 = arith.constant 0 : i32
            %dma_start3A_294 = arith.constant 0 : i32
            %dma_start3A_295 = arith.constant 0 : i32
            %dma_start3A_296 = arith.constant 0 : i32
            %dma_start3A_297 = tpu.memref_slice %arg12[%dma_start3A_294, %dma_start3A_295, %dma_start3A_296] : memref<4x200x16xf32, #tpu.memory_space<vmem>> -> memref<1x200x16xf32, #tpu.memory_space<vmem>>
            %dma_start3A_298 = tpu.memref_squeeze %dma_start3A_297 : memref<1x200x16xf32, #tpu.memory_space<vmem>> -> memref<200x16xf32, #tpu.memory_space<vmem>>
            %dma_start3A_299 = arith.constant 0 : i32
            %dma_start3A_300 = tpu.memref_slice %arg10[%dma_start3A_293, %dma_start3A_299] : memref<4x200xi32, #tpu.memory_space<vmem>> -> memref<1x200xi32, #tpu.memory_space<vmem>>
            %dma_start3A_301 = tpu.memref_squeeze %dma_start3A_300 : memref<1x200xi32, #tpu.memory_space<vmem>> -> memref<200xi32, #tpu.memory_space<vmem>>
            %dma_start3A_302 = arith.constant 0 : i32
            %dma_start3A_303 = arith.constant 0 : i32
            %dma_start3A_304 = tpu.memref_slice %arg3[%dma_start3A_302, %dma_start3A_303] : memref<100352x16xf32, #tpu.memory_space<hbm>> -> memref<100352x16xf32, #tpu.memory_space<hbm>>
            tpu.enqueue_indirect_dma source(%dma_start3A_304 : memref<100352x16xf32, #tpu.memory_space<hbm>>) target(%dma_start3A_298 : memref<200x16xf32, #tpu.memory_space<vmem>>) offsets(%dma_start3A_301 : memref<200xi32, #tpu.memory_space<vmem>>) semaphore(%arg14 : memref<!tpu.dma_semaphore, #tpu.memory_space<semaphore_mem>>)
          } else {
          }
        } else {
        }
        %dma_wait3A_241 = arith.constant 1 : i32
        %dma_wait3A_242 = arith.constant 1 : i32
        %dma_wait3A_243 = arith.constant 0 : i32
        %dma_wait3A_244 = arith.constant 0 : i32
        %dma_wait3A_245 = tpu.memref_slice %arg12[%dma_wait3A_242, %dma_wait3A_243, %dma_wait3A_244] : memref<4x200x16xf32, #tpu.memory_space<vmem>> -> memref<1x200x16xf32, #tpu.memory_space<vmem>>
        %dma_wait3A_246 = tpu.memref_squeeze %dma_wait3A_245 : memref<1x200x16xf32, #tpu.memory_space<vmem>> -> memref<200x16xf32, #tpu.memory_space<vmem>>
        %dma_wait3A_247 = arith.constant 0 : i32
        %dma_wait3A_248 = tpu.memref_slice %arg10[%dma_wait3A_241, %dma_wait3A_247] : memref<4x200xi32, #tpu.memory_space<vmem>> -> memref<1x200xi32, #tpu.memory_space<vmem>>
        %dma_wait3A_249 = tpu.memref_squeeze %dma_wait3A_248 : memref<1x200xi32, #tpu.memory_space<vmem>> -> memref<200xi32, #tpu.memory_space<vmem>>
        %dma_wait3A_250 = arith.constant 0 : i32
        %dma_wait3A_251 = arith.constant 0 : i32
        %dma_wait3A_252 = tpu.memref_slice %arg2[%dma_wait3A_250, %dma_wait3A_251] : memref<100352x16xf32, #tpu.memory_space<hbm>> -> memref<100352x16xf32, #tpu.memory_space<hbm>>
        tpu.wait_indirect_dma semaphore(%arg15 : memref<!tpu.dma_semaphore, #tpu.memory_space<semaphore_mem>>) src(%dma_wait3A_252 : memref<100352x16xf32, #tpu.memory_space<hbm>>) dst(%dma_wait3A_246 : memref<200x16xf32, #tpu.memory_space<vmem>>)
        %run_scoped3A = arith.constant 1 : i32
        %run_scoped3A_253 = arith.constant 1 : i32
        "tpu.region"() ({
          %run_scoped3A_261 = tpu.sem_alloc : memref<!tpu.dma_semaphore, #tpu.memory_space<semaphore_mem>>
          %dma_start3A_262 = arith.constant 0 : i32
          %dma_start3A_263 = arith.constant 0 : i32
          %dma_start3A_264 = tpu.memref_slice %arg12[%run_scoped3A, %dma_start3A_262, %dma_start3A_263] : memref<4x200x16xf32, #tpu.memory_space<vmem>> -> memref<1x200x16xf32, #tpu.memory_space<vmem>>
          %dma_start3A_265 = tpu.memref_squeeze %dma_start3A_264 : memref<1x200x16xf32, #tpu.memory_space<vmem>> -> memref<200x16xf32, #tpu.memory_space<vmem>>
          %dma_start3A_266 = arith.constant 0 : i32
          %dma_start3A_267 = tpu.memref_slice %arg11[%run_scoped3A_253, %dma_start3A_266] : memref<4x200xi32, #tpu.memory_space<vmem>> -> memref<1x200xi32, #tpu.memory_space<vmem>>
          %dma_start3A_268 = tpu.memref_squeeze %dma_start3A_267 : memref<1x200xi32, #tpu.memory_space<vmem>> -> memref<200xi32, #tpu.memory_space<vmem>>
          %dma_start3A_269 = arith.constant 0 : i32
          %dma_start3A_270 = arith.constant 0 : i32
          %dma_start3A_271 = tpu.memref_slice %arg13[%dma_start3A_269, %dma_start3A_270] : memref<100352x16xf32, #tpu.memory_space<vmem_shared>> -> memref<100352x16xf32, #tpu.memory_space<vmem_shared>>
          tpu.enqueue_indirect_dma source(%dma_start3A_265 : memref<200x16xf32, #tpu.memory_space<vmem>>) target(%dma_start3A_271 : memref<100352x16xf32, #tpu.memory_space<vmem_shared>>) offsets(%dma_start3A_268 : memref<200xi32, #tpu.memory_space<vmem>>) semaphore(%run_scoped3A_261 : memref<!tpu.dma_semaphore, #tpu.memory_space<semaphore_mem>>) {add = true}
          %dma_wait3A_272 = arith.constant 0 : i32
          %dma_wait3A_273 = arith.constant 0 : i32
          %dma_wait3A_274 = tpu.memref_slice %arg12[%run_scoped3A, %dma_wait3A_272, %dma_wait3A_273] : memref<4x200x16xf32, #tpu.memory_space<vmem>> -> memref<1x200x16xf32, #tpu.memory_space<vmem>>
          %dma_wait3A_275 = tpu.memref_squeeze %dma_wait3A_274 : memref<1x200x16xf32, #tpu.memory_space<vmem>> -> memref<200x16xf32, #tpu.memory_space<vmem>>
          %dma_wait3A_276 = arith.constant 0 : i32
          %dma_wait3A_277 = tpu.memref_slice %arg11[%run_scoped3A_253, %dma_wait3A_276] : memref<4x200xi32, #tpu.memory_space<vmem>> -> memref<1x200xi32, #tpu.memory_space<vmem>>
          %dma_wait3A_278 = tpu.memref_squeeze %dma_wait3A_277 : memref<1x200xi32, #tpu.memory_space<vmem>> -> memref<200xi32, #tpu.memory_space<vmem>>
          %dma_wait3A_279 = arith.constant 0 : i32
          %dma_wait3A_280 = arith.constant 0 : i32
          %dma_wait3A_281 = tpu.memref_slice %arg13[%dma_wait3A_279, %dma_wait3A_280] : memref<100352x16xf32, #tpu.memory_space<vmem_shared>> -> memref<100352x16xf32, #tpu.memory_space<vmem_shared>>
          tpu.wait_indirect_dma semaphore(%run_scoped3A_261 : memref<!tpu.dma_semaphore, #tpu.memory_space<semaphore_mem>>) src(%dma_wait3A_275 : memref<200x16xf32, #tpu.memory_space<vmem>>) dst(%dma_wait3A_281 : memref<100352x16xf32, #tpu.memory_space<vmem_shared>>)
          tpu.yield
        }) : () -> ()
        %add3A_254 = arith.constant 4 : i32
        %add3A_255 = arith.addi %add3A_209, %add3A_254 : i32
        %lt3A_256 = arith.constant 500 : i32
        %lt3A_257 = arith.cmpi slt, %add3A_255, %lt3A_256 : i32
        %convert_element_type3A_258 = arith.extui %lt3A_257 : i1 to i32
        %cond3A_259 = arith.constant 0 : i32
        %cond3A_260 = arith.cmpi ne, %convert_element_type3A_258, %cond3A_259 : i32
        scf.if %cond3A_260 {
          %add3A_261 = arith.constant 4 : i32
          %add3A_262 = arith.addi %add3A_209, %add3A_261 : i32
          %mul3A_263 = arith.constant 200 : i32
          %mul3A_264 = arith.muli %add3A_262, %mul3A_263 : i32
          %add3A_265 = arith.addi %mul3A_7, %mul3A_264 : i32
          %dma_start3A_266 = arith.constant 1 : i32
          %dma_start3A_267 = arith.constant 0 : i32
          %dma_start3A_268 = tpu.memref_slice %arg10[%dma_start3A_266, %dma_start3A_267] : memref<4x200xi32, #tpu.memory_space<vmem>> -> memref<1x200xi32, #tpu.memory_space<vmem>>
          %dma_start3A_269 = tpu.memref_squeeze %dma_start3A_268 : memref<1x200xi32, #tpu.memory_space<vmem>> -> memref<200xi32, #tpu.memory_space<vmem>>
          %dma_start3A_270 = tpu.memref_slice %arg6[%add3A_265] : memref<1600000xi32, #tpu.memory_space<hbm>> -> memref<200xi32, #tpu.memory_space<hbm>>
          %dma_start3A_271 = arith.constant 0 : i32
          %dma_start3A_272 = tpu.memref_slice %arg10[%dma_start3A_266, %dma_start3A_271] : memref<4x200xi32, #tpu.memory_space<vmem>> -> memref<1x200xi32, #tpu.memory_space<vmem>>
          %dma_start3A_273 = tpu.memref_squeeze %dma_start3A_272 : memref<1x200xi32, #tpu.memory_space<vmem>> -> memref<200xi32, #tpu.memory_space<vmem>>
          %dma_start3A_274 = tpu.memref_slice %arg6[%add3A_265] : memref<1600000xi32, #tpu.memory_space<hbm>> -> memref<200xi32, #tpu.memory_space<hbm>>
          tpu.enqueue_dma source(%dma_start3A_274 : memref<200xi32, #tpu.memory_space<hbm>>) target(%dma_start3A_273 : memref<200xi32, #tpu.memory_space<vmem>>) target_semaphore(%arg19 : memref<!tpu.dma_semaphore, #tpu.memory_space<semaphore_mem>>)
          %dma_start3A_275 = arith.constant 1 : i32
          %dma_start3A_276 = arith.constant 0 : i32
          %dma_start3A_277 = tpu.memref_slice %arg11[%dma_start3A_275, %dma_start3A_276] : memref<4x200xi32, #tpu.memory_space<vmem>> -> memref<1x200xi32, #tpu.memory_space<vmem>>
          %dma_start3A_278 = tpu.memref_squeeze %dma_start3A_277 : memref<1x200xi32, #tpu.memory_space<vmem>> -> memref<200xi32, #tpu.memory_space<vmem>>
          %dma_start3A_279 = tpu.memref_slice %arg7[%add3A_265] : memref<1600000xi32, #tpu.memory_space<hbm>> -> memref<200xi32, #tpu.memory_space<hbm>>
          %dma_start3A_280 = arith.constant 0 : i32
          %dma_start3A_281 = tpu.memref_slice %arg11[%dma_start3A_275, %dma_start3A_280] : memref<4x200xi32, #tpu.memory_space<vmem>> -> memref<1x200xi32, #tpu.memory_space<vmem>>
          %dma_start3A_282 = tpu.memref_squeeze %dma_start3A_281 : memref<1x200xi32, #tpu.memory_space<vmem>> -> memref<200xi32, #tpu.memory_space<vmem>>
          %dma_start3A_283 = tpu.memref_slice %arg7[%add3A_265] : memref<1600000xi32, #tpu.memory_space<hbm>> -> memref<200xi32, #tpu.memory_space<hbm>>
          tpu.enqueue_dma source(%dma_start3A_283 : memref<200xi32, #tpu.memory_space<hbm>>) target(%dma_start3A_282 : memref<200xi32, #tpu.memory_space<vmem>>) target_semaphore(%arg19 : memref<!tpu.dma_semaphore, #tpu.memory_space<semaphore_mem>>)
        } else {
        }
      } else {
      }
      %mul3A_215 = arith.constant 4 : i32
      %mul3A_216 = arith.muli %mul3A_215, %scan3A_197 : i32
      %add3A_217 = arith.constant 2 : i32
      %add3A_218 = arith.addi %mul3A_216, %add3A_217 : i32
      %lt3A_219 = arith.constant 500 : i32
      %lt3A_220 = arith.cmpi slt, %add3A_218, %lt3A_219 : i32
      %convert_element_type3A_221 = arith.extui %lt3A_220 : i1 to i32
      %cond3A_222 = arith.constant 0 : i32
      %cond3A_223 = arith.cmpi ne, %convert_element_type3A_221, %cond3A_222 : i32
      scf.if %cond3A_223 {
        %add3A_233 = arith.constant 4 : i32
        %add3A_234 = arith.addi %add3A_218, %add3A_233 : i32
        %sub3A = arith.constant 1 : i32
        %sub3A_235 = arith.subi %add3A_234, %sub3A : i32
        %lt3A_236 = arith.constant 500 : i32
        %lt3A_237 = arith.cmpi slt, %sub3A_235, %lt3A_236 : i32
        %convert_element_type3A_238 = arith.extui %lt3A_237 : i1 to i32
        %cond3A_239 = arith.constant 0 : i32
        %cond3A_240 = arith.cmpi ne, %convert_element_type3A_238, %cond3A_239 : i32
        scf.if %cond3A_240 {
          %dma_wait3A_261 = arith.constant 1 : i32
          %dma_wait3A_262 = arith.constant 0 : i32
          %dma_wait3A_263 = tpu.memref_slice %arg10[%dma_wait3A_261, %dma_wait3A_262] : memref<4x200xi32, #tpu.memory_space<vmem>> -> memref<1x200xi32, #tpu.memory_space<vmem>>
          %dma_wait3A_264 = tpu.memref_squeeze %dma_wait3A_263 : memref<1x200xi32, #tpu.memory_space<vmem>> -> memref<200xi32, #tpu.memory_space<vmem>>
          %dma_wait3A_265 = arith.constant 0 : i32
          %dma_wait3A_266 = tpu.memref_slice %arg6[%dma_wait3A_265] : memref<1600000xi32, #tpu.memory_space<hbm>> -> memref<200xi32, #tpu.memory_space<hbm>>
          %dma_wait3A_267 = arith.constant 0 : i32
          %dma_wait3A_268 = tpu.memref_slice %arg10[%dma_wait3A_261, %dma_wait3A_267] : memref<4x200xi32, #tpu.memory_space<vmem>> -> memref<1x200xi32, #tpu.memory_space<vmem>>
          %dma_wait3A_269 = tpu.memref_squeeze %dma_wait3A_268 : memref<1x200xi32, #tpu.memory_space<vmem>> -> memref<200xi32, #tpu.memory_space<vmem>>
          %dma_wait3A_270 = arith.constant 0 : i32
          %dma_wait3A_271 = tpu.memref_slice %arg6[%dma_wait3A_270] : memref<1600000xi32, #tpu.memory_space<hbm>> -> memref<200xi32, #tpu.memory_space<hbm>>
          tpu.wait_dma2 semaphore(%arg19 : memref<!tpu.dma_semaphore, #tpu.memory_space<semaphore_mem>>) src(%dma_wait3A_271 : memref<200xi32, #tpu.memory_space<hbm>>) dst(%dma_wait3A_269 : memref<200xi32, #tpu.memory_space<vmem>>)
          %dma_wait3A_272 = arith.constant 1 : i32
          %dma_wait3A_273 = arith.constant 0 : i32
          %dma_wait3A_274 = tpu.memref_slice %arg11[%dma_wait3A_272, %dma_wait3A_273] : memref<4x200xi32, #tpu.memory_space<vmem>> -> memref<1x200xi32, #tpu.memory_space<vmem>>
          %dma_wait3A_275 = tpu.memref_squeeze %dma_wait3A_274 : memref<1x200xi32, #tpu.memory_space<vmem>> -> memref<200xi32, #tpu.memory_space<vmem>>
          %dma_wait3A_276 = arith.constant 0 : i32
          %dma_wait3A_277 = tpu.memref_slice %arg7[%dma_wait3A_276] : memref<1600000xi32, #tpu.memory_space<hbm>> -> memref<200xi32, #tpu.memory_space<hbm>>
          %dma_wait3A_278 = arith.constant 0 : i32
          %dma_wait3A_279 = tpu.memref_slice %arg11[%dma_wait3A_272, %dma_wait3A_278] : memref<4x200xi32, #tpu.memory_space<vmem>> -> memref<1x200xi32, #tpu.memory_space<vmem>>
          %dma_wait3A_280 = tpu.memref_squeeze %dma_wait3A_279 : memref<1x200xi32, #tpu.memory_space<vmem>> -> memref<200xi32, #tpu.memory_space<vmem>>
          %dma_wait3A_281 = arith.constant 0 : i32
          %dma_wait3A_282 = tpu.memref_slice %arg7[%dma_wait3A_281] : memref<1600000xi32, #tpu.memory_space<hbm>> -> memref<200xi32, #tpu.memory_space<hbm>>
          tpu.wait_dma2 semaphore(%arg19 : memref<!tpu.dma_semaphore, #tpu.memory_space<semaphore_mem>>) src(%dma_wait3A_282 : memref<200xi32, #tpu.memory_space<hbm>>) dst(%dma_wait3A_280 : memref<200xi32, #tpu.memory_space<vmem>>)
          %eq3A_283 = arith.constant 0 : i32
          %eq3A_284 = arith.cmpi eq, %arg0, %eq3A_283 : i32
          %convert_element_type3A_285 = arith.extui %eq3A_284 : i1 to i32
          %cond3A_286 = arith.constant 0 : i32
          %cond3A_287 = arith.cmpi ne, %convert_element_type3A_285, %cond3A_286 : i32
          scf.if %cond3A_287 {
            %dma_start3A_293 = arith.constant 1 : i32
            %dma_start3A_294 = arith.constant 1 : i32
            %dma_start3A_295 = arith.constant 0 : i32
            %dma_start3A_296 = arith.constant 0 : i32
            %dma_start3A_297 = tpu.memref_slice %arg12[%dma_start3A_294, %dma_start3A_295, %dma_start3A_296] : memref<4x200x16xf32, #tpu.memory_space<vmem>> -> memref<1x200x16xf32, #tpu.memory_space<vmem>>
            %dma_start3A_298 = tpu.memref_squeeze %dma_start3A_297 : memref<1x200x16xf32, #tpu.memory_space<vmem>> -> memref<200x16xf32, #tpu.memory_space<vmem>>
            %dma_start3A_299 = arith.constant 0 : i32
            %dma_start3A_300 = tpu.memref_slice %arg10[%dma_start3A_293, %dma_start3A_299] : memref<4x200xi32, #tpu.memory_space<vmem>> -> memref<1x200xi32, #tpu.memory_space<vmem>>
            %dma_start3A_301 = tpu.memref_squeeze %dma_start3A_300 : memref<1x200xi32, #tpu.memory_space<vmem>> -> memref<200xi32, #tpu.memory_space<vmem>>
            %dma_start3A_302 = arith.constant 0 : i32
            %dma_start3A_303 = arith.constant 0 : i32
            %dma_start3A_304 = tpu.memref_slice %arg2[%dma_start3A_302, %dma_start3A_303] : memref<100352x16xf32, #tpu.memory_space<hbm>> -> memref<100352x16xf32, #tpu.memory_space<hbm>>
            tpu.enqueue_indirect_dma source(%dma_start3A_304 : memref<100352x16xf32, #tpu.memory_space<hbm>>) target(%dma_start3A_298 : memref<200x16xf32, #tpu.memory_space<vmem>>) offsets(%dma_start3A_301 : memref<200xi32, #tpu.memory_space<vmem>>) semaphore(%arg15 : memref<!tpu.dma_semaphore, #tpu.memory_space<semaphore_mem>>)
          } else {
          }
          %eq3A_288 = arith.constant 1 : i32
          %eq3A_289 = arith.cmpi eq, %arg0, %eq3A_288 : i32
          %convert_element_type3A_290 = arith.extui %eq3A_289 : i1 to i32
          %cond3A_291 = arith.constant 0 : i32
          %cond3A_292 = arith.cmpi ne, %convert_element_type3A_290, %cond3A_291 : i32
          scf.if %cond3A_292 {
            %dma_start3A_293 = arith.constant 1 : i32
            %dma_start3A_294 = arith.constant 1 : i32
            %dma_start3A_295 = arith.constant 0 : i32
            %dma_start3A_296 = arith.constant 0 : i32
            %dma_start3A_297 = tpu.memref_slice %arg12[%dma_start3A_294, %dma_start3A_295, %dma_start3A_296] : memref<4x200x16xf32, #tpu.memory_space<vmem>> -> memref<1x200x16xf32, #tpu.memory_space<vmem>>
            %dma_start3A_298 = tpu.memref_squeeze %dma_start3A_297 : memref<1x200x16xf32, #tpu.memory_space<vmem>> -> memref<200x16xf32, #tpu.memory_space<vmem>>
            %dma_start3A_299 = arith.constant 0 : i32
            %dma_start3A_300 = tpu.memref_slice %arg10[%dma_start3A_293, %dma_start3A_299] : memref<4x200xi32, #tpu.memory_space<vmem>> -> memref<1x200xi32, #tpu.memory_space<vmem>>
            %dma_start3A_301 = tpu.memref_squeeze %dma_start3A_300 : memref<1x200xi32, #tpu.memory_space<vmem>> -> memref<200xi32, #tpu.memory_space<vmem>>
            %dma_start3A_302 = arith.constant 0 : i32
            %dma_start3A_303 = arith.constant 0 : i32
            %dma_start3A_304 = tpu.memref_slice %arg3[%dma_start3A_302, %dma_start3A_303] : memref<100352x16xf32, #tpu.memory_space<hbm>> -> memref<100352x16xf32, #tpu.memory_space<hbm>>
            tpu.enqueue_indirect_dma source(%dma_start3A_304 : memref<100352x16xf32, #tpu.memory_space<hbm>>) target(%dma_start3A_298 : memref<200x16xf32, #tpu.memory_space<vmem>>) offsets(%dma_start3A_301 : memref<200xi32, #tpu.memory_space<vmem>>) semaphore(%arg15 : memref<!tpu.dma_semaphore, #tpu.memory_space<semaphore_mem>>)
          } else {
          }
        } else {
        }
        %dma_wait3A_241 = arith.constant 2 : i32
        %dma_wait3A_242 = arith.constant 2 : i32
        %dma_wait3A_243 = arith.constant 0 : i32
        %dma_wait3A_244 = arith.constant 0 : i32
        %dma_wait3A_245 = tpu.memref_slice %arg12[%dma_wait3A_242, %dma_wait3A_243, %dma_wait3A_244] : memref<4x200x16xf32, #tpu.memory_space<vmem>> -> memref<1x200x16xf32, #tpu.memory_space<vmem>>
        %dma_wait3A_246 = tpu.memref_squeeze %dma_wait3A_245 : memref<1x200x16xf32, #tpu.memory_space<vmem>> -> memref<200x16xf32, #tpu.memory_space<vmem>>
        %dma_wait3A_247 = arith.constant 0 : i32
        %dma_wait3A_248 = tpu.memref_slice %arg10[%dma_wait3A_241, %dma_wait3A_247] : memref<4x200xi32, #tpu.memory_space<vmem>> -> memref<1x200xi32, #tpu.memory_space<vmem>>
        %dma_wait3A_249 = tpu.memref_squeeze %dma_wait3A_248 : memref<1x200xi32, #tpu.memory_space<vmem>> -> memref<200xi32, #tpu.memory_space<vmem>>
        %dma_wait3A_250 = arith.constant 0 : i32
        %dma_wait3A_251 = arith.constant 0 : i32
        %dma_wait3A_252 = tpu.memref_slice %arg2[%dma_wait3A_250, %dma_wait3A_251] : memref<100352x16xf32, #tpu.memory_space<hbm>> -> memref<100352x16xf32, #tpu.memory_space<hbm>>
        tpu.wait_indirect_dma semaphore(%arg16 : memref<!tpu.dma_semaphore, #tpu.memory_space<semaphore_mem>>) src(%dma_wait3A_252 : memref<100352x16xf32, #tpu.memory_space<hbm>>) dst(%dma_wait3A_246 : memref<200x16xf32, #tpu.memory_space<vmem>>)
        %run_scoped3A = arith.constant 2 : i32
        %run_scoped3A_253 = arith.constant 2 : i32
        "tpu.region"() ({
          %run_scoped3A_261 = tpu.sem_alloc : memref<!tpu.dma_semaphore, #tpu.memory_space<semaphore_mem>>
          %dma_start3A_262 = arith.constant 0 : i32
          %dma_start3A_263 = arith.constant 0 : i32
          %dma_start3A_264 = tpu.memref_slice %arg12[%run_scoped3A, %dma_start3A_262, %dma_start3A_263] : memref<4x200x16xf32, #tpu.memory_space<vmem>> -> memref<1x200x16xf32, #tpu.memory_space<vmem>>
          %dma_start3A_265 = tpu.memref_squeeze %dma_start3A_264 : memref<1x200x16xf32, #tpu.memory_space<vmem>> -> memref<200x16xf32, #tpu.memory_space<vmem>>
          %dma_start3A_266 = arith.constant 0 : i32
          %dma_start3A_267 = tpu.memref_slice %arg11[%run_scoped3A_253, %dma_start3A_266] : memref<4x200xi32, #tpu.memory_space<vmem>> -> memref<1x200xi32, #tpu.memory_space<vmem>>
          %dma_start3A_268 = tpu.memref_squeeze %dma_start3A_267 : memref<1x200xi32, #tpu.memory_space<vmem>> -> memref<200xi32, #tpu.memory_space<vmem>>
          %dma_start3A_269 = arith.constant 0 : i32
          %dma_start3A_270 = arith.constant 0 : i32
          %dma_start3A_271 = tpu.memref_slice %arg13[%dma_start3A_269, %dma_start3A_270] : memref<100352x16xf32, #tpu.memory_space<vmem_shared>> -> memref<100352x16xf32, #tpu.memory_space<vmem_shared>>
          tpu.enqueue_indirect_dma source(%dma_start3A_265 : memref<200x16xf32, #tpu.memory_space<vmem>>) target(%dma_start3A_271 : memref<100352x16xf32, #tpu.memory_space<vmem_shared>>) offsets(%dma_start3A_268 : memref<200xi32, #tpu.memory_space<vmem>>) semaphore(%run_scoped3A_261 : memref<!tpu.dma_semaphore, #tpu.memory_space<semaphore_mem>>) {add = true}
          %dma_wait3A_272 = arith.constant 0 : i32
          %dma_wait3A_273 = arith.constant 0 : i32
          %dma_wait3A_274 = tpu.memref_slice %arg12[%run_scoped3A, %dma_wait3A_272, %dma_wait3A_273] : memref<4x200x16xf32, #tpu.memory_space<vmem>> -> memref<1x200x16xf32, #tpu.memory_space<vmem>>
          %dma_wait3A_275 = tpu.memref_squeeze %dma_wait3A_274 : memref<1x200x16xf32, #tpu.memory_space<vmem>> -> memref<200x16xf32, #tpu.memory_space<vmem>>
          %dma_wait3A_276 = arith.constant 0 : i32
          %dma_wait3A_277 = tpu.memref_slice %arg11[%run_scoped3A_253, %dma_wait3A_276] : memref<4x200xi32, #tpu.memory_space<vmem>> -> memref<1x200xi32, #tpu.memory_space<vmem>>
          %dma_wait3A_278 = tpu.memref_squeeze %dma_wait3A_277 : memref<1x200xi32, #tpu.memory_space<vmem>> -> memref<200xi32, #tpu.memory_space<vmem>>
          %dma_wait3A_279 = arith.constant 0 : i32
          %dma_wait3A_280 = arith.constant 0 : i32
          %dma_wait3A_281 = tpu.memref_slice %arg13[%dma_wait3A_279, %dma_wait3A_280] : memref<100352x16xf32, #tpu.memory_space<vmem_shared>> -> memref<100352x16xf32, #tpu.memory_space<vmem_shared>>
          tpu.wait_indirect_dma semaphore(%run_scoped3A_261 : memref<!tpu.dma_semaphore, #tpu.memory_space<semaphore_mem>>) src(%dma_wait3A_275 : memref<200x16xf32, #tpu.memory_space<vmem>>) dst(%dma_wait3A_281 : memref<100352x16xf32, #tpu.memory_space<vmem_shared>>)
          tpu.yield
        }) : () -> ()
        %add3A_254 = arith.constant 4 : i32
        %add3A_255 = arith.addi %add3A_218, %add3A_254 : i32
        %lt3A_256 = arith.constant 500 : i32
        %lt3A_257 = arith.cmpi slt, %add3A_255, %lt3A_256 : i32
        %convert_element_type3A_258 = arith.extui %lt3A_257 : i1 to i32
        %cond3A_259 = arith.constant 0 : i32
        %cond3A_260 = arith.cmpi ne, %convert_element_type3A_258, %cond3A_259 : i32
        scf.if %cond3A_260 {
          %add3A_261 = arith.constant 4 : i32
          %add3A_262 = arith.addi %add3A_218, %add3A_261 : i32
          %mul3A_263 = arith.constant 200 : i32
          %mul3A_264 = arith.muli %add3A_262, %mul3A_263 : i32
          %add3A_265 = arith.addi %mul3A_7, %mul3A_264 : i32
          %dma_start3A_266 = arith.constant 2 : i32
          %dma_start3A_267 = arith.constant 0 : i32
          %dma_start3A_268 = tpu.memref_slice %arg10[%dma_start3A_266, %dma_start3A_267] : memref<4x200xi32, #tpu.memory_space<vmem>> -> memref<1x200xi32, #tpu.memory_space<vmem>>
          %dma_start3A_269 = tpu.memref_squeeze %dma_start3A_268 : memref<1x200xi32, #tpu.memory_space<vmem>> -> memref<200xi32, #tpu.memory_space<vmem>>
          %dma_start3A_270 = tpu.memref_slice %arg6[%add3A_265] : memref<1600000xi32, #tpu.memory_space<hbm>> -> memref<200xi32, #tpu.memory_space<hbm>>
          %dma_start3A_271 = arith.constant 0 : i32
          %dma_start3A_272 = tpu.memref_slice %arg10[%dma_start3A_266, %dma_start3A_271] : memref<4x200xi32, #tpu.memory_space<vmem>> -> memref<1x200xi32, #tpu.memory_space<vmem>>
          %dma_start3A_273 = tpu.memref_squeeze %dma_start3A_272 : memref<1x200xi32, #tpu.memory_space<vmem>> -> memref<200xi32, #tpu.memory_space<vmem>>
          %dma_start3A_274 = tpu.memref_slice %arg6[%add3A_265] : memref<1600000xi32, #tpu.memory_space<hbm>> -> memref<200xi32, #tpu.memory_space<hbm>>
          tpu.enqueue_dma source(%dma_start3A_274 : memref<200xi32, #tpu.memory_space<hbm>>) target(%dma_start3A_273 : memref<200xi32, #tpu.memory_space<vmem>>) target_semaphore(%arg20 : memref<!tpu.dma_semaphore, #tpu.memory_space<semaphore_mem>>)
          %dma_start3A_275 = arith.constant 2 : i32
          %dma_start3A_276 = arith.constant 0 : i32
          %dma_start3A_277 = tpu.memref_slice %arg11[%dma_start3A_275, %dma_start3A_276] : memref<4x200xi32, #tpu.memory_space<vmem>> -> memref<1x200xi32, #tpu.memory_space<vmem>>
          %dma_start3A_278 = tpu.memref_squeeze %dma_start3A_277 : memref<1x200xi32, #tpu.memory_space<vmem>> -> memref<200xi32, #tpu.memory_space<vmem>>
          %dma_start3A_279 = tpu.memref_slice %arg7[%add3A_265] : memref<1600000xi32, #tpu.memory_space<hbm>> -> memref<200xi32, #tpu.memory_space<hbm>>
          %dma_start3A_280 = arith.constant 0 : i32
          %dma_start3A_281 = tpu.memref_slice %arg11[%dma_start3A_275, %dma_start3A_280] : memref<4x200xi32, #tpu.memory_space<vmem>> -> memref<1x200xi32, #tpu.memory_space<vmem>>
          %dma_start3A_282 = tpu.memref_squeeze %dma_start3A_281 : memref<1x200xi32, #tpu.memory_space<vmem>> -> memref<200xi32, #tpu.memory_space<vmem>>
          %dma_start3A_283 = tpu.memref_slice %arg7[%add3A_265] : memref<1600000xi32, #tpu.memory_space<hbm>> -> memref<200xi32, #tpu.memory_space<hbm>>
          tpu.enqueue_dma source(%dma_start3A_283 : memref<200xi32, #tpu.memory_space<hbm>>) target(%dma_start3A_282 : memref<200xi32, #tpu.memory_space<vmem>>) target_semaphore(%arg20 : memref<!tpu.dma_semaphore, #tpu.memory_space<semaphore_mem>>)
        } else {
        }
      } else {
      }
      %mul3A_224 = arith.constant 4 : i32
      %mul3A_225 = arith.muli %mul3A_224, %scan3A_197 : i32
      %add3A_226 = arith.constant 3 : i32
      %add3A_227 = arith.addi %mul3A_225, %add3A_226 : i32
      %lt3A_228 = arith.constant 500 : i32
      %lt3A_229 = arith.cmpi slt, %add3A_227, %lt3A_228 : i32
      %convert_element_type3A_230 = arith.extui %lt3A_229 : i1 to i32
      %cond3A_231 = arith.constant 0 : i32
      %cond3A_232 = arith.cmpi ne, %convert_element_type3A_230, %cond3A_231 : i32
      scf.if %cond3A_232 {
        %add3A_233 = arith.constant 4 : i32
        %add3A_234 = arith.addi %add3A_227, %add3A_233 : i32
        %sub3A = arith.constant 1 : i32
        %sub3A_235 = arith.subi %add3A_234, %sub3A : i32
        %lt3A_236 = arith.constant 500 : i32
        %lt3A_237 = arith.cmpi slt, %sub3A_235, %lt3A_236 : i32
        %convert_element_type3A_238 = arith.extui %lt3A_237 : i1 to i32
        %cond3A_239 = arith.constant 0 : i32
        %cond3A_240 = arith.cmpi ne, %convert_element_type3A_238, %cond3A_239 : i32
        scf.if %cond3A_240 {
          %dma_wait3A_261 = arith.constant 2 : i32
          %dma_wait3A_262 = arith.constant 0 : i32
          %dma_wait3A_263 = tpu.memref_slice %arg10[%dma_wait3A_261, %dma_wait3A_262] : memref<4x200xi32, #tpu.memory_space<vmem>> -> memref<1x200xi32, #tpu.memory_space<vmem>>
          %dma_wait3A_264 = tpu.memref_squeeze %dma_wait3A_263 : memref<1x200xi32, #tpu.memory_space<vmem>> -> memref<200xi32, #tpu.memory_space<vmem>>
          %dma_wait3A_265 = arith.constant 0 : i32
          %dma_wait3A_266 = tpu.memref_slice %arg6[%dma_wait3A_265] : memref<1600000xi32, #tpu.memory_space<hbm>> -> memref<200xi32, #tpu.memory_space<hbm>>
          %dma_wait3A_267 = arith.constant 0 : i32
          %dma_wait3A_268 = tpu.memref_slice %arg10[%dma_wait3A_261, %dma_wait3A_267] : memref<4x200xi32, #tpu.memory_space<vmem>> -> memref<1x200xi32, #tpu.memory_space<vmem>>
          %dma_wait3A_269 = tpu.memref_squeeze %dma_wait3A_268 : memref<1x200xi32, #tpu.memory_space<vmem>> -> memref<200xi32, #tpu.memory_space<vmem>>
          %dma_wait3A_270 = arith.constant 0 : i32
          %dma_wait3A_271 = tpu.memref_slice %arg6[%dma_wait3A_270] : memref<1600000xi32, #tpu.memory_space<hbm>> -> memref<200xi32, #tpu.memory_space<hbm>>
          tpu.wait_dma2 semaphore(%arg20 : memref<!tpu.dma_semaphore, #tpu.memory_space<semaphore_mem>>) src(%dma_wait3A_271 : memref<200xi32, #tpu.memory_space<hbm>>) dst(%dma_wait3A_269 : memref<200xi32, #tpu.memory_space<vmem>>)
          %dma_wait3A_272 = arith.constant 2 : i32
          %dma_wait3A_273 = arith.constant 0 : i32
          %dma_wait3A_274 = tpu.memref_slice %arg11[%dma_wait3A_272, %dma_wait3A_273] : memref<4x200xi32, #tpu.memory_space<vmem>> -> memref<1x200xi32, #tpu.memory_space<vmem>>
          %dma_wait3A_275 = tpu.memref_squeeze %dma_wait3A_274 : memref<1x200xi32, #tpu.memory_space<vmem>> -> memref<200xi32, #tpu.memory_space<vmem>>
          %dma_wait3A_276 = arith.constant 0 : i32
          %dma_wait3A_277 = tpu.memref_slice %arg7[%dma_wait3A_276] : memref<1600000xi32, #tpu.memory_space<hbm>> -> memref<200xi32, #tpu.memory_space<hbm>>
          %dma_wait3A_278 = arith.constant 0 : i32
          %dma_wait3A_279 = tpu.memref_slice %arg11[%dma_wait3A_272, %dma_wait3A_278] : memref<4x200xi32, #tpu.memory_space<vmem>> -> memref<1x200xi32, #tpu.memory_space<vmem>>
          %dma_wait3A_280 = tpu.memref_squeeze %dma_wait3A_279 : memref<1x200xi32, #tpu.memory_space<vmem>> -> memref<200xi32, #tpu.memory_space<vmem>>
          %dma_wait3A_281 = arith.constant 0 : i32
          %dma_wait3A_282 = tpu.memref_slice %arg7[%dma_wait3A_281] : memref<1600000xi32, #tpu.memory_space<hbm>> -> memref<200xi32, #tpu.memory_space<hbm>>
          tpu.wait_dma2 semaphore(%arg20 : memref<!tpu.dma_semaphore, #tpu.memory_space<semaphore_mem>>) src(%dma_wait3A_282 : memref<200xi32, #tpu.memory_space<hbm>>) dst(%dma_wait3A_280 : memref<200xi32, #tpu.memory_space<vmem>>)
          %eq3A_283 = arith.constant 0 : i32
          %eq3A_284 = arith.cmpi eq, %arg0, %eq3A_283 : i32
          %convert_element_type3A_285 = arith.extui %eq3A_284 : i1 to i32
          %cond3A_286 = arith.constant 0 : i32
          %cond3A_287 = arith.cmpi ne, %convert_element_type3A_285, %cond3A_286 : i32
          scf.if %cond3A_287 {
            %dma_start3A_293 = arith.constant 2 : i32
            %dma_start3A_294 = arith.constant 2 : i32
            %dma_start3A_295 = arith.constant 0 : i32
            %dma_start3A_296 = arith.constant 0 : i32
            %dma_start3A_297 = tpu.memref_slice %arg12[%dma_start3A_294, %dma_start3A_295, %dma_start3A_296] : memref<4x200x16xf32, #tpu.memory_space<vmem>> -> memref<1x200x16xf32, #tpu.memory_space<vmem>>
            %dma_start3A_298 = tpu.memref_squeeze %dma_start3A_297 : memref<1x200x16xf32, #tpu.memory_space<vmem>> -> memref<200x16xf32, #tpu.memory_space<vmem>>
            %dma_start3A_299 = arith.constant 0 : i32
            %dma_start3A_300 = tpu.memref_slice %arg10[%dma_start3A_293, %dma_start3A_299] : memref<4x200xi32, #tpu.memory_space<vmem>> -> memref<1x200xi32, #tpu.memory_space<vmem>>
            %dma_start3A_301 = tpu.memref_squeeze %dma_start3A_300 : memref<1x200xi32, #tpu.memory_space<vmem>> -> memref<200xi32, #tpu.memory_space<vmem>>
            %dma_start3A_302 = arith.constant 0 : i32
            %dma_start3A_303 = arith.constant 0 : i32
            %dma_start3A_304 = tpu.memref_slice %arg2[%dma_start3A_302, %dma_start3A_303] : memref<100352x16xf32, #tpu.memory_space<hbm>> -> memref<100352x16xf32, #tpu.memory_space<hbm>>
            tpu.enqueue_indirect_dma source(%dma_start3A_304 : memref<100352x16xf32, #tpu.memory_space<hbm>>) target(%dma_start3A_298 : memref<200x16xf32, #tpu.memory_space<vmem>>) offsets(%dma_start3A_301 : memref<200xi32, #tpu.memory_space<vmem>>) semaphore(%arg16 : memref<!tpu.dma_semaphore, #tpu.memory_space<semaphore_mem>>)
          } else {
          }
          %eq3A_288 = arith.constant 1 : i32
          %eq3A_289 = arith.cmpi eq, %arg0, %eq3A_288 : i32
          %convert_element_type3A_290 = arith.extui %eq3A_289 : i1 to i32
          %cond3A_291 = arith.constant 0 : i32
          %cond3A_292 = arith.cmpi ne, %convert_element_type3A_290, %cond3A_291 : i32
          scf.if %cond3A_292 {
            %dma_start3A_293 = arith.constant 2 : i32
            %dma_start3A_294 = arith.constant 2 : i32
            %dma_start3A_295 = arith.constant 0 : i32
            %dma_start3A_296 = arith.constant 0 : i32
            %dma_start3A_297 = tpu.memref_slice %arg12[%dma_start3A_294, %dma_start3A_295, %dma_start3A_296] : memref<4x200x16xf32, #tpu.memory_space<vmem>> -> memref<1x200x16xf32, #tpu.memory_space<vmem>>
            %dma_start3A_298 = tpu.memref_squeeze %dma_start3A_297 : memref<1x200x16xf32, #tpu.memory_space<vmem>> -> memref<200x16xf32, #tpu.memory_space<vmem>>
            %dma_start3A_299 = arith.constant 0 : i32
            %dma_start3A_300 = tpu.memref_slice %arg10[%dma_start3A_293, %dma_start3A_299] : memref<4x200xi32, #tpu.memory_space<vmem>> -> memref<1x200xi32, #tpu.memory_space<vmem>>
            %dma_start3A_301 = tpu.memref_squeeze %dma_start3A_300 : memref<1x200xi32, #tpu.memory_space<vmem>> -> memref<200xi32, #tpu.memory_space<vmem>>
            %dma_start3A_302 = arith.constant 0 : i32
            %dma_start3A_303 = arith.constant 0 : i32
            %dma_start3A_304 = tpu.memref_slice %arg3[%dma_start3A_302, %dma_start3A_303] : memref<100352x16xf32, #tpu.memory_space<hbm>> -> memref<100352x16xf32, #tpu.memory_space<hbm>>
            tpu.enqueue_indirect_dma source(%dma_start3A_304 : memref<100352x16xf32, #tpu.memory_space<hbm>>) target(%dma_start3A_298 : memref<200x16xf32, #tpu.memory_space<vmem>>) offsets(%dma_start3A_301 : memref<200xi32, #tpu.memory_space<vmem>>) semaphore(%arg16 : memref<!tpu.dma_semaphore, #tpu.memory_space<semaphore_mem>>)
          } else {
          }
        } else {
        }
        %dma_wait3A_241 = arith.constant 3 : i32
        %dma_wait3A_242 = arith.constant 3 : i32
        %dma_wait3A_243 = arith.constant 0 : i32
        %dma_wait3A_244 = arith.constant 0 : i32
        %dma_wait3A_245 = tpu.memref_slice %arg12[%dma_wait3A_242, %dma_wait3A_243, %dma_wait3A_244] : memref<4x200x16xf32, #tpu.memory_space<vmem>> -> memref<1x200x16xf32, #tpu.memory_space<vmem>>
        %dma_wait3A_246 = tpu.memref_squeeze %dma_wait3A_245 : memref<1x200x16xf32, #tpu.memory_space<vmem>> -> memref<200x16xf32, #tpu.memory_space<vmem>>
        %dma_wait3A_247 = arith.constant 0 : i32
        %dma_wait3A_248 = tpu.memref_slice %arg10[%dma_wait3A_241, %dma_wait3A_247] : memref<4x200xi32, #tpu.memory_space<vmem>> -> memref<1x200xi32, #tpu.memory_space<vmem>>
        %dma_wait3A_249 = tpu.memref_squeeze %dma_wait3A_248 : memref<1x200xi32, #tpu.memory_space<vmem>> -> memref<200xi32, #tpu.memory_space<vmem>>
        %dma_wait3A_250 = arith.constant 0 : i32
        %dma_wait3A_251 = arith.constant 0 : i32
        %dma_wait3A_252 = tpu.memref_slice %arg2[%dma_wait3A_250, %dma_wait3A_251] : memref<100352x16xf32, #tpu.memory_space<hbm>> -> memref<100352x16xf32, #tpu.memory_space<hbm>>
        tpu.wait_indirect_dma semaphore(%arg17 : memref<!tpu.dma_semaphore, #tpu.memory_space<semaphore_mem>>) src(%dma_wait3A_252 : memref<100352x16xf32, #tpu.memory_space<hbm>>) dst(%dma_wait3A_246 : memref<200x16xf32, #tpu.memory_space<vmem>>)
        %run_scoped3A = arith.constant 3 : i32
        %run_scoped3A_253 = arith.constant 3 : i32
        "tpu.region"() ({
          %run_scoped3A_261 = tpu.sem_alloc : memref<!tpu.dma_semaphore, #tpu.memory_space<semaphore_mem>>
          %dma_start3A_262 = arith.constant 0 : i32
          %dma_start3A_263 = arith.constant 0 : i32
          %dma_start3A_264 = tpu.memref_slice %arg12[%run_scoped3A, %dma_start3A_262, %dma_start3A_263] : memref<4x200x16xf32, #tpu.memory_space<vmem>> -> memref<1x200x16xf32, #tpu.memory_space<vmem>>
          %dma_start3A_265 = tpu.memref_squeeze %dma_start3A_264 : memref<1x200x16xf32, #tpu.memory_space<vmem>> -> memref<200x16xf32, #tpu.memory_space<vmem>>
          %dma_start3A_266 = arith.constant 0 : i32
          %dma_start3A_267 = tpu.memref_slice %arg11[%run_scoped3A_253, %dma_start3A_266] : memref<4x200xi32, #tpu.memory_space<vmem>> -> memref<1x200xi32, #tpu.memory_space<vmem>>
          %dma_start3A_268 = tpu.memref_squeeze %dma_start3A_267 : memref<1x200xi32, #tpu.memory_space<vmem>> -> memref<200xi32, #tpu.memory_space<vmem>>
          %dma_start3A_269 = arith.constant 0 : i32
          %dma_start3A_270 = arith.constant 0 : i32
          %dma_start3A_271 = tpu.memref_slice %arg13[%dma_start3A_269, %dma_start3A_270] : memref<100352x16xf32, #tpu.memory_space<vmem_shared>> -> memref<100352x16xf32, #tpu.memory_space<vmem_shared>>
          tpu.enqueue_indirect_dma source(%dma_start3A_265 : memref<200x16xf32, #tpu.memory_space<vmem>>) target(%dma_start3A_271 : memref<100352x16xf32, #tpu.memory_space<vmem_shared>>) offsets(%dma_start3A_268 : memref<200xi32, #tpu.memory_space<vmem>>) semaphore(%run_scoped3A_261 : memref<!tpu.dma_semaphore, #tpu.memory_space<semaphore_mem>>) {add = true}
          %dma_wait3A_272 = arith.constant 0 : i32
          %dma_wait3A_273 = arith.constant 0 : i32
          %dma_wait3A_274 = tpu.memref_slice %arg12[%run_scoped3A, %dma_wait3A_272, %dma_wait3A_273] : memref<4x200x16xf32, #tpu.memory_space<vmem>> -> memref<1x200x16xf32, #tpu.memory_space<vmem>>
          %dma_wait3A_275 = tpu.memref_squeeze %dma_wait3A_274 : memref<1x200x16xf32, #tpu.memory_space<vmem>> -> memref<200x16xf32, #tpu.memory_space<vmem>>
          %dma_wait3A_276 = arith.constant 0 : i32
          %dma_wait3A_277 = tpu.memref_slice %arg11[%run_scoped3A_253, %dma_wait3A_276] : memref<4x200xi32, #tpu.memory_space<vmem>> -> memref<1x200xi32, #tpu.memory_space<vmem>>
          %dma_wait3A_278 = tpu.memref_squeeze %dma_wait3A_277 : memref<1x200xi32, #tpu.memory_space<vmem>> -> memref<200xi32, #tpu.memory_space<vmem>>
          %dma_wait3A_279 = arith.constant 0 : i32
          %dma_wait3A_280 = arith.constant 0 : i32
          %dma_wait3A_281 = tpu.memref_slice %arg13[%dma_wait3A_279, %dma_wait3A_280] : memref<100352x16xf32, #tpu.memory_space<vmem_shared>> -> memref<100352x16xf32, #tpu.memory_space<vmem_shared>>
          tpu.wait_indirect_dma semaphore(%run_scoped3A_261 : memref<!tpu.dma_semaphore, #tpu.memory_space<semaphore_mem>>) src(%dma_wait3A_275 : memref<200x16xf32, #tpu.memory_space<vmem>>) dst(%dma_wait3A_281 : memref<100352x16xf32, #tpu.memory_space<vmem_shared>>)
          tpu.yield
        }) : () -> ()
        %add3A_254 = arith.constant 4 : i32
        %add3A_255 = arith.addi %add3A_227, %add3A_254 : i32
        %lt3A_256 = arith.constant 500 : i32
        %lt3A_257 = arith.cmpi slt, %add3A_255, %lt3A_256 : i32
        %convert_element_type3A_258 = arith.extui %lt3A_257 : i1 to i32
        %cond3A_259 = arith.constant 0 : i32
        %cond3A_260 = arith.cmpi ne, %convert_element_type3A_258, %cond3A_259 : i32
        scf.if %cond3A_260 {
          %add3A_261 = arith.constant 4 : i32
          %add3A_262 = arith.addi %add3A_227, %add3A_261 : i32
          %mul3A_263 = arith.constant 200 : i32
          %mul3A_264 = arith.muli %add3A_262, %mul3A_263 : i32
          %add3A_265 = arith.addi %mul3A_7, %mul3A_264 : i32
          %dma_start3A_266 = arith.constant 3 : i32
          %dma_start3A_267 = arith.constant 0 : i32
          %dma_start3A_268 = tpu.memref_slice %arg10[%dma_start3A_266, %dma_start3A_267] : memref<4x200xi32, #tpu.memory_space<vmem>> -> memref<1x200xi32, #tpu.memory_space<vmem>>
          %dma_start3A_269 = tpu.memref_squeeze %dma_start3A_268 : memref<1x200xi32, #tpu.memory_space<vmem>> -> memref<200xi32, #tpu.memory_space<vmem>>
          %dma_start3A_270 = tpu.memref_slice %arg6[%add3A_265] : memref<1600000xi32, #tpu.memory_space<hbm>> -> memref<200xi32, #tpu.memory_space<hbm>>
          %dma_start3A_271 = arith.constant 0 : i32
          %dma_start3A_272 = tpu.memref_slice %arg10[%dma_start3A_266, %dma_start3A_271] : memref<4x200xi32, #tpu.memory_space<vmem>> -> memref<1x200xi32, #tpu.memory_space<vmem>>
          %dma_start3A_273 = tpu.memref_squeeze %dma_start3A_272 : memref<1x200xi32, #tpu.memory_space<vmem>> -> memref<200xi32, #tpu.memory_space<vmem>>
          %dma_start3A_274 = tpu.memref_slice %arg6[%add3A_265] : memref<1600000xi32, #tpu.memory_space<hbm>> -> memref<200xi32, #tpu.memory_space<hbm>>
          tpu.enqueue_dma source(%dma_start3A_274 : memref<200xi32, #tpu.memory_space<hbm>>) target(%dma_start3A_273 : memref<200xi32, #tpu.memory_space<vmem>>) target_semaphore(%arg21 : memref<!tpu.dma_semaphore, #tpu.memory_space<semaphore_mem>>)
          %dma_start3A_275 = arith.constant 3 : i32
          %dma_start3A_276 = arith.constant 0 : i32
          %dma_start3A_277 = tpu.memref_slice %arg11[%dma_start3A_275, %dma_start3A_276] : memref<4x200xi32, #tpu.memory_space<vmem>> -> memref<1x200xi32, #tpu.memory_space<vmem>>
          %dma_start3A_278 = tpu.memref_squeeze %dma_start3A_277 : memref<1x200xi32, #tpu.memory_space<vmem>> -> memref<200xi32, #tpu.memory_space<vmem>>
          %dma_start3A_279 = tpu.memref_slice %arg7[%add3A_265] : memref<1600000xi32, #tpu.memory_space<hbm>> -> memref<200xi32, #tpu.memory_space<hbm>>
          %dma_start3A_280 = arith.constant 0 : i32
          %dma_start3A_281 = tpu.memref_slice %arg11[%dma_start3A_275, %dma_start3A_280] : memref<4x200xi32, #tpu.memory_space<vmem>> -> memref<1x200xi32, #tpu.memory_space<vmem>>
          %dma_start3A_282 = tpu.memref_squeeze %dma_start3A_281 : memref<1x200xi32, #tpu.memory_space<vmem>> -> memref<200xi32, #tpu.memory_space<vmem>>
          %dma_start3A_283 = tpu.memref_slice %arg7[%add3A_265] : memref<1600000xi32, #tpu.memory_space<hbm>> -> memref<200xi32, #tpu.memory_space<hbm>>
          tpu.enqueue_dma source(%dma_start3A_283 : memref<200xi32, #tpu.memory_space<hbm>>) target(%dma_start3A_282 : memref<200xi32, #tpu.memory_space<vmem>>) target_semaphore(%arg21 : memref<!tpu.dma_semaphore, #tpu.memory_space<semaphore_mem>>)
        } else {
        }
      } else {
      }
    }
    %scan3A_185 = arith.constant 125 : i32
    %barrier3A_186 = arith.constant 0 : index
    tpu.barrier barrier_id(%barrier3A_186)
    %eq3A_187 = arith.constant 0 : i32
    %eq3A_188 = arith.cmpi eq, %arg0, %eq3A_187 : i32
    %convert_element_type3A_189 = arith.extui %eq3A_188 : i1 to i32
    %cond3A_190 = arith.constant 0 : i32
    %cond3A_191 = arith.cmpi ne, %convert_element_type3A_189, %cond3A_190 : i32
    scf.if %cond3A_191 {
      %mul3A_197 = arith.constant 6272 : i32
      %mul3A_198 = arith.muli %arg1, %mul3A_197 : i32
      %mul3A_199 = arith.constant 6272 : i32
      %mul3A_200 = arith.muli %arg1, %mul3A_199 : i32
      "tpu.region"() ({
        %run_scoped3A = tpu.sem_alloc : memref<!tpu.dma_semaphore, #tpu.memory_space<semaphore_mem>>
        %dma_start3A_201 = arith.constant 0 : i32
        %dma_start3A_202 = tpu.memref_slice %arg8[%mul3A_200, %dma_start3A_201] : memref<100352x16xf32, #tpu.memory_space<hbm>> -> memref<6272x16xf32, #tpu.memory_space<hbm>>
        %dma_start3A_203 = arith.constant 0 : i32
        %dma_start3A_204 = tpu.memref_slice %arg13[%mul3A_198, %dma_start3A_203] : memref<100352x16xf32, #tpu.memory_space<vmem_shared>> -> memref<6272x16xf32, #tpu.memory_space<vmem_shared>>
        tpu.enqueue_dma source(%dma_start3A_204 : memref<6272x16xf32, #tpu.memory_space<vmem_shared>>) target(%dma_start3A_202 : memref<6272x16xf32, #tpu.memory_space<hbm>>) target_semaphore(%run_scoped3A : memref<!tpu.dma_semaphore, #tpu.memory_space<semaphore_mem>>)
        %dma_wait3A_205 = arith.constant 0 : i32
        %dma_wait3A_206 = tpu.memref_slice %arg8[%mul3A_200, %dma_wait3A_205] : memref<100352x16xf32, #tpu.memory_space<hbm>> -> memref<6272x16xf32, #tpu.memory_space<hbm>>
        %dma_wait3A_207 = arith.constant 0 : i32
        %dma_wait3A_208 = tpu.memref_slice %arg13[%mul3A_198, %dma_wait3A_207] : memref<100352x16xf32, #tpu.memory_space<vmem_shared>> -> memref<6272x16xf32, #tpu.memory_space<vmem_shared>>
        tpu.wait_dma2 semaphore(%run_scoped3A : memref<!tpu.dma_semaphore, #tpu.memory_space<semaphore_mem>>) src(%dma_wait3A_208 : memref<6272x16xf32, #tpu.memory_space<vmem_shared>>) dst(%dma_wait3A_206 : memref<6272x16xf32, #tpu.memory_space<hbm>>)
        tpu.yield
      }) : () -> ()
    } else {
    }
    %eq3A_192 = arith.constant 1 : i32
    %eq3A_193 = arith.cmpi eq, %arg0, %eq3A_192 : i32
    %convert_element_type3A_194 = arith.extui %eq3A_193 : i1 to i32
    %cond3A_195 = arith.constant 0 : i32
    %cond3A_196 = arith.cmpi ne, %convert_element_type3A_194, %cond3A_195 : i32
    scf.if %cond3A_196 {
      %mul3A_197 = arith.constant 6272 : i32
      %mul3A_198 = arith.muli %arg1, %mul3A_197 : i32
      %mul3A_199 = arith.constant 6272 : i32
      %mul3A_200 = arith.muli %arg1, %mul3A_199 : i32
      "tpu.region"() ({
        %run_scoped3A = tpu.sem_alloc : memref<!tpu.dma_semaphore, #tpu.memory_space<semaphore_mem>>
        %dma_start3A_201 = arith.constant 0 : i32
        %dma_start3A_202 = tpu.memref_slice %arg9[%mul3A_200, %dma_start3A_201] : memref<100352x16xf32, #tpu.memory_space<hbm>> -> memref<6272x16xf32, #tpu.memory_space<hbm>>
        %dma_start3A_203 = arith.constant 0 : i32
        %dma_start3A_204 = tpu.memref_slice %arg13[%mul3A_198, %dma_start3A_203] : memref<100352x16xf32, #tpu.memory_space<vmem_shared>> -> memref<6272x16xf32, #tpu.memory_space<vmem_shared>>
        tpu.enqueue_dma source(%dma_start3A_204 : memref<6272x16xf32, #tpu.memory_space<vmem_shared>>) target(%dma_start3A_202 : memref<6272x16xf32, #tpu.memory_space<hbm>>) target_semaphore(%run_scoped3A : memref<!tpu.dma_semaphore, #tpu.memory_space<semaphore_mem>>)
        %dma_wait3A_205 = arith.constant 0 : i32
        %dma_wait3A_206 = tpu.memref_slice %arg9[%mul3A_200, %dma_wait3A_205] : memref<100352x16xf32, #tpu.memory_space<hbm>> -> memref<6272x16xf32, #tpu.memory_space<hbm>>
        %dma_wait3A_207 = arith.constant 0 : i32
        %dma_wait3A_208 = tpu.memref_slice %arg13[%mul3A_198, %dma_wait3A_207] : memref<100352x16xf32, #tpu.memory_space<vmem_shared>> -> memref<6272x16xf32, #tpu.memory_space<vmem_shared>>
        tpu.wait_dma2 semaphore(%run_scoped3A : memref<!tpu.dma_semaphore, #tpu.memory_space<semaphore_mem>>) src(%dma_wait3A_208 : memref<6272x16xf32, #tpu.memory_space<vmem_shared>>) dst(%dma_wait3A_206 : memref<6272x16xf32, #tpu.memory_space<hbm>>)
        tpu.yield
      }) : () -> ()
    } else {
    }
    return
  }
}

#map = affine_map<(d0, d1) -> (0)>
#map1 = affine_map<(d0, d1) -> (0, 0)>
module attributes {stable_mosaic.version = 14 : i64} {
  func.func @_sc1(%arg0: i32, %arg1: i32, %arg2: memref<100352xf32, #tpu.memory_space<hbm>>, %arg3: memref<1600000xi32, #tpu.memory_space<hbm>>, %arg4: memref<1600000xi32, #tpu.memory_space<hbm>>, %arg5: memref<100352xf32, #tpu.memory_space<hbm>>, %arg6: memref<2x100352xf32, #tpu.memory_space<hbm>>, %arg7: memref<4x1000xi32, #tpu.memory_space<vmem>>, %arg8: memref<4x1000xi32, #tpu.memory_space<vmem>>, %arg9: memref<4x1000xf32, #tpu.memory_space<vmem>>, %arg10: memref<100352xf32, #tpu.memory_space<vmem_shared>>, %arg11: memref<100352xf32, #tpu.memory_space<vmem_shared>>, %arg12: memref<!tpu.dma_semaphore, #tpu.memory_space<semaphore_mem>>, %arg13: memref<!tpu.dma_semaphore, #tpu.memory_space<semaphore_mem>>, %arg14: memref<!tpu.dma_semaphore, #tpu.memory_space<semaphore_mem>>, %arg15: memref<!tpu.dma_semaphore, #tpu.memory_space<semaphore_mem>>, %arg16: memref<!tpu.dma_semaphore, #tpu.memory_space<semaphore_mem>>, %arg17: memref<!tpu.dma_semaphore, #tpu.memory_space<semaphore_mem>>, %arg18: memref<!tpu.dma_semaphore, #tpu.memory_space<semaphore_mem>>, %arg19: memref<!tpu.dma_semaphore, #tpu.memory_space<semaphore_mem>>) attributes {dimension_semantics = [#tpu.dimension_semantics<core_parallel>, #tpu.dimension_semantics<subcore_parallel>], iteration_bounds = array<i64: 2, 16>, scalar_prefetch = 0 : i64, scratch_operands = 13 : i64, tpu.core_type = #tpu.core_type<sc_vector_subcore>, window_params = [{transform_indices = #map}, {transform_indices = #map}, {transform_indices = #map}, {transform_indices = #map}, {transform_indices = #map1}]} {
    %mul3A = arith.constant 16 : i32
    %mul3A_0 = arith.muli %arg0, %mul3A : i32
    %add3A = arith.addi %mul3A_0, %arg1 : i32
    %mul3A_1 = arith.constant 6272 : i32
    %mul3A_2 = arith.muli %arg1, %mul3A_1 : i32
    %mul3A_3 = arith.constant 6272 : i32
    %mul3A_4 = arith.muli %arg1, %mul3A_3 : i32
    "tpu.region"() ({
      %run_scoped3A = tpu.sem_alloc : memref<!tpu.dma_semaphore, #tpu.memory_space<semaphore_mem>>
      %dma_start3A_195 = tpu.memref_slice %arg10[%mul3A_4] : memref<100352xf32, #tpu.memory_space<vmem_shared>> -> memref<6272xf32, #tpu.memory_space<vmem_shared>>
      %dma_start3A_196 = tpu.memref_slice %arg2[%mul3A_2] : memref<100352xf32, #tpu.memory_space<hbm>> -> memref<6272xf32, #tpu.memory_space<hbm>>
      tpu.enqueue_dma source(%dma_start3A_196 : memref<6272xf32, #tpu.memory_space<hbm>>) target(%dma_start3A_195 : memref<6272xf32, #tpu.memory_space<vmem_shared>>) target_semaphore(%run_scoped3A : memref<!tpu.dma_semaphore, #tpu.memory_space<semaphore_mem>>)
      %dma_wait3A_197 = tpu.memref_slice %arg10[%mul3A_4] : memref<100352xf32, #tpu.memory_space<vmem_shared>> -> memref<6272xf32, #tpu.memory_space<vmem_shared>>
      %dma_wait3A_198 = tpu.memref_slice %arg2[%mul3A_2] : memref<100352xf32, #tpu.memory_space<hbm>> -> memref<6272xf32, #tpu.memory_space<hbm>>
      tpu.wait_dma2 semaphore(%run_scoped3A : memref<!tpu.dma_semaphore, #tpu.memory_space<semaphore_mem>>) src(%dma_wait3A_198 : memref<6272xf32, #tpu.memory_space<hbm>>) dst(%dma_wait3A_197 : memref<6272xf32, #tpu.memory_space<vmem_shared>>)
      tpu.yield
    }) : () -> ()
    %mul3A_5 = arith.constant 6272 : i32
    %mul3A_6 = arith.muli %arg1, %mul3A_5 : i32
    %mul3A_7 = arith.constant 6272 : i32
    %mul3A_8 = arith.muli %arg1, %mul3A_7 : i32
    "tpu.region"() ({
      %run_scoped3A = tpu.sem_alloc : memref<!tpu.dma_semaphore, #tpu.memory_space<semaphore_mem>>
      %dma_start3A_195 = tpu.memref_slice %arg11[%mul3A_8] : memref<100352xf32, #tpu.memory_space<vmem_shared>> -> memref<6272xf32, #tpu.memory_space<vmem_shared>>
      %dma_start3A_196 = tpu.memref_slice %arg5[%mul3A_6] : memref<100352xf32, #tpu.memory_space<hbm>> -> memref<6272xf32, #tpu.memory_space<hbm>>
      tpu.enqueue_dma source(%dma_start3A_196 : memref<6272xf32, #tpu.memory_space<hbm>>) target(%dma_start3A_195 : memref<6272xf32, #tpu.memory_space<vmem_shared>>) target_semaphore(%run_scoped3A : memref<!tpu.dma_semaphore, #tpu.memory_space<semaphore_mem>>)
      %dma_wait3A_197 = tpu.memref_slice %arg11[%mul3A_8] : memref<100352xf32, #tpu.memory_space<vmem_shared>> -> memref<6272xf32, #tpu.memory_space<vmem_shared>>
      %dma_wait3A_198 = tpu.memref_slice %arg5[%mul3A_6] : memref<100352xf32, #tpu.memory_space<hbm>> -> memref<6272xf32, #tpu.memory_space<hbm>>
      tpu.wait_dma2 semaphore(%run_scoped3A : memref<!tpu.dma_semaphore, #tpu.memory_space<semaphore_mem>>) src(%dma_wait3A_198 : memref<6272xf32, #tpu.memory_space<hbm>>) dst(%dma_wait3A_197 : memref<6272xf32, #tpu.memory_space<vmem_shared>>)
      tpu.yield
    }) : () -> ()
    %barrier3A = arith.constant 0 : index
    tpu.barrier barrier_id(%barrier3A)
    %mul3A_9 = arith.constant 50000 : i32
    %mul3A_10 = arith.muli %add3A, %mul3A_9 : i32
    %add3A_11 = arith.constant 0 : i32
    %add3A_12 = arith.addi %mul3A_10, %add3A_11 : i32
    %dma_start3A = arith.constant 0 : i32
    %dma_start3A_13 = arith.constant 0 : i32
    %dma_start3A_14 = tpu.memref_slice %arg7[%dma_start3A, %dma_start3A_13] : memref<4x1000xi32, #tpu.memory_space<vmem>> -> memref<1x1000xi32, #tpu.memory_space<vmem>>
    %dma_start3A_15 = tpu.memref_squeeze %dma_start3A_14 : memref<1x1000xi32, #tpu.memory_space<vmem>> -> memref<1000xi32, #tpu.memory_space<vmem>>
    %dma_start3A_16 = tpu.memref_slice %arg3[%add3A_12] : memref<1600000xi32, #tpu.memory_space<hbm>> -> memref<1000xi32, #tpu.memory_space<hbm>>
    %dma_start3A_17 = arith.constant 0 : i32
    %dma_start3A_18 = tpu.memref_slice %arg7[%dma_start3A, %dma_start3A_17] : memref<4x1000xi32, #tpu.memory_space<vmem>> -> memref<1x1000xi32, #tpu.memory_space<vmem>>
    %dma_start3A_19 = tpu.memref_squeeze %dma_start3A_18 : memref<1x1000xi32, #tpu.memory_space<vmem>> -> memref<1000xi32, #tpu.memory_space<vmem>>
    %dma_start3A_20 = tpu.memref_slice %arg3[%add3A_12] : memref<1600000xi32, #tpu.memory_space<hbm>> -> memref<1000xi32, #tpu.memory_space<hbm>>
    tpu.enqueue_dma source(%dma_start3A_20 : memref<1000xi32, #tpu.memory_space<hbm>>) target(%dma_start3A_19 : memref<1000xi32, #tpu.memory_space<vmem>>) target_semaphore(%arg16 : memref<!tpu.dma_semaphore, #tpu.memory_space<semaphore_mem>>)
    %dma_start3A_21 = arith.constant 0 : i32
    %dma_start3A_22 = arith.constant 0 : i32
    %dma_start3A_23 = tpu.memref_slice %arg8[%dma_start3A_21, %dma_start3A_22] : memref<4x1000xi32, #tpu.memory_space<vmem>> -> memref<1x1000xi32, #tpu.memory_space<vmem>>
    %dma_start3A_24 = tpu.memref_squeeze %dma_start3A_23 : memref<1x1000xi32, #tpu.memory_space<vmem>> -> memref<1000xi32, #tpu.memory_space<vmem>>
    %dma_start3A_25 = tpu.memref_slice %arg4[%add3A_12] : memref<1600000xi32, #tpu.memory_space<hbm>> -> memref<1000xi32, #tpu.memory_space<hbm>>
    %dma_start3A_26 = arith.constant 0 : i32
    %dma_start3A_27 = tpu.memref_slice %arg8[%dma_start3A_21, %dma_start3A_26] : memref<4x1000xi32, #tpu.memory_space<vmem>> -> memref<1x1000xi32, #tpu.memory_space<vmem>>
    %dma_start3A_28 = tpu.memref_squeeze %dma_start3A_27 : memref<1x1000xi32, #tpu.memory_space<vmem>> -> memref<1000xi32, #tpu.memory_space<vmem>>
    %dma_start3A_29 = tpu.memref_slice %arg4[%add3A_12] : memref<1600000xi32, #tpu.memory_space<hbm>> -> memref<1000xi32, #tpu.memory_space<hbm>>
    tpu.enqueue_dma source(%dma_start3A_29 : memref<1000xi32, #tpu.memory_space<hbm>>) target(%dma_start3A_28 : memref<1000xi32, #tpu.memory_space<vmem>>) target_semaphore(%arg16 : memref<!tpu.dma_semaphore, #tpu.memory_space<semaphore_mem>>)
    %dma_wait3A = arith.constant 0 : i32
    %dma_wait3A_30 = arith.constant 0 : i32
    %dma_wait3A_31 = tpu.memref_slice %arg7[%dma_wait3A, %dma_wait3A_30] : memref<4x1000xi32, #tpu.memory_space<vmem>> -> memref<1x1000xi32, #tpu.memory_space<vmem>>
    %dma_wait3A_32 = tpu.memref_squeeze %dma_wait3A_31 : memref<1x1000xi32, #tpu.memory_space<vmem>> -> memref<1000xi32, #tpu.memory_space<vmem>>
    %dma_wait3A_33 = arith.constant 0 : i32
    %dma_wait3A_34 = tpu.memref_slice %arg3[%dma_wait3A_33] : memref<1600000xi32, #tpu.memory_space<hbm>> -> memref<1000xi32, #tpu.memory_space<hbm>>
    %dma_wait3A_35 = arith.constant 0 : i32
    %dma_wait3A_36 = tpu.memref_slice %arg7[%dma_wait3A, %dma_wait3A_35] : memref<4x1000xi32, #tpu.memory_space<vmem>> -> memref<1x1000xi32, #tpu.memory_space<vmem>>
    %dma_wait3A_37 = tpu.memref_squeeze %dma_wait3A_36 : memref<1x1000xi32, #tpu.memory_space<vmem>> -> memref<1000xi32, #tpu.memory_space<vmem>>
    %dma_wait3A_38 = arith.constant 0 : i32
    %dma_wait3A_39 = tpu.memref_slice %arg3[%dma_wait3A_38] : memref<1600000xi32, #tpu.memory_space<hbm>> -> memref<1000xi32, #tpu.memory_space<hbm>>
    tpu.wait_dma2 semaphore(%arg16 : memref<!tpu.dma_semaphore, #tpu.memory_space<semaphore_mem>>) src(%dma_wait3A_39 : memref<1000xi32, #tpu.memory_space<hbm>>) dst(%dma_wait3A_37 : memref<1000xi32, #tpu.memory_space<vmem>>)
    %dma_wait3A_40 = arith.constant 0 : i32
    %dma_wait3A_41 = arith.constant 0 : i32
    %dma_wait3A_42 = tpu.memref_slice %arg8[%dma_wait3A_40, %dma_wait3A_41] : memref<4x1000xi32, #tpu.memory_space<vmem>> -> memref<1x1000xi32, #tpu.memory_space<vmem>>
    %dma_wait3A_43 = tpu.memref_squeeze %dma_wait3A_42 : memref<1x1000xi32, #tpu.memory_space<vmem>> -> memref<1000xi32, #tpu.memory_space<vmem>>
    %dma_wait3A_44 = arith.constant 0 : i32
    %dma_wait3A_45 = tpu.memref_slice %arg4[%dma_wait3A_44] : memref<1600000xi32, #tpu.memory_space<hbm>> -> memref<1000xi32, #tpu.memory_space<hbm>>
    %dma_wait3A_46 = arith.constant 0 : i32
    %dma_wait3A_47 = tpu.memref_slice %arg8[%dma_wait3A_40, %dma_wait3A_46] : memref<4x1000xi32, #tpu.memory_space<vmem>> -> memref<1x1000xi32, #tpu.memory_space<vmem>>
    %dma_wait3A_48 = tpu.memref_squeeze %dma_wait3A_47 : memref<1x1000xi32, #tpu.memory_space<vmem>> -> memref<1000xi32, #tpu.memory_space<vmem>>
    %dma_wait3A_49 = arith.constant 0 : i32
    %dma_wait3A_50 = tpu.memref_slice %arg4[%dma_wait3A_49] : memref<1600000xi32, #tpu.memory_space<hbm>> -> memref<1000xi32, #tpu.memory_space<hbm>>
    tpu.wait_dma2 semaphore(%arg16 : memref<!tpu.dma_semaphore, #tpu.memory_space<semaphore_mem>>) src(%dma_wait3A_50 : memref<1000xi32, #tpu.memory_space<hbm>>) dst(%dma_wait3A_48 : memref<1000xi32, #tpu.memory_space<vmem>>)
    %dma_start3A_51 = arith.constant 0 : i32
    %dma_start3A_52 = arith.constant 0 : i32
    %dma_start3A_53 = arith.constant 0 : i32
    %dma_start3A_54 = tpu.memref_slice %arg9[%dma_start3A_52, %dma_start3A_53] : memref<4x1000xf32, #tpu.memory_space<vmem>> -> memref<1x1000xf32, #tpu.memory_space<vmem>>
    %dma_start3A_55 = tpu.memref_squeeze %dma_start3A_54 : memref<1x1000xf32, #tpu.memory_space<vmem>> -> memref<1000xf32, #tpu.memory_space<vmem>>
    %dma_start3A_56 = arith.constant 0 : i32
    %dma_start3A_57 = tpu.memref_slice %arg7[%dma_start3A_51, %dma_start3A_56] : memref<4x1000xi32, #tpu.memory_space<vmem>> -> memref<1x1000xi32, #tpu.memory_space<vmem>>
    %dma_start3A_58 = tpu.memref_squeeze %dma_start3A_57 : memref<1x1000xi32, #tpu.memory_space<vmem>> -> memref<1000xi32, #tpu.memory_space<vmem>>
    %dma_start3A_59 = arith.constant 0 : i32
    %dma_start3A_60 = tpu.memref_slice %arg10[%dma_start3A_59] : memref<100352xf32, #tpu.memory_space<vmem_shared>> -> memref<100352xf32, #tpu.memory_space<vmem_shared>>
    tpu.enqueue_indirect_dma source(%dma_start3A_60 : memref<100352xf32, #tpu.memory_space<vmem_shared>>) target(%dma_start3A_55 : memref<1000xf32, #tpu.memory_space<vmem>>) offsets(%dma_start3A_58 : memref<1000xi32, #tpu.memory_space<vmem>>) semaphore(%arg12 : memref<!tpu.dma_semaphore, #tpu.memory_space<semaphore_mem>>)
    %add3A_61 = arith.constant 1000 : i32
    %add3A_62 = arith.addi %mul3A_10, %add3A_61 : i32
    %dma_start3A_63 = arith.constant 1 : i32
    %dma_start3A_64 = arith.constant 0 : i32
    %dma_start3A_65 = tpu.memref_slice %arg7[%dma_start3A_63, %dma_start3A_64] : memref<4x1000xi32, #tpu.memory_space<vmem>> -> memref<1x1000xi32, #tpu.memory_space<vmem>>
    %dma_start3A_66 = tpu.memref_squeeze %dma_start3A_65 : memref<1x1000xi32, #tpu.memory_space<vmem>> -> memref<1000xi32, #tpu.memory_space<vmem>>
    %dma_start3A_67 = tpu.memref_slice %arg3[%add3A_62] : memref<1600000xi32, #tpu.memory_space<hbm>> -> memref<1000xi32, #tpu.memory_space<hbm>>
    %dma_start3A_68 = arith.constant 0 : i32
    %dma_start3A_69 = tpu.memref_slice %arg7[%dma_start3A_63, %dma_start3A_68] : memref<4x1000xi32, #tpu.memory_space<vmem>> -> memref<1x1000xi32, #tpu.memory_space<vmem>>
    %dma_start3A_70 = tpu.memref_squeeze %dma_start3A_69 : memref<1x1000xi32, #tpu.memory_space<vmem>> -> memref<1000xi32, #tpu.memory_space<vmem>>
    %dma_start3A_71 = tpu.memref_slice %arg3[%add3A_62] : memref<1600000xi32, #tpu.memory_space<hbm>> -> memref<1000xi32, #tpu.memory_space<hbm>>
    tpu.enqueue_dma source(%dma_start3A_71 : memref<1000xi32, #tpu.memory_space<hbm>>) target(%dma_start3A_70 : memref<1000xi32, #tpu.memory_space<vmem>>) target_semaphore(%arg17 : memref<!tpu.dma_semaphore, #tpu.memory_space<semaphore_mem>>)
    %dma_start3A_72 = arith.constant 1 : i32
    %dma_start3A_73 = arith.constant 0 : i32
    %dma_start3A_74 = tpu.memref_slice %arg8[%dma_start3A_72, %dma_start3A_73] : memref<4x1000xi32, #tpu.memory_space<vmem>> -> memref<1x1000xi32, #tpu.memory_space<vmem>>
    %dma_start3A_75 = tpu.memref_squeeze %dma_start3A_74 : memref<1x1000xi32, #tpu.memory_space<vmem>> -> memref<1000xi32, #tpu.memory_space<vmem>>
    %dma_start3A_76 = tpu.memref_slice %arg4[%add3A_62] : memref<1600000xi32, #tpu.memory_space<hbm>> -> memref<1000xi32, #tpu.memory_space<hbm>>
    %dma_start3A_77 = arith.constant 0 : i32
    %dma_start3A_78 = tpu.memref_slice %arg8[%dma_start3A_72, %dma_start3A_77] : memref<4x1000xi32, #tpu.memory_space<vmem>> -> memref<1x1000xi32, #tpu.memory_space<vmem>>
    %dma_start3A_79 = tpu.memref_squeeze %dma_start3A_78 : memref<1x1000xi32, #tpu.memory_space<vmem>> -> memref<1000xi32, #tpu.memory_space<vmem>>
    %dma_start3A_80 = tpu.memref_slice %arg4[%add3A_62] : memref<1600000xi32, #tpu.memory_space<hbm>> -> memref<1000xi32, #tpu.memory_space<hbm>>
    tpu.enqueue_dma source(%dma_start3A_80 : memref<1000xi32, #tpu.memory_space<hbm>>) target(%dma_start3A_79 : memref<1000xi32, #tpu.memory_space<vmem>>) target_semaphore(%arg17 : memref<!tpu.dma_semaphore, #tpu.memory_space<semaphore_mem>>)
    %dma_wait3A_81 = arith.constant 1 : i32
    %dma_wait3A_82 = arith.constant 0 : i32
    %dma_wait3A_83 = tpu.memref_slice %arg7[%dma_wait3A_81, %dma_wait3A_82] : memref<4x1000xi32, #tpu.memory_space<vmem>> -> memref<1x1000xi32, #tpu.memory_space<vmem>>
    %dma_wait3A_84 = tpu.memref_squeeze %dma_wait3A_83 : memref<1x1000xi32, #tpu.memory_space<vmem>> -> memref<1000xi32, #tpu.memory_space<vmem>>
    %dma_wait3A_85 = arith.constant 0 : i32
    %dma_wait3A_86 = tpu.memref_slice %arg3[%dma_wait3A_85] : memref<1600000xi32, #tpu.memory_space<hbm>> -> memref<1000xi32, #tpu.memory_space<hbm>>
    %dma_wait3A_87 = arith.constant 0 : i32
    %dma_wait3A_88 = tpu.memref_slice %arg7[%dma_wait3A_81, %dma_wait3A_87] : memref<4x1000xi32, #tpu.memory_space<vmem>> -> memref<1x1000xi32, #tpu.memory_space<vmem>>
    %dma_wait3A_89 = tpu.memref_squeeze %dma_wait3A_88 : memref<1x1000xi32, #tpu.memory_space<vmem>> -> memref<1000xi32, #tpu.memory_space<vmem>>
    %dma_wait3A_90 = arith.constant 0 : i32
    %dma_wait3A_91 = tpu.memref_slice %arg3[%dma_wait3A_90] : memref<1600000xi32, #tpu.memory_space<hbm>> -> memref<1000xi32, #tpu.memory_space<hbm>>
    tpu.wait_dma2 semaphore(%arg17 : memref<!tpu.dma_semaphore, #tpu.memory_space<semaphore_mem>>) src(%dma_wait3A_91 : memref<1000xi32, #tpu.memory_space<hbm>>) dst(%dma_wait3A_89 : memref<1000xi32, #tpu.memory_space<vmem>>)
    %dma_wait3A_92 = arith.constant 1 : i32
    %dma_wait3A_93 = arith.constant 0 : i32
    %dma_wait3A_94 = tpu.memref_slice %arg8[%dma_wait3A_92, %dma_wait3A_93] : memref<4x1000xi32, #tpu.memory_space<vmem>> -> memref<1x1000xi32, #tpu.memory_space<vmem>>
    %dma_wait3A_95 = tpu.memref_squeeze %dma_wait3A_94 : memref<1x1000xi32, #tpu.memory_space<vmem>> -> memref<1000xi32, #tpu.memory_space<vmem>>
    %dma_wait3A_96 = arith.constant 0 : i32
    %dma_wait3A_97 = tpu.memref_slice %arg4[%dma_wait3A_96] : memref<1600000xi32, #tpu.memory_space<hbm>> -> memref<1000xi32, #tpu.memory_space<hbm>>
    %dma_wait3A_98 = arith.constant 0 : i32
    %dma_wait3A_99 = tpu.memref_slice %arg8[%dma_wait3A_92, %dma_wait3A_98] : memref<4x1000xi32, #tpu.memory_space<vmem>> -> memref<1x1000xi32, #tpu.memory_space<vmem>>
    %dma_wait3A_100 = tpu.memref_squeeze %dma_wait3A_99 : memref<1x1000xi32, #tpu.memory_space<vmem>> -> memref<1000xi32, #tpu.memory_space<vmem>>
    %dma_wait3A_101 = arith.constant 0 : i32
    %dma_wait3A_102 = tpu.memref_slice %arg4[%dma_wait3A_101] : memref<1600000xi32, #tpu.memory_space<hbm>> -> memref<1000xi32, #tpu.memory_space<hbm>>
    tpu.wait_dma2 semaphore(%arg17 : memref<!tpu.dma_semaphore, #tpu.memory_space<semaphore_mem>>) src(%dma_wait3A_102 : memref<1000xi32, #tpu.memory_space<hbm>>) dst(%dma_wait3A_100 : memref<1000xi32, #tpu.memory_space<vmem>>)
    %dma_start3A_103 = arith.constant 1 : i32
    %dma_start3A_104 = arith.constant 1 : i32
    %dma_start3A_105 = arith.constant 0 : i32
    %dma_start3A_106 = tpu.memref_slice %arg9[%dma_start3A_104, %dma_start3A_105] : memref<4x1000xf32, #tpu.memory_space<vmem>> -> memref<1x1000xf32, #tpu.memory_space<vmem>>
    %dma_start3A_107 = tpu.memref_squeeze %dma_start3A_106 : memref<1x1000xf32, #tpu.memory_space<vmem>> -> memref<1000xf32, #tpu.memory_space<vmem>>
    %dma_start3A_108 = arith.constant 0 : i32
    %dma_start3A_109 = tpu.memref_slice %arg7[%dma_start3A_103, %dma_start3A_108] : memref<4x1000xi32, #tpu.memory_space<vmem>> -> memref<1x1000xi32, #tpu.memory_space<vmem>>
    %dma_start3A_110 = tpu.memref_squeeze %dma_start3A_109 : memref<1x1000xi32, #tpu.memory_space<vmem>> -> memref<1000xi32, #tpu.memory_space<vmem>>
    %dma_start3A_111 = arith.constant 0 : i32
    %dma_start3A_112 = tpu.memref_slice %arg10[%dma_start3A_111] : memref<100352xf32, #tpu.memory_space<vmem_shared>> -> memref<100352xf32, #tpu.memory_space<vmem_shared>>
    tpu.enqueue_indirect_dma source(%dma_start3A_112 : memref<100352xf32, #tpu.memory_space<vmem_shared>>) target(%dma_start3A_107 : memref<1000xf32, #tpu.memory_space<vmem>>) offsets(%dma_start3A_110 : memref<1000xi32, #tpu.memory_space<vmem>>) semaphore(%arg13 : memref<!tpu.dma_semaphore, #tpu.memory_space<semaphore_mem>>)
    %add3A_113 = arith.constant 2000 : i32
    %add3A_114 = arith.addi %mul3A_10, %add3A_113 : i32
    %dma_start3A_115 = arith.constant 2 : i32
    %dma_start3A_116 = arith.constant 0 : i32
    %dma_start3A_117 = tpu.memref_slice %arg7[%dma_start3A_115, %dma_start3A_116] : memref<4x1000xi32, #tpu.memory_space<vmem>> -> memref<1x1000xi32, #tpu.memory_space<vmem>>
    %dma_start3A_118 = tpu.memref_squeeze %dma_start3A_117 : memref<1x1000xi32, #tpu.memory_space<vmem>> -> memref<1000xi32, #tpu.memory_space<vmem>>
    %dma_start3A_119 = tpu.memref_slice %arg3[%add3A_114] : memref<1600000xi32, #tpu.memory_space<hbm>> -> memref<1000xi32, #tpu.memory_space<hbm>>
    %dma_start3A_120 = arith.constant 0 : i32
    %dma_start3A_121 = tpu.memref_slice %arg7[%dma_start3A_115, %dma_start3A_120] : memref<4x1000xi32, #tpu.memory_space<vmem>> -> memref<1x1000xi32, #tpu.memory_space<vmem>>
    %dma_start3A_122 = tpu.memref_squeeze %dma_start3A_121 : memref<1x1000xi32, #tpu.memory_space<vmem>> -> memref<1000xi32, #tpu.memory_space<vmem>>
    %dma_start3A_123 = tpu.memref_slice %arg3[%add3A_114] : memref<1600000xi32, #tpu.memory_space<hbm>> -> memref<1000xi32, #tpu.memory_space<hbm>>
    tpu.enqueue_dma source(%dma_start3A_123 : memref<1000xi32, #tpu.memory_space<hbm>>) target(%dma_start3A_122 : memref<1000xi32, #tpu.memory_space<vmem>>) target_semaphore(%arg18 : memref<!tpu.dma_semaphore, #tpu.memory_space<semaphore_mem>>)
    %dma_start3A_124 = arith.constant 2 : i32
    %dma_start3A_125 = arith.constant 0 : i32
    %dma_start3A_126 = tpu.memref_slice %arg8[%dma_start3A_124, %dma_start3A_125] : memref<4x1000xi32, #tpu.memory_space<vmem>> -> memref<1x1000xi32, #tpu.memory_space<vmem>>
    %dma_start3A_127 = tpu.memref_squeeze %dma_start3A_126 : memref<1x1000xi32, #tpu.memory_space<vmem>> -> memref<1000xi32, #tpu.memory_space<vmem>>
    %dma_start3A_128 = tpu.memref_slice %arg4[%add3A_114] : memref<1600000xi32, #tpu.memory_space<hbm>> -> memref<1000xi32, #tpu.memory_space<hbm>>
    %dma_start3A_129 = arith.constant 0 : i32
    %dma_start3A_130 = tpu.memref_slice %arg8[%dma_start3A_124, %dma_start3A_129] : memref<4x1000xi32, #tpu.memory_space<vmem>> -> memref<1x1000xi32, #tpu.memory_space<vmem>>
    %dma_start3A_131 = tpu.memref_squeeze %dma_start3A_130 : memref<1x1000xi32, #tpu.memory_space<vmem>> -> memref<1000xi32, #tpu.memory_space<vmem>>
    %dma_start3A_132 = tpu.memref_slice %arg4[%add3A_114] : memref<1600000xi32, #tpu.memory_space<hbm>> -> memref<1000xi32, #tpu.memory_space<hbm>>
    tpu.enqueue_dma source(%dma_start3A_132 : memref<1000xi32, #tpu.memory_space<hbm>>) target(%dma_start3A_131 : memref<1000xi32, #tpu.memory_space<vmem>>) target_semaphore(%arg18 : memref<!tpu.dma_semaphore, #tpu.memory_space<semaphore_mem>>)
    %dma_wait3A_133 = arith.constant 2 : i32
    %dma_wait3A_134 = arith.constant 0 : i32
    %dma_wait3A_135 = tpu.memref_slice %arg7[%dma_wait3A_133, %dma_wait3A_134] : memref<4x1000xi32, #tpu.memory_space<vmem>> -> memref<1x1000xi32, #tpu.memory_space<vmem>>
    %dma_wait3A_136 = tpu.memref_squeeze %dma_wait3A_135 : memref<1x1000xi32, #tpu.memory_space<vmem>> -> memref<1000xi32, #tpu.memory_space<vmem>>
    %dma_wait3A_137 = arith.constant 0 : i32
    %dma_wait3A_138 = tpu.memref_slice %arg3[%dma_wait3A_137] : memref<1600000xi32, #tpu.memory_space<hbm>> -> memref<1000xi32, #tpu.memory_space<hbm>>
    %dma_wait3A_139 = arith.constant 0 : i32
    %dma_wait3A_140 = tpu.memref_slice %arg7[%dma_wait3A_133, %dma_wait3A_139] : memref<4x1000xi32, #tpu.memory_space<vmem>> -> memref<1x1000xi32, #tpu.memory_space<vmem>>
    %dma_wait3A_141 = tpu.memref_squeeze %dma_wait3A_140 : memref<1x1000xi32, #tpu.memory_space<vmem>> -> memref<1000xi32, #tpu.memory_space<vmem>>
    %dma_wait3A_142 = arith.constant 0 : i32
    %dma_wait3A_143 = tpu.memref_slice %arg3[%dma_wait3A_142] : memref<1600000xi32, #tpu.memory_space<hbm>> -> memref<1000xi32, #tpu.memory_space<hbm>>
    tpu.wait_dma2 semaphore(%arg18 : memref<!tpu.dma_semaphore, #tpu.memory_space<semaphore_mem>>) src(%dma_wait3A_143 : memref<1000xi32, #tpu.memory_space<hbm>>) dst(%dma_wait3A_141 : memref<1000xi32, #tpu.memory_space<vmem>>)
    %dma_wait3A_144 = arith.constant 2 : i32
    %dma_wait3A_145 = arith.constant 0 : i32
    %dma_wait3A_146 = tpu.memref_slice %arg8[%dma_wait3A_144, %dma_wait3A_145] : memref<4x1000xi32, #tpu.memory_space<vmem>> -> memref<1x1000xi32, #tpu.memory_space<vmem>>
    %dma_wait3A_147 = tpu.memref_squeeze %dma_wait3A_146 : memref<1x1000xi32, #tpu.memory_space<vmem>> -> memref<1000xi32, #tpu.memory_space<vmem>>
    %dma_wait3A_148 = arith.constant 0 : i32
    %dma_wait3A_149 = tpu.memref_slice %arg4[%dma_wait3A_148] : memref<1600000xi32, #tpu.memory_space<hbm>> -> memref<1000xi32, #tpu.memory_space<hbm>>
    %dma_wait3A_150 = arith.constant 0 : i32
    %dma_wait3A_151 = tpu.memref_slice %arg8[%dma_wait3A_144, %dma_wait3A_150] : memref<4x1000xi32, #tpu.memory_space<vmem>> -> memref<1x1000xi32, #tpu.memory_space<vmem>>
    %dma_wait3A_152 = tpu.memref_squeeze %dma_wait3A_151 : memref<1x1000xi32, #tpu.memory_space<vmem>> -> memref<1000xi32, #tpu.memory_space<vmem>>
    %dma_wait3A_153 = arith.constant 0 : i32
    %dma_wait3A_154 = tpu.memref_slice %arg4[%dma_wait3A_153] : memref<1600000xi32, #tpu.memory_space<hbm>> -> memref<1000xi32, #tpu.memory_space<hbm>>
    tpu.wait_dma2 semaphore(%arg18 : memref<!tpu.dma_semaphore, #tpu.memory_space<semaphore_mem>>) src(%dma_wait3A_154 : memref<1000xi32, #tpu.memory_space<hbm>>) dst(%dma_wait3A_152 : memref<1000xi32, #tpu.memory_space<vmem>>)
    %dma_start3A_155 = arith.constant 2 : i32
    %dma_start3A_156 = arith.constant 2 : i32
    %dma_start3A_157 = arith.constant 0 : i32
    %dma_start3A_158 = tpu.memref_slice %arg9[%dma_start3A_156, %dma_start3A_157] : memref<4x1000xf32, #tpu.memory_space<vmem>> -> memref<1x1000xf32, #tpu.memory_space<vmem>>
    %dma_start3A_159 = tpu.memref_squeeze %dma_start3A_158 : memref<1x1000xf32, #tpu.memory_space<vmem>> -> memref<1000xf32, #tpu.memory_space<vmem>>
    %dma_start3A_160 = arith.constant 0 : i32
    %dma_start3A_161 = tpu.memref_slice %arg7[%dma_start3A_155, %dma_start3A_160] : memref<4x1000xi32, #tpu.memory_space<vmem>> -> memref<1x1000xi32, #tpu.memory_space<vmem>>
    %dma_start3A_162 = tpu.memref_squeeze %dma_start3A_161 : memref<1x1000xi32, #tpu.memory_space<vmem>> -> memref<1000xi32, #tpu.memory_space<vmem>>
    %dma_start3A_163 = arith.constant 0 : i32
    %dma_start3A_164 = tpu.memref_slice %arg10[%dma_start3A_163] : memref<100352xf32, #tpu.memory_space<vmem_shared>> -> memref<100352xf32, #tpu.memory_space<vmem_shared>>
    tpu.enqueue_indirect_dma source(%dma_start3A_164 : memref<100352xf32, #tpu.memory_space<vmem_shared>>) target(%dma_start3A_159 : memref<1000xf32, #tpu.memory_space<vmem>>) offsets(%dma_start3A_162 : memref<1000xi32, #tpu.memory_space<vmem>>) semaphore(%arg14 : memref<!tpu.dma_semaphore, #tpu.memory_space<semaphore_mem>>)
    %add3A_165 = arith.constant 3000 : i32
    %add3A_166 = arith.addi %mul3A_10, %add3A_165 : i32
    %dma_start3A_167 = arith.constant 3 : i32
    %dma_start3A_168 = arith.constant 0 : i32
    %dma_start3A_169 = tpu.memref_slice %arg7[%dma_start3A_167, %dma_start3A_168] : memref<4x1000xi32, #tpu.memory_space<vmem>> -> memref<1x1000xi32, #tpu.memory_space<vmem>>
    %dma_start3A_170 = tpu.memref_squeeze %dma_start3A_169 : memref<1x1000xi32, #tpu.memory_space<vmem>> -> memref<1000xi32, #tpu.memory_space<vmem>>
    %dma_start3A_171 = tpu.memref_slice %arg3[%add3A_166] : memref<1600000xi32, #tpu.memory_space<hbm>> -> memref<1000xi32, #tpu.memory_space<hbm>>
    %dma_start3A_172 = arith.constant 0 : i32
    %dma_start3A_173 = tpu.memref_slice %arg7[%dma_start3A_167, %dma_start3A_172] : memref<4x1000xi32, #tpu.memory_space<vmem>> -> memref<1x1000xi32, #tpu.memory_space<vmem>>
    %dma_start3A_174 = tpu.memref_squeeze %dma_start3A_173 : memref<1x1000xi32, #tpu.memory_space<vmem>> -> memref<1000xi32, #tpu.memory_space<vmem>>
    %dma_start3A_175 = tpu.memref_slice %arg3[%add3A_166] : memref<1600000xi32, #tpu.memory_space<hbm>> -> memref<1000xi32, #tpu.memory_space<hbm>>
    tpu.enqueue_dma source(%dma_start3A_175 : memref<1000xi32, #tpu.memory_space<hbm>>) target(%dma_start3A_174 : memref<1000xi32, #tpu.memory_space<vmem>>) target_semaphore(%arg19 : memref<!tpu.dma_semaphore, #tpu.memory_space<semaphore_mem>>)
    %dma_start3A_176 = arith.constant 3 : i32
    %dma_start3A_177 = arith.constant 0 : i32
    %dma_start3A_178 = tpu.memref_slice %arg8[%dma_start3A_176, %dma_start3A_177] : memref<4x1000xi32, #tpu.memory_space<vmem>> -> memref<1x1000xi32, #tpu.memory_space<vmem>>
    %dma_start3A_179 = tpu.memref_squeeze %dma_start3A_178 : memref<1x1000xi32, #tpu.memory_space<vmem>> -> memref<1000xi32, #tpu.memory_space<vmem>>
    %dma_start3A_180 = tpu.memref_slice %arg4[%add3A_166] : memref<1600000xi32, #tpu.memory_space<hbm>> -> memref<1000xi32, #tpu.memory_space<hbm>>
    %dma_start3A_181 = arith.constant 0 : i32
    %dma_start3A_182 = tpu.memref_slice %arg8[%dma_start3A_176, %dma_start3A_181] : memref<4x1000xi32, #tpu.memory_space<vmem>> -> memref<1x1000xi32, #tpu.memory_space<vmem>>
    %dma_start3A_183 = tpu.memref_squeeze %dma_start3A_182 : memref<1x1000xi32, #tpu.memory_space<vmem>> -> memref<1000xi32, #tpu.memory_space<vmem>>
    %dma_start3A_184 = tpu.memref_slice %arg4[%add3A_166] : memref<1600000xi32, #tpu.memory_space<hbm>> -> memref<1000xi32, #tpu.memory_space<hbm>>
    tpu.enqueue_dma source(%dma_start3A_184 : memref<1000xi32, #tpu.memory_space<hbm>>) target(%dma_start3A_183 : memref<1000xi32, #tpu.memory_space<vmem>>) target_semaphore(%arg19 : memref<!tpu.dma_semaphore, #tpu.memory_space<semaphore_mem>>)
    %scan3A = arith.constant 0 : i32
    %scan3A_185 = arith.constant 0 : i32
    %scan3A_186 = arith.constant 13 : i32
    %scan3A_187 = arith.addi %scan3A_185, %scan3A_186 : i32
    %scan3A_188 = arith.constant 1 : i32
    scf.for %scan3A_195 = %scan3A_185 to %scan3A_187 step %scan3A_188  : i32 {
      %mul3A_196 = arith.constant 4 : i32
      %mul3A_197 = arith.muli %mul3A_196, %scan3A_195 : i32
      %add3A_198 = arith.constant 0 : i32
      %add3A_199 = arith.addi %mul3A_197, %add3A_198 : i32
      %lt3A = arith.constant 50 : i32
      %lt3A_200 = arith.cmpi slt, %add3A_199, %lt3A : i32
      %convert_element_type3A = arith.extui %lt3A_200 : i1 to i32
      %cond3A = arith.constant 0 : i32
      %cond3A_201 = arith.cmpi ne, %convert_element_type3A, %cond3A : i32
      scf.if %cond3A_201 {
        %add3A_229 = arith.constant 4 : i32
        %add3A_230 = arith.addi %add3A_199, %add3A_229 : i32
        %sub3A = arith.constant 1 : i32
        %sub3A_231 = arith.subi %add3A_230, %sub3A : i32
        %lt3A_232 = arith.constant 50 : i32
        %lt3A_233 = arith.cmpi slt, %sub3A_231, %lt3A_232 : i32
        %convert_element_type3A_234 = arith.extui %lt3A_233 : i1 to i32
        %cond3A_235 = arith.constant 0 : i32
        %cond3A_236 = arith.cmpi ne, %convert_element_type3A_234, %cond3A_235 : i32
        scf.if %cond3A_236 {
          %dma_wait3A_256 = arith.constant 3 : i32
          %dma_wait3A_257 = arith.constant 0 : i32
          %dma_wait3A_258 = tpu.memref_slice %arg7[%dma_wait3A_256, %dma_wait3A_257] : memref<4x1000xi32, #tpu.memory_space<vmem>> -> memref<1x1000xi32, #tpu.memory_space<vmem>>
          %dma_wait3A_259 = tpu.memref_squeeze %dma_wait3A_258 : memref<1x1000xi32, #tpu.memory_space<vmem>> -> memref<1000xi32, #tpu.memory_space<vmem>>
          %dma_wait3A_260 = arith.constant 0 : i32
          %dma_wait3A_261 = tpu.memref_slice %arg3[%dma_wait3A_260] : memref<1600000xi32, #tpu.memory_space<hbm>> -> memref<1000xi32, #tpu.memory_space<hbm>>
          %dma_wait3A_262 = arith.constant 0 : i32
          %dma_wait3A_263 = tpu.memref_slice %arg7[%dma_wait3A_256, %dma_wait3A_262] : memref<4x1000xi32, #tpu.memory_space<vmem>> -> memref<1x1000xi32, #tpu.memory_space<vmem>>
          %dma_wait3A_264 = tpu.memref_squeeze %dma_wait3A_263 : memref<1x1000xi32, #tpu.memory_space<vmem>> -> memref<1000xi32, #tpu.memory_space<vmem>>
          %dma_wait3A_265 = arith.constant 0 : i32
          %dma_wait3A_266 = tpu.memref_slice %arg3[%dma_wait3A_265] : memref<1600000xi32, #tpu.memory_space<hbm>> -> memref<1000xi32, #tpu.memory_space<hbm>>
          tpu.wait_dma2 semaphore(%arg19 : memref<!tpu.dma_semaphore, #tpu.memory_space<semaphore_mem>>) src(%dma_wait3A_266 : memref<1000xi32, #tpu.memory_space<hbm>>) dst(%dma_wait3A_264 : memref<1000xi32, #tpu.memory_space<vmem>>)
          %dma_wait3A_267 = arith.constant 3 : i32
          %dma_wait3A_268 = arith.constant 0 : i32
          %dma_wait3A_269 = tpu.memref_slice %arg8[%dma_wait3A_267, %dma_wait3A_268] : memref<4x1000xi32, #tpu.memory_space<vmem>> -> memref<1x1000xi32, #tpu.memory_space<vmem>>
          %dma_wait3A_270 = tpu.memref_squeeze %dma_wait3A_269 : memref<1x1000xi32, #tpu.memory_space<vmem>> -> memref<1000xi32, #tpu.memory_space<vmem>>
          %dma_wait3A_271 = arith.constant 0 : i32
          %dma_wait3A_272 = tpu.memref_slice %arg4[%dma_wait3A_271] : memref<1600000xi32, #tpu.memory_space<hbm>> -> memref<1000xi32, #tpu.memory_space<hbm>>
          %dma_wait3A_273 = arith.constant 0 : i32
          %dma_wait3A_274 = tpu.memref_slice %arg8[%dma_wait3A_267, %dma_wait3A_273] : memref<4x1000xi32, #tpu.memory_space<vmem>> -> memref<1x1000xi32, #tpu.memory_space<vmem>>
          %dma_wait3A_275 = tpu.memref_squeeze %dma_wait3A_274 : memref<1x1000xi32, #tpu.memory_space<vmem>> -> memref<1000xi32, #tpu.memory_space<vmem>>
          %dma_wait3A_276 = arith.constant 0 : i32
          %dma_wait3A_277 = tpu.memref_slice %arg4[%dma_wait3A_276] : memref<1600000xi32, #tpu.memory_space<hbm>> -> memref<1000xi32, #tpu.memory_space<hbm>>
          tpu.wait_dma2 semaphore(%arg19 : memref<!tpu.dma_semaphore, #tpu.memory_space<semaphore_mem>>) src(%dma_wait3A_277 : memref<1000xi32, #tpu.memory_space<hbm>>) dst(%dma_wait3A_275 : memref<1000xi32, #tpu.memory_space<vmem>>)
          %dma_start3A_278 = arith.constant 3 : i32
          %dma_start3A_279 = arith.constant 3 : i32
          %dma_start3A_280 = arith.constant 0 : i32
          %dma_start3A_281 = tpu.memref_slice %arg9[%dma_start3A_279, %dma_start3A_280] : memref<4x1000xf32, #tpu.memory_space<vmem>> -> memref<1x1000xf32, #tpu.memory_space<vmem>>
          %dma_start3A_282 = tpu.memref_squeeze %dma_start3A_281 : memref<1x1000xf32, #tpu.memory_space<vmem>> -> memref<1000xf32, #tpu.memory_space<vmem>>
          %dma_start3A_283 = arith.constant 0 : i32
          %dma_start3A_284 = tpu.memref_slice %arg7[%dma_start3A_278, %dma_start3A_283] : memref<4x1000xi32, #tpu.memory_space<vmem>> -> memref<1x1000xi32, #tpu.memory_space<vmem>>
          %dma_start3A_285 = tpu.memref_squeeze %dma_start3A_284 : memref<1x1000xi32, #tpu.memory_space<vmem>> -> memref<1000xi32, #tpu.memory_space<vmem>>
          %dma_start3A_286 = arith.constant 0 : i32
          %dma_start3A_287 = tpu.memref_slice %arg10[%dma_start3A_286] : memref<100352xf32, #tpu.memory_space<vmem_shared>> -> memref<100352xf32, #tpu.memory_space<vmem_shared>>
          tpu.enqueue_indirect_dma source(%dma_start3A_287 : memref<100352xf32, #tpu.memory_space<vmem_shared>>) target(%dma_start3A_282 : memref<1000xf32, #tpu.memory_space<vmem>>) offsets(%dma_start3A_285 : memref<1000xi32, #tpu.memory_space<vmem>>) semaphore(%arg15 : memref<!tpu.dma_semaphore, #tpu.memory_space<semaphore_mem>>)
        } else {
        }
        %dma_wait3A_237 = arith.constant 0 : i32
        %dma_wait3A_238 = arith.constant 0 : i32
        %dma_wait3A_239 = tpu.memref_slice %arg9[%dma_wait3A_237, %dma_wait3A_238] : memref<4x1000xf32, #tpu.memory_space<vmem>> -> memref<1x1000xf32, #tpu.memory_space<vmem>>
        %dma_wait3A_240 = tpu.memref_squeeze %dma_wait3A_239 : memref<1x1000xf32, #tpu.memory_space<vmem>> -> memref<1000xf32, #tpu.memory_space<vmem>>
        %dma_wait3A_241 = arith.constant 0 : i32
        %dma_wait3A_242 = tpu.memref_slice %arg2[%dma_wait3A_241] : memref<100352xf32, #tpu.memory_space<hbm>> -> memref<1000xf32, #tpu.memory_space<hbm>>
        %dma_wait3A_243 = arith.constant 0 : i32
        %dma_wait3A_244 = tpu.memref_slice %arg9[%dma_wait3A_237, %dma_wait3A_243] : memref<4x1000xf32, #tpu.memory_space<vmem>> -> memref<1x1000xf32, #tpu.memory_space<vmem>>
        %dma_wait3A_245 = tpu.memref_squeeze %dma_wait3A_244 : memref<1x1000xf32, #tpu.memory_space<vmem>> -> memref<1000xf32, #tpu.memory_space<vmem>>
        %dma_wait3A_246 = arith.constant 0 : i32
        %dma_wait3A_247 = tpu.memref_slice %arg2[%dma_wait3A_246] : memref<100352xf32, #tpu.memory_space<hbm>> -> memref<1000xf32, #tpu.memory_space<hbm>>
        tpu.wait_dma2 semaphore(%arg12 : memref<!tpu.dma_semaphore, #tpu.memory_space<semaphore_mem>>) src(%dma_wait3A_247 : memref<1000xf32, #tpu.memory_space<hbm>>) dst(%dma_wait3A_245 : memref<1000xf32, #tpu.memory_space<vmem>>)
        %run_scoped3A = arith.constant 0 : i32
        %run_scoped3A_248 = arith.constant 0 : i32
        "tpu.region"() ({
          %run_scoped3A_256 = tpu.sem_alloc : memref<!tpu.dma_semaphore, #tpu.memory_space<semaphore_mem>>
          %dma_start3A_257 = arith.constant 0 : i32
          %dma_start3A_258 = tpu.memref_slice %arg9[%run_scoped3A, %dma_start3A_257] : memref<4x1000xf32, #tpu.memory_space<vmem>> -> memref<1x1000xf32, #tpu.memory_space<vmem>>
          %dma_start3A_259 = tpu.memref_squeeze %dma_start3A_258 : memref<1x1000xf32, #tpu.memory_space<vmem>> -> memref<1000xf32, #tpu.memory_space<vmem>>
          %dma_start3A_260 = arith.constant 0 : i32
          %dma_start3A_261 = tpu.memref_slice %arg8[%run_scoped3A_248, %dma_start3A_260] : memref<4x1000xi32, #tpu.memory_space<vmem>> -> memref<1x1000xi32, #tpu.memory_space<vmem>>
          %dma_start3A_262 = tpu.memref_squeeze %dma_start3A_261 : memref<1x1000xi32, #tpu.memory_space<vmem>> -> memref<1000xi32, #tpu.memory_space<vmem>>
          %dma_start3A_263 = arith.constant 0 : i32
          %dma_start3A_264 = tpu.memref_slice %arg11[%dma_start3A_263] : memref<100352xf32, #tpu.memory_space<vmem_shared>> -> memref<100352xf32, #tpu.memory_space<vmem_shared>>
          tpu.enqueue_indirect_dma source(%dma_start3A_259 : memref<1000xf32, #tpu.memory_space<vmem>>) target(%dma_start3A_264 : memref<100352xf32, #tpu.memory_space<vmem_shared>>) offsets(%dma_start3A_262 : memref<1000xi32, #tpu.memory_space<vmem>>) semaphore(%run_scoped3A_256 : memref<!tpu.dma_semaphore, #tpu.memory_space<semaphore_mem>>) {add = true}
          %dma_wait3A_265 = arith.constant 0 : i32
          %dma_wait3A_266 = tpu.memref_slice %arg9[%run_scoped3A, %dma_wait3A_265] : memref<4x1000xf32, #tpu.memory_space<vmem>> -> memref<1x1000xf32, #tpu.memory_space<vmem>>
          %dma_wait3A_267 = tpu.memref_squeeze %dma_wait3A_266 : memref<1x1000xf32, #tpu.memory_space<vmem>> -> memref<1000xf32, #tpu.memory_space<vmem>>
          %dma_wait3A_268 = arith.constant 0 : i32
          %dma_wait3A_269 = tpu.memref_slice %arg8[%run_scoped3A_248, %dma_wait3A_268] : memref<4x1000xi32, #tpu.memory_space<vmem>> -> memref<1x1000xi32, #tpu.memory_space<vmem>>
          %dma_wait3A_270 = tpu.memref_squeeze %dma_wait3A_269 : memref<1x1000xi32, #tpu.memory_space<vmem>> -> memref<1000xi32, #tpu.memory_space<vmem>>
          %dma_wait3A_271 = arith.constant 0 : i32
          %dma_wait3A_272 = tpu.memref_slice %arg11[%dma_wait3A_271] : memref<100352xf32, #tpu.memory_space<vmem_shared>> -> memref<100352xf32, #tpu.memory_space<vmem_shared>>
          tpu.wait_indirect_dma semaphore(%run_scoped3A_256 : memref<!tpu.dma_semaphore, #tpu.memory_space<semaphore_mem>>) src(%dma_wait3A_267 : memref<1000xf32, #tpu.memory_space<vmem>>) dst(%dma_wait3A_272 : memref<100352xf32, #tpu.memory_space<vmem_shared>>)
          tpu.yield
        }) : () -> ()
        %add3A_249 = arith.constant 4 : i32
        %add3A_250 = arith.addi %add3A_199, %add3A_249 : i32
        %lt3A_251 = arith.constant 50 : i32
        %lt3A_252 = arith.cmpi slt, %add3A_250, %lt3A_251 : i32
        %convert_element_type3A_253 = arith.extui %lt3A_252 : i1 to i32
        %cond3A_254 = arith.constant 0 : i32
        %cond3A_255 = arith.cmpi ne, %convert_element_type3A_253, %cond3A_254 : i32
        scf.if %cond3A_255 {
          %add3A_256 = arith.constant 4 : i32
          %add3A_257 = arith.addi %add3A_199, %add3A_256 : i32
          %mul3A_258 = arith.constant 1000 : i32
          %mul3A_259 = arith.muli %add3A_257, %mul3A_258 : i32
          %add3A_260 = arith.addi %mul3A_10, %mul3A_259 : i32
          %dma_start3A_261 = arith.constant 0 : i32
          %dma_start3A_262 = arith.constant 0 : i32
          %dma_start3A_263 = tpu.memref_slice %arg7[%dma_start3A_261, %dma_start3A_262] : memref<4x1000xi32, #tpu.memory_space<vmem>> -> memref<1x1000xi32, #tpu.memory_space<vmem>>
          %dma_start3A_264 = tpu.memref_squeeze %dma_start3A_263 : memref<1x1000xi32, #tpu.memory_space<vmem>> -> memref<1000xi32, #tpu.memory_space<vmem>>
          %dma_start3A_265 = tpu.memref_slice %arg3[%add3A_260] : memref<1600000xi32, #tpu.memory_space<hbm>> -> memref<1000xi32, #tpu.memory_space<hbm>>
          %dma_start3A_266 = arith.constant 0 : i32
          %dma_start3A_267 = tpu.memref_slice %arg7[%dma_start3A_261, %dma_start3A_266] : memref<4x1000xi32, #tpu.memory_space<vmem>> -> memref<1x1000xi32, #tpu.memory_space<vmem>>
          %dma_start3A_268 = tpu.memref_squeeze %dma_start3A_267 : memref<1x1000xi32, #tpu.memory_space<vmem>> -> memref<1000xi32, #tpu.memory_space<vmem>>
          %dma_start3A_269 = tpu.memref_slice %arg3[%add3A_260] : memref<1600000xi32, #tpu.memory_space<hbm>> -> memref<1000xi32, #tpu.memory_space<hbm>>
          tpu.enqueue_dma source(%dma_start3A_269 : memref<1000xi32, #tpu.memory_space<hbm>>) target(%dma_start3A_268 : memref<1000xi32, #tpu.memory_space<vmem>>) target_semaphore(%arg16 : memref<!tpu.dma_semaphore, #tpu.memory_space<semaphore_mem>>)
          %dma_start3A_270 = arith.constant 0 : i32
          %dma_start3A_271 = arith.constant 0 : i32
          %dma_start3A_272 = tpu.memref_slice %arg8[%dma_start3A_270, %dma_start3A_271] : memref<4x1000xi32, #tpu.memory_space<vmem>> -> memref<1x1000xi32, #tpu.memory_space<vmem>>
          %dma_start3A_273 = tpu.memref_squeeze %dma_start3A_272 : memref<1x1000xi32, #tpu.memory_space<vmem>> -> memref<1000xi32, #tpu.memory_space<vmem>>
          %dma_start3A_274 = tpu.memref_slice %arg4[%add3A_260] : memref<1600000xi32, #tpu.memory_space<hbm>> -> memref<1000xi32, #tpu.memory_space<hbm>>
          %dma_start3A_275 = arith.constant 0 : i32
          %dma_start3A_276 = tpu.memref_slice %arg8[%dma_start3A_270, %dma_start3A_275] : memref<4x1000xi32, #tpu.memory_space<vmem>> -> memref<1x1000xi32, #tpu.memory_space<vmem>>
          %dma_start3A_277 = tpu.memref_squeeze %dma_start3A_276 : memref<1x1000xi32, #tpu.memory_space<vmem>> -> memref<1000xi32, #tpu.memory_space<vmem>>
          %dma_start3A_278 = tpu.memref_slice %arg4[%add3A_260] : memref<1600000xi32, #tpu.memory_space<hbm>> -> memref<1000xi32, #tpu.memory_space<hbm>>
          tpu.enqueue_dma source(%dma_start3A_278 : memref<1000xi32, #tpu.memory_space<hbm>>) target(%dma_start3A_277 : memref<1000xi32, #tpu.memory_space<vmem>>) target_semaphore(%arg16 : memref<!tpu.dma_semaphore, #tpu.memory_space<semaphore_mem>>)
        } else {
        }
      } else {
      }
      %mul3A_202 = arith.constant 4 : i32
      %mul3A_203 = arith.muli %mul3A_202, %scan3A_195 : i32
      %add3A_204 = arith.constant 1 : i32
      %add3A_205 = arith.addi %mul3A_203, %add3A_204 : i32
      %lt3A_206 = arith.constant 50 : i32
      %lt3A_207 = arith.cmpi slt, %add3A_205, %lt3A_206 : i32
      %convert_element_type3A_208 = arith.extui %lt3A_207 : i1 to i32
      %cond3A_209 = arith.constant 0 : i32
      %cond3A_210 = arith.cmpi ne, %convert_element_type3A_208, %cond3A_209 : i32
      scf.if %cond3A_210 {
        %add3A_229 = arith.constant 4 : i32
        %add3A_230 = arith.addi %add3A_205, %add3A_229 : i32
        %sub3A = arith.constant 1 : i32
        %sub3A_231 = arith.subi %add3A_230, %sub3A : i32
        %lt3A_232 = arith.constant 50 : i32
        %lt3A_233 = arith.cmpi slt, %sub3A_231, %lt3A_232 : i32
        %convert_element_type3A_234 = arith.extui %lt3A_233 : i1 to i32
        %cond3A_235 = arith.constant 0 : i32
        %cond3A_236 = arith.cmpi ne, %convert_element_type3A_234, %cond3A_235 : i32
        scf.if %cond3A_236 {
          %dma_wait3A_256 = arith.constant 0 : i32
          %dma_wait3A_257 = arith.constant 0 : i32
          %dma_wait3A_258 = tpu.memref_slice %arg7[%dma_wait3A_256, %dma_wait3A_257] : memref<4x1000xi32, #tpu.memory_space<vmem>> -> memref<1x1000xi32, #tpu.memory_space<vmem>>
          %dma_wait3A_259 = tpu.memref_squeeze %dma_wait3A_258 : memref<1x1000xi32, #tpu.memory_space<vmem>> -> memref<1000xi32, #tpu.memory_space<vmem>>
          %dma_wait3A_260 = arith.constant 0 : i32
          %dma_wait3A_261 = tpu.memref_slice %arg3[%dma_wait3A_260] : memref<1600000xi32, #tpu.memory_space<hbm>> -> memref<1000xi32, #tpu.memory_space<hbm>>
          %dma_wait3A_262 = arith.constant 0 : i32
          %dma_wait3A_263 = tpu.memref_slice %arg7[%dma_wait3A_256, %dma_wait3A_262] : memref<4x1000xi32, #tpu.memory_space<vmem>> -> memref<1x1000xi32, #tpu.memory_space<vmem>>
          %dma_wait3A_264 = tpu.memref_squeeze %dma_wait3A_263 : memref<1x1000xi32, #tpu.memory_space<vmem>> -> memref<1000xi32, #tpu.memory_space<vmem>>
          %dma_wait3A_265 = arith.constant 0 : i32
          %dma_wait3A_266 = tpu.memref_slice %arg3[%dma_wait3A_265] : memref<1600000xi32, #tpu.memory_space<hbm>> -> memref<1000xi32, #tpu.memory_space<hbm>>
          tpu.wait_dma2 semaphore(%arg16 : memref<!tpu.dma_semaphore, #tpu.memory_space<semaphore_mem>>) src(%dma_wait3A_266 : memref<1000xi32, #tpu.memory_space<hbm>>) dst(%dma_wait3A_264 : memref<1000xi32, #tpu.memory_space<vmem>>)
          %dma_wait3A_267 = arith.constant 0 : i32
          %dma_wait3A_268 = arith.constant 0 : i32
          %dma_wait3A_269 = tpu.memref_slice %arg8[%dma_wait3A_267, %dma_wait3A_268] : memref<4x1000xi32, #tpu.memory_space<vmem>> -> memref<1x1000xi32, #tpu.memory_space<vmem>>
          %dma_wait3A_270 = tpu.memref_squeeze %dma_wait3A_269 : memref<1x1000xi32, #tpu.memory_space<vmem>> -> memref<1000xi32, #tpu.memory_space<vmem>>
          %dma_wait3A_271 = arith.constant 0 : i32
          %dma_wait3A_272 = tpu.memref_slice %arg4[%dma_wait3A_271] : memref<1600000xi32, #tpu.memory_space<hbm>> -> memref<1000xi32, #tpu.memory_space<hbm>>
          %dma_wait3A_273 = arith.constant 0 : i32
          %dma_wait3A_274 = tpu.memref_slice %arg8[%dma_wait3A_267, %dma_wait3A_273] : memref<4x1000xi32, #tpu.memory_space<vmem>> -> memref<1x1000xi32, #tpu.memory_space<vmem>>
          %dma_wait3A_275 = tpu.memref_squeeze %dma_wait3A_274 : memref<1x1000xi32, #tpu.memory_space<vmem>> -> memref<1000xi32, #tpu.memory_space<vmem>>
          %dma_wait3A_276 = arith.constant 0 : i32
          %dma_wait3A_277 = tpu.memref_slice %arg4[%dma_wait3A_276] : memref<1600000xi32, #tpu.memory_space<hbm>> -> memref<1000xi32, #tpu.memory_space<hbm>>
          tpu.wait_dma2 semaphore(%arg16 : memref<!tpu.dma_semaphore, #tpu.memory_space<semaphore_mem>>) src(%dma_wait3A_277 : memref<1000xi32, #tpu.memory_space<hbm>>) dst(%dma_wait3A_275 : memref<1000xi32, #tpu.memory_space<vmem>>)
          %dma_start3A_278 = arith.constant 0 : i32
          %dma_start3A_279 = arith.constant 0 : i32
          %dma_start3A_280 = arith.constant 0 : i32
          %dma_start3A_281 = tpu.memref_slice %arg9[%dma_start3A_279, %dma_start3A_280] : memref<4x1000xf32, #tpu.memory_space<vmem>> -> memref<1x1000xf32, #tpu.memory_space<vmem>>
          %dma_start3A_282 = tpu.memref_squeeze %dma_start3A_281 : memref<1x1000xf32, #tpu.memory_space<vmem>> -> memref<1000xf32, #tpu.memory_space<vmem>>
          %dma_start3A_283 = arith.constant 0 : i32
          %dma_start3A_284 = tpu.memref_slice %arg7[%dma_start3A_278, %dma_start3A_283] : memref<4x1000xi32, #tpu.memory_space<vmem>> -> memref<1x1000xi32, #tpu.memory_space<vmem>>
          %dma_start3A_285 = tpu.memref_squeeze %dma_start3A_284 : memref<1x1000xi32, #tpu.memory_space<vmem>> -> memref<1000xi32, #tpu.memory_space<vmem>>
          %dma_start3A_286 = arith.constant 0 : i32
          %dma_start3A_287 = tpu.memref_slice %arg10[%dma_start3A_286] : memref<100352xf32, #tpu.memory_space<vmem_shared>> -> memref<100352xf32, #tpu.memory_space<vmem_shared>>
          tpu.enqueue_indirect_dma source(%dma_start3A_287 : memref<100352xf32, #tpu.memory_space<vmem_shared>>) target(%dma_start3A_282 : memref<1000xf32, #tpu.memory_space<vmem>>) offsets(%dma_start3A_285 : memref<1000xi32, #tpu.memory_space<vmem>>) semaphore(%arg12 : memref<!tpu.dma_semaphore, #tpu.memory_space<semaphore_mem>>)
        } else {
        }
        %dma_wait3A_237 = arith.constant 1 : i32
        %dma_wait3A_238 = arith.constant 0 : i32
        %dma_wait3A_239 = tpu.memref_slice %arg9[%dma_wait3A_237, %dma_wait3A_238] : memref<4x1000xf32, #tpu.memory_space<vmem>> -> memref<1x1000xf32, #tpu.memory_space<vmem>>
        %dma_wait3A_240 = tpu.memref_squeeze %dma_wait3A_239 : memref<1x1000xf32, #tpu.memory_space<vmem>> -> memref<1000xf32, #tpu.memory_space<vmem>>
        %dma_wait3A_241 = arith.constant 0 : i32
        %dma_wait3A_242 = tpu.memref_slice %arg2[%dma_wait3A_241] : memref<100352xf32, #tpu.memory_space<hbm>> -> memref<1000xf32, #tpu.memory_space<hbm>>
        %dma_wait3A_243 = arith.constant 0 : i32
        %dma_wait3A_244 = tpu.memref_slice %arg9[%dma_wait3A_237, %dma_wait3A_243] : memref<4x1000xf32, #tpu.memory_space<vmem>> -> memref<1x1000xf32, #tpu.memory_space<vmem>>
        %dma_wait3A_245 = tpu.memref_squeeze %dma_wait3A_244 : memref<1x1000xf32, #tpu.memory_space<vmem>> -> memref<1000xf32, #tpu.memory_space<vmem>>
        %dma_wait3A_246 = arith.constant 0 : i32
        %dma_wait3A_247 = tpu.memref_slice %arg2[%dma_wait3A_246] : memref<100352xf32, #tpu.memory_space<hbm>> -> memref<1000xf32, #tpu.memory_space<hbm>>
        tpu.wait_dma2 semaphore(%arg13 : memref<!tpu.dma_semaphore, #tpu.memory_space<semaphore_mem>>) src(%dma_wait3A_247 : memref<1000xf32, #tpu.memory_space<hbm>>) dst(%dma_wait3A_245 : memref<1000xf32, #tpu.memory_space<vmem>>)
        %run_scoped3A = arith.constant 1 : i32
        %run_scoped3A_248 = arith.constant 1 : i32
        "tpu.region"() ({
          %run_scoped3A_256 = tpu.sem_alloc : memref<!tpu.dma_semaphore, #tpu.memory_space<semaphore_mem>>
          %dma_start3A_257 = arith.constant 0 : i32
          %dma_start3A_258 = tpu.memref_slice %arg9[%run_scoped3A, %dma_start3A_257] : memref<4x1000xf32, #tpu.memory_space<vmem>> -> memref<1x1000xf32, #tpu.memory_space<vmem>>
          %dma_start3A_259 = tpu.memref_squeeze %dma_start3A_258 : memref<1x1000xf32, #tpu.memory_space<vmem>> -> memref<1000xf32, #tpu.memory_space<vmem>>
          %dma_start3A_260 = arith.constant 0 : i32
          %dma_start3A_261 = tpu.memref_slice %arg8[%run_scoped3A_248, %dma_start3A_260] : memref<4x1000xi32, #tpu.memory_space<vmem>> -> memref<1x1000xi32, #tpu.memory_space<vmem>>
          %dma_start3A_262 = tpu.memref_squeeze %dma_start3A_261 : memref<1x1000xi32, #tpu.memory_space<vmem>> -> memref<1000xi32, #tpu.memory_space<vmem>>
          %dma_start3A_263 = arith.constant 0 : i32
          %dma_start3A_264 = tpu.memref_slice %arg11[%dma_start3A_263] : memref<100352xf32, #tpu.memory_space<vmem_shared>> -> memref<100352xf32, #tpu.memory_space<vmem_shared>>
          tpu.enqueue_indirect_dma source(%dma_start3A_259 : memref<1000xf32, #tpu.memory_space<vmem>>) target(%dma_start3A_264 : memref<100352xf32, #tpu.memory_space<vmem_shared>>) offsets(%dma_start3A_262 : memref<1000xi32, #tpu.memory_space<vmem>>) semaphore(%run_scoped3A_256 : memref<!tpu.dma_semaphore, #tpu.memory_space<semaphore_mem>>) {add = true}
          %dma_wait3A_265 = arith.constant 0 : i32
          %dma_wait3A_266 = tpu.memref_slice %arg9[%run_scoped3A, %dma_wait3A_265] : memref<4x1000xf32, #tpu.memory_space<vmem>> -> memref<1x1000xf32, #tpu.memory_space<vmem>>
          %dma_wait3A_267 = tpu.memref_squeeze %dma_wait3A_266 : memref<1x1000xf32, #tpu.memory_space<vmem>> -> memref<1000xf32, #tpu.memory_space<vmem>>
          %dma_wait3A_268 = arith.constant 0 : i32
          %dma_wait3A_269 = tpu.memref_slice %arg8[%run_scoped3A_248, %dma_wait3A_268] : memref<4x1000xi32, #tpu.memory_space<vmem>> -> memref<1x1000xi32, #tpu.memory_space<vmem>>
          %dma_wait3A_270 = tpu.memref_squeeze %dma_wait3A_269 : memref<1x1000xi32, #tpu.memory_space<vmem>> -> memref<1000xi32, #tpu.memory_space<vmem>>
          %dma_wait3A_271 = arith.constant 0 : i32
          %dma_wait3A_272 = tpu.memref_slice %arg11[%dma_wait3A_271] : memref<100352xf32, #tpu.memory_space<vmem_shared>> -> memref<100352xf32, #tpu.memory_space<vmem_shared>>
          tpu.wait_indirect_dma semaphore(%run_scoped3A_256 : memref<!tpu.dma_semaphore, #tpu.memory_space<semaphore_mem>>) src(%dma_wait3A_267 : memref<1000xf32, #tpu.memory_space<vmem>>) dst(%dma_wait3A_272 : memref<100352xf32, #tpu.memory_space<vmem_shared>>)
          tpu.yield
        }) : () -> ()
        %add3A_249 = arith.constant 4 : i32
        %add3A_250 = arith.addi %add3A_205, %add3A_249 : i32
        %lt3A_251 = arith.constant 50 : i32
        %lt3A_252 = arith.cmpi slt, %add3A_250, %lt3A_251 : i32
        %convert_element_type3A_253 = arith.extui %lt3A_252 : i1 to i32
        %cond3A_254 = arith.constant 0 : i32
        %cond3A_255 = arith.cmpi ne, %convert_element_type3A_253, %cond3A_254 : i32
        scf.if %cond3A_255 {
          %add3A_256 = arith.constant 4 : i32
          %add3A_257 = arith.addi %add3A_205, %add3A_256 : i32
          %mul3A_258 = arith.constant 1000 : i32
          %mul3A_259 = arith.muli %add3A_257, %mul3A_258 : i32
          %add3A_260 = arith.addi %mul3A_10, %mul3A_259 : i32
          %dma_start3A_261 = arith.constant 1 : i32
          %dma_start3A_262 = arith.constant 0 : i32
          %dma_start3A_263 = tpu.memref_slice %arg7[%dma_start3A_261, %dma_start3A_262] : memref<4x1000xi32, #tpu.memory_space<vmem>> -> memref<1x1000xi32, #tpu.memory_space<vmem>>
          %dma_start3A_264 = tpu.memref_squeeze %dma_start3A_263 : memref<1x1000xi32, #tpu.memory_space<vmem>> -> memref<1000xi32, #tpu.memory_space<vmem>>
          %dma_start3A_265 = tpu.memref_slice %arg3[%add3A_260] : memref<1600000xi32, #tpu.memory_space<hbm>> -> memref<1000xi32, #tpu.memory_space<hbm>>
          %dma_start3A_266 = arith.constant 0 : i32
          %dma_start3A_267 = tpu.memref_slice %arg7[%dma_start3A_261, %dma_start3A_266] : memref<4x1000xi32, #tpu.memory_space<vmem>> -> memref<1x1000xi32, #tpu.memory_space<vmem>>
          %dma_start3A_268 = tpu.memref_squeeze %dma_start3A_267 : memref<1x1000xi32, #tpu.memory_space<vmem>> -> memref<1000xi32, #tpu.memory_space<vmem>>
          %dma_start3A_269 = tpu.memref_slice %arg3[%add3A_260] : memref<1600000xi32, #tpu.memory_space<hbm>> -> memref<1000xi32, #tpu.memory_space<hbm>>
          tpu.enqueue_dma source(%dma_start3A_269 : memref<1000xi32, #tpu.memory_space<hbm>>) target(%dma_start3A_268 : memref<1000xi32, #tpu.memory_space<vmem>>) target_semaphore(%arg17 : memref<!tpu.dma_semaphore, #tpu.memory_space<semaphore_mem>>)
          %dma_start3A_270 = arith.constant 1 : i32
          %dma_start3A_271 = arith.constant 0 : i32
          %dma_start3A_272 = tpu.memref_slice %arg8[%dma_start3A_270, %dma_start3A_271] : memref<4x1000xi32, #tpu.memory_space<vmem>> -> memref<1x1000xi32, #tpu.memory_space<vmem>>
          %dma_start3A_273 = tpu.memref_squeeze %dma_start3A_272 : memref<1x1000xi32, #tpu.memory_space<vmem>> -> memref<1000xi32, #tpu.memory_space<vmem>>
          %dma_start3A_274 = tpu.memref_slice %arg4[%add3A_260] : memref<1600000xi32, #tpu.memory_space<hbm>> -> memref<1000xi32, #tpu.memory_space<hbm>>
          %dma_start3A_275 = arith.constant 0 : i32
          %dma_start3A_276 = tpu.memref_slice %arg8[%dma_start3A_270, %dma_start3A_275] : memref<4x1000xi32, #tpu.memory_space<vmem>> -> memref<1x1000xi32, #tpu.memory_space<vmem>>
          %dma_start3A_277 = tpu.memref_squeeze %dma_start3A_276 : memref<1x1000xi32, #tpu.memory_space<vmem>> -> memref<1000xi32, #tpu.memory_space<vmem>>
          %dma_start3A_278 = tpu.memref_slice %arg4[%add3A_260] : memref<1600000xi32, #tpu.memory_space<hbm>> -> memref<1000xi32, #tpu.memory_space<hbm>>
          tpu.enqueue_dma source(%dma_start3A_278 : memref<1000xi32, #tpu.memory_space<hbm>>) target(%dma_start3A_277 : memref<1000xi32, #tpu.memory_space<vmem>>) target_semaphore(%arg17 : memref<!tpu.dma_semaphore, #tpu.memory_space<semaphore_mem>>)
        } else {
        }
      } else {
      }
      %mul3A_211 = arith.constant 4 : i32
      %mul3A_212 = arith.muli %mul3A_211, %scan3A_195 : i32
      %add3A_213 = arith.constant 2 : i32
      %add3A_214 = arith.addi %mul3A_212, %add3A_213 : i32
      %lt3A_215 = arith.constant 50 : i32
      %lt3A_216 = arith.cmpi slt, %add3A_214, %lt3A_215 : i32
      %convert_element_type3A_217 = arith.extui %lt3A_216 : i1 to i32
      %cond3A_218 = arith.constant 0 : i32
      %cond3A_219 = arith.cmpi ne, %convert_element_type3A_217, %cond3A_218 : i32
      scf.if %cond3A_219 {
        %add3A_229 = arith.constant 4 : i32
        %add3A_230 = arith.addi %add3A_214, %add3A_229 : i32
        %sub3A = arith.constant 1 : i32
        %sub3A_231 = arith.subi %add3A_230, %sub3A : i32
        %lt3A_232 = arith.constant 50 : i32
        %lt3A_233 = arith.cmpi slt, %sub3A_231, %lt3A_232 : i32
        %convert_element_type3A_234 = arith.extui %lt3A_233 : i1 to i32
        %cond3A_235 = arith.constant 0 : i32
        %cond3A_236 = arith.cmpi ne, %convert_element_type3A_234, %cond3A_235 : i32
        scf.if %cond3A_236 {
          %dma_wait3A_256 = arith.constant 1 : i32
          %dma_wait3A_257 = arith.constant 0 : i32
          %dma_wait3A_258 = tpu.memref_slice %arg7[%dma_wait3A_256, %dma_wait3A_257] : memref<4x1000xi32, #tpu.memory_space<vmem>> -> memref<1x1000xi32, #tpu.memory_space<vmem>>
          %dma_wait3A_259 = tpu.memref_squeeze %dma_wait3A_258 : memref<1x1000xi32, #tpu.memory_space<vmem>> -> memref<1000xi32, #tpu.memory_space<vmem>>
          %dma_wait3A_260 = arith.constant 0 : i32
          %dma_wait3A_261 = tpu.memref_slice %arg3[%dma_wait3A_260] : memref<1600000xi32, #tpu.memory_space<hbm>> -> memref<1000xi32, #tpu.memory_space<hbm>>
          %dma_wait3A_262 = arith.constant 0 : i32
          %dma_wait3A_263 = tpu.memref_slice %arg7[%dma_wait3A_256, %dma_wait3A_262] : memref<4x1000xi32, #tpu.memory_space<vmem>> -> memref<1x1000xi32, #tpu.memory_space<vmem>>
          %dma_wait3A_264 = tpu.memref_squeeze %dma_wait3A_263 : memref<1x1000xi32, #tpu.memory_space<vmem>> -> memref<1000xi32, #tpu.memory_space<vmem>>
          %dma_wait3A_265 = arith.constant 0 : i32
          %dma_wait3A_266 = tpu.memref_slice %arg3[%dma_wait3A_265] : memref<1600000xi32, #tpu.memory_space<hbm>> -> memref<1000xi32, #tpu.memory_space<hbm>>
          tpu.wait_dma2 semaphore(%arg17 : memref<!tpu.dma_semaphore, #tpu.memory_space<semaphore_mem>>) src(%dma_wait3A_266 : memref<1000xi32, #tpu.memory_space<hbm>>) dst(%dma_wait3A_264 : memref<1000xi32, #tpu.memory_space<vmem>>)
          %dma_wait3A_267 = arith.constant 1 : i32
          %dma_wait3A_268 = arith.constant 0 : i32
          %dma_wait3A_269 = tpu.memref_slice %arg8[%dma_wait3A_267, %dma_wait3A_268] : memref<4x1000xi32, #tpu.memory_space<vmem>> -> memref<1x1000xi32, #tpu.memory_space<vmem>>
          %dma_wait3A_270 = tpu.memref_squeeze %dma_wait3A_269 : memref<1x1000xi32, #tpu.memory_space<vmem>> -> memref<1000xi32, #tpu.memory_space<vmem>>
          %dma_wait3A_271 = arith.constant 0 : i32
          %dma_wait3A_272 = tpu.memref_slice %arg4[%dma_wait3A_271] : memref<1600000xi32, #tpu.memory_space<hbm>> -> memref<1000xi32, #tpu.memory_space<hbm>>
          %dma_wait3A_273 = arith.constant 0 : i32
          %dma_wait3A_274 = tpu.memref_slice %arg8[%dma_wait3A_267, %dma_wait3A_273] : memref<4x1000xi32, #tpu.memory_space<vmem>> -> memref<1x1000xi32, #tpu.memory_space<vmem>>
          %dma_wait3A_275 = tpu.memref_squeeze %dma_wait3A_274 : memref<1x1000xi32, #tpu.memory_space<vmem>> -> memref<1000xi32, #tpu.memory_space<vmem>>
          %dma_wait3A_276 = arith.constant 0 : i32
          %dma_wait3A_277 = tpu.memref_slice %arg4[%dma_wait3A_276] : memref<1600000xi32, #tpu.memory_space<hbm>> -> memref<1000xi32, #tpu.memory_space<hbm>>
          tpu.wait_dma2 semaphore(%arg17 : memref<!tpu.dma_semaphore, #tpu.memory_space<semaphore_mem>>) src(%dma_wait3A_277 : memref<1000xi32, #tpu.memory_space<hbm>>) dst(%dma_wait3A_275 : memref<1000xi32, #tpu.memory_space<vmem>>)
          %dma_start3A_278 = arith.constant 1 : i32
          %dma_start3A_279 = arith.constant 1 : i32
          %dma_start3A_280 = arith.constant 0 : i32
          %dma_start3A_281 = tpu.memref_slice %arg9[%dma_start3A_279, %dma_start3A_280] : memref<4x1000xf32, #tpu.memory_space<vmem>> -> memref<1x1000xf32, #tpu.memory_space<vmem>>
          %dma_start3A_282 = tpu.memref_squeeze %dma_start3A_281 : memref<1x1000xf32, #tpu.memory_space<vmem>> -> memref<1000xf32, #tpu.memory_space<vmem>>
          %dma_start3A_283 = arith.constant 0 : i32
          %dma_start3A_284 = tpu.memref_slice %arg7[%dma_start3A_278, %dma_start3A_283] : memref<4x1000xi32, #tpu.memory_space<vmem>> -> memref<1x1000xi32, #tpu.memory_space<vmem>>
          %dma_start3A_285 = tpu.memref_squeeze %dma_start3A_284 : memref<1x1000xi32, #tpu.memory_space<vmem>> -> memref<1000xi32, #tpu.memory_space<vmem>>
          %dma_start3A_286 = arith.constant 0 : i32
          %dma_start3A_287 = tpu.memref_slice %arg10[%dma_start3A_286] : memref<100352xf32, #tpu.memory_space<vmem_shared>> -> memref<100352xf32, #tpu.memory_space<vmem_shared>>
          tpu.enqueue_indirect_dma source(%dma_start3A_287 : memref<100352xf32, #tpu.memory_space<vmem_shared>>) target(%dma_start3A_282 : memref<1000xf32, #tpu.memory_space<vmem>>) offsets(%dma_start3A_285 : memref<1000xi32, #tpu.memory_space<vmem>>) semaphore(%arg13 : memref<!tpu.dma_semaphore, #tpu.memory_space<semaphore_mem>>)
        } else {
        }
        %dma_wait3A_237 = arith.constant 2 : i32
        %dma_wait3A_238 = arith.constant 0 : i32
        %dma_wait3A_239 = tpu.memref_slice %arg9[%dma_wait3A_237, %dma_wait3A_238] : memref<4x1000xf32, #tpu.memory_space<vmem>> -> memref<1x1000xf32, #tpu.memory_space<vmem>>
        %dma_wait3A_240 = tpu.memref_squeeze %dma_wait3A_239 : memref<1x1000xf32, #tpu.memory_space<vmem>> -> memref<1000xf32, #tpu.memory_space<vmem>>
        %dma_wait3A_241 = arith.constant 0 : i32
        %dma_wait3A_242 = tpu.memref_slice %arg2[%dma_wait3A_241] : memref<100352xf32, #tpu.memory_space<hbm>> -> memref<1000xf32, #tpu.memory_space<hbm>>
        %dma_wait3A_243 = arith.constant 0 : i32
        %dma_wait3A_244 = tpu.memref_slice %arg9[%dma_wait3A_237, %dma_wait3A_243] : memref<4x1000xf32, #tpu.memory_space<vmem>> -> memref<1x1000xf32, #tpu.memory_space<vmem>>
        %dma_wait3A_245 = tpu.memref_squeeze %dma_wait3A_244 : memref<1x1000xf32, #tpu.memory_space<vmem>> -> memref<1000xf32, #tpu.memory_space<vmem>>
        %dma_wait3A_246 = arith.constant 0 : i32
        %dma_wait3A_247 = tpu.memref_slice %arg2[%dma_wait3A_246] : memref<100352xf32, #tpu.memory_space<hbm>> -> memref<1000xf32, #tpu.memory_space<hbm>>
        tpu.wait_dma2 semaphore(%arg14 : memref<!tpu.dma_semaphore, #tpu.memory_space<semaphore_mem>>) src(%dma_wait3A_247 : memref<1000xf32, #tpu.memory_space<hbm>>) dst(%dma_wait3A_245 : memref<1000xf32, #tpu.memory_space<vmem>>)
        %run_scoped3A = arith.constant 2 : i32
        %run_scoped3A_248 = arith.constant 2 : i32
        "tpu.region"() ({
          %run_scoped3A_256 = tpu.sem_alloc : memref<!tpu.dma_semaphore, #tpu.memory_space<semaphore_mem>>
          %dma_start3A_257 = arith.constant 0 : i32
          %dma_start3A_258 = tpu.memref_slice %arg9[%run_scoped3A, %dma_start3A_257] : memref<4x1000xf32, #tpu.memory_space<vmem>> -> memref<1x1000xf32, #tpu.memory_space<vmem>>
          %dma_start3A_259 = tpu.memref_squeeze %dma_start3A_258 : memref<1x1000xf32, #tpu.memory_space<vmem>> -> memref<1000xf32, #tpu.memory_space<vmem>>
          %dma_start3A_260 = arith.constant 0 : i32
          %dma_start3A_261 = tpu.memref_slice %arg8[%run_scoped3A_248, %dma_start3A_260] : memref<4x1000xi32, #tpu.memory_space<vmem>> -> memref<1x1000xi32, #tpu.memory_space<vmem>>
          %dma_start3A_262 = tpu.memref_squeeze %dma_start3A_261 : memref<1x1000xi32, #tpu.memory_space<vmem>> -> memref<1000xi32, #tpu.memory_space<vmem>>
          %dma_start3A_263 = arith.constant 0 : i32
          %dma_start3A_264 = tpu.memref_slice %arg11[%dma_start3A_263] : memref<100352xf32, #tpu.memory_space<vmem_shared>> -> memref<100352xf32, #tpu.memory_space<vmem_shared>>
          tpu.enqueue_indirect_dma source(%dma_start3A_259 : memref<1000xf32, #tpu.memory_space<vmem>>) target(%dma_start3A_264 : memref<100352xf32, #tpu.memory_space<vmem_shared>>) offsets(%dma_start3A_262 : memref<1000xi32, #tpu.memory_space<vmem>>) semaphore(%run_scoped3A_256 : memref<!tpu.dma_semaphore, #tpu.memory_space<semaphore_mem>>) {add = true}
          %dma_wait3A_265 = arith.constant 0 : i32
          %dma_wait3A_266 = tpu.memref_slice %arg9[%run_scoped3A, %dma_wait3A_265] : memref<4x1000xf32, #tpu.memory_space<vmem>> -> memref<1x1000xf32, #tpu.memory_space<vmem>>
          %dma_wait3A_267 = tpu.memref_squeeze %dma_wait3A_266 : memref<1x1000xf32, #tpu.memory_space<vmem>> -> memref<1000xf32, #tpu.memory_space<vmem>>
          %dma_wait3A_268 = arith.constant 0 : i32
          %dma_wait3A_269 = tpu.memref_slice %arg8[%run_scoped3A_248, %dma_wait3A_268] : memref<4x1000xi32, #tpu.memory_space<vmem>> -> memref<1x1000xi32, #tpu.memory_space<vmem>>
          %dma_wait3A_270 = tpu.memref_squeeze %dma_wait3A_269 : memref<1x1000xi32, #tpu.memory_space<vmem>> -> memref<1000xi32, #tpu.memory_space<vmem>>
          %dma_wait3A_271 = arith.constant 0 : i32
          %dma_wait3A_272 = tpu.memref_slice %arg11[%dma_wait3A_271] : memref<100352xf32, #tpu.memory_space<vmem_shared>> -> memref<100352xf32, #tpu.memory_space<vmem_shared>>
          tpu.wait_indirect_dma semaphore(%run_scoped3A_256 : memref<!tpu.dma_semaphore, #tpu.memory_space<semaphore_mem>>) src(%dma_wait3A_267 : memref<1000xf32, #tpu.memory_space<vmem>>) dst(%dma_wait3A_272 : memref<100352xf32, #tpu.memory_space<vmem_shared>>)
          tpu.yield
        }) : () -> ()
        %add3A_249 = arith.constant 4 : i32
        %add3A_250 = arith.addi %add3A_214, %add3A_249 : i32
        %lt3A_251 = arith.constant 50 : i32
        %lt3A_252 = arith.cmpi slt, %add3A_250, %lt3A_251 : i32
        %convert_element_type3A_253 = arith.extui %lt3A_252 : i1 to i32
        %cond3A_254 = arith.constant 0 : i32
        %cond3A_255 = arith.cmpi ne, %convert_element_type3A_253, %cond3A_254 : i32
        scf.if %cond3A_255 {
          %add3A_256 = arith.constant 4 : i32
          %add3A_257 = arith.addi %add3A_214, %add3A_256 : i32
          %mul3A_258 = arith.constant 1000 : i32
          %mul3A_259 = arith.muli %add3A_257, %mul3A_258 : i32
          %add3A_260 = arith.addi %mul3A_10, %mul3A_259 : i32
          %dma_start3A_261 = arith.constant 2 : i32
          %dma_start3A_262 = arith.constant 0 : i32
          %dma_start3A_263 = tpu.memref_slice %arg7[%dma_start3A_261, %dma_start3A_262] : memref<4x1000xi32, #tpu.memory_space<vmem>> -> memref<1x1000xi32, #tpu.memory_space<vmem>>
          %dma_start3A_264 = tpu.memref_squeeze %dma_start3A_263 : memref<1x1000xi32, #tpu.memory_space<vmem>> -> memref<1000xi32, #tpu.memory_space<vmem>>
          %dma_start3A_265 = tpu.memref_slice %arg3[%add3A_260] : memref<1600000xi32, #tpu.memory_space<hbm>> -> memref<1000xi32, #tpu.memory_space<hbm>>
          %dma_start3A_266 = arith.constant 0 : i32
          %dma_start3A_267 = tpu.memref_slice %arg7[%dma_start3A_261, %dma_start3A_266] : memref<4x1000xi32, #tpu.memory_space<vmem>> -> memref<1x1000xi32, #tpu.memory_space<vmem>>
          %dma_start3A_268 = tpu.memref_squeeze %dma_start3A_267 : memref<1x1000xi32, #tpu.memory_space<vmem>> -> memref<1000xi32, #tpu.memory_space<vmem>>
          %dma_start3A_269 = tpu.memref_slice %arg3[%add3A_260] : memref<1600000xi32, #tpu.memory_space<hbm>> -> memref<1000xi32, #tpu.memory_space<hbm>>
          tpu.enqueue_dma source(%dma_start3A_269 : memref<1000xi32, #tpu.memory_space<hbm>>) target(%dma_start3A_268 : memref<1000xi32, #tpu.memory_space<vmem>>) target_semaphore(%arg18 : memref<!tpu.dma_semaphore, #tpu.memory_space<semaphore_mem>>)
          %dma_start3A_270 = arith.constant 2 : i32
          %dma_start3A_271 = arith.constant 0 : i32
          %dma_start3A_272 = tpu.memref_slice %arg8[%dma_start3A_270, %dma_start3A_271] : memref<4x1000xi32, #tpu.memory_space<vmem>> -> memref<1x1000xi32, #tpu.memory_space<vmem>>
          %dma_start3A_273 = tpu.memref_squeeze %dma_start3A_272 : memref<1x1000xi32, #tpu.memory_space<vmem>> -> memref<1000xi32, #tpu.memory_space<vmem>>
          %dma_start3A_274 = tpu.memref_slice %arg4[%add3A_260] : memref<1600000xi32, #tpu.memory_space<hbm>> -> memref<1000xi32, #tpu.memory_space<hbm>>
          %dma_start3A_275 = arith.constant 0 : i32
          %dma_start3A_276 = tpu.memref_slice %arg8[%dma_start3A_270, %dma_start3A_275] : memref<4x1000xi32, #tpu.memory_space<vmem>> -> memref<1x1000xi32, #tpu.memory_space<vmem>>
          %dma_start3A_277 = tpu.memref_squeeze %dma_start3A_276 : memref<1x1000xi32, #tpu.memory_space<vmem>> -> memref<1000xi32, #tpu.memory_space<vmem>>
          %dma_start3A_278 = tpu.memref_slice %arg4[%add3A_260] : memref<1600000xi32, #tpu.memory_space<hbm>> -> memref<1000xi32, #tpu.memory_space<hbm>>
          tpu.enqueue_dma source(%dma_start3A_278 : memref<1000xi32, #tpu.memory_space<hbm>>) target(%dma_start3A_277 : memref<1000xi32, #tpu.memory_space<vmem>>) target_semaphore(%arg18 : memref<!tpu.dma_semaphore, #tpu.memory_space<semaphore_mem>>)
        } else {
        }
      } else {
      }
      %mul3A_220 = arith.constant 4 : i32
      %mul3A_221 = arith.muli %mul3A_220, %scan3A_195 : i32
      %add3A_222 = arith.constant 3 : i32
      %add3A_223 = arith.addi %mul3A_221, %add3A_222 : i32
      %lt3A_224 = arith.constant 50 : i32
      %lt3A_225 = arith.cmpi slt, %add3A_223, %lt3A_224 : i32
      %convert_element_type3A_226 = arith.extui %lt3A_225 : i1 to i32
      %cond3A_227 = arith.constant 0 : i32
      %cond3A_228 = arith.cmpi ne, %convert_element_type3A_226, %cond3A_227 : i32
      scf.if %cond3A_228 {
        %add3A_229 = arith.constant 4 : i32
        %add3A_230 = arith.addi %add3A_223, %add3A_229 : i32
        %sub3A = arith.constant 1 : i32
        %sub3A_231 = arith.subi %add3A_230, %sub3A : i32
        %lt3A_232 = arith.constant 50 : i32
        %lt3A_233 = arith.cmpi slt, %sub3A_231, %lt3A_232 : i32
        %convert_element_type3A_234 = arith.extui %lt3A_233 : i1 to i32
        %cond3A_235 = arith.constant 0 : i32
        %cond3A_236 = arith.cmpi ne, %convert_element_type3A_234, %cond3A_235 : i32
        scf.if %cond3A_236 {
          %dma_wait3A_256 = arith.constant 2 : i32
          %dma_wait3A_257 = arith.constant 0 : i32
          %dma_wait3A_258 = tpu.memref_slice %arg7[%dma_wait3A_256, %dma_wait3A_257] : memref<4x1000xi32, #tpu.memory_space<vmem>> -> memref<1x1000xi32, #tpu.memory_space<vmem>>
          %dma_wait3A_259 = tpu.memref_squeeze %dma_wait3A_258 : memref<1x1000xi32, #tpu.memory_space<vmem>> -> memref<1000xi32, #tpu.memory_space<vmem>>
          %dma_wait3A_260 = arith.constant 0 : i32
          %dma_wait3A_261 = tpu.memref_slice %arg3[%dma_wait3A_260] : memref<1600000xi32, #tpu.memory_space<hbm>> -> memref<1000xi32, #tpu.memory_space<hbm>>
          %dma_wait3A_262 = arith.constant 0 : i32
          %dma_wait3A_263 = tpu.memref_slice %arg7[%dma_wait3A_256, %dma_wait3A_262] : memref<4x1000xi32, #tpu.memory_space<vmem>> -> memref<1x1000xi32, #tpu.memory_space<vmem>>
          %dma_wait3A_264 = tpu.memref_squeeze %dma_wait3A_263 : memref<1x1000xi32, #tpu.memory_space<vmem>> -> memref<1000xi32, #tpu.memory_space<vmem>>
          %dma_wait3A_265 = arith.constant 0 : i32
          %dma_wait3A_266 = tpu.memref_slice %arg3[%dma_wait3A_265] : memref<1600000xi32, #tpu.memory_space<hbm>> -> memref<1000xi32, #tpu.memory_space<hbm>>
          tpu.wait_dma2 semaphore(%arg18 : memref<!tpu.dma_semaphore, #tpu.memory_space<semaphore_mem>>) src(%dma_wait3A_266 : memref<1000xi32, #tpu.memory_space<hbm>>) dst(%dma_wait3A_264 : memref<1000xi32, #tpu.memory_space<vmem>>)
          %dma_wait3A_267 = arith.constant 2 : i32
          %dma_wait3A_268 = arith.constant 0 : i32
          %dma_wait3A_269 = tpu.memref_slice %arg8[%dma_wait3A_267, %dma_wait3A_268] : memref<4x1000xi32, #tpu.memory_space<vmem>> -> memref<1x1000xi32, #tpu.memory_space<vmem>>
          %dma_wait3A_270 = tpu.memref_squeeze %dma_wait3A_269 : memref<1x1000xi32, #tpu.memory_space<vmem>> -> memref<1000xi32, #tpu.memory_space<vmem>>
          %dma_wait3A_271 = arith.constant 0 : i32
          %dma_wait3A_272 = tpu.memref_slice %arg4[%dma_wait3A_271] : memref<1600000xi32, #tpu.memory_space<hbm>> -> memref<1000xi32, #tpu.memory_space<hbm>>
          %dma_wait3A_273 = arith.constant 0 : i32
          %dma_wait3A_274 = tpu.memref_slice %arg8[%dma_wait3A_267, %dma_wait3A_273] : memref<4x1000xi32, #tpu.memory_space<vmem>> -> memref<1x1000xi32, #tpu.memory_space<vmem>>
          %dma_wait3A_275 = tpu.memref_squeeze %dma_wait3A_274 : memref<1x1000xi32, #tpu.memory_space<vmem>> -> memref<1000xi32, #tpu.memory_space<vmem>>
          %dma_wait3A_276 = arith.constant 0 : i32
          %dma_wait3A_277 = tpu.memref_slice %arg4[%dma_wait3A_276] : memref<1600000xi32, #tpu.memory_space<hbm>> -> memref<1000xi32, #tpu.memory_space<hbm>>
          tpu.wait_dma2 semaphore(%arg18 : memref<!tpu.dma_semaphore, #tpu.memory_space<semaphore_mem>>) src(%dma_wait3A_277 : memref<1000xi32, #tpu.memory_space<hbm>>) dst(%dma_wait3A_275 : memref<1000xi32, #tpu.memory_space<vmem>>)
          %dma_start3A_278 = arith.constant 2 : i32
          %dma_start3A_279 = arith.constant 2 : i32
          %dma_start3A_280 = arith.constant 0 : i32
          %dma_start3A_281 = tpu.memref_slice %arg9[%dma_start3A_279, %dma_start3A_280] : memref<4x1000xf32, #tpu.memory_space<vmem>> -> memref<1x1000xf32, #tpu.memory_space<vmem>>
          %dma_start3A_282 = tpu.memref_squeeze %dma_start3A_281 : memref<1x1000xf32, #tpu.memory_space<vmem>> -> memref<1000xf32, #tpu.memory_space<vmem>>
          %dma_start3A_283 = arith.constant 0 : i32
          %dma_start3A_284 = tpu.memref_slice %arg7[%dma_start3A_278, %dma_start3A_283] : memref<4x1000xi32, #tpu.memory_space<vmem>> -> memref<1x1000xi32, #tpu.memory_space<vmem>>
          %dma_start3A_285 = tpu.memref_squeeze %dma_start3A_284 : memref<1x1000xi32, #tpu.memory_space<vmem>> -> memref<1000xi32, #tpu.memory_space<vmem>>
          %dma_start3A_286 = arith.constant 0 : i32
          %dma_start3A_287 = tpu.memref_slice %arg10[%dma_start3A_286] : memref<100352xf32, #tpu.memory_space<vmem_shared>> -> memref<100352xf32, #tpu.memory_space<vmem_shared>>
          tpu.enqueue_indirect_dma source(%dma_start3A_287 : memref<100352xf32, #tpu.memory_space<vmem_shared>>) target(%dma_start3A_282 : memref<1000xf32, #tpu.memory_space<vmem>>) offsets(%dma_start3A_285 : memref<1000xi32, #tpu.memory_space<vmem>>) semaphore(%arg14 : memref<!tpu.dma_semaphore, #tpu.memory_space<semaphore_mem>>)
        } else {
        }
        %dma_wait3A_237 = arith.constant 3 : i32
        %dma_wait3A_238 = arith.constant 0 : i32
        %dma_wait3A_239 = tpu.memref_slice %arg9[%dma_wait3A_237, %dma_wait3A_238] : memref<4x1000xf32, #tpu.memory_space<vmem>> -> memref<1x1000xf32, #tpu.memory_space<vmem>>
        %dma_wait3A_240 = tpu.memref_squeeze %dma_wait3A_239 : memref<1x1000xf32, #tpu.memory_space<vmem>> -> memref<1000xf32, #tpu.memory_space<vmem>>
        %dma_wait3A_241 = arith.constant 0 : i32
        %dma_wait3A_242 = tpu.memref_slice %arg2[%dma_wait3A_241] : memref<100352xf32, #tpu.memory_space<hbm>> -> memref<1000xf32, #tpu.memory_space<hbm>>
        %dma_wait3A_243 = arith.constant 0 : i32
        %dma_wait3A_244 = tpu.memref_slice %arg9[%dma_wait3A_237, %dma_wait3A_243] : memref<4x1000xf32, #tpu.memory_space<vmem>> -> memref<1x1000xf32, #tpu.memory_space<vmem>>
        %dma_wait3A_245 = tpu.memref_squeeze %dma_wait3A_244 : memref<1x1000xf32, #tpu.memory_space<vmem>> -> memref<1000xf32, #tpu.memory_space<vmem>>
        %dma_wait3A_246 = arith.constant 0 : i32
        %dma_wait3A_247 = tpu.memref_slice %arg2[%dma_wait3A_246] : memref<100352xf32, #tpu.memory_space<hbm>> -> memref<1000xf32, #tpu.memory_space<hbm>>
        tpu.wait_dma2 semaphore(%arg15 : memref<!tpu.dma_semaphore, #tpu.memory_space<semaphore_mem>>) src(%dma_wait3A_247 : memref<1000xf32, #tpu.memory_space<hbm>>) dst(%dma_wait3A_245 : memref<1000xf32, #tpu.memory_space<vmem>>)
        %run_scoped3A = arith.constant 3 : i32
        %run_scoped3A_248 = arith.constant 3 : i32
        "tpu.region"() ({
          %run_scoped3A_256 = tpu.sem_alloc : memref<!tpu.dma_semaphore, #tpu.memory_space<semaphore_mem>>
          %dma_start3A_257 = arith.constant 0 : i32
          %dma_start3A_258 = tpu.memref_slice %arg9[%run_scoped3A, %dma_start3A_257] : memref<4x1000xf32, #tpu.memory_space<vmem>> -> memref<1x1000xf32, #tpu.memory_space<vmem>>
          %dma_start3A_259 = tpu.memref_squeeze %dma_start3A_258 : memref<1x1000xf32, #tpu.memory_space<vmem>> -> memref<1000xf32, #tpu.memory_space<vmem>>
          %dma_start3A_260 = arith.constant 0 : i32
          %dma_start3A_261 = tpu.memref_slice %arg8[%run_scoped3A_248, %dma_start3A_260] : memref<4x1000xi32, #tpu.memory_space<vmem>> -> memref<1x1000xi32, #tpu.memory_space<vmem>>
          %dma_start3A_262 = tpu.memref_squeeze %dma_start3A_261 : memref<1x1000xi32, #tpu.memory_space<vmem>> -> memref<1000xi32, #tpu.memory_space<vmem>>
          %dma_start3A_263 = arith.constant 0 : i32
          %dma_start3A_264 = tpu.memref_slice %arg11[%dma_start3A_263] : memref<100352xf32, #tpu.memory_space<vmem_shared>> -> memref<100352xf32, #tpu.memory_space<vmem_shared>>
          tpu.enqueue_indirect_dma source(%dma_start3A_259 : memref<1000xf32, #tpu.memory_space<vmem>>) target(%dma_start3A_264 : memref<100352xf32, #tpu.memory_space<vmem_shared>>) offsets(%dma_start3A_262 : memref<1000xi32, #tpu.memory_space<vmem>>) semaphore(%run_scoped3A_256 : memref<!tpu.dma_semaphore, #tpu.memory_space<semaphore_mem>>) {add = true}
          %dma_wait3A_265 = arith.constant 0 : i32
          %dma_wait3A_266 = tpu.memref_slice %arg9[%run_scoped3A, %dma_wait3A_265] : memref<4x1000xf32, #tpu.memory_space<vmem>> -> memref<1x1000xf32, #tpu.memory_space<vmem>>
          %dma_wait3A_267 = tpu.memref_squeeze %dma_wait3A_266 : memref<1x1000xf32, #tpu.memory_space<vmem>> -> memref<1000xf32, #tpu.memory_space<vmem>>
          %dma_wait3A_268 = arith.constant 0 : i32
          %dma_wait3A_269 = tpu.memref_slice %arg8[%run_scoped3A_248, %dma_wait3A_268] : memref<4x1000xi32, #tpu.memory_space<vmem>> -> memref<1x1000xi32, #tpu.memory_space<vmem>>
          %dma_wait3A_270 = tpu.memref_squeeze %dma_wait3A_269 : memref<1x1000xi32, #tpu.memory_space<vmem>> -> memref<1000xi32, #tpu.memory_space<vmem>>
          %dma_wait3A_271 = arith.constant 0 : i32
          %dma_wait3A_272 = tpu.memref_slice %arg11[%dma_wait3A_271] : memref<100352xf32, #tpu.memory_space<vmem_shared>> -> memref<100352xf32, #tpu.memory_space<vmem_shared>>
          tpu.wait_indirect_dma semaphore(%run_scoped3A_256 : memref<!tpu.dma_semaphore, #tpu.memory_space<semaphore_mem>>) src(%dma_wait3A_267 : memref<1000xf32, #tpu.memory_space<vmem>>) dst(%dma_wait3A_272 : memref<100352xf32, #tpu.memory_space<vmem_shared>>)
          tpu.yield
        }) : () -> ()
        %add3A_249 = arith.constant 4 : i32
        %add3A_250 = arith.addi %add3A_223, %add3A_249 : i32
        %lt3A_251 = arith.constant 50 : i32
        %lt3A_252 = arith.cmpi slt, %add3A_250, %lt3A_251 : i32
        %convert_element_type3A_253 = arith.extui %lt3A_252 : i1 to i32
        %cond3A_254 = arith.constant 0 : i32
        %cond3A_255 = arith.cmpi ne, %convert_element_type3A_253, %cond3A_254 : i32
        scf.if %cond3A_255 {
          %add3A_256 = arith.constant 4 : i32
          %add3A_257 = arith.addi %add3A_223, %add3A_256 : i32
          %mul3A_258 = arith.constant 1000 : i32
          %mul3A_259 = arith.muli %add3A_257, %mul3A_258 : i32
          %add3A_260 = arith.addi %mul3A_10, %mul3A_259 : i32
          %dma_start3A_261 = arith.constant 3 : i32
          %dma_start3A_262 = arith.constant 0 : i32
          %dma_start3A_263 = tpu.memref_slice %arg7[%dma_start3A_261, %dma_start3A_262] : memref<4x1000xi32, #tpu.memory_space<vmem>> -> memref<1x1000xi32, #tpu.memory_space<vmem>>
          %dma_start3A_264 = tpu.memref_squeeze %dma_start3A_263 : memref<1x1000xi32, #tpu.memory_space<vmem>> -> memref<1000xi32, #tpu.memory_space<vmem>>
          %dma_start3A_265 = tpu.memref_slice %arg3[%add3A_260] : memref<1600000xi32, #tpu.memory_space<hbm>> -> memref<1000xi32, #tpu.memory_space<hbm>>
          %dma_start3A_266 = arith.constant 0 : i32
          %dma_start3A_267 = tpu.memref_slice %arg7[%dma_start3A_261, %dma_start3A_266] : memref<4x1000xi32, #tpu.memory_space<vmem>> -> memref<1x1000xi32, #tpu.memory_space<vmem>>
          %dma_start3A_268 = tpu.memref_squeeze %dma_start3A_267 : memref<1x1000xi32, #tpu.memory_space<vmem>> -> memref<1000xi32, #tpu.memory_space<vmem>>
          %dma_start3A_269 = tpu.memref_slice %arg3[%add3A_260] : memref<1600000xi32, #tpu.memory_space<hbm>> -> memref<1000xi32, #tpu.memory_space<hbm>>
          tpu.enqueue_dma source(%dma_start3A_269 : memref<1000xi32, #tpu.memory_space<hbm>>) target(%dma_start3A_268 : memref<1000xi32, #tpu.memory_space<vmem>>) target_semaphore(%arg19 : memref<!tpu.dma_semaphore, #tpu.memory_space<semaphore_mem>>)
          %dma_start3A_270 = arith.constant 3 : i32
          %dma_start3A_271 = arith.constant 0 : i32
          %dma_start3A_272 = tpu.memref_slice %arg8[%dma_start3A_270, %dma_start3A_271] : memref<4x1000xi32, #tpu.memory_space<vmem>> -> memref<1x1000xi32, #tpu.memory_space<vmem>>
          %dma_start3A_273 = tpu.memref_squeeze %dma_start3A_272 : memref<1x1000xi32, #tpu.memory_space<vmem>> -> memref<1000xi32, #tpu.memory_space<vmem>>
          %dma_start3A_274 = tpu.memref_slice %arg4[%add3A_260] : memref<1600000xi32, #tpu.memory_space<hbm>> -> memref<1000xi32, #tpu.memory_space<hbm>>
          %dma_start3A_275 = arith.constant 0 : i32
          %dma_start3A_276 = tpu.memref_slice %arg8[%dma_start3A_270, %dma_start3A_275] : memref<4x1000xi32, #tpu.memory_space<vmem>> -> memref<1x1000xi32, #tpu.memory_space<vmem>>
          %dma_start3A_277 = tpu.memref_squeeze %dma_start3A_276 : memref<1x1000xi32, #tpu.memory_space<vmem>> -> memref<1000xi32, #tpu.memory_space<vmem>>
          %dma_start3A_278 = tpu.memref_slice %arg4[%add3A_260] : memref<1600000xi32, #tpu.memory_space<hbm>> -> memref<1000xi32, #tpu.memory_space<hbm>>
          tpu.enqueue_dma source(%dma_start3A_278 : memref<1000xi32, #tpu.memory_space<hbm>>) target(%dma_start3A_277 : memref<1000xi32, #tpu.memory_space<vmem>>) target_semaphore(%arg19 : memref<!tpu.dma_semaphore, #tpu.memory_space<semaphore_mem>>)
        } else {
        }
      } else {
      }
    }
    %scan3A_189 = arith.constant 13 : i32
    %barrier3A_190 = arith.constant 0 : index
    tpu.barrier barrier_id(%barrier3A_190)
    %mul3A_191 = arith.constant 6272 : i32
    %mul3A_192 = arith.muli %arg1, %mul3A_191 : i32
    %mul3A_193 = arith.constant 6272 : i32
    %mul3A_194 = arith.muli %arg1, %mul3A_193 : i32
    "tpu.region"() ({
      %run_scoped3A = tpu.sem_alloc : memref<!tpu.dma_semaphore, #tpu.memory_space<semaphore_mem>>
      %dma_start3A_195 = tpu.memref_slice %arg6[%arg0, %mul3A_194] : memref<2x100352xf32, #tpu.memory_space<hbm>> -> memref<1x6272xf32, #tpu.memory_space<hbm>>
      %dma_start3A_196 = tpu.memref_squeeze %dma_start3A_195 : memref<1x6272xf32, #tpu.memory_space<hbm>> -> memref<6272xf32, #tpu.memory_space<hbm>>
      %dma_start3A_197 = tpu.memref_slice %arg11[%mul3A_192] : memref<100352xf32, #tpu.memory_space<vmem_shared>> -> memref<6272xf32, #tpu.memory_space<vmem_shared>>
      tpu.enqueue_dma source(%dma_start3A_197 : memref<6272xf32, #tpu.memory_space<vmem_shared>>) target(%dma_start3A_196 : memref<6272xf32, #tpu.memory_space<hbm>>) target_semaphore(%run_scoped3A : memref<!tpu.dma_semaphore, #tpu.memory_space<semaphore_mem>>)
      %dma_wait3A_198 = tpu.memref_slice %arg6[%arg0, %mul3A_194] : memref<2x100352xf32, #tpu.memory_space<hbm>> -> memref<1x6272xf32, #tpu.memory_space<hbm>>
      %dma_wait3A_199 = tpu.memref_squeeze %dma_wait3A_198 : memref<1x6272xf32, #tpu.memory_space<hbm>> -> memref<6272xf32, #tpu.memory_space<hbm>>
      %dma_wait3A_200 = tpu.memref_slice %arg11[%mul3A_192] : memref<100352xf32, #tpu.memory_space<vmem_shared>> -> memref<6272xf32, #tpu.memory_space<vmem_shared>>
      tpu.wait_dma2 semaphore(%run_scoped3A : memref<!tpu.dma_semaphore, #tpu.memory_space<semaphore_mem>>) src(%dma_wait3A_200 : memref<6272xf32, #tpu.memory_space<vmem_shared>>) dst(%dma_wait3A_199 : memref<6272xf32, #tpu.memory_space<hbm>>)
      tpu.yield
    }) : () -> ()
    return
  }
}

module attributes {stable_mosaic.version = 14 : i64} {
  func.func @_tc1_body(%arg0: i32, %arg1: memref<2x256x8xf32, #tpu.memory_space<vmem>>, %arg2: memref<256x8xf32, #tpu.memory_space<vmem>>, %arg3: memref<1x64xf32, #tpu.memory_space<vmem>>, %arg4: memref<64xf32, #tpu.memory_space<vmem>>, %arg5: memref<1x64xf32, #tpu.memory_space<vmem>>, %arg6: memref<64x32xf32, #tpu.memory_space<vmem>>, %arg7: memref<32xf32, #tpu.memory_space<vmem>>, %arg8: memref<64x32xf32, #tpu.memory_space<vmem>>, %arg9: memref<256x128xf32, #tpu.memory_space<vmem>>, %arg10: memref<256x128xf32, #tpu.memory_space<vmem>>, %arg11: memref<256x128xf32, #tpu.memory_space<vmem>>, %arg12: memref<256x128xf32, #tpu.memory_space<vmem>>) attributes {dimension_semantics = [#tpu.dimension_semantics<arbitrary>], iteration_bounds = array<i64: 49>, scalar_prefetch = 0 : i64, scratch_operands = 0 : i64, tpu.core_type = #tpu.core_type<tc>, window_params = [{transform_indices = @transform_0, window_bounds = array<i64: 2, 256, 8>}, {transform_indices = @transform_1, window_bounds = array<i64: 256, 8>}, {pipeline_mode = #tpu.pipeline_mode<synchronous>, transform_indices = @transform_2, window_bounds = array<i64: 1, 64>}, {pipeline_mode = #tpu.pipeline_mode<synchronous>, transform_indices = @transform_3, window_bounds = array<i64: 64>}, {pipeline_mode = #tpu.pipeline_mode<synchronous>, transform_indices = @transform_4, window_bounds = array<i64: 1, 64>}, {pipeline_mode = #tpu.pipeline_mode<synchronous>, transform_indices = @transform_5, window_bounds = array<i64: 64, 32>}, {pipeline_mode = #tpu.pipeline_mode<synchronous>, transform_indices = @transform_6, window_bounds = array<i64: 32>}, {pipeline_mode = #tpu.pipeline_mode<synchronous>, transform_indices = @transform_7, window_bounds = array<i64: 64, 32>}, {transform_indices = @transform_8, window_bounds = array<i64: 256, 128>}, {transform_indices = @transform_9, window_bounds = array<i64: 256, 128>}, {transform_indices = @transform_10, window_bounds = array<i64: 256, 128>}, {transform_indices = @transform_11, window_bounds = array<i64: 256, 128>}]} {
    %get3A = arith.constant 0 : index
    %get3A_0 = arith.constant 0 : index
    %get3A_1 = arith.constant 0 : index
    %get3A_2 = vector.load %arg1[%get3A, %get3A_0, %get3A_1] : memref<2x256x8xf32, #tpu.memory_space<vmem>>, vector<1x256x8xf32>
    %get3A_3 = vector.shape_cast %get3A_2 : vector<1x256x8xf32> to vector<256x8xf32>
    %get3A_4 = arith.constant 1 : index
    %get3A_5 = arith.constant 0 : index
    %get3A_6 = arith.constant 0 : index
    %get3A_7 = vector.load %arg1[%get3A_4, %get3A_5, %get3A_6] : memref<2x256x8xf32, #tpu.memory_space<vmem>>, vector<1x256x8xf32>
    %get3A_8 = vector.shape_cast %get3A_7 : vector<1x256x8xf32> to vector<256x8xf32>
    %add3A = arith.addf %get3A_3, %get3A_8 : vector<256x8xf32>
    %get3A_9 = arith.constant 0 : index
    %get3A_10 = arith.constant 0 : index
    %get3A_11 = vector.load %arg2[%get3A_9, %get3A_10] : memref<256x8xf32, #tpu.memory_space<vmem>>, vector<256x8xf32>
    %iota3A = tpu.iota {dimensions = array<i32: 0>} : vector<8x512xi32>
    %iota3A_12 = tpu.iota {dimensions = array<i32: 1>} : vector<8x512xi32>
    %jit3A = arith.constant 64 : i32
    %div3A = vector.broadcast %jit3A : i32 to vector<8x512xi32>
    %div3A_13 = arith.divsi %iota3A_12, %div3A : vector<8x512xi32>
    %sign3A = arith.constant 0 : i32
    %sign3A_14 = vector.broadcast %sign3A : i32 to vector<8x512xi32>
    %sign3A_15 = arith.cmpi sgt, %iota3A_12, %sign3A_14 : vector<8x512xi32>
    %sign3A_16 = arith.extui %sign3A_15 : vector<8x512xi1> to vector<8x512xi32>
    %sign3A_17 = arith.constant 0 : i32
    %sign3A_18 = vector.broadcast %sign3A_17 : i32 to vector<8x512xi32>
    %sign3A_19 = arith.cmpi slt, %iota3A_12, %sign3A_18 : vector<8x512xi32>
    %sign3A_20 = arith.extui %sign3A_19 : vector<8x512xi1> to vector<8x512xi32>
    %sign3A_21 = arith.subi %sign3A_16, %sign3A_20 : vector<8x512xi32>
    %sign3A_22 = arith.constant 0 : i32
    %sign3A_23 = arith.cmpi sgt, %jit3A, %sign3A_22 : i32
    %sign3A_24 = arith.extui %sign3A_23 : i1 to i32
    %sign3A_25 = arith.constant 0 : i32
    %sign3A_26 = arith.cmpi slt, %jit3A, %sign3A_25 : i32
    %sign3A_27 = arith.extui %sign3A_26 : i1 to i32
    %sign3A_28 = arith.subi %sign3A_24, %sign3A_27 : i32
    %ne3A = vector.broadcast %sign3A_28 : i32 to vector<8x512xi32>
    %ne3A_29 = arith.cmpi ne, %sign3A_21, %ne3A : vector<8x512xi32>
    %rem3A = vector.broadcast %jit3A : i32 to vector<8x512xi32>
    %rem3A_30 = arith.remsi %iota3A_12, %rem3A : vector<8x512xi32>
    %ne3A_31 = arith.constant 0 : i32
    %ne3A_32 = vector.broadcast %ne3A_31 : i32 to vector<8x512xi32>
    %ne3A_33 = arith.cmpi ne, %rem3A_30, %ne3A_32 : vector<8x512xi32>
    %and3A = arith.andi %ne3A_29, %ne3A_33 : vector<8x512xi1>
    %sub3A = arith.constant 1 : i32
    %sub3A_34 = vector.broadcast %sub3A : i32 to vector<8x512xi32>
    %sub3A_35 = arith.subi %div3A_13, %sub3A_34 : vector<8x512xi32>
    %select_n3A = arith.select %and3A, %sub3A_35, %div3A_13 : vector<8x512xi1>, vector<8x512xi32>
    %eq3A = arith.cmpi eq, %iota3A, %select_n3A : vector<8x512xi32>
    %convert_element_type3A = arith.extui %eq3A : vector<8x512xi1> to vector<8x512xi32>
    %convert_element_type3A_36 = arith.sitofp %convert_element_type3A : vector<8x512xi32> to vector<8x512xf32>
    %dot_general3A = arith.constant dense<0.000000e+00> : vector<256x512xf32>
    %dot_general3A_37 = tpu.matmul %add3A, %convert_element_type3A_36, %dot_general3A {dimension_numbers = #tpu.dot_dimension_numbers<[1], [0], [0], [1], [0, 0, 1, 1], [], []>, transpose_lhs_hint = false} : vector<256x8xf32>, vector<8x512xf32>, vector<256x512xf32> -> vector<256x512xf32>
    %dot_general3A_38 = arith.constant dense<0.000000e+00> : vector<256x512xf32>
    %dot_general3A_39 = tpu.matmul %get3A_11, %convert_element_type3A_36, %dot_general3A_38 {dimension_numbers = #tpu.dot_dimension_numbers<[1], [0], [0], [1], [0, 0, 1, 1], [], []>, transpose_lhs_hint = false} : vector<256x8xf32>, vector<8x512xf32>, vector<256x512xf32> -> vector<256x512xf32>
    %get3A_40 = arith.constant 0 : index
    %get3A_41 = arith.constant 0 : index
    %get3A_42 = vector.load %arg3[%get3A_40, %get3A_41] : memref<1x64xf32, #tpu.memory_space<vmem>>, vector<1x64xf32>
    %get3A_43 = vector.shape_cast %get3A_42 : vector<1x64xf32> to vector<64xf32>
    %concatenate3A = tpu.concatenate %get3A_43, %get3A_43, %get3A_43, %get3A_43, %get3A_43, %get3A_43, %get3A_43, %get3A_43 in 0 : vector<64xf32>, vector<64xf32>, vector<64xf32>, vector<64xf32>, vector<64xf32>, vector<64xf32>, vector<64xf32>, vector<64xf32> -> vector<512xf32>
    %get3A_44 = arith.constant 0 : index
    %get3A_45 = arith.constant 0 : index
    %get3A_46 = vector.load %arg5[%get3A_44, %get3A_45] : memref<1x64xf32, #tpu.memory_space<vmem>>, vector<1x64xf32>
    %get3A_47 = vector.shape_cast %get3A_46 : vector<1x64xf32> to vector<64xf32>
    %concatenate3A_48 = tpu.concatenate %get3A_47, %get3A_47, %get3A_47, %get3A_47, %get3A_47, %get3A_47, %get3A_47, %get3A_47 in 0 : vector<64xf32>, vector<64xf32>, vector<64xf32>, vector<64xf32>, vector<64xf32>, vector<64xf32>, vector<64xf32>, vector<64xf32> -> vector<512xf32>
    %get3A_49 = arith.constant 0 : index
    %get3A_50 = vector.load %arg4[%get3A_49] : memref<64xf32, #tpu.memory_space<vmem>>, vector<64xf32>
    %concatenate3A_51 = tpu.concatenate %get3A_50, %get3A_50, %get3A_50, %get3A_50, %get3A_50, %get3A_50, %get3A_50, %get3A_50 in 0 : vector<64xf32>, vector<64xf32>, vector<64xf32>, vector<64xf32>, vector<64xf32>, vector<64xf32>, vector<64xf32>, vector<64xf32> -> vector<512xf32>
    %broadcast_in_dim3A = vector.shape_cast %concatenate3A : vector<512xf32> to vector<1x512xf32>
    %mul3A = vector.broadcast %broadcast_in_dim3A : vector<1x512xf32> to vector<256x512xf32>
    %mul3A_52 = arith.mulf %dot_general3A_37, %mul3A : vector<256x512xf32>
    %broadcast_in_dim3A_53 = vector.shape_cast %concatenate3A_48 : vector<512xf32> to vector<1x512xf32>
    %mul3A_54 = vector.broadcast %broadcast_in_dim3A_53 : vector<1x512xf32> to vector<256x512xf32>
    %mul3A_55 = arith.mulf %dot_general3A_39, %mul3A_54 : vector<256x512xf32>
    %add3A_56 = arith.addf %mul3A_52, %mul3A_55 : vector<256x512xf32>
    %broadcast_in_dim3A_57 = vector.shape_cast %concatenate3A_51 : vector<512xf32> to vector<1x512xf32>
    %add3A_58 = vector.broadcast %broadcast_in_dim3A_57 : vector<1x512xf32> to vector<256x512xf32>
    %add3A_59 = arith.addf %add3A_56, %add3A_58 : vector<256x512xf32>
    %max3A = arith.constant 0.000000e+00 : f32
    %max3A_60 = vector.broadcast %max3A : f32 to vector<256x512xf32>
    %max3A_61 = arith.maximumf %add3A_59, %max3A_60 : vector<256x512xf32>
    %get3A_62 = arith.constant 0 : index
    %get3A_63 = arith.constant 0 : index
    %get3A_64 = vector.load %arg6[%get3A_62, %get3A_63] : memref<64x32xf32, #tpu.memory_space<vmem>>, vector<64x32xf32>
    %get3A_65 = arith.constant 0 : index
    %get3A_66 = arith.constant 0 : index
    %get3A_67 = vector.load %arg8[%get3A_65, %get3A_66] : memref<64x32xf32, #tpu.memory_space<vmem>>, vector<64x32xf32>
    %slice3A = vector.extract_strided_slice %get3A_64 {offsets = [0, 0], sizes = [64, 16], strides = [1, 1]} : vector<64x32xf32> to vector<64x16xf32>
    %concatenate3A_68 = tpu.concatenate %slice3A, %slice3A, %slice3A, %slice3A, %slice3A, %slice3A, %slice3A, %slice3A in 0 : vector<64x16xf32>, vector<64x16xf32>, vector<64x16xf32>, vector<64x16xf32>, vector<64x16xf32>, vector<64x16xf32>, vector<64x16xf32>, vector<64x16xf32> -> vector<512x16xf32>
    %concatenate3A_69 = tpu.concatenate %concatenate3A_68, %concatenate3A_68, %concatenate3A_68, %concatenate3A_68, %concatenate3A_68, %concatenate3A_68, %concatenate3A_68, %concatenate3A_68 in 1 : vector<512x16xf32>, vector<512x16xf32>, vector<512x16xf32>, vector<512x16xf32>, vector<512x16xf32>, vector<512x16xf32>, vector<512x16xf32>, vector<512x16xf32> -> vector<512x128xf32>
    %iota3A_70 = tpu.iota {dimensions = array<i32: 0>} : vector<512x128xi32>
    %jit3A_71 = arith.constant 64 : i32
    %div3A_72 = vector.broadcast %jit3A_71 : i32 to vector<512x128xi32>
    %div3A_73 = arith.divsi %iota3A_70, %div3A_72 : vector<512x128xi32>
    %sign3A_74 = arith.constant 0 : i32
    %sign3A_75 = vector.broadcast %sign3A_74 : i32 to vector<512x128xi32>
    %sign3A_76 = arith.cmpi sgt, %iota3A_70, %sign3A_75 : vector<512x128xi32>
    %sign3A_77 = arith.extui %sign3A_76 : vector<512x128xi1> to vector<512x128xi32>
    %sign3A_78 = arith.constant 0 : i32
    %sign3A_79 = vector.broadcast %sign3A_78 : i32 to vector<512x128xi32>
    %sign3A_80 = arith.cmpi slt, %iota3A_70, %sign3A_79 : vector<512x128xi32>
    %sign3A_81 = arith.extui %sign3A_80 : vector<512x128xi1> to vector<512x128xi32>
    %sign3A_82 = arith.subi %sign3A_77, %sign3A_81 : vector<512x128xi32>
    %sign3A_83 = arith.constant 0 : i32
    %sign3A_84 = arith.cmpi sgt, %jit3A_71, %sign3A_83 : i32
    %sign3A_85 = arith.extui %sign3A_84 : i1 to i32
    %sign3A_86 = arith.constant 0 : i32
    %sign3A_87 = arith.cmpi slt, %jit3A_71, %sign3A_86 : i32
    %sign3A_88 = arith.extui %sign3A_87 : i1 to i32
    %sign3A_89 = arith.subi %sign3A_85, %sign3A_88 : i32
    %ne3A_90 = vector.broadcast %sign3A_89 : i32 to vector<512x128xi32>
    %ne3A_91 = arith.cmpi ne, %sign3A_82, %ne3A_90 : vector<512x128xi32>
    %rem3A_92 = vector.broadcast %jit3A_71 : i32 to vector<512x128xi32>
    %rem3A_93 = arith.remsi %iota3A_70, %rem3A_92 : vector<512x128xi32>
    %ne3A_94 = arith.constant 0 : i32
    %ne3A_95 = vector.broadcast %ne3A_94 : i32 to vector<512x128xi32>
    %ne3A_96 = arith.cmpi ne, %rem3A_93, %ne3A_95 : vector<512x128xi32>
    %and3A_97 = arith.andi %ne3A_91, %ne3A_96 : vector<512x128xi1>
    %sub3A_98 = arith.constant 1 : i32
    %sub3A_99 = vector.broadcast %sub3A_98 : i32 to vector<512x128xi32>
    %sub3A_100 = arith.subi %div3A_73, %sub3A_99 : vector<512x128xi32>
    %select_n3A_101 = arith.select %and3A_97, %sub3A_100, %div3A_73 : vector<512x128xi1>, vector<512x128xi32>
    %iota3A_102 = tpu.iota {dimensions = array<i32: 1>} : vector<512x128xi32>
    %jit3A_103 = arith.constant 16 : i32
    %div3A_104 = vector.broadcast %jit3A_103 : i32 to vector<512x128xi32>
    %div3A_105 = arith.divsi %iota3A_102, %div3A_104 : vector<512x128xi32>
    %sign3A_106 = arith.constant 0 : i32
    %sign3A_107 = vector.broadcast %sign3A_106 : i32 to vector<512x128xi32>
    %sign3A_108 = arith.cmpi sgt, %iota3A_102, %sign3A_107 : vector<512x128xi32>
    %sign3A_109 = arith.extui %sign3A_108 : vector<512x128xi1> to vector<512x128xi32>
    %sign3A_110 = arith.constant 0 : i32
    %sign3A_111 = vector.broadcast %sign3A_110 : i32 to vector<512x128xi32>
    %sign3A_112 = arith.cmpi slt, %iota3A_102, %sign3A_111 : vector<512x128xi32>
    %sign3A_113 = arith.extui %sign3A_112 : vector<512x128xi1> to vector<512x128xi32>
    %sign3A_114 = arith.subi %sign3A_109, %sign3A_113 : vector<512x128xi32>
    %sign3A_115 = arith.constant 0 : i32
    %sign3A_116 = arith.cmpi sgt, %jit3A_103, %sign3A_115 : i32
    %sign3A_117 = arith.extui %sign3A_116 : i1 to i32
    %sign3A_118 = arith.constant 0 : i32
    %sign3A_119 = arith.cmpi slt, %jit3A_103, %sign3A_118 : i32
    %sign3A_120 = arith.extui %sign3A_119 : i1 to i32
    %sign3A_121 = arith.subi %sign3A_117, %sign3A_120 : i32
    %ne3A_122 = vector.broadcast %sign3A_121 : i32 to vector<512x128xi32>
    %ne3A_123 = arith.cmpi ne, %sign3A_114, %ne3A_122 : vector<512x128xi32>
    %rem3A_124 = vector.broadcast %jit3A_103 : i32 to vector<512x128xi32>
    %rem3A_125 = arith.remsi %iota3A_102, %rem3A_124 : vector<512x128xi32>
    %ne3A_126 = arith.constant 0 : i32
    %ne3A_127 = vector.broadcast %ne3A_126 : i32 to vector<512x128xi32>
    %ne3A_128 = arith.cmpi ne, %rem3A_125, %ne3A_127 : vector<512x128xi32>
    %and3A_129 = arith.andi %ne3A_123, %ne3A_128 : vector<512x128xi1>
    %sub3A_130 = arith.constant 1 : i32
    %sub3A_131 = vector.broadcast %sub3A_130 : i32 to vector<512x128xi32>
    %sub3A_132 = arith.subi %div3A_105, %sub3A_131 : vector<512x128xi32>
    %select_n3A_133 = arith.select %and3A_129, %sub3A_132, %div3A_105 : vector<512x128xi1>, vector<512x128xi32>
    %eq3A_134 = arith.cmpi eq, %select_n3A_101, %select_n3A_133 : vector<512x128xi32>
    %convert_element_type3A_135 = arith.extui %eq3A_134 : vector<512x128xi1> to vector<512x128xi32>
    %convert_element_type3A_136 = arith.sitofp %convert_element_type3A_135 : vector<512x128xi32> to vector<512x128xf32>
    %mul3A_137 = arith.mulf %concatenate3A_69, %convert_element_type3A_136 : vector<512x128xf32>
    %dot_general3A_138 = arith.constant dense<0.000000e+00> : vector<256x128xf32>
    %dot_general3A_139 = tpu.matmul %max3A_61, %mul3A_137, %dot_general3A_138 {dimension_numbers = #tpu.dot_dimension_numbers<[1], [0], [0], [1], [0, 0, 1, 1], [], []>, transpose_lhs_hint = false} : vector<256x512xf32>, vector<512x128xf32>, vector<256x128xf32> -> vector<256x128xf32>
    %swap3A = arith.constant 0 : index
    %swap3A_140 = arith.constant 0 : index
    %swap3A_141 = vector.load %arg9[%swap3A, %swap3A_140] : memref<256x128xf32, #tpu.memory_space<vmem>>, vector<256x128xf32>
    tpu.vector_store %arg9[%swap3A, %swap3A_140], %dot_general3A_139 {strides = array<i32>} : memref<256x128xf32, #tpu.memory_space<vmem>>, vector<256x128xf32>,
    %slice3A_142 = vector.extract_strided_slice %get3A_64 {offsets = [0, 16], sizes = [64, 16], strides = [1, 1]} : vector<64x32xf32> to vector<64x16xf32>
    %concatenate3A_143 = tpu.concatenate %slice3A_142, %slice3A_142, %slice3A_142, %slice3A_142, %slice3A_142, %slice3A_142, %slice3A_142, %slice3A_142 in 0 : vector<64x16xf32>, vector<64x16xf32>, vector<64x16xf32>, vector<64x16xf32>, vector<64x16xf32>, vector<64x16xf32>, vector<64x16xf32>, vector<64x16xf32> -> vector<512x16xf32>
    %concatenate3A_144 = tpu.concatenate %concatenate3A_143, %concatenate3A_143, %concatenate3A_143, %concatenate3A_143, %concatenate3A_143, %concatenate3A_143, %concatenate3A_143, %concatenate3A_143 in 1 : vector<512x16xf32>, vector<512x16xf32>, vector<512x16xf32>, vector<512x16xf32>, vector<512x16xf32>, vector<512x16xf32>, vector<512x16xf32>, vector<512x16xf32> -> vector<512x128xf32>
    %iota3A_145 = tpu.iota {dimensions = array<i32: 0>} : vector<512x128xi32>
    %jit3A_146 = arith.constant 64 : i32
    %div3A_147 = vector.broadcast %jit3A_146 : i32 to vector<512x128xi32>
    %div3A_148 = arith.divsi %iota3A_145, %div3A_147 : vector<512x128xi32>
    %sign3A_149 = arith.constant 0 : i32
    %sign3A_150 = vector.broadcast %sign3A_149 : i32 to vector<512x128xi32>
    %sign3A_151 = arith.cmpi sgt, %iota3A_145, %sign3A_150 : vector<512x128xi32>
    %sign3A_152 = arith.extui %sign3A_151 : vector<512x128xi1> to vector<512x128xi32>
    %sign3A_153 = arith.constant 0 : i32
    %sign3A_154 = vector.broadcast %sign3A_153 : i32 to vector<512x128xi32>
    %sign3A_155 = arith.cmpi slt, %iota3A_145, %sign3A_154 : vector<512x128xi32>
    %sign3A_156 = arith.extui %sign3A_155 : vector<512x128xi1> to vector<512x128xi32>
    %sign3A_157 = arith.subi %sign3A_152, %sign3A_156 : vector<512x128xi32>
    %sign3A_158 = arith.constant 0 : i32
    %sign3A_159 = arith.cmpi sgt, %jit3A_146, %sign3A_158 : i32
    %sign3A_160 = arith.extui %sign3A_159 : i1 to i32
    %sign3A_161 = arith.constant 0 : i32
    %sign3A_162 = arith.cmpi slt, %jit3A_146, %sign3A_161 : i32
    %sign3A_163 = arith.extui %sign3A_162 : i1 to i32
    %sign3A_164 = arith.subi %sign3A_160, %sign3A_163 : i32
    %ne3A_165 = vector.broadcast %sign3A_164 : i32 to vector<512x128xi32>
    %ne3A_166 = arith.cmpi ne, %sign3A_157, %ne3A_165 : vector<512x128xi32>
    %rem3A_167 = vector.broadcast %jit3A_146 : i32 to vector<512x128xi32>
    %rem3A_168 = arith.remsi %iota3A_145, %rem3A_167 : vector<512x128xi32>
    %ne3A_169 = arith.constant 0 : i32
    %ne3A_170 = vector.broadcast %ne3A_169 : i32 to vector<512x128xi32>
    %ne3A_171 = arith.cmpi ne, %rem3A_168, %ne3A_170 : vector<512x128xi32>
    %and3A_172 = arith.andi %ne3A_166, %ne3A_171 : vector<512x128xi1>
    %sub3A_173 = arith.constant 1 : i32
    %sub3A_174 = vector.broadcast %sub3A_173 : i32 to vector<512x128xi32>
    %sub3A_175 = arith.subi %div3A_148, %sub3A_174 : vector<512x128xi32>
    %select_n3A_176 = arith.select %and3A_172, %sub3A_175, %div3A_148 : vector<512x128xi1>, vector<512x128xi32>
    %iota3A_177 = tpu.iota {dimensions = array<i32: 1>} : vector<512x128xi32>
    %jit3A_178 = arith.constant 16 : i32
    %div3A_179 = vector.broadcast %jit3A_178 : i32 to vector<512x128xi32>
    %div3A_180 = arith.divsi %iota3A_177, %div3A_179 : vector<512x128xi32>
    %sign3A_181 = arith.constant 0 : i32
    %sign3A_182 = vector.broadcast %sign3A_181 : i32 to vector<512x128xi32>
    %sign3A_183 = arith.cmpi sgt, %iota3A_177, %sign3A_182 : vector<512x128xi32>
    %sign3A_184 = arith.extui %sign3A_183 : vector<512x128xi1> to vector<512x128xi32>
    %sign3A_185 = arith.constant 0 : i32
    %sign3A_186 = vector.broadcast %sign3A_185 : i32 to vector<512x128xi32>
    %sign3A_187 = arith.cmpi slt, %iota3A_177, %sign3A_186 : vector<512x128xi32>
    %sign3A_188 = arith.extui %sign3A_187 : vector<512x128xi1> to vector<512x128xi32>
    %sign3A_189 = arith.subi %sign3A_184, %sign3A_188 : vector<512x128xi32>
    %sign3A_190 = arith.constant 0 : i32
    %sign3A_191 = arith.cmpi sgt, %jit3A_178, %sign3A_190 : i32
    %sign3A_192 = arith.extui %sign3A_191 : i1 to i32
    %sign3A_193 = arith.constant 0 : i32
    %sign3A_194 = arith.cmpi slt, %jit3A_178, %sign3A_193 : i32
    %sign3A_195 = arith.extui %sign3A_194 : i1 to i32
    %sign3A_196 = arith.subi %sign3A_192, %sign3A_195 : i32
    %ne3A_197 = vector.broadcast %sign3A_196 : i32 to vector<512x128xi32>
    %ne3A_198 = arith.cmpi ne, %sign3A_189, %ne3A_197 : vector<512x128xi32>
    %rem3A_199 = vector.broadcast %jit3A_178 : i32 to vector<512x128xi32>
    %rem3A_200 = arith.remsi %iota3A_177, %rem3A_199 : vector<512x128xi32>
    %ne3A_201 = arith.constant 0 : i32
    %ne3A_202 = vector.broadcast %ne3A_201 : i32 to vector<512x128xi32>
    %ne3A_203 = arith.cmpi ne, %rem3A_200, %ne3A_202 : vector<512x128xi32>
    %and3A_204 = arith.andi %ne3A_198, %ne3A_203 : vector<512x128xi1>
    %sub3A_205 = arith.constant 1 : i32
    %sub3A_206 = vector.broadcast %sub3A_205 : i32 to vector<512x128xi32>
    %sub3A_207 = arith.subi %div3A_180, %sub3A_206 : vector<512x128xi32>
    %select_n3A_208 = arith.select %and3A_204, %sub3A_207, %div3A_180 : vector<512x128xi1>, vector<512x128xi32>
    %eq3A_209 = arith.cmpi eq, %select_n3A_176, %select_n3A_208 : vector<512x128xi32>
    %convert_element_type3A_210 = arith.extui %eq3A_209 : vector<512x128xi1> to vector<512x128xi32>
    %convert_element_type3A_211 = arith.sitofp %convert_element_type3A_210 : vector<512x128xi32> to vector<512x128xf32>
    %mul3A_212 = arith.mulf %concatenate3A_144, %convert_element_type3A_211 : vector<512x128xf32>
    %dot_general3A_213 = arith.constant dense<0.000000e+00> : vector<256x128xf32>
    %dot_general3A_214 = tpu.matmul %max3A_61, %mul3A_212, %dot_general3A_213 {dimension_numbers = #tpu.dot_dimension_numbers<[1], [0], [0], [1], [0, 0, 1, 1], [], []>, transpose_lhs_hint = false} : vector<256x512xf32>, vector<512x128xf32>, vector<256x128xf32> -> vector<256x128xf32>
    %swap3A_215 = arith.constant 0 : index
    %swap3A_216 = arith.constant 0 : index
    %swap3A_217 = vector.load %arg10[%swap3A_215, %swap3A_216] : memref<256x128xf32, #tpu.memory_space<vmem>>, vector<256x128xf32>
    tpu.vector_store %arg10[%swap3A_215, %swap3A_216], %dot_general3A_214 {strides = array<i32>} : memref<256x128xf32, #tpu.memory_space<vmem>>, vector<256x128xf32>,
    %get3A_218 = arith.constant 0 : index
    %get3A_219 = vector.load %arg7[%get3A_218] : memref<32xf32, #tpu.memory_space<vmem>>, vector<16xf32>
    %concatenate3A_220 = tpu.concatenate %get3A_219, %get3A_219, %get3A_219, %get3A_219, %get3A_219, %get3A_219, %get3A_219, %get3A_219 in 0 : vector<16xf32>, vector<16xf32>, vector<16xf32>, vector<16xf32>, vector<16xf32>, vector<16xf32>, vector<16xf32>, vector<16xf32> -> vector<128xf32>
    %get3A_221 = arith.constant 16 : index
    %get3A_222 = vector.load %arg7[%get3A_221] : memref<32xf32, #tpu.memory_space<vmem>>, vector<16xf32>
    %concatenate3A_223 = tpu.concatenate %get3A_222, %get3A_222, %get3A_222, %get3A_222, %get3A_222, %get3A_222, %get3A_222, %get3A_222 in 0 : vector<16xf32>, vector<16xf32>, vector<16xf32>, vector<16xf32>, vector<16xf32>, vector<16xf32>, vector<16xf32>, vector<16xf32> -> vector<128xf32>
    %slice3A_224 = vector.extract_strided_slice %get3A_67 {offsets = [0, 0], sizes = [64, 16], strides = [1, 1]} : vector<64x32xf32> to vector<64x16xf32>
    %concatenate3A_225 = tpu.concatenate %slice3A_224, %slice3A_224, %slice3A_224, %slice3A_224, %slice3A_224, %slice3A_224, %slice3A_224, %slice3A_224 in 0 : vector<64x16xf32>, vector<64x16xf32>, vector<64x16xf32>, vector<64x16xf32>, vector<64x16xf32>, vector<64x16xf32>, vector<64x16xf32>, vector<64x16xf32> -> vector<512x16xf32>
    %concatenate3A_226 = tpu.concatenate %concatenate3A_225, %concatenate3A_225, %concatenate3A_225, %concatenate3A_225, %concatenate3A_225, %concatenate3A_225, %concatenate3A_225, %concatenate3A_225 in 1 : vector<512x16xf32>, vector<512x16xf32>, vector<512x16xf32>, vector<512x16xf32>, vector<512x16xf32>, vector<512x16xf32>, vector<512x16xf32>, vector<512x16xf32> -> vector<512x128xf32>
    %iota3A_227 = tpu.iota {dimensions = array<i32: 0>} : vector<512x128xi32>
    %jit3A_228 = arith.constant 64 : i32
    %div3A_229 = vector.broadcast %jit3A_228 : i32 to vector<512x128xi32>
    %div3A_230 = arith.divsi %iota3A_227, %div3A_229 : vector<512x128xi32>
    %sign3A_231 = arith.constant 0 : i32
    %sign3A_232 = vector.broadcast %sign3A_231 : i32 to vector<512x128xi32>
    %sign3A_233 = arith.cmpi sgt, %iota3A_227, %sign3A_232 : vector<512x128xi32>
    %sign3A_234 = arith.extui %sign3A_233 : vector<512x128xi1> to vector<512x128xi32>
    %sign3A_235 = arith.constant 0 : i32
    %sign3A_236 = vector.broadcast %sign3A_235 : i32 to vector<512x128xi32>
    %sign3A_237 = arith.cmpi slt, %iota3A_227, %sign3A_236 : vector<512x128xi32>
    %sign3A_238 = arith.extui %sign3A_237 : vector<512x128xi1> to vector<512x128xi32>
    %sign3A_239 = arith.subi %sign3A_234, %sign3A_238 : vector<512x128xi32>
    %sign3A_240 = arith.constant 0 : i32
    %sign3A_241 = arith.cmpi sgt, %jit3A_228, %sign3A_240 : i32
    %sign3A_242 = arith.extui %sign3A_241 : i1 to i32
    %sign3A_243 = arith.constant 0 : i32
    %sign3A_244 = arith.cmpi slt, %jit3A_228, %sign3A_243 : i32
    %sign3A_245 = arith.extui %sign3A_244 : i1 to i32
    %sign3A_246 = arith.subi %sign3A_242, %sign3A_245 : i32
    %ne3A_247 = vector.broadcast %sign3A_246 : i32 to vector<512x128xi32>
    %ne3A_248 = arith.cmpi ne, %sign3A_239, %ne3A_247 : vector<512x128xi32>
    %rem3A_249 = vector.broadcast %jit3A_228 : i32 to vector<512x128xi32>
    %rem3A_250 = arith.remsi %iota3A_227, %rem3A_249 : vector<512x128xi32>
    %ne3A_251 = arith.constant 0 : i32
    %ne3A_252 = vector.broadcast %ne3A_251 : i32 to vector<512x128xi32>
    %ne3A_253 = arith.cmpi ne, %rem3A_250, %ne3A_252 : vector<512x128xi32>
    %and3A_254 = arith.andi %ne3A_248, %ne3A_253 : vector<512x128xi1>
    %sub3A_255 = arith.constant 1 : i32
    %sub3A_256 = vector.broadcast %sub3A_255 : i32 to vector<512x128xi32>
    %sub3A_257 = arith.subi %div3A_230, %sub3A_256 : vector<512x128xi32>
    %select_n3A_258 = arith.select %and3A_254, %sub3A_257, %div3A_230 : vector<512x128xi1>, vector<512x128xi32>
    %iota3A_259 = tpu.iota {dimensions = array<i32: 1>} : vector<512x128xi32>
    %jit3A_260 = arith.constant 16 : i32
    %div3A_261 = vector.broadcast %jit3A_260 : i32 to vector<512x128xi32>
    %div3A_262 = arith.divsi %iota3A_259, %div3A_261 : vector<512x128xi32>
    %sign3A_263 = arith.constant 0 : i32
    %sign3A_264 = vector.broadcast %sign3A_263 : i32 to vector<512x128xi32>
    %sign3A_265 = arith.cmpi sgt, %iota3A_259, %sign3A_264 : vector<512x128xi32>
    %sign3A_266 = arith.extui %sign3A_265 : vector<512x128xi1> to vector<512x128xi32>
    %sign3A_267 = arith.constant 0 : i32
    %sign3A_268 = vector.broadcast %sign3A_267 : i32 to vector<512x128xi32>
    %sign3A_269 = arith.cmpi slt, %iota3A_259, %sign3A_268 : vector<512x128xi32>
    %sign3A_270 = arith.extui %sign3A_269 : vector<512x128xi1> to vector<512x128xi32>
    %sign3A_271 = arith.subi %sign3A_266, %sign3A_270 : vector<512x128xi32>
    %sign3A_272 = arith.constant 0 : i32
    %sign3A_273 = arith.cmpi sgt, %jit3A_260, %sign3A_272 : i32
    %sign3A_274 = arith.extui %sign3A_273 : i1 to i32
    %sign3A_275 = arith.constant 0 : i32
    %sign3A_276 = arith.cmpi slt, %jit3A_260, %sign3A_275 : i32
    %sign3A_277 = arith.extui %sign3A_276 : i1 to i32
    %sign3A_278 = arith.subi %sign3A_274, %sign3A_277 : i32
    %ne3A_279 = vector.broadcast %sign3A_278 : i32 to vector<512x128xi32>
    %ne3A_280 = arith.cmpi ne, %sign3A_271, %ne3A_279 : vector<512x128xi32>
    %rem3A_281 = vector.broadcast %jit3A_260 : i32 to vector<512x128xi32>
    %rem3A_282 = arith.remsi %iota3A_259, %rem3A_281 : vector<512x128xi32>
    %ne3A_283 = arith.constant 0 : i32
    %ne3A_284 = vector.broadcast %ne3A_283 : i32 to vector<512x128xi32>
    %ne3A_285 = arith.cmpi ne, %rem3A_282, %ne3A_284 : vector<512x128xi32>
    %and3A_286 = arith.andi %ne3A_280, %ne3A_285 : vector<512x128xi1>
    %sub3A_287 = arith.constant 1 : i32
    %sub3A_288 = vector.broadcast %sub3A_287 : i32 to vector<512x128xi32>
    %sub3A_289 = arith.subi %div3A_262, %sub3A_288 : vector<512x128xi32>
    %select_n3A_290 = arith.select %and3A_286, %sub3A_289, %div3A_262 : vector<512x128xi1>, vector<512x128xi32>
    %eq3A_291 = arith.cmpi eq, %select_n3A_258, %select_n3A_290 : vector<512x128xi32>
    %convert_element_type3A_292 = arith.extui %eq3A_291 : vector<512x128xi1> to vector<512x128xi32>
    %convert_element_type3A_293 = arith.sitofp %convert_element_type3A_292 : vector<512x128xi32> to vector<512x128xf32>
    %mul3A_294 = arith.mulf %concatenate3A_226, %convert_element_type3A_293 : vector<512x128xf32>
    %dot_general3A_295 = arith.constant dense<0.000000e+00> : vector<256x128xf32>
    %dot_general3A_296 = tpu.matmul %max3A_61, %mul3A_294, %dot_general3A_295 {dimension_numbers = #tpu.dot_dimension_numbers<[1], [0], [0], [1], [0, 0, 1, 1], [], []>, transpose_lhs_hint = false} : vector<256x512xf32>, vector<512x128xf32>, vector<256x128xf32> -> vector<256x128xf32>
    %broadcast_in_dim3A_297 = vector.shape_cast %concatenate3A_220 : vector<128xf32> to vector<1x128xf32>
    %add3A_298 = vector.broadcast %broadcast_in_dim3A_297 : vector<1x128xf32> to vector<256x128xf32>
    %add3A_299 = arith.addf %dot_general3A_296, %add3A_298 : vector<256x128xf32>
    %swap3A_300 = arith.constant 0 : index
    %swap3A_301 = arith.constant 0 : index
    %swap3A_302 = vector.load %arg11[%swap3A_300, %swap3A_301] : memref<256x128xf32, #tpu.memory_space<vmem>>, vector<256x128xf32>
    tpu.vector_store %arg11[%swap3A_300, %swap3A_301], %add3A_299 {strides = array<i32>} : memref<256x128xf32, #tpu.memory_space<vmem>>, vector<256x128xf32>,
    %slice3A_303 = vector.extract_strided_slice %get3A_67 {offsets = [0, 16], sizes = [64, 16], strides = [1, 1]} : vector<64x32xf32> to vector<64x16xf32>
    %concatenate3A_304 = tpu.concatenate %slice3A_303, %slice3A_303, %slice3A_303, %slice3A_303, %slice3A_303, %slice3A_303, %slice3A_303, %slice3A_303 in 0 : vector<64x16xf32>, vector<64x16xf32>, vector<64x16xf32>, vector<64x16xf32>, vector<64x16xf32>, vector<64x16xf32>, vector<64x16xf32>, vector<64x16xf32> -> vector<512x16xf32>
    %concatenate3A_305 = tpu.concatenate %concatenate3A_304, %concatenate3A_304, %concatenate3A_304, %concatenate3A_304, %concatenate3A_304, %concatenate3A_304, %concatenate3A_304, %concatenate3A_304 in 1 : vector<512x16xf32>, vector<512x16xf32>, vector<512x16xf32>, vector<512x16xf32>, vector<512x16xf32>, vector<512x16xf32>, vector<512x16xf32>, vector<512x16xf32> -> vector<512x128xf32>
    %iota3A_306 = tpu.iota {dimensions = array<i32: 0>} : vector<512x128xi32>
    %jit3A_307 = arith.constant 64 : i32
    %div3A_308 = vector.broadcast %jit3A_307 : i32 to vector<512x128xi32>
    %div3A_309 = arith.divsi %iota3A_306, %div3A_308 : vector<512x128xi32>
    %sign3A_310 = arith.constant 0 : i32
    %sign3A_311 = vector.broadcast %sign3A_310 : i32 to vector<512x128xi32>
    %sign3A_312 = arith.cmpi sgt, %iota3A_306, %sign3A_311 : vector<512x128xi32>
    %sign3A_313 = arith.extui %sign3A_312 : vector<512x128xi1> to vector<512x128xi32>
    %sign3A_314 = arith.constant 0 : i32
    %sign3A_315 = vector.broadcast %sign3A_314 : i32 to vector<512x128xi32>
    %sign3A_316 = arith.cmpi slt, %iota3A_306, %sign3A_315 : vector<512x128xi32>
    %sign3A_317 = arith.extui %sign3A_316 : vector<512x128xi1> to vector<512x128xi32>
    %sign3A_318 = arith.subi %sign3A_313, %sign3A_317 : vector<512x128xi32>
    %sign3A_319 = arith.constant 0 : i32
    %sign3A_320 = arith.cmpi sgt, %jit3A_307, %sign3A_319 : i32
    %sign3A_321 = arith.extui %sign3A_320 : i1 to i32
    %sign3A_322 = arith.constant 0 : i32
    %sign3A_323 = arith.cmpi slt, %jit3A_307, %sign3A_322 : i32
    %sign3A_324 = arith.extui %sign3A_323 : i1 to i32
    %sign3A_325 = arith.subi %sign3A_321, %sign3A_324 : i32
    %ne3A_326 = vector.broadcast %sign3A_325 : i32 to vector<512x128xi32>
    %ne3A_327 = arith.cmpi ne, %sign3A_318, %ne3A_326 : vector<512x128xi32>
    %rem3A_328 = vector.broadcast %jit3A_307 : i32 to vector<512x128xi32>
    %rem3A_329 = arith.remsi %iota3A_306, %rem3A_328 : vector<512x128xi32>
    %ne3A_330 = arith.constant 0 : i32
    %ne3A_331 = vector.broadcast %ne3A_330 : i32 to vector<512x128xi32>
    %ne3A_332 = arith.cmpi ne, %rem3A_329, %ne3A_331 : vector<512x128xi32>
    %and3A_333 = arith.andi %ne3A_327, %ne3A_332 : vector<512x128xi1>
    %sub3A_334 = arith.constant 1 : i32
    %sub3A_335 = vector.broadcast %sub3A_334 : i32 to vector<512x128xi32>
    %sub3A_336 = arith.subi %div3A_309, %sub3A_335 : vector<512x128xi32>
    %select_n3A_337 = arith.select %and3A_333, %sub3A_336, %div3A_309 : vector<512x128xi1>, vector<512x128xi32>
    %iota3A_338 = tpu.iota {dimensions = array<i32: 1>} : vector<512x128xi32>
    %jit3A_339 = arith.constant 16 : i32
    %div3A_340 = vector.broadcast %jit3A_339 : i32 to vector<512x128xi32>
    %div3A_341 = arith.divsi %iota3A_338, %div3A_340 : vector<512x128xi32>
    %sign3A_342 = arith.constant 0 : i32
    %sign3A_343 = vector.broadcast %sign3A_342 : i32 to vector<512x128xi32>
    %sign3A_344 = arith.cmpi sgt, %iota3A_338, %sign3A_343 : vector<512x128xi32>
    %sign3A_345 = arith.extui %sign3A_344 : vector<512x128xi1> to vector<512x128xi32>
    %sign3A_346 = arith.constant 0 : i32
    %sign3A_347 = vector.broadcast %sign3A_346 : i32 to vector<512x128xi32>
    %sign3A_348 = arith.cmpi slt, %iota3A_338, %sign3A_347 : vector<512x128xi32>
    %sign3A_349 = arith.extui %sign3A_348 : vector<512x128xi1> to vector<512x128xi32>
    %sign3A_350 = arith.subi %sign3A_345, %sign3A_349 : vector<512x128xi32>
    %sign3A_351 = arith.constant 0 : i32
    %sign3A_352 = arith.cmpi sgt, %jit3A_339, %sign3A_351 : i32
    %sign3A_353 = arith.extui %sign3A_352 : i1 to i32
    %sign3A_354 = arith.constant 0 : i32
    %sign3A_355 = arith.cmpi slt, %jit3A_339, %sign3A_354 : i32
    %sign3A_356 = arith.extui %sign3A_355 : i1 to i32
    %sign3A_357 = arith.subi %sign3A_353, %sign3A_356 : i32
    %ne3A_358 = vector.broadcast %sign3A_357 : i32 to vector<512x128xi32>
    %ne3A_359 = arith.cmpi ne, %sign3A_350, %ne3A_358 : vector<512x128xi32>
    %rem3A_360 = vector.broadcast %jit3A_339 : i32 to vector<512x128xi32>
    %rem3A_361 = arith.remsi %iota3A_338, %rem3A_360 : vector<512x128xi32>
    %ne3A_362 = arith.constant 0 : i32
    %ne3A_363 = vector.broadcast %ne3A_362 : i32 to vector<512x128xi32>
    %ne3A_364 = arith.cmpi ne, %rem3A_361, %ne3A_363 : vector<512x128xi32>
    %and3A_365 = arith.andi %ne3A_359, %ne3A_364 : vector<512x128xi1>
    %sub3A_366 = arith.constant 1 : i32
    %sub3A_367 = vector.broadcast %sub3A_366 : i32 to vector<512x128xi32>
    %sub3A_368 = arith.subi %div3A_341, %sub3A_367 : vector<512x128xi32>
    %select_n3A_369 = arith.select %and3A_365, %sub3A_368, %div3A_341 : vector<512x128xi1>, vector<512x128xi32>
    %eq3A_370 = arith.cmpi eq, %select_n3A_337, %select_n3A_369 : vector<512x128xi32>
    %convert_element_type3A_371 = arith.extui %eq3A_370 : vector<512x128xi1> to vector<512x128xi32>
    %convert_element_type3A_372 = arith.sitofp %convert_element_type3A_371 : vector<512x128xi32> to vector<512x128xf32>
    %mul3A_373 = arith.mulf %concatenate3A_305, %convert_element_type3A_372 : vector<512x128xf32>
    %dot_general3A_374 = arith.constant dense<0.000000e+00> : vector<256x128xf32>
    %dot_general3A_375 = tpu.matmul %max3A_61, %mul3A_373, %dot_general3A_374 {dimension_numbers = #tpu.dot_dimension_numbers<[1], [0], [0], [1], [0, 0, 1, 1], [], []>, transpose_lhs_hint = false} : vector<256x512xf32>, vector<512x128xf32>, vector<256x128xf32> -> vector<256x128xf32>
    %broadcast_in_dim3A_376 = vector.shape_cast %concatenate3A_223 : vector<128xf32> to vector<1x128xf32>
    %add3A_377 = vector.broadcast %broadcast_in_dim3A_376 : vector<1x128xf32> to vector<256x128xf32>
    %add3A_378 = arith.addf %dot_general3A_375, %add3A_377 : vector<256x128xf32>
    %swap3A_379 = arith.constant 0 : index
    %swap3A_380 = arith.constant 0 : index
    %swap3A_381 = vector.load %arg12[%swap3A_379, %swap3A_380] : memref<256x128xf32, #tpu.memory_space<vmem>>, vector<256x128xf32>
    tpu.vector_store %arg12[%swap3A_379, %swap3A_380], %add3A_378 {strides = array<i32>} : memref<256x128xf32, #tpu.memory_space<vmem>>, vector<256x128xf32>,
    return
  }
  func.func @transform_0(%arg0: i32) -> (i32, i32, i32) {
    %c0_i32 = arith.constant 0 : i32
    %c0_i32_0 = arith.constant 0 : i32
    %c0_i32_1 = arith.constant 0 : i32
    return %c0_i32, %arg0, %c0_i32_0 : i32, i32, i32
  }
  func.func @transform_1(%arg0: i32) -> (i32, i32) {
    %c0_i32 = arith.constant 0 : i32
    %c0_i32_0 = arith.constant 0 : i32
    return %arg0, %c0_i32 : i32, i32
  }
  func.func @transform_2(%arg0: i32) -> (i32, i32) {
    %c0_i32 = arith.constant 0 : i32
    %c0_i32_0 = arith.constant 0 : i32
    %c0_i32_1 = arith.constant 0 : i32
    return %c0_i32, %c0_i32_0 : i32, i32
  }
  func.func @transform_3(%arg0: i32) -> i32 {
    %c0_i32 = arith.constant 0 : i32
    %c0_i32_0 = arith.constant 0 : i32
    return %c0_i32 : i32
  }
  func.func @transform_4(%arg0: i32) -> (i32, i32) {
    %c0_i32 = arith.constant 0 : i32
    %c0_i32_0 = arith.constant 0 : i32
    %c0_i32_1 = arith.constant 0 : i32
    return %c0_i32, %c0_i32_0 : i32, i32
  }
  func.func @transform_5(%arg0: i32) -> (i32, i32) {
    %c0_i32 = arith.constant 0 : i32
    %c0_i32_0 = arith.constant 0 : i32
    %c0_i32_1 = arith.constant 0 : i32
    return %c0_i32, %c0_i32_0 : i32, i32
  }
  func.func @transform_6(%arg0: i32) -> i32 {
    %c0_i32 = arith.constant 0 : i32
    %c0_i32_0 = arith.constant 0 : i32
    return %c0_i32 : i32
  }
  func.func @transform_7(%arg0: i32) -> (i32, i32) {
    %c0_i32 = arith.constant 0 : i32
    %c0_i32_0 = arith.constant 0 : i32
    %c0_i32_1 = arith.constant 0 : i32
    return %c0_i32, %c0_i32_0 : i32, i32
  }
  func.func @transform_8(%arg0: i32) -> (i32, i32) {
    %c0_i32 = arith.constant 0 : i32
    %c0_i32_0 = arith.constant 0 : i32
    return %arg0, %c0_i32 : i32, i32
  }
  func.func @transform_9(%arg0: i32) -> (i32, i32) {
    %c0_i32 = arith.constant 0 : i32
    %c0_i32_0 = arith.constant 0 : i32
    return %arg0, %c0_i32 : i32, i32
  }
  func.func @transform_10(%arg0: i32) -> (i32, i32) {
    %c0_i32 = arith.constant 0 : i32
    %c0_i32_0 = arith.constant 0 : i32
    return %arg0, %c0_i32 : i32, i32
  }
  func.func @transform_11(%arg0: i32) -> (i32, i32) {
    %c0_i32 = arith.constant 0 : i32
    %c0_i32_0 = arith.constant 0 : i32
    return %arg0, %c0_i32 : i32, i32
  }
}

module attributes {stable_mosaic.version = 14 : i64} {
  func.func @_tc2_body(%arg0: i32, %arg1: memref<256x128xf32, #tpu.memory_space<vmem>>, %arg2: memref<256x128xf32, #tpu.memory_space<vmem>>, %arg3: memref<8x256xi32, #tpu.memory_space<vmem>>, %arg4: memref<32x16xf32, #tpu.memory_space<vmem>>, %arg5: memref<16xf32, #tpu.memory_space<vmem>>, %arg6: memref<16x8xf32, #tpu.memory_space<vmem>>, %arg7: memref<8xf32, #tpu.memory_space<vmem>>, %arg8: memref<8x1xf32, #tpu.memory_space<vmem>>, %arg9: memref<1xf32, #tpu.memory_space<vmem>>, %arg10: memref<64xf32, #tpu.memory_space<vmem>>, %arg11: memref<64x2xf32, #tpu.memory_space<vmem>>) attributes {dimension_semantics = [#tpu.dimension_semantics<arbitrary>], iteration_bounds = array<i64: 49>, scalar_prefetch = 0 : i64, scratch_operands = 1 : i64, tpu.core_type = #tpu.core_type<tc>, window_params = [{transform_indices = @transform_0, window_bounds = array<i64: 256, 128>}, {transform_indices = @transform_1, window_bounds = array<i64: 256, 128>}, {transform_indices = @transform_2, window_bounds = array<i64: 8, 256>}, {pipeline_mode = #tpu.pipeline_mode<synchronous>, transform_indices = @transform_3, window_bounds = array<i64: 32, 16>}, {pipeline_mode = #tpu.pipeline_mode<synchronous>, transform_indices = @transform_4, window_bounds = array<i64: 16>}, {pipeline_mode = #tpu.pipeline_mode<synchronous>, transform_indices = @transform_5, window_bounds = array<i64: 16, 8>}, {pipeline_mode = #tpu.pipeline_mode<synchronous>, transform_indices = @transform_6, window_bounds = array<i64: 8>}, {pipeline_mode = #tpu.pipeline_mode<synchronous>, transform_indices = @transform_7, window_bounds = array<i64: 8, 1>}, {pipeline_mode = #tpu.pipeline_mode<synchronous>, transform_indices = @transform_8, window_bounds = array<i64: 1>}, {pipeline_mode = #tpu.pipeline_mode<synchronous>, transform_indices = @transform_9, window_bounds = array<i64: 64>}]} {
    %eq3A = arith.constant 0 : i32
    %eq3A_0 = arith.cmpi eq, %arg0, %eq3A : i32
    %convert_element_type3A = arith.extui %eq3A_0 : i1 to i32
    %cond3A = arith.constant 0 : i32
    %cond3A_1 = arith.cmpi ne, %convert_element_type3A, %cond3A : i32
    scf.if %cond3A_1 {
      %broadcast_in_dim3A_479 = arith.constant 0.000000e+00 : f32
      %broadcast_in_dim3A_480 = vector.broadcast %broadcast_in_dim3A_479 : f32 to vector<64x2xf32>
      %swap3A_481 = arith.constant 0 : index
      %swap3A_482 = arith.constant 0 : index
      %swap3A_483 = vector.load %arg11[%swap3A_481, %swap3A_482] : memref<64x2xf32, #tpu.memory_space<vmem>>, vector<64x2xf32>
      tpu.vector_store %arg11[%swap3A_481, %swap3A_482], %broadcast_in_dim3A_480 {strides = array<i32>} : memref<64x2xf32, #tpu.memory_space<vmem>>, vector<64x2xf32>,
    } else {
    }
    %get3A = arith.constant 0 : index
    %get3A_2 = arith.constant 0 : index
    %get3A_3 = vector.load %arg1[%get3A, %get3A_2] : memref<256x128xf32, #tpu.memory_space<vmem>>, vector<256x128xf32>
    %max3A = arith.constant 0.000000e+00 : f32
    %max3A_4 = vector.broadcast %max3A : f32 to vector<256x128xf32>
    %max3A_5 = arith.maximumf %get3A_3, %max3A_4 : vector<256x128xf32>
    %get3A_6 = arith.constant 0 : index
    %get3A_7 = arith.constant 0 : index
    %get3A_8 = vector.load %arg2[%get3A_6, %get3A_7] : memref<256x128xf32, #tpu.memory_space<vmem>>, vector<256x128xf32>
    %max3A_9 = arith.constant 0.000000e+00 : f32
    %max3A_10 = vector.broadcast %max3A_9 : f32 to vector<256x128xf32>
    %max3A_11 = arith.maximumf %get3A_8, %max3A_10 : vector<256x128xf32>
    %get3A_12 = arith.constant 0 : index
    %get3A_13 = arith.constant 0 : index
    %get3A_14 = vector.load %arg4[%get3A_12, %get3A_13] : memref<32x16xf32, #tpu.memory_space<vmem>>, vector<32x16xf32>
    %slice3A = vector.extract_strided_slice %get3A_14 {offsets = [0, 0], sizes = [16, 16], strides = [1, 1]} : vector<32x16xf32> to vector<16x16xf32>
    %concatenate3A = tpu.concatenate %slice3A, %slice3A, %slice3A, %slice3A, %slice3A, %slice3A, %slice3A, %slice3A in 0 : vector<16x16xf32>, vector<16x16xf32>, vector<16x16xf32>, vector<16x16xf32>, vector<16x16xf32>, vector<16x16xf32>, vector<16x16xf32>, vector<16x16xf32> -> vector<128x16xf32>
    %concatenate3A_15 = tpu.concatenate %concatenate3A, %concatenate3A, %concatenate3A, %concatenate3A, %concatenate3A, %concatenate3A, %concatenate3A, %concatenate3A in 1 : vector<128x16xf32>, vector<128x16xf32>, vector<128x16xf32>, vector<128x16xf32>, vector<128x16xf32>, vector<128x16xf32>, vector<128x16xf32>, vector<128x16xf32> -> vector<128x128xf32>
    %iota3A = tpu.iota {dimensions = array<i32: 0>} : vector<128x128xi32>
    %jit3A = arith.constant 16 : i32
    %div3A = vector.broadcast %jit3A : i32 to vector<128x128xi32>
    %div3A_16 = arith.divsi %iota3A, %div3A : vector<128x128xi32>
    %sign3A = arith.constant 0 : i32
    %sign3A_17 = vector.broadcast %sign3A : i32 to vector<128x128xi32>
    %sign3A_18 = arith.cmpi sgt, %iota3A, %sign3A_17 : vector<128x128xi32>
    %sign3A_19 = arith.extui %sign3A_18 : vector<128x128xi1> to vector<128x128xi32>
    %sign3A_20 = arith.constant 0 : i32
    %sign3A_21 = vector.broadcast %sign3A_20 : i32 to vector<128x128xi32>
    %sign3A_22 = arith.cmpi slt, %iota3A, %sign3A_21 : vector<128x128xi32>
    %sign3A_23 = arith.extui %sign3A_22 : vector<128x128xi1> to vector<128x128xi32>
    %sign3A_24 = arith.subi %sign3A_19, %sign3A_23 : vector<128x128xi32>
    %sign3A_25 = arith.constant 0 : i32
    %sign3A_26 = arith.cmpi sgt, %jit3A, %sign3A_25 : i32
    %sign3A_27 = arith.extui %sign3A_26 : i1 to i32
    %sign3A_28 = arith.constant 0 : i32
    %sign3A_29 = arith.cmpi slt, %jit3A, %sign3A_28 : i32
    %sign3A_30 = arith.extui %sign3A_29 : i1 to i32
    %sign3A_31 = arith.subi %sign3A_27, %sign3A_30 : i32
    %ne3A = vector.broadcast %sign3A_31 : i32 to vector<128x128xi32>
    %ne3A_32 = arith.cmpi ne, %sign3A_24, %ne3A : vector<128x128xi32>
    %rem3A = vector.broadcast %jit3A : i32 to vector<128x128xi32>
    %rem3A_33 = arith.remsi %iota3A, %rem3A : vector<128x128xi32>
    %ne3A_34 = arith.constant 0 : i32
    %ne3A_35 = vector.broadcast %ne3A_34 : i32 to vector<128x128xi32>
    %ne3A_36 = arith.cmpi ne, %rem3A_33, %ne3A_35 : vector<128x128xi32>
    %and3A = arith.andi %ne3A_32, %ne3A_36 : vector<128x128xi1>
    %sub3A = arith.constant 1 : i32
    %sub3A_37 = vector.broadcast %sub3A : i32 to vector<128x128xi32>
    %sub3A_38 = arith.subi %div3A_16, %sub3A_37 : vector<128x128xi32>
    %select_n3A = arith.select %and3A, %sub3A_38, %div3A_16 : vector<128x128xi1>, vector<128x128xi32>
    %iota3A_39 = tpu.iota {dimensions = array<i32: 1>} : vector<128x128xi32>
    %jit3A_40 = arith.constant 16 : i32
    %div3A_41 = vector.broadcast %jit3A_40 : i32 to vector<128x128xi32>
    %div3A_42 = arith.divsi %iota3A_39, %div3A_41 : vector<128x128xi32>
    %sign3A_43 = arith.constant 0 : i32
    %sign3A_44 = vector.broadcast %sign3A_43 : i32 to vector<128x128xi32>
    %sign3A_45 = arith.cmpi sgt, %iota3A_39, %sign3A_44 : vector<128x128xi32>
    %sign3A_46 = arith.extui %sign3A_45 : vector<128x128xi1> to vector<128x128xi32>
    %sign3A_47 = arith.constant 0 : i32
    %sign3A_48 = vector.broadcast %sign3A_47 : i32 to vector<128x128xi32>
    %sign3A_49 = arith.cmpi slt, %iota3A_39, %sign3A_48 : vector<128x128xi32>
    %sign3A_50 = arith.extui %sign3A_49 : vector<128x128xi1> to vector<128x128xi32>
    %sign3A_51 = arith.subi %sign3A_46, %sign3A_50 : vector<128x128xi32>
    %sign3A_52 = arith.constant 0 : i32
    %sign3A_53 = arith.cmpi sgt, %jit3A_40, %sign3A_52 : i32
    %sign3A_54 = arith.extui %sign3A_53 : i1 to i32
    %sign3A_55 = arith.constant 0 : i32
    %sign3A_56 = arith.cmpi slt, %jit3A_40, %sign3A_55 : i32
    %sign3A_57 = arith.extui %sign3A_56 : i1 to i32
    %sign3A_58 = arith.subi %sign3A_54, %sign3A_57 : i32
    %ne3A_59 = vector.broadcast %sign3A_58 : i32 to vector<128x128xi32>
    %ne3A_60 = arith.cmpi ne, %sign3A_51, %ne3A_59 : vector<128x128xi32>
    %rem3A_61 = vector.broadcast %jit3A_40 : i32 to vector<128x128xi32>
    %rem3A_62 = arith.remsi %iota3A_39, %rem3A_61 : vector<128x128xi32>
    %ne3A_63 = arith.constant 0 : i32
    %ne3A_64 = vector.broadcast %ne3A_63 : i32 to vector<128x128xi32>
    %ne3A_65 = arith.cmpi ne, %rem3A_62, %ne3A_64 : vector<128x128xi32>
    %and3A_66 = arith.andi %ne3A_60, %ne3A_65 : vector<128x128xi1>
    %sub3A_67 = arith.constant 1 : i32
    %sub3A_68 = vector.broadcast %sub3A_67 : i32 to vector<128x128xi32>
    %sub3A_69 = arith.subi %div3A_42, %sub3A_68 : vector<128x128xi32>
    %select_n3A_70 = arith.select %and3A_66, %sub3A_69, %div3A_42 : vector<128x128xi1>, vector<128x128xi32>
    %eq3A_71 = arith.cmpi eq, %select_n3A, %select_n3A_70 : vector<128x128xi32>
    %convert_element_type3A_72 = arith.extui %eq3A_71 : vector<128x128xi1> to vector<128x128xi32>
    %convert_element_type3A_73 = arith.sitofp %convert_element_type3A_72 : vector<128x128xi32> to vector<128x128xf32>
    %mul3A = arith.mulf %concatenate3A_15, %convert_element_type3A_73 : vector<128x128xf32>
    %dot_general3A = arith.constant dense<0.000000e+00> : vector<256x128xf32>
    %dot_general3A_74 = tpu.matmul %max3A_5, %mul3A, %dot_general3A {dimension_numbers = #tpu.dot_dimension_numbers<[1], [0], [0], [1], [0, 0, 1, 1], [], []>, transpose_lhs_hint = false} : vector<256x128xf32>, vector<128x128xf32>, vector<256x128xf32> -> vector<256x128xf32>
    %slice3A_75 = vector.extract_strided_slice %get3A_14 {offsets = [16, 0], sizes = [16, 16], strides = [1, 1]} : vector<32x16xf32> to vector<16x16xf32>
    %concatenate3A_76 = tpu.concatenate %slice3A_75, %slice3A_75, %slice3A_75, %slice3A_75, %slice3A_75, %slice3A_75, %slice3A_75, %slice3A_75 in 0 : vector<16x16xf32>, vector<16x16xf32>, vector<16x16xf32>, vector<16x16xf32>, vector<16x16xf32>, vector<16x16xf32>, vector<16x16xf32>, vector<16x16xf32> -> vector<128x16xf32>
    %concatenate3A_77 = tpu.concatenate %concatenate3A_76, %concatenate3A_76, %concatenate3A_76, %concatenate3A_76, %concatenate3A_76, %concatenate3A_76, %concatenate3A_76, %concatenate3A_76 in 1 : vector<128x16xf32>, vector<128x16xf32>, vector<128x16xf32>, vector<128x16xf32>, vector<128x16xf32>, vector<128x16xf32>, vector<128x16xf32>, vector<128x16xf32> -> vector<128x128xf32>
    %iota3A_78 = tpu.iota {dimensions = array<i32: 0>} : vector<128x128xi32>
    %jit3A_79 = arith.constant 16 : i32
    %div3A_80 = vector.broadcast %jit3A_79 : i32 to vector<128x128xi32>
    %div3A_81 = arith.divsi %iota3A_78, %div3A_80 : vector<128x128xi32>
    %sign3A_82 = arith.constant 0 : i32
    %sign3A_83 = vector.broadcast %sign3A_82 : i32 to vector<128x128xi32>
    %sign3A_84 = arith.cmpi sgt, %iota3A_78, %sign3A_83 : vector<128x128xi32>
    %sign3A_85 = arith.extui %sign3A_84 : vector<128x128xi1> to vector<128x128xi32>
    %sign3A_86 = arith.constant 0 : i32
    %sign3A_87 = vector.broadcast %sign3A_86 : i32 to vector<128x128xi32>
    %sign3A_88 = arith.cmpi slt, %iota3A_78, %sign3A_87 : vector<128x128xi32>
    %sign3A_89 = arith.extui %sign3A_88 : vector<128x128xi1> to vector<128x128xi32>
    %sign3A_90 = arith.subi %sign3A_85, %sign3A_89 : vector<128x128xi32>
    %sign3A_91 = arith.constant 0 : i32
    %sign3A_92 = arith.cmpi sgt, %jit3A_79, %sign3A_91 : i32
    %sign3A_93 = arith.extui %sign3A_92 : i1 to i32
    %sign3A_94 = arith.constant 0 : i32
    %sign3A_95 = arith.cmpi slt, %jit3A_79, %sign3A_94 : i32
    %sign3A_96 = arith.extui %sign3A_95 : i1 to i32
    %sign3A_97 = arith.subi %sign3A_93, %sign3A_96 : i32
    %ne3A_98 = vector.broadcast %sign3A_97 : i32 to vector<128x128xi32>
    %ne3A_99 = arith.cmpi ne, %sign3A_90, %ne3A_98 : vector<128x128xi32>
    %rem3A_100 = vector.broadcast %jit3A_79 : i32 to vector<128x128xi32>
    %rem3A_101 = arith.remsi %iota3A_78, %rem3A_100 : vector<128x128xi32>
    %ne3A_102 = arith.constant 0 : i32
    %ne3A_103 = vector.broadcast %ne3A_102 : i32 to vector<128x128xi32>
    %ne3A_104 = arith.cmpi ne, %rem3A_101, %ne3A_103 : vector<128x128xi32>
    %and3A_105 = arith.andi %ne3A_99, %ne3A_104 : vector<128x128xi1>
    %sub3A_106 = arith.constant 1 : i32
    %sub3A_107 = vector.broadcast %sub3A_106 : i32 to vector<128x128xi32>
    %sub3A_108 = arith.subi %div3A_81, %sub3A_107 : vector<128x128xi32>
    %select_n3A_109 = arith.select %and3A_105, %sub3A_108, %div3A_81 : vector<128x128xi1>, vector<128x128xi32>
    %iota3A_110 = tpu.iota {dimensions = array<i32: 1>} : vector<128x128xi32>
    %jit3A_111 = arith.constant 16 : i32
    %div3A_112 = vector.broadcast %jit3A_111 : i32 to vector<128x128xi32>
    %div3A_113 = arith.divsi %iota3A_110, %div3A_112 : vector<128x128xi32>
    %sign3A_114 = arith.constant 0 : i32
    %sign3A_115 = vector.broadcast %sign3A_114 : i32 to vector<128x128xi32>
    %sign3A_116 = arith.cmpi sgt, %iota3A_110, %sign3A_115 : vector<128x128xi32>
    %sign3A_117 = arith.extui %sign3A_116 : vector<128x128xi1> to vector<128x128xi32>
    %sign3A_118 = arith.constant 0 : i32
    %sign3A_119 = vector.broadcast %sign3A_118 : i32 to vector<128x128xi32>
    %sign3A_120 = arith.cmpi slt, %iota3A_110, %sign3A_119 : vector<128x128xi32>
    %sign3A_121 = arith.extui %sign3A_120 : vector<128x128xi1> to vector<128x128xi32>
    %sign3A_122 = arith.subi %sign3A_117, %sign3A_121 : vector<128x128xi32>
    %sign3A_123 = arith.constant 0 : i32
    %sign3A_124 = arith.cmpi sgt, %jit3A_111, %sign3A_123 : i32
    %sign3A_125 = arith.extui %sign3A_124 : i1 to i32
    %sign3A_126 = arith.constant 0 : i32
    %sign3A_127 = arith.cmpi slt, %jit3A_111, %sign3A_126 : i32
    %sign3A_128 = arith.extui %sign3A_127 : i1 to i32
    %sign3A_129 = arith.subi %sign3A_125, %sign3A_128 : i32
    %ne3A_130 = vector.broadcast %sign3A_129 : i32 to vector<128x128xi32>
    %ne3A_131 = arith.cmpi ne, %sign3A_122, %ne3A_130 : vector<128x128xi32>
    %rem3A_132 = vector.broadcast %jit3A_111 : i32 to vector<128x128xi32>
    %rem3A_133 = arith.remsi %iota3A_110, %rem3A_132 : vector<128x128xi32>
    %ne3A_134 = arith.constant 0 : i32
    %ne3A_135 = vector.broadcast %ne3A_134 : i32 to vector<128x128xi32>
    %ne3A_136 = arith.cmpi ne, %rem3A_133, %ne3A_135 : vector<128x128xi32>
    %and3A_137 = arith.andi %ne3A_131, %ne3A_136 : vector<128x128xi1>
    %sub3A_138 = arith.constant 1 : i32
    %sub3A_139 = vector.broadcast %sub3A_138 : i32 to vector<128x128xi32>
    %sub3A_140 = arith.subi %div3A_113, %sub3A_139 : vector<128x128xi32>
    %select_n3A_141 = arith.select %and3A_137, %sub3A_140, %div3A_113 : vector<128x128xi1>, vector<128x128xi32>
    %eq3A_142 = arith.cmpi eq, %select_n3A_109, %select_n3A_141 : vector<128x128xi32>
    %convert_element_type3A_143 = arith.extui %eq3A_142 : vector<128x128xi1> to vector<128x128xi32>
    %convert_element_type3A_144 = arith.sitofp %convert_element_type3A_143 : vector<128x128xi32> to vector<128x128xf32>
    %mul3A_145 = arith.mulf %concatenate3A_77, %convert_element_type3A_144 : vector<128x128xf32>
    %dot_general3A_146 = arith.constant dense<0.000000e+00> : vector<256x128xf32>
    %dot_general3A_147 = tpu.matmul %max3A_11, %mul3A_145, %dot_general3A_146 {dimension_numbers = #tpu.dot_dimension_numbers<[1], [0], [0], [1], [0, 0, 1, 1], [], []>, transpose_lhs_hint = false} : vector<256x128xf32>, vector<128x128xf32>, vector<256x128xf32> -> vector<256x128xf32>
    %add3A = arith.addf %dot_general3A_74, %dot_general3A_147 : vector<256x128xf32>
    %get3A_148 = arith.constant 0 : index
    %get3A_149 = vector.load %arg5[%get3A_148] : memref<16xf32, #tpu.memory_space<vmem>>, vector<16xf32>
    %concatenate3A_150 = tpu.concatenate %get3A_149, %get3A_149, %get3A_149, %get3A_149, %get3A_149, %get3A_149, %get3A_149, %get3A_149 in 0 : vector<16xf32>, vector<16xf32>, vector<16xf32>, vector<16xf32>, vector<16xf32>, vector<16xf32>, vector<16xf32>, vector<16xf32> -> vector<128xf32>
    %broadcast_in_dim3A = vector.shape_cast %concatenate3A_150 : vector<128xf32> to vector<1x128xf32>
    %add3A_151 = vector.broadcast %broadcast_in_dim3A : vector<1x128xf32> to vector<256x128xf32>
    %add3A_152 = arith.addf %add3A, %add3A_151 : vector<256x128xf32>
    %max3A_153 = arith.constant 0.000000e+00 : f32
    %max3A_154 = vector.broadcast %max3A_153 : f32 to vector<256x128xf32>
    %max3A_155 = arith.maximumf %add3A_152, %max3A_154 : vector<256x128xf32>
    %get3A_156 = arith.constant 0 : index
    %get3A_157 = arith.constant 0 : index
    %get3A_158 = vector.load %arg6[%get3A_156, %get3A_157] : memref<16x8xf32, #tpu.memory_space<vmem>>, vector<16x8xf32>
    %concatenate3A_159 = tpu.concatenate %get3A_158, %get3A_158, %get3A_158, %get3A_158, %get3A_158, %get3A_158, %get3A_158, %get3A_158 in 0 : vector<16x8xf32>, vector<16x8xf32>, vector<16x8xf32>, vector<16x8xf32>, vector<16x8xf32>, vector<16x8xf32>, vector<16x8xf32>, vector<16x8xf32> -> vector<128x8xf32>
    %concatenate3A_160 = tpu.concatenate %concatenate3A_159, %concatenate3A_159, %concatenate3A_159, %concatenate3A_159, %concatenate3A_159, %concatenate3A_159, %concatenate3A_159, %concatenate3A_159 in 1 : vector<128x8xf32>, vector<128x8xf32>, vector<128x8xf32>, vector<128x8xf32>, vector<128x8xf32>, vector<128x8xf32>, vector<128x8xf32>, vector<128x8xf32> -> vector<128x64xf32>
    %iota3A_161 = tpu.iota {dimensions = array<i32: 0>} : vector<128x64xi32>
    %jit3A_162 = arith.constant 16 : i32
    %div3A_163 = vector.broadcast %jit3A_162 : i32 to vector<128x64xi32>
    %div3A_164 = arith.divsi %iota3A_161, %div3A_163 : vector<128x64xi32>
    %sign3A_165 = arith.constant 0 : i32
    %sign3A_166 = vector.broadcast %sign3A_165 : i32 to vector<128x64xi32>
    %sign3A_167 = arith.cmpi sgt, %iota3A_161, %sign3A_166 : vector<128x64xi32>
    %sign3A_168 = arith.extui %sign3A_167 : vector<128x64xi1> to vector<128x64xi32>
    %sign3A_169 = arith.constant 0 : i32
    %sign3A_170 = vector.broadcast %sign3A_169 : i32 to vector<128x64xi32>
    %sign3A_171 = arith.cmpi slt, %iota3A_161, %sign3A_170 : vector<128x64xi32>
    %sign3A_172 = arith.extui %sign3A_171 : vector<128x64xi1> to vector<128x64xi32>
    %sign3A_173 = arith.subi %sign3A_168, %sign3A_172 : vector<128x64xi32>
    %sign3A_174 = arith.constant 0 : i32
    %sign3A_175 = arith.cmpi sgt, %jit3A_162, %sign3A_174 : i32
    %sign3A_176 = arith.extui %sign3A_175 : i1 to i32
    %sign3A_177 = arith.constant 0 : i32
    %sign3A_178 = arith.cmpi slt, %jit3A_162, %sign3A_177 : i32
    %sign3A_179 = arith.extui %sign3A_178 : i1 to i32
    %sign3A_180 = arith.subi %sign3A_176, %sign3A_179 : i32
    %ne3A_181 = vector.broadcast %sign3A_180 : i32 to vector<128x64xi32>
    %ne3A_182 = arith.cmpi ne, %sign3A_173, %ne3A_181 : vector<128x64xi32>
    %rem3A_183 = vector.broadcast %jit3A_162 : i32 to vector<128x64xi32>
    %rem3A_184 = arith.remsi %iota3A_161, %rem3A_183 : vector<128x64xi32>
    %ne3A_185 = arith.constant 0 : i32
    %ne3A_186 = vector.broadcast %ne3A_185 : i32 to vector<128x64xi32>
    %ne3A_187 = arith.cmpi ne, %rem3A_184, %ne3A_186 : vector<128x64xi32>
    %and3A_188 = arith.andi %ne3A_182, %ne3A_187 : vector<128x64xi1>
    %sub3A_189 = arith.constant 1 : i32
    %sub3A_190 = vector.broadcast %sub3A_189 : i32 to vector<128x64xi32>
    %sub3A_191 = arith.subi %div3A_164, %sub3A_190 : vector<128x64xi32>
    %select_n3A_192 = arith.select %and3A_188, %sub3A_191, %div3A_164 : vector<128x64xi1>, vector<128x64xi32>
    %iota3A_193 = tpu.iota {dimensions = array<i32: 1>} : vector<128x64xi32>
    %jit3A_194 = arith.constant 8 : i32
    %div3A_195 = vector.broadcast %jit3A_194 : i32 to vector<128x64xi32>
    %div3A_196 = arith.divsi %iota3A_193, %div3A_195 : vector<128x64xi32>
    %sign3A_197 = arith.constant 0 : i32
    %sign3A_198 = vector.broadcast %sign3A_197 : i32 to vector<128x64xi32>
    %sign3A_199 = arith.cmpi sgt, %iota3A_193, %sign3A_198 : vector<128x64xi32>
    %sign3A_200 = arith.extui %sign3A_199 : vector<128x64xi1> to vector<128x64xi32>
    %sign3A_201 = arith.constant 0 : i32
    %sign3A_202 = vector.broadcast %sign3A_201 : i32 to vector<128x64xi32>
    %sign3A_203 = arith.cmpi slt, %iota3A_193, %sign3A_202 : vector<128x64xi32>
    %sign3A_204 = arith.extui %sign3A_203 : vector<128x64xi1> to vector<128x64xi32>
    %sign3A_205 = arith.subi %sign3A_200, %sign3A_204 : vector<128x64xi32>
    %sign3A_206 = arith.constant 0 : i32
    %sign3A_207 = arith.cmpi sgt, %jit3A_194, %sign3A_206 : i32
    %sign3A_208 = arith.extui %sign3A_207 : i1 to i32
    %sign3A_209 = arith.constant 0 : i32
    %sign3A_210 = arith.cmpi slt, %jit3A_194, %sign3A_209 : i32
    %sign3A_211 = arith.extui %sign3A_210 : i1 to i32
    %sign3A_212 = arith.subi %sign3A_208, %sign3A_211 : i32
    %ne3A_213 = vector.broadcast %sign3A_212 : i32 to vector<128x64xi32>
    %ne3A_214 = arith.cmpi ne, %sign3A_205, %ne3A_213 : vector<128x64xi32>
    %rem3A_215 = vector.broadcast %jit3A_194 : i32 to vector<128x64xi32>
    %rem3A_216 = arith.remsi %iota3A_193, %rem3A_215 : vector<128x64xi32>
    %ne3A_217 = arith.constant 0 : i32
    %ne3A_218 = vector.broadcast %ne3A_217 : i32 to vector<128x64xi32>
    %ne3A_219 = arith.cmpi ne, %rem3A_216, %ne3A_218 : vector<128x64xi32>
    %and3A_220 = arith.andi %ne3A_214, %ne3A_219 : vector<128x64xi1>
    %sub3A_221 = arith.constant 1 : i32
    %sub3A_222 = vector.broadcast %sub3A_221 : i32 to vector<128x64xi32>
    %sub3A_223 = arith.subi %div3A_196, %sub3A_222 : vector<128x64xi32>
    %select_n3A_224 = arith.select %and3A_220, %sub3A_223, %div3A_196 : vector<128x64xi1>, vector<128x64xi32>
    %eq3A_225 = arith.cmpi eq, %select_n3A_192, %select_n3A_224 : vector<128x64xi32>
    %convert_element_type3A_226 = arith.extui %eq3A_225 : vector<128x64xi1> to vector<128x64xi32>
    %convert_element_type3A_227 = arith.sitofp %convert_element_type3A_226 : vector<128x64xi32> to vector<128x64xf32>
    %mul3A_228 = arith.mulf %concatenate3A_160, %convert_element_type3A_227 : vector<128x64xf32>
    %dot_general3A_229 = arith.constant dense<0.000000e+00> : vector<256x64xf32>
    %dot_general3A_230 = tpu.matmul %max3A_155, %mul3A_228, %dot_general3A_229 {dimension_numbers = #tpu.dot_dimension_numbers<[1], [0], [0], [1], [0, 0, 1, 1], [], []>, transpose_lhs_hint = false} : vector<256x128xf32>, vector<128x64xf32>, vector<256x64xf32> -> vector<256x64xf32>
    %get3A_231 = arith.constant 0 : index
    %get3A_232 = vector.load %arg7[%get3A_231] : memref<8xf32, #tpu.memory_space<vmem>>, vector<8xf32>
    %concatenate3A_233 = tpu.concatenate %get3A_232, %get3A_232, %get3A_232, %get3A_232, %get3A_232, %get3A_232, %get3A_232, %get3A_232 in 0 : vector<8xf32>, vector<8xf32>, vector<8xf32>, vector<8xf32>, vector<8xf32>, vector<8xf32>, vector<8xf32>, vector<8xf32> -> vector<64xf32>
    %broadcast_in_dim3A_234 = vector.shape_cast %concatenate3A_233 : vector<64xf32> to vector<1x64xf32>
    %add3A_235 = vector.broadcast %broadcast_in_dim3A_234 : vector<1x64xf32> to vector<256x64xf32>
    %add3A_236 = arith.addf %dot_general3A_230, %add3A_235 : vector<256x64xf32>
    %max3A_237 = arith.constant 0.000000e+00 : f32
    %max3A_238 = vector.broadcast %max3A_237 : f32 to vector<256x64xf32>
    %max3A_239 = arith.maximumf %add3A_236, %max3A_238 : vector<256x64xf32>
    %get3A_240 = arith.constant 0 : index
    %get3A_241 = arith.constant 0 : index
    %get3A_242 = vector.load %arg8[%get3A_240, %get3A_241] : memref<8x1xf32, #tpu.memory_space<vmem>>, vector<8x1xf32>
    %concatenate3A_243 = tpu.concatenate %get3A_242, %get3A_242, %get3A_242, %get3A_242, %get3A_242, %get3A_242, %get3A_242, %get3A_242 in 0 : vector<8x1xf32>, vector<8x1xf32>, vector<8x1xf32>, vector<8x1xf32>, vector<8x1xf32>, vector<8x1xf32>, vector<8x1xf32>, vector<8x1xf32> -> vector<64x1xf32>
    %concatenate3A_244 = tpu.concatenate %concatenate3A_243, %concatenate3A_243, %concatenate3A_243, %concatenate3A_243, %concatenate3A_243, %concatenate3A_243, %concatenate3A_243, %concatenate3A_243 in 1 : vector<64x1xf32>, vector<64x1xf32>, vector<64x1xf32>, vector<64x1xf32>, vector<64x1xf32>, vector<64x1xf32>, vector<64x1xf32>, vector<64x1xf32> -> vector<64x8xf32>
    %iota3A_245 = tpu.iota {dimensions = array<i32: 0>} : vector<64x8xi32>
    %jit3A_246 = arith.constant 8 : i32
    %div3A_247 = vector.broadcast %jit3A_246 : i32 to vector<64x8xi32>
    %div3A_248 = arith.divsi %iota3A_245, %div3A_247 : vector<64x8xi32>
    %sign3A_249 = arith.constant 0 : i32
    %sign3A_250 = vector.broadcast %sign3A_249 : i32 to vector<64x8xi32>
    %sign3A_251 = arith.cmpi sgt, %iota3A_245, %sign3A_250 : vector<64x8xi32>
    %sign3A_252 = arith.extui %sign3A_251 : vector<64x8xi1> to vector<64x8xi32>
    %sign3A_253 = arith.constant 0 : i32
    %sign3A_254 = vector.broadcast %sign3A_253 : i32 to vector<64x8xi32>
    %sign3A_255 = arith.cmpi slt, %iota3A_245, %sign3A_254 : vector<64x8xi32>
    %sign3A_256 = arith.extui %sign3A_255 : vector<64x8xi1> to vector<64x8xi32>
    %sign3A_257 = arith.subi %sign3A_252, %sign3A_256 : vector<64x8xi32>
    %sign3A_258 = arith.constant 0 : i32
    %sign3A_259 = arith.cmpi sgt, %jit3A_246, %sign3A_258 : i32
    %sign3A_260 = arith.extui %sign3A_259 : i1 to i32
    %sign3A_261 = arith.constant 0 : i32
    %sign3A_262 = arith.cmpi slt, %jit3A_246, %sign3A_261 : i32
    %sign3A_263 = arith.extui %sign3A_262 : i1 to i32
    %sign3A_264 = arith.subi %sign3A_260, %sign3A_263 : i32
    %ne3A_265 = vector.broadcast %sign3A_264 : i32 to vector<64x8xi32>
    %ne3A_266 = arith.cmpi ne, %sign3A_257, %ne3A_265 : vector<64x8xi32>
    %rem3A_267 = vector.broadcast %jit3A_246 : i32 to vector<64x8xi32>
    %rem3A_268 = arith.remsi %iota3A_245, %rem3A_267 : vector<64x8xi32>
    %ne3A_269 = arith.constant 0 : i32
    %ne3A_270 = vector.broadcast %ne3A_269 : i32 to vector<64x8xi32>
    %ne3A_271 = arith.cmpi ne, %rem3A_268, %ne3A_270 : vector<64x8xi32>
    %and3A_272 = arith.andi %ne3A_266, %ne3A_271 : vector<64x8xi1>
    %sub3A_273 = arith.constant 1 : i32
    %sub3A_274 = vector.broadcast %sub3A_273 : i32 to vector<64x8xi32>
    %sub3A_275 = arith.subi %div3A_248, %sub3A_274 : vector<64x8xi32>
    %select_n3A_276 = arith.select %and3A_272, %sub3A_275, %div3A_248 : vector<64x8xi1>, vector<64x8xi32>
    %iota3A_277 = tpu.iota {dimensions = array<i32: 1>} : vector<64x8xi32>
    %jit3A_278 = arith.constant 1 : i32
    %div3A_279 = vector.broadcast %jit3A_278 : i32 to vector<64x8xi32>
    %div3A_280 = arith.divsi %iota3A_277, %div3A_279 : vector<64x8xi32>
    %sign3A_281 = arith.constant 0 : i32
    %sign3A_282 = vector.broadcast %sign3A_281 : i32 to vector<64x8xi32>
    %sign3A_283 = arith.cmpi sgt, %iota3A_277, %sign3A_282 : vector<64x8xi32>
    %sign3A_284 = arith.extui %sign3A_283 : vector<64x8xi1> to vector<64x8xi32>
    %sign3A_285 = arith.constant 0 : i32
    %sign3A_286 = vector.broadcast %sign3A_285 : i32 to vector<64x8xi32>
    %sign3A_287 = arith.cmpi slt, %iota3A_277, %sign3A_286 : vector<64x8xi32>
    %sign3A_288 = arith.extui %sign3A_287 : vector<64x8xi1> to vector<64x8xi32>
    %sign3A_289 = arith.subi %sign3A_284, %sign3A_288 : vector<64x8xi32>
    %sign3A_290 = arith.constant 0 : i32
    %sign3A_291 = arith.cmpi sgt, %jit3A_278, %sign3A_290 : i32
    %sign3A_292 = arith.extui %sign3A_291 : i1 to i32
    %sign3A_293 = arith.constant 0 : i32
    %sign3A_294 = arith.cmpi slt, %jit3A_278, %sign3A_293 : i32
    %sign3A_295 = arith.extui %sign3A_294 : i1 to i32
    %sign3A_296 = arith.subi %sign3A_292, %sign3A_295 : i32
    %ne3A_297 = vector.broadcast %sign3A_296 : i32 to vector<64x8xi32>
    %ne3A_298 = arith.cmpi ne, %sign3A_289, %ne3A_297 : vector<64x8xi32>
    %rem3A_299 = vector.broadcast %jit3A_278 : i32 to vector<64x8xi32>
    %rem3A_300 = arith.remsi %iota3A_277, %rem3A_299 : vector<64x8xi32>
    %ne3A_301 = arith.constant 0 : i32
    %ne3A_302 = vector.broadcast %ne3A_301 : i32 to vector<64x8xi32>
    %ne3A_303 = arith.cmpi ne, %rem3A_300, %ne3A_302 : vector<64x8xi32>
    %and3A_304 = arith.andi %ne3A_298, %ne3A_303 : vector<64x8xi1>
    %sub3A_305 = arith.constant 1 : i32
    %sub3A_306 = vector.broadcast %sub3A_305 : i32 to vector<64x8xi32>
    %sub3A_307 = arith.subi %div3A_280, %sub3A_306 : vector<64x8xi32>
    %select_n3A_308 = arith.select %and3A_304, %sub3A_307, %div3A_280 : vector<64x8xi1>, vector<64x8xi32>
    %eq3A_309 = arith.cmpi eq, %select_n3A_276, %select_n3A_308 : vector<64x8xi32>
    %convert_element_type3A_310 = arith.extui %eq3A_309 : vector<64x8xi1> to vector<64x8xi32>
    %convert_element_type3A_311 = arith.sitofp %convert_element_type3A_310 : vector<64x8xi32> to vector<64x8xf32>
    %mul3A_312 = arith.mulf %concatenate3A_244, %convert_element_type3A_311 : vector<64x8xf32>
    %dot_general3A_313 = arith.constant dense<0.000000e+00> : vector<256x8xf32>
    %dot_general3A_314 = tpu.matmul %max3A_239, %mul3A_312, %dot_general3A_313 {dimension_numbers = #tpu.dot_dimension_numbers<[1], [0], [0], [1], [0, 0, 1, 1], [], []>, transpose_lhs_hint = false} : vector<256x64xf32>, vector<64x8xf32>, vector<256x8xf32> -> vector<256x8xf32>
    %get3A_315 = arith.constant 0 : index
    %get3A_316 = vector.load %arg9[%get3A_315] : memref<1xf32, #tpu.memory_space<vmem>>, vector<1xf32>
    %get3A_317 = vector.extract %get3A_316[0] : f32 from vector<1xf32>
    %add3A_318 = vector.broadcast %get3A_317 : f32 to vector<256x8xf32>
    %add3A_319 = arith.addf %dot_general3A_314, %add3A_318 : vector<256x8xf32>
    %broadcast_in_dim3A_320 = arith.constant 1.000000e+00 : f32
    %broadcast_in_dim3A_321 = vector.broadcast %broadcast_in_dim3A_320 : f32 to vector<256x1xf32>
    %iota3A_322 = tpu.iota {dimensions = array<i32: 0>} : vector<64x256xi32>
    %get3A_323 = arith.constant 0 : index
    %get3A_324 = arith.constant 0 : index
    %get3A_325 = vector.load %arg3[%get3A_323, %get3A_324] : memref<8x256xi32, #tpu.memory_space<vmem>>, vector<1x256xi32>
    %broadcast_in_dim3A_326 = vector.shape_cast %get3A_325 : vector<1x256xi32> to vector<1x256xi32>
    %broadcast_in_dim3A_327 = vector.broadcast %broadcast_in_dim3A_326 : vector<1x256xi32> to vector<64x256xi32>
    %eq3A_328 = arith.cmpi eq, %broadcast_in_dim3A_327, %iota3A_322 : vector<64x256xi32>
    %convert_element_type3A_329 = arith.extui %eq3A_328 : vector<64x256xi1> to vector<64x256xi32>
    %convert_element_type3A_330 = arith.sitofp %convert_element_type3A_329 : vector<64x256xi32> to vector<64x256xf32>
    %slice3A_331 = vector.extract_strided_slice %add3A_319 {offsets = [0, 0], sizes = [256, 1], strides = [1, 1]} : vector<256x8xf32> to vector<256x1xf32>
    %concatenate3A_332 = tpu.concatenate %slice3A_331, %broadcast_in_dim3A_321 in 1 : vector<256x1xf32>, vector<256x1xf32> -> vector<256x2xf32>
    %get3A_333 = arith.constant 0 : index
    %get3A_334 = arith.constant 0 : index
    %get3A_335 = vector.load %arg11[%get3A_333, %get3A_334] : memref<64x2xf32, #tpu.memory_space<vmem>>, vector<64x2xf32>
    %dot_general3A_336 = arith.constant dense<0.000000e+00> : vector<64x2xf32>
    %dot_general3A_337 = tpu.matmul %convert_element_type3A_330, %concatenate3A_332, %dot_general3A_336 {dimension_numbers = #tpu.dot_dimension_numbers<[1], [0], [0], [1], [0, 0, 1, 1], [], []>, transpose_lhs_hint = false} : vector<64x256xf32>, vector<256x2xf32>, vector<64x2xf32> -> vector<64x2xf32>
    %add3A_338 = arith.addf %get3A_335, %dot_general3A_337 : vector<64x2xf32>
    %swap3A = arith.constant 0 : index
    %swap3A_339 = arith.constant 0 : index
    %swap3A_340 = vector.load %arg11[%swap3A, %swap3A_339] : memref<64x2xf32, #tpu.memory_space<vmem>>, vector<64x2xf32>
    tpu.vector_store %arg11[%swap3A, %swap3A_339], %add3A_338 {strides = array<i32>} : memref<64x2xf32, #tpu.memory_space<vmem>>, vector<64x2xf32>,
    %get3A_341 = arith.constant 1 : index
    %get3A_342 = arith.constant 0 : index
    %get3A_343 = vector.load %arg3[%get3A_341, %get3A_342] : memref<8x256xi32, #tpu.memory_space<vmem>>, vector<1x256xi32>
    %broadcast_in_dim3A_344 = vector.shape_cast %get3A_343 : vector<1x256xi32> to vector<1x256xi32>
    %broadcast_in_dim3A_345 = vector.broadcast %broadcast_in_dim3A_344 : vector<1x256xi32> to vector<64x256xi32>
    %eq3A_346 = arith.cmpi eq, %broadcast_in_dim3A_345, %iota3A_322 : vector<64x256xi32>
    %convert_element_type3A_347 = arith.extui %eq3A_346 : vector<64x256xi1> to vector<64x256xi32>
    %convert_element_type3A_348 = arith.sitofp %convert_element_type3A_347 : vector<64x256xi32> to vector<64x256xf32>
    %slice3A_349 = vector.extract_strided_slice %add3A_319 {offsets = [0, 1], sizes = [256, 1], strides = [1, 1]} : vector<256x8xf32> to vector<256x1xf32>
    %concatenate3A_350 = tpu.concatenate %slice3A_349, %broadcast_in_dim3A_321 in 1 : vector<256x1xf32>, vector<256x1xf32> -> vector<256x2xf32>
    %get3A_351 = arith.constant 0 : index
    %get3A_352 = arith.constant 0 : index
    %get3A_353 = vector.load %arg11[%get3A_351, %get3A_352] : memref<64x2xf32, #tpu.memory_space<vmem>>, vector<64x2xf32>
    %dot_general3A_354 = arith.constant dense<0.000000e+00> : vector<64x2xf32>
    %dot_general3A_355 = tpu.matmul %convert_element_type3A_348, %concatenate3A_350, %dot_general3A_354 {dimension_numbers = #tpu.dot_dimension_numbers<[1], [0], [0], [1], [0, 0, 1, 1], [], []>, transpose_lhs_hint = false} : vector<64x256xf32>, vector<256x2xf32>, vector<64x2xf32> -> vector<64x2xf32>
    %add3A_356 = arith.addf %get3A_353, %dot_general3A_355 : vector<64x2xf32>
    %swap3A_357 = arith.constant 0 : index
    %swap3A_358 = arith.constant 0 : index
    %swap3A_359 = vector.load %arg11[%swap3A_357, %swap3A_358] : memref<64x2xf32, #tpu.memory_space<vmem>>, vector<64x2xf32>
    tpu.vector_store %arg11[%swap3A_357, %swap3A_358], %add3A_356 {strides = array<i32>} : memref<64x2xf32, #tpu.memory_space<vmem>>, vector<64x2xf32>,
    %get3A_360 = arith.constant 2 : index
    %get3A_361 = arith.constant 0 : index
    %get3A_362 = vector.load %arg3[%get3A_360, %get3A_361] : memref<8x256xi32, #tpu.memory_space<vmem>>, vector<1x256xi32>
    %broadcast_in_dim3A_363 = vector.shape_cast %get3A_362 : vector<1x256xi32> to vector<1x256xi32>
    %broadcast_in_dim3A_364 = vector.broadcast %broadcast_in_dim3A_363 : vector<1x256xi32> to vector<64x256xi32>
    %eq3A_365 = arith.cmpi eq, %broadcast_in_dim3A_364, %iota3A_322 : vector<64x256xi32>
    %convert_element_type3A_366 = arith.extui %eq3A_365 : vector<64x256xi1> to vector<64x256xi32>
    %convert_element_type3A_367 = arith.sitofp %convert_element_type3A_366 : vector<64x256xi32> to vector<64x256xf32>
    %slice3A_368 = vector.extract_strided_slice %add3A_319 {offsets = [0, 2], sizes = [256, 1], strides = [1, 1]} : vector<256x8xf32> to vector<256x1xf32>
    %concatenate3A_369 = tpu.concatenate %slice3A_368, %broadcast_in_dim3A_321 in 1 : vector<256x1xf32>, vector<256x1xf32> -> vector<256x2xf32>
    %get3A_370 = arith.constant 0 : index
    %get3A_371 = arith.constant 0 : index
    %get3A_372 = vector.load %arg11[%get3A_370, %get3A_371] : memref<64x2xf32, #tpu.memory_space<vmem>>, vector<64x2xf32>
    %dot_general3A_373 = arith.constant dense<0.000000e+00> : vector<64x2xf32>
    %dot_general3A_374 = tpu.matmul %convert_element_type3A_367, %concatenate3A_369, %dot_general3A_373 {dimension_numbers = #tpu.dot_dimension_numbers<[1], [0], [0], [1], [0, 0, 1, 1], [], []>, transpose_lhs_hint = false} : vector<64x256xf32>, vector<256x2xf32>, vector<64x2xf32> -> vector<64x2xf32>
    %add3A_375 = arith.addf %get3A_372, %dot_general3A_374 : vector<64x2xf32>
    %swap3A_376 = arith.constant 0 : index
    %swap3A_377 = arith.constant 0 : index
    %swap3A_378 = vector.load %arg11[%swap3A_376, %swap3A_377] : memref<64x2xf32, #tpu.memory_space<vmem>>, vector<64x2xf32>
    tpu.vector_store %arg11[%swap3A_376, %swap3A_377], %add3A_375 {strides = array<i32>} : memref<64x2xf32, #tpu.memory_space<vmem>>, vector<64x2xf32>,
    %get3A_379 = arith.constant 3 : index
    %get3A_380 = arith.constant 0 : index
    %get3A_381 = vector.load %arg3[%get3A_379, %get3A_380] : memref<8x256xi32, #tpu.memory_space<vmem>>, vector<1x256xi32>
    %broadcast_in_dim3A_382 = vector.shape_cast %get3A_381 : vector<1x256xi32> to vector<1x256xi32>
    %broadcast_in_dim3A_383 = vector.broadcast %broadcast_in_dim3A_382 : vector<1x256xi32> to vector<64x256xi32>
    %eq3A_384 = arith.cmpi eq, %broadcast_in_dim3A_383, %iota3A_322 : vector<64x256xi32>
    %convert_element_type3A_385 = arith.extui %eq3A_384 : vector<64x256xi1> to vector<64x256xi32>
    %convert_element_type3A_386 = arith.sitofp %convert_element_type3A_385 : vector<64x256xi32> to vector<64x256xf32>
    %slice3A_387 = vector.extract_strided_slice %add3A_319 {offsets = [0, 3], sizes = [256, 1], strides = [1, 1]} : vector<256x8xf32> to vector<256x1xf32>
    %concatenate3A_388 = tpu.concatenate %slice3A_387, %broadcast_in_dim3A_321 in 1 : vector<256x1xf32>, vector<256x1xf32> -> vector<256x2xf32>
    %get3A_389 = arith.constant 0 : index
    %get3A_390 = arith.constant 0 : index
    %get3A_391 = vector.load %arg11[%get3A_389, %get3A_390] : memref<64x2xf32, #tpu.memory_space<vmem>>, vector<64x2xf32>
    %dot_general3A_392 = arith.constant dense<0.000000e+00> : vector<64x2xf32>
    %dot_general3A_393 = tpu.matmul %convert_element_type3A_386, %concatenate3A_388, %dot_general3A_392 {dimension_numbers = #tpu.dot_dimension_numbers<[1], [0], [0], [1], [0, 0, 1, 1], [], []>, transpose_lhs_hint = false} : vector<64x256xf32>, vector<256x2xf32>, vector<64x2xf32> -> vector<64x2xf32>
    %add3A_394 = arith.addf %get3A_391, %dot_general3A_393 : vector<64x2xf32>
    %swap3A_395 = arith.constant 0 : index
    %swap3A_396 = arith.constant 0 : index
    %swap3A_397 = vector.load %arg11[%swap3A_395, %swap3A_396] : memref<64x2xf32, #tpu.memory_space<vmem>>, vector<64x2xf32>
    tpu.vector_store %arg11[%swap3A_395, %swap3A_396], %add3A_394 {strides = array<i32>} : memref<64x2xf32, #tpu.memory_space<vmem>>, vector<64x2xf32>,
    %get3A_398 = arith.constant 4 : index
    %get3A_399 = arith.constant 0 : index
    %get3A_400 = vector.load %arg3[%get3A_398, %get3A_399] : memref<8x256xi32, #tpu.memory_space<vmem>>, vector<1x256xi32>
    %broadcast_in_dim3A_401 = vector.shape_cast %get3A_400 : vector<1x256xi32> to vector<1x256xi32>
    %broadcast_in_dim3A_402 = vector.broadcast %broadcast_in_dim3A_401 : vector<1x256xi32> to vector<64x256xi32>
    %eq3A_403 = arith.cmpi eq, %broadcast_in_dim3A_402, %iota3A_322 : vector<64x256xi32>
    %convert_element_type3A_404 = arith.extui %eq3A_403 : vector<64x256xi1> to vector<64x256xi32>
    %convert_element_type3A_405 = arith.sitofp %convert_element_type3A_404 : vector<64x256xi32> to vector<64x256xf32>
    %slice3A_406 = vector.extract_strided_slice %add3A_319 {offsets = [0, 4], sizes = [256, 1], strides = [1, 1]} : vector<256x8xf32> to vector<256x1xf32>
    %concatenate3A_407 = tpu.concatenate %slice3A_406, %broadcast_in_dim3A_321 in 1 : vector<256x1xf32>, vector<256x1xf32> -> vector<256x2xf32>
    %get3A_408 = arith.constant 0 : index
    %get3A_409 = arith.constant 0 : index
    %get3A_410 = vector.load %arg11[%get3A_408, %get3A_409] : memref<64x2xf32, #tpu.memory_space<vmem>>, vector<64x2xf32>
    %dot_general3A_411 = arith.constant dense<0.000000e+00> : vector<64x2xf32>
    %dot_general3A_412 = tpu.matmul %convert_element_type3A_405, %concatenate3A_407, %dot_general3A_411 {dimension_numbers = #tpu.dot_dimension_numbers<[1], [0], [0], [1], [0, 0, 1, 1], [], []>, transpose_lhs_hint = false} : vector<64x256xf32>, vector<256x2xf32>, vector<64x2xf32> -> vector<64x2xf32>
    %add3A_413 = arith.addf %get3A_410, %dot_general3A_412 : vector<64x2xf32>
    %swap3A_414 = arith.constant 0 : index
    %swap3A_415 = arith.constant 0 : index
    %swap3A_416 = vector.load %arg11[%swap3A_414, %swap3A_415] : memref<64x2xf32, #tpu.memory_space<vmem>>, vector<64x2xf32>
    tpu.vector_store %arg11[%swap3A_414, %swap3A_415], %add3A_413 {strides = array<i32>} : memref<64x2xf32, #tpu.memory_space<vmem>>, vector<64x2xf32>,
    %get3A_417 = arith.constant 5 : index
    %get3A_418 = arith.constant 0 : index
    %get3A_419 = vector.load %arg3[%get3A_417, %get3A_418] : memref<8x256xi32, #tpu.memory_space<vmem>>, vector<1x256xi32>
    %broadcast_in_dim3A_420 = vector.shape_cast %get3A_419 : vector<1x256xi32> to vector<1x256xi32>
    %broadcast_in_dim3A_421 = vector.broadcast %broadcast_in_dim3A_420 : vector<1x256xi32> to vector<64x256xi32>
    %eq3A_422 = arith.cmpi eq, %broadcast_in_dim3A_421, %iota3A_322 : vector<64x256xi32>
    %convert_element_type3A_423 = arith.extui %eq3A_422 : vector<64x256xi1> to vector<64x256xi32>
    %convert_element_type3A_424 = arith.sitofp %convert_element_type3A_423 : vector<64x256xi32> to vector<64x256xf32>
    %slice3A_425 = vector.extract_strided_slice %add3A_319 {offsets = [0, 5], sizes = [256, 1], strides = [1, 1]} : vector<256x8xf32> to vector<256x1xf32>
    %concatenate3A_426 = tpu.concatenate %slice3A_425, %broadcast_in_dim3A_321 in 1 : vector<256x1xf32>, vector<256x1xf32> -> vector<256x2xf32>
    %get3A_427 = arith.constant 0 : index
    %get3A_428 = arith.constant 0 : index
    %get3A_429 = vector.load %arg11[%get3A_427, %get3A_428] : memref<64x2xf32, #tpu.memory_space<vmem>>, vector<64x2xf32>
    %dot_general3A_430 = arith.constant dense<0.000000e+00> : vector<64x2xf32>
    %dot_general3A_431 = tpu.matmul %convert_element_type3A_424, %concatenate3A_426, %dot_general3A_430 {dimension_numbers = #tpu.dot_dimension_numbers<[1], [0], [0], [1], [0, 0, 1, 1], [], []>, transpose_lhs_hint = false} : vector<64x256xf32>, vector<256x2xf32>, vector<64x2xf32> -> vector<64x2xf32>
    %add3A_432 = arith.addf %get3A_429, %dot_general3A_431 : vector<64x2xf32>
    %swap3A_433 = arith.constant 0 : index
    %swap3A_434 = arith.constant 0 : index
    %swap3A_435 = vector.load %arg11[%swap3A_433, %swap3A_434] : memref<64x2xf32, #tpu.memory_space<vmem>>, vector<64x2xf32>
    tpu.vector_store %arg11[%swap3A_433, %swap3A_434], %add3A_432 {strides = array<i32>} : memref<64x2xf32, #tpu.memory_space<vmem>>, vector<64x2xf32>,
    %get3A_436 = arith.constant 6 : index
    %get3A_437 = arith.constant 0 : index
    %get3A_438 = vector.load %arg3[%get3A_436, %get3A_437] : memref<8x256xi32, #tpu.memory_space<vmem>>, vector<1x256xi32>
    %broadcast_in_dim3A_439 = vector.shape_cast %get3A_438 : vector<1x256xi32> to vector<1x256xi32>
    %broadcast_in_dim3A_440 = vector.broadcast %broadcast_in_dim3A_439 : vector<1x256xi32> to vector<64x256xi32>
    %eq3A_441 = arith.cmpi eq, %broadcast_in_dim3A_440, %iota3A_322 : vector<64x256xi32>
    %convert_element_type3A_442 = arith.extui %eq3A_441 : vector<64x256xi1> to vector<64x256xi32>
    %convert_element_type3A_443 = arith.sitofp %convert_element_type3A_442 : vector<64x256xi32> to vector<64x256xf32>
    %slice3A_444 = vector.extract_strided_slice %add3A_319 {offsets = [0, 6], sizes = [256, 1], strides = [1, 1]} : vector<256x8xf32> to vector<256x1xf32>
    %concatenate3A_445 = tpu.concatenate %slice3A_444, %broadcast_in_dim3A_321 in 1 : vector<256x1xf32>, vector<256x1xf32> -> vector<256x2xf32>
    %get3A_446 = arith.constant 0 : index
    %get3A_447 = arith.constant 0 : index
    %get3A_448 = vector.load %arg11[%get3A_446, %get3A_447] : memref<64x2xf32, #tpu.memory_space<vmem>>, vector<64x2xf32>
    %dot_general3A_449 = arith.constant dense<0.000000e+00> : vector<64x2xf32>
    %dot_general3A_450 = tpu.matmul %convert_element_type3A_443, %concatenate3A_445, %dot_general3A_449 {dimension_numbers = #tpu.dot_dimension_numbers<[1], [0], [0], [1], [0, 0, 1, 1], [], []>, transpose_lhs_hint = false} : vector<64x256xf32>, vector<256x2xf32>, vector<64x2xf32> -> vector<64x2xf32>
    %add3A_451 = arith.addf %get3A_448, %dot_general3A_450 : vector<64x2xf32>
    %swap3A_452 = arith.constant 0 : index
    %swap3A_453 = arith.constant 0 : index
    %swap3A_454 = vector.load %arg11[%swap3A_452, %swap3A_453] : memref<64x2xf32, #tpu.memory_space<vmem>>, vector<64x2xf32>
    tpu.vector_store %arg11[%swap3A_452, %swap3A_453], %add3A_451 {strides = array<i32>} : memref<64x2xf32, #tpu.memory_space<vmem>>, vector<64x2xf32>,
    %get3A_455 = arith.constant 7 : index
    %get3A_456 = arith.constant 0 : index
    %get3A_457 = vector.load %arg3[%get3A_455, %get3A_456] : memref<8x256xi32, #tpu.memory_space<vmem>>, vector<1x256xi32>
    %broadcast_in_dim3A_458 = vector.shape_cast %get3A_457 : vector<1x256xi32> to vector<1x256xi32>
    %broadcast_in_dim3A_459 = vector.broadcast %broadcast_in_dim3A_458 : vector<1x256xi32> to vector<64x256xi32>
    %eq3A_460 = arith.cmpi eq, %broadcast_in_dim3A_459, %iota3A_322 : vector<64x256xi32>
    %convert_element_type3A_461 = arith.extui %eq3A_460 : vector<64x256xi1> to vector<64x256xi32>
    %convert_element_type3A_462 = arith.sitofp %convert_element_type3A_461 : vector<64x256xi32> to vector<64x256xf32>
    %slice3A_463 = vector.extract_strided_slice %add3A_319 {offsets = [0, 7], sizes = [256, 1], strides = [1, 1]} : vector<256x8xf32> to vector<256x1xf32>
    %concatenate3A_464 = tpu.concatenate %slice3A_463, %broadcast_in_dim3A_321 in 1 : vector<256x1xf32>, vector<256x1xf32> -> vector<256x2xf32>
    %get3A_465 = arith.constant 0 : index
    %get3A_466 = arith.constant 0 : index
    %get3A_467 = vector.load %arg11[%get3A_465, %get3A_466] : memref<64x2xf32, #tpu.memory_space<vmem>>, vector<64x2xf32>
    %dot_general3A_468 = arith.constant dense<0.000000e+00> : vector<64x2xf32>
    %dot_general3A_469 = tpu.matmul %convert_element_type3A_462, %concatenate3A_464, %dot_general3A_468 {dimension_numbers = #tpu.dot_dimension_numbers<[1], [0], [0], [1], [0, 0, 1, 1], [], []>, transpose_lhs_hint = false} : vector<64x256xf32>, vector<256x2xf32>, vector<64x2xf32> -> vector<64x2xf32>
    %add3A_470 = arith.addf %get3A_467, %dot_general3A_469 : vector<64x2xf32>
    %swap3A_471 = arith.constant 0 : index
    %swap3A_472 = arith.constant 0 : index
    %swap3A_473 = vector.load %arg11[%swap3A_471, %swap3A_472] : memref<64x2xf32, #tpu.memory_space<vmem>>, vector<64x2xf32>
    tpu.vector_store %arg11[%swap3A_471, %swap3A_472], %add3A_470 {strides = array<i32>} : memref<64x2xf32, #tpu.memory_space<vmem>>, vector<64x2xf32>,
    %eq3A_474 = arith.constant 48 : i32
    %eq3A_475 = arith.cmpi eq, %arg0, %eq3A_474 : i32
    %convert_element_type3A_476 = arith.extui %eq3A_475 : i1 to i32
    %cond3A_477 = arith.constant 0 : i32
    %cond3A_478 = arith.cmpi ne, %convert_element_type3A_476, %cond3A_477 : i32
    scf.if %cond3A_478 {
      %get3A_479 = arith.constant 0 : index
      %get3A_480 = arith.constant 0 : index
      %get3A_481 = vector.load %arg11[%get3A_479, %get3A_480] : memref<64x2xf32, #tpu.memory_space<vmem>>, vector<64x1xf32>
      %get3A_482 = vector.shape_cast %get3A_481 : vector<64x1xf32> to vector<64xf32>
      %get3A_483 = arith.constant 0 : index
      %get3A_484 = arith.constant 1 : index
      %get3A_485 = vector.load %arg11[%get3A_483, %get3A_484] : memref<64x2xf32, #tpu.memory_space<vmem>>, vector<64x1xf32>
      %get3A_486 = vector.shape_cast %get3A_485 : vector<64x1xf32> to vector<64xf32>
      %max3A_487 = arith.constant 1.000000e+00 : f32
      %max3A_488 = vector.broadcast %max3A_487 : f32 to vector<64xf32>
      %max3A_489 = arith.maximumf %get3A_486, %max3A_488 : vector<64xf32>
      %div3A_490 = arith.divf %get3A_482, %max3A_489 : vector<64xf32>
      %logistic3A = arith.negf %div3A_490 : vector<64xf32>
      %logistic3A_491 = math.exp %logistic3A : vector<64xf32>
      %logistic3A_492 = arith.constant 1.000000e+00 : f32
      %logistic3A_493 = vector.broadcast %logistic3A_492 : f32 to vector<64xf32>
      %logistic3A_494 = arith.addf %logistic3A_493, %logistic3A_491 : vector<64xf32>
      %logistic3A_495 = arith.divf %logistic3A_493, %logistic3A_494 : vector<64xf32>
      %swap3A_496 = arith.constant 0 : index
      %swap3A_497 = vector.load %arg10[%swap3A_496] : memref<64xf32, #tpu.memory_space<vmem>>, vector<64xf32>
      tpu.vector_store %arg10[%swap3A_496], %logistic3A_495 {strides = array<i32>} : memref<64xf32, #tpu.memory_space<vmem>>, vector<64xf32>,
    } else {
    }
    return
  }
  func.func @transform_0(%arg0: i32) -> (i32, i32) {
    %c0_i32 = arith.constant 0 : i32
    %c0_i32_0 = arith.constant 0 : i32
    return %arg0, %c0_i32 : i32, i32
  }
  func.func @transform_1(%arg0: i32) -> (i32, i32) {
    %c0_i32 = arith.constant 0 : i32
    %c0_i32_0 = arith.constant 0 : i32
    return %arg0, %c0_i32 : i32, i32
  }
  func.func @transform_2(%arg0: i32) -> (i32, i32) {
    %c0_i32 = arith.constant 0 : i32
    %c0_i32_0 = arith.constant 0 : i32
    return %c0_i32, %arg0 : i32, i32
  }
  func.func @transform_3(%arg0: i32) -> (i32, i32) {
    %c0_i32 = arith.constant 0 : i32
    %c0_i32_0 = arith.constant 0 : i32
    %c0_i32_1 = arith.constant 0 : i32
    return %c0_i32, %c0_i32_0 : i32, i32
  }
  func.func @transform_4(%arg0: i32) -> i32 {
    %c0_i32 = arith.constant 0 : i32
    %c0_i32_0 = arith.constant 0 : i32
    return %c0_i32 : i32
  }
  func.func @transform_5(%arg0: i32) -> (i32, i32) {
    %c0_i32 = arith.constant 0 : i32
    %c0_i32_0 = arith.constant 0 : i32
    %c0_i32_1 = arith.constant 0 : i32
    return %c0_i32, %c0_i32_0 : i32, i32
  }
  func.func @transform_6(%arg0: i32) -> i32 {
    %c0_i32 = arith.constant 0 : i32
    %c0_i32_0 = arith.constant 0 : i32
    return %c0_i32 : i32
  }
  func.func @transform_7(%arg0: i32) -> (i32, i32) {
    %c0_i32 = arith.constant 0 : i32
    %c0_i32_0 = arith.constant 0 : i32
    %c0_i32_1 = arith.constant 0 : i32
    return %c0_i32, %c0_i32_0 : i32, i32
  }
  func.func @transform_8(%arg0: i32) -> i32 {
    %c0_i32 = arith.constant 0 : i32
    %c0_i32_0 = arith.constant 0 : i32
    return %c0_i32 : i32
  }
  func.func @transform_9(%arg0: i32) -> i32 {
    %c0_i32 = arith.constant 0 : i32
    %c0_i32_0 = arith.constant 0 : i32
    return %c0_i32 : i32
  }
}

</mosaic_0001>

<sc_bundles>
// kernel: kernel.6.cloned.1.call-start
scs
__scs_entry_jumppad:
0x0: {  	(pc) =	sbr.rel $0x88, $3  }
0x1: {  	(tag) =	ssettag $0x0;
	lr =	simm.s32 $0x1  }
0x2: {  	[smem:$0x3F92] =	sst lr;
	_ =	strace $0xD0000000  }
0x3: {  	_ = 	snop  }
0x4: {  	_ = 	snop  }
0x5: {  	_ = 	snop  }
0x6: {  	_ = 	snop  }
0x7: {  	_ = 	snop  }
__scs_overlays_trampoline_lowered:
0x8: {  	[smem:$0x3FA1] =	sst s0  }
0x9: {  	[smem:$0x3FA2] =	sst s1  }
0xa: {  	[smem:$0x3FA3] =	sst s2  }
0xb: {  	[smem:$0x3FA4] =	sst s3  }
0xc: {  	[smem:$0x3FA5] =	sst s4  }
0xd: {  	[smem:$0x3FA6] =	sst s5  }
0xe: {  	[smem:$0x3FA7] =	sst s6  }
0xf: {  	[smem:$0x3FA8] =	sst s7  }
0x10: {  	[smem:$0x3FA9] =	sst s8  }
0x11: {  	[smem:$0x3FAA] =	sst s9;
	s0 =	simm.s32 @!p0 $0x0  }
0x12: {  	s1 =	sld [smem:$0x3F90];
	s0 =	simm.s32 @p0 $0x1  }
0x13: {  	[smem:$0x3FAB] =	sst s0;
	s0 =	simm.s32 @!p1 $0x0  }
0x14: {  	s2 =	sld [smem:$0x3F8F];
	s0 =	simm.s32 @p1 $0x1  }
0x15: {  	[smem:$0x3FAC] =	sst s0;
	s0 =	simm.s32 @!p2 $0x0  }
0x16: {  	s3 =	sld [smem:$0x3FDB];
	s0 =	simm.s32 @p2 $0x1  }
0x17: {  	s4 =	simm.s32 $0x1BF5;
	[smem:$0x3FAE] =	sst s0  }
0x18: {  	s0 =	sld [smem:$0x3F91];
	_ =	swait.ge [sflag:s4], $0x0  }
0x19: {  	s7 =	sld [smem:$0x3F92]  }
0x1a: {  	s8 =	sadd.s32 $0xFFFFE003, lr  }
0x1b: {  	s9 =	sadd.s32 $0xFFFFFEF7, lr;
	s5 =	simm.s32 $0xFFFFFFFF;
	p2 =	slt.u32 s8, $0xFFFFF086  }
0x1c: {  	p1 =	slt.u32 s9, $0xF7A;
	s5 =	simm.s32 @!p2 $0x0  }
0x1d: {  	s5 =	simm.s32 @p1 $0x1;
	p0 =	seq.s32 s7, s2  }
0x1e: {  	s7 =	smul.u32 @!p0 $0xF7A, s2;
	p2 =	seq.s32 @!p0 s5, $0x0  }
0x1f: {  	s9 =	smul.u32 $0xF7A, s1;
	s8 =	simm.s32 @!p0 $0x1BF5;
	p2 =	por !p2, p0  }
0x20: {  	[sflag:s8] =	ssyncset.s32 @!p0 $0xFFFFF086;
	s6 =	sadd.s32 @!p0 s3, s7;
	s7 =	simm.s32 @!p0 $0x108  }
0x21: {  	s3 =	sadd.s32 s3, s9;
	s6 =	sadd.s32 @!p0 $0x88, s6;
	s7 =	simm.s32 @p2 $0x1082  }
0x22: {  	[simem:s7], [sflag:s8] =	dma.local @!p0 [hbm:s6], $0xF7A  }
0x23: {  	s9 =	sor.u32 $0xD0000000, s2;
	s6 =	simm.s32 $0x108;
	_ =	swait.ge @!p0 [sflag:s8], $0x0  }
0x24: {  	s3 =	sadd.s32 $0x88, s3;
	s6 =	simm.s32 @!p1 $0x1082;
	[sflag:s4] =	ssyncset.s32 $0xFFFFF086  }
0x25: {  	[simem:s6], [sflag:s4] =	dma.local [hbm:s3], $0xF7A  }
0x26: {  	[smem:$0x3F92] =	sst s1;
	(tag) =	ssettag s2;
	_ =	strace s9  }
0x27: {  	s1 =	sld [smem:$0x3FA2]  }
0x28: {  	s2 =	sld [smem:$0x3FA3]  }
0x29: {  	s4 =	sld [smem:$0x3FA5]  }
0x2a: {  	p0 =	seq.s32 s5, $0x0;
	s5 =	sld [smem:$0x3FA6]  }
0x2b: {  	s6 =	sld [smem:$0x3FA7]  }
0x2c: {  	s7 =	sld [smem:$0x3FA8]  }
0x2d: {  	s3 =	simm.s32 $0x108;
	s8 =	sld [smem:$0x3FA9]  }
0x2e: {  	s3 =	simm.s32 @!p0 $0x1082;
	s9 =	sld [smem:$0x3FAA]  }
0x2f: {  	lr =	sadd.s32 s0, s3;
	s0 =	sld [smem:$0x3FA1]  }
0x30: {  	s3 =	sld [smem:$0x3FA4]  }
0x31: {  	[smem:$0x3FAD] =	sst s10  }
0x32: {  	s10 =	sld [smem:$0x3FAB];
	_ =	sdelay $0x3  }
0x33: {  	p0 =	seq.s32 s10, $0x1;
	s10 =	sld [smem:$0x3FAD];
	_ =	sdelay $0x3  }
0x34: {  	[smem:$0x3FAD] =	sst s10  }
0x35: {  	s10 =	sld [smem:$0x3FAC];
	_ =	sdelay $0x3  }
0x36: {  	p1 =	seq.s32 s10, $0x1;
	s10 =	sld [smem:$0x3FAD];
	_ =	sdelay $0x3  }
0x37: {  	[smem:$0x3FAD] =	sst s10  }
0x38: {  	s10 =	sld [smem:$0x3FAE]  }
0x39: {  	_ = 	snop;
	(pc) =	sbr.ind lr, $3  }
0x3a: {  	_ = 	snop  }
0x3b: {  	_ = 	snop  }
0x3c: {  	p2 =	seq.s32 s10, $0x1;
	s10 =	sld [smem:$0x3FAD]  }
0x3d: {  	_ =	shalt  }
0x3e: {  	_ =	shalt  }
0x3f: {  	_ =	shalt  }
0x40: {  	_ =	shalt  }
0x41: {  	_ =	shalt  }
0x42: {  	_ =	shalt  }
0x43: {  	_ =	shalt  }
0x44: {  	_ =	shalt  }
0x45: {  	_ =	shalt  }
0x46: {  	_ =	shalt  }
0x47: {  	_ =	shalt  }
0x48: {  	_ =	shalt  }
0x49: {  	_ =	shalt  }
0x4a: {  	_ =	shalt  }
0x4b: {  	_ =	shalt  }
0x4c: {  	_ =	shalt  }
0x4d: {  	_ =	shalt  }
0x4e: {  	_ =	shalt  }
0x4f: {  	_ =	shalt  }
0x50: {  	_ =	shalt  }
0x51: {  	_ =	shalt  }
0x52: {  	_ =	shalt  }
0x53: {  	_ =	shalt  }
0x54: {  	_ =	shalt  }
0x55: {  	_ =	shalt  }
0x56: {  	_ =	shalt  }
0x57: {  	_ =	shalt  }
0x58: {  	_ =	shalt  }
0x59: {  	_ =	shalt  }
0x5a: {  	_ =	shalt  }
0x5b: {  	_ =	shalt  }
0x5c: {  	_ =	shalt  }
0x5d: {  	_ =	shalt  }
0x5e: {  	_ =	shalt  }
0x5f: {  	_ =	shalt  }
0x60: {  	_ =	shalt  }
0x61: {  	_ =	shalt  }
0x62: {  	_ =	shalt  }
0x63: {  	_ =	shalt  }
0x64: {  	_ =	shalt  }
0x65: {  	_ =	shalt  }
0x66: {  	_ =	shalt  }
0x67: {  	_ =	shalt  }
0x68: {  	_ =	shalt  }
0x69: {  	_ =	shalt  }
0x6a: {  	_ =	shalt  }
0x6b: {  	_ =	shalt  }
0x6c: {  	_ =	shalt  }
0x6d: {  	_ =	shalt  }
0x6e: {  	_ =	shalt  }
0x6f: {  	_ =	shalt  }
0x70: {  	_ =	shalt  }
0x71: {  	_ =	shalt  }
0x72: {  	_ =	shalt  }
0x73: {  	_ =	shalt  }
0x74: {  	_ =	shalt  }
0x75: {  	_ =	shalt  }
0x76: {  	_ =	shalt  }
0x77: {  	_ =	shalt  }
0x78: {  	_ =	shalt  }
0x79: {  	_ =	shalt  }
0x7a: {  	_ =	shalt  }
0x7b: {  	_ =	shalt  }
0x7c: {  	_ =	shalt  }
0x7d: {  	_ =	shalt  }
0x7e: {  	_ =	shalt  }
0x7f: {  	_ =	shalt  }
0x80: {  	_ =	shalt  }
0x81: {  	_ =	shalt  }
0x82: {  	_ =	shalt  }
0x83: {  	_ =	shalt  }
0x84: {  	_ =	shalt  }
0x85: {  	_ =	shalt  }
0x86: {  	_ =	shalt  }
0x87: {  	_ =	shalt  }
.Lfunc_end0:
.L_simem_size_0:
called_computation_lowered:
.L_overlay_start_0:
0x88: {  	s2 =	sld [smem:$0x3FD9]  }
0x89: {  	s3 =	sld [smem:$0x3FFE];
	_ =	sdelay $0x1  }
0x8a: {  	s1 =	srdreg.scid  }
0x8b: {  	s0 =	sand.u32 $0x1, s1  }
0x8c: {  	s16 =	sshll.u32 s0, $0xA;
	s2 =	sadd.s32 s3, s2  }
0x8d: {  	s2 =	sadd.s32 s2, s16  }
0x8e: {  	[smem:$0x3FB9] =	sst s2  }
0x8f: {  	_ = 	snop  }
0x90: {  	(tm) =	ssettm $0x1  }
0x91: {  	s17 =	sld [smem:$0x3FFB];
	_ =	sdelay $0x3  }
0x92: {  	_ =	strace s17  }
0x93: {  	s2 =	sld [smem:$0x3FFC];
	_ =	sdelay $0x3  }
0x94: {  	_ =	strace s2  }
0x95: {  	s2 =	sld [smem:$0x3FFD];
	_ =	sdelay $0x3  }
0x96: {  	_ =	strace s2  }
0x97: {  	_ =	strace $0x8FFFFFFF  }
0x98: {  	s18 =	sld [smem:$0x3FDB];
	_ =	sdelay $0x1  }
0x99: {  	s19 =	simm.s32 $_scs_section_size  }
0x9a: {  	s4 =	simm.s32 $_size__tile_overlayer_lowered;
	s5 =	simm.s32 $_tile_overlayer_lowered  }
0x9b: {  	s22 =	simm.s32 $0x1BFF;
	s21 =	sshll.u32 s5, $0x1;
	s2 =	sadd.s32 s19, s18  }
0x9c: {  	s6 =	simm.s32 $0x0;
	s20 =	sshll.u32 s4, $0x1;
	s4 =	sadd.s32 s21, s2  }
0x9d: {  	[timem:s6], [sflag:s22] =	dma.local [hbm:s4], s20  }
0x9e: {  	_ =	swait.ge [sflag:s22], s20  }
0x9f: {  	s3 =	ssub.s32 $0x0, s20;
	[sflag:s22] =	ssyncset.done $0x0  }
0xa0: {  	[sflag:s22] =	ssyncadd.s32 s3;
	_ =	sdelay $0x1  }
0xa1: {  	s23 =	simm.s32 $0x1B8B  }
0xa2: {  	_ =	swait.ge [sflag:s23], $0x1  }
0xa3: {  	[sflag:s23] =	ssyncset.done $0x0  }
0xa4: {  	s25 =	simm.s32 $0x1B8E;
	s24 =	sld [smem:$0x3FFE];
	[sflag:s23] =	ssyncadd.s32 $0xFFFFFFFF  }
0xa5: {  	s26 =	simm.s32 $execute0_lowered;
	[smem:$0x3FD2] =	sst s25  }
0xa6: {  	s4 =	sshll.u32 s26, $0x1;
	_ =	strace $0x80000046;
	[dreg:$0x1] =	wrdreg $0xFFFFFFFF  }
0xa7: {  	s28 =	simm.s32 $_size_execute0_lowered;
	s2 =	sadd.s32 s2, s4;
	[dreg:$0x0] =	wrdreg $0x0  }
0xa8: {  	s4 =	sshll.u32 s28, $0x1;
	[dreg:$0x2] =	wrdreg s2  }
0xa9: {  	[dreg:$0x3] =	wrdreg s4  }
0xaa: {  	[dreg:$0x4] =	wrdreg $0xC0  }
0xab: {  	_ =	task [dreg:s6], $0x5FFFF  }
0xac: {  	[dreg:$0x1] =	wrdreg $0xFFFFFFFF  }
0xad: {  	[dreg:$0x0] =	wrdreg $0x60  }
0xae: {  	[dreg:$0x2] =	wrdreg s24  }
0xaf: {  	[dreg:$0x3] =	wrdreg $0x2EE00  }
0xb0: {  	[dreg:$0x4] =	wrdreg $0x47600  }
0xb1: {  	[dreg:$0x5] =	wrdreg $0x9  }
0xb2: {  	_ =	task.clear_ibuf [dreg:s6], $0x6FFFF;
	_ =	strace $0x90000046  }
0xb3: {  	s29 =	simm.s32 $0x9;
	_ =	strace $0x80000048  }
0xb4: {  	_ =	swait.ge [sflag:s29], $0x1  }
0xb5: {  	[sflag:s29] =	ssyncadd.s32 $0xFFFFFFFF  }
0xb6: {  	_ =	strace $0x90000048  }
0xb7: {  	_ =	sfence  }
0xb8: {  	s30 =	sld [smem:$0x0];
	_ =	sdelay $0x2  }
0xb9: {  	s31 =	sshll.u32 s1, $0xD;
	s1 =	sshrl.u32 s1, $0x2  }
0xba: {  	s3 =	sand.u32 $0x4000, s31;
	s1 =	sadd.s32 s1, s30  }
0xbb: {  	s0 =	sor.u32 s3, s0;
	s1 =	sshll.u32 s1, $0x11  }
0xbc: {  	s0 =	sor.u32 s1, s0  }
0xbd: {  	s0 =	sadd.s32 $0x8F2B, s0  }
0xbe: {  	[sflag:s0] =	ssyncadd.remote.s32 $0x1  }
0xbf: {  	_ =	sfence.sel $0xFFFF  }
0xc0: {  	[dreg:$0x0] =	wrdreg $0xFFFFFFFF;
	(pc) =	sbr.abs _section_cstart, $3  }
0xc1: {  	[dreg:$0x1] =	wrdreg $0xFFFFFFFF  }
0xc2: {  	_ =	task.clear_ibuf [dreg:s6], $0x2FFFF;
	_ =	strace $0x9FFFFFFF  }
0xc3: {  	(tm) =	ssettm $0x7FFFFFFF  }
tec
execute0_lowered:
.L_overlay_start_1:
0x0: {  	(tag) =	ssettag $0x1  }
0x1: {  	s0 =	rddreg [dreg:$0x0]  }
0x2: {  	s2 =	rddreg [dreg:$0x1]  }
0x3: {  	s3 =	rddreg [dreg:$0x2];
	s4 =	simm.s32 $0x0  }
0x4: {  	s14 =	stileid.u32;
	s1 =	srdreg.scid;
	s30 =	simm.s32 $0x9  }
0x5: {  	s31 =	simm.s32 $0x1388;
	[smem:$0x7FF] =	sst s4;
	s7 =	smul.u32 $0x1880, s14  }
0x6: {  	s1 =	sand.u32 $0x1, s1;
	s5 =	sadd.s32 $0x33400, s0;
	s6 =	sadd.s32 $0x2600, s0  }
0x7: {  	s21 =	sshll.u32 s14, $0x6;
	s15 =	smul.u32 $0xC350, s14;
	_ =	strace $0x80000047  }
0x8: {  	s8 =	smul.u32 $0x18800, s1;
	s10 =	ssub.s32 $0x2, s1;
	s12 =	sshll.u32 s1, $0x4  }
0x9: {  	s1 =	smul.u32 $0xC3500, s1;
	s9 =	sshrl.u32 s7, $0x3;
	s11 =	sshrl.u32 s10, $0x1  }
0xa: {  	s20 =	sor.u32 s14, s12;
	s12 =	simm.s32 $0x7;
	s14 =	simm.s32 $0x2  }
0xb: {  	s9 =	sadd.s32 s9, s0;
	s8 =	sadd.s32 s7, s8;
	s10 =	ssub.s32 s10, s11  }
0xc: {  	s11 =	sadd.s32 s7, s2;
	s13 =	smul.u32 $0xC350, s20;
	s7 =	sadd.s32 s7, s3  }
0xd: {  	s1 =	sadd.s32 s15, s1;
	s15 =	simm.s32 $0x3;
	s8 =	sshrl.u32 s8, $0x3  }
0xe: {  	s22 =	sadd.s32 $0x64200, s9;
	[dreg:$0x6] =	wrdreg s7;
	s23 =	sadd.s32 $0x67400, s9  }
0xf: {  	s19 =	sadd.s32 $0x1B58, s1;
	s0 =	sadd.s32 s8, s0;
	[dreg:$0x4] =	wrdreg s22  }
0x10: {  	s8 =	sor.u32 $0x1C09, s21;
	[dreg:$0x7] =	wrdreg s23;
	s24 =	sshrl.u32 s13, $0x3  }
0x11: {  	s25 =	sadd.s32 $0x3E8, s13;
	s16 =	sadd.s32 $0xBB8, s13;
	s20 =	sshrl.u32 s19, $0x3  }
0x12: {  	s22 =	smax.u32 s10, $0x1;
	s23 =	sadd.s32 $0x1770, s1;
	s13 =	simm.s32 $0x2710  }
0x13: {  	s26 =	sadd.s32 s5, s24;
	s9 =	sshrl.u32 s25, $0x3;
	s28 =	sadd.s32 s6, s24  }
0x14: {  	s7 =	sadd.s32 $0xFA, s24;
	s0 =	sadd.s32 $0x6A600, s0;
	[dreg:$0x11] =	wrdreg s22  }
0x15: {  	s21 =	sadd.s32 s20, s6;
	s22 =	sadd.s32 s20, s5;
	[dreg:$0x5] =	wrdreg s8  }
0x16: {  	s24 =	sshrl.u32 s23, $0x3;
	s25 =	sadd.s32 $0x1388, s1;
	[dreg:$0x8] =	wrdreg s26  }
0x17: {  	[dreg:$0x9] =	wrdreg s28;
	s29 =	sadd.s32 s5, s9;
	s9 =	sadd.s32 s6, s9  }
0x18: {  	s17 =	sadd.s32 s5, s7;
	s7 =	sadd.s32 s6, s7;
	[dreg:$0x10] =	wrdreg s0  }
0x19: {  	s23 =	sadd.s32 s24, s6;
	s24 =	sadd.s32 s24, s5;
	[dreg:$0xa] =	wrdreg s29  }
0x1a: {  	s26 =	sshrl.u32 s25, $0x3;
	s28 =	sadd.s32 $0xFA0, s1;
	[dreg:$0xb] =	wrdreg s9  }
0x1b: {  	s1 =	simm.s32 $0x3E8;
	[dreg:$0xc] =	wrdreg s17;
	s9 =	sshrl.u32 s16, $0x3  }
.Ltmp0:
0x1c: {  	[dreg:$0xd] =	wrdreg s7;
	s25 =	sadd.s32 s26, s6;
	(pc) =	sbr.rel .LBB2_1-.Ltmp0, $4  }
0x1d: {  	s26 =	sadd.s32 s26, s5;
	[dreg:$0x12] =	wrdreg s28;
	s29 =	sshrl.u32 s11, $0x3  }
0x1e: {  	s7 =	simm.s32 $0x6;
	s18 =	sadd.s32 s5, s9;
	[dreg:$0x13] =	wrdreg s29  }
0x1f: {  	s11 =	simm.s32 $0x1770;
	s9 =	sadd.s32 s6, s9;
	[dreg:$0xe] =	wrdreg s18  }
0x20: {  	s16 =	simm.s32 $0x0;
	[dreg:$0xf] =	wrdreg s9;
	s9 =	simm.s32 $0x2328  }
.LBB2_4:
0x21: {  	[bflag:$0x0] =	sbarrier.arrive $0xFFFF  }
0x22: {  	s8 =	rddreg [dreg:$0x5]  }
0x23: {  	s0 =	rddreg [dreg:$0x10]  }
0x24: {  	[hbm:s0], [sflag:s8] =	dma.local [spmem:s17], $0x310  }
0x25: {  	_ =	swait.ge [sflag:s30], $0x310  }
0x26: {  	s16 =	sadd.s32 $0x1, s16;
	s29 =	rddreg [dreg:$0x11]  }
0x27: {  	p0 =	sne.s32 s16, s29  }
.Ltmp1:
0x28: {  	_ = 	snop;
	(pc) =	sbr.rel @!p0 .LBB2_5-.Ltmp1, $3  }
0x29: {  	_ =	sdelay $0x1  }
0x2a: {  	[sflag:s30] =	ssyncset.done $0x0  }
0x2b: {  	[sflag:s30] =	ssyncadd.s32 $0xFFFFFCF0  }
.LBB2_1:
0x2c: {  	s0 =	rddreg [dreg:$0x4]  }
0x2d: {  	s10 =	rddreg [dreg:$0x13]  }
0x2e: {  	[spmem:s10], [sflag:s8] =	dma.local [hbm:s0], $0x310  }
0x2f: {  	_ =	swait.ge [sflag:s30], $0x310  }
0x30: {  	[sflag:s30] =	ssyncset.done $0x0;
	s17 =	rddreg [dreg:$0x6]  }
0x31: {  	s18 =	rddreg [dreg:$0x7];
	[sflag:s30] =	ssyncadd.s32 $0xFFFFFCF0;
	s17 =	sshrl.u32 s17, $0x3  }
0x32: {  	[spmem:s17], [sflag:s8] =	dma.local [hbm:s18], $0x310  }
0x33: {  	_ =	swait.ge [sflag:s30], $0x310  }
0x34: {  	[sflag:s30] =	ssyncset.done $0x0  }
0x35: {  	[sflag:s30] =	ssyncadd.s32 $0xFFFFFCF0  }
0x36: {  	[bflag:$0x0] =	sbarrier.arrive $0xFFFF  }
0x37: {  	s19 =	rddreg [dreg:$0x8]  }
0x38: {  	[tilespmem:s4], [sflag:$0x5] =	stream.linear.gather [hbm4b:s19+s4], $0x3E8, $0x38;
	[tilespmem:$0x5FE0] =	vst v63  }
0x39: {  	s29 =	simm.s32 $0xFA0;
	s8 =	simm.s32 $0x5;
	s20 =	rddreg [dreg:$0x9]  }
0x3a: {  	[tilespmem:s29], [sflag:$0x5] =	stream.linear.gather [hbm4b:s20+s4], $0x3E8, $0x38;
	[tilespmem:$0x5FE0] =	vst v63  }
0x3b: {  	_ =	swait.ge [sflag:s8], $0x3E8  }
0x3c: {  	[sflag:s8] =	ssyncset.done $0x0  }
0x3d: {  	[sflag:s8] =	ssyncadd.s32 $0xFFFFFC18  }
0x3e: {  	_ =	swait.ge [sflag:s8], $0x3E8  }
0x3f: {  	[sflag:s8] =	ssyncset.done $0x0  }
0x40: {  	s10 =	simm.s32 $0x1F40;
	[sflag:s8] =	ssyncadd.s32 $0xFFFFFC18  }
0x41: {  	[tilespmem:s10], [sflag:$0x1] =	stream.indirect.gather [spmem:s2], $0x1, s4, s1, $0xb8;
	[tilespmem:$0x5FE0] =	vst v63  }
0x42: {  	s18 =	rddreg [dreg:$0xa]  }
0x43: {  	[tilespmem:s1], [sflag:$0x6] =	stream.linear.gather [hbm4b:s18+s4], $0x3E8, $0x38;
	[tilespmem:$0x5FE0] =	vst v63  }
0x44: {  	s19 =	rddreg [dreg:$0xb]  }
0x45: {  	[tilespmem:s31], [sflag:$0x6] =	stream.linear.gather [hbm4b:s19+s4], $0x3E8, $0x38;
	[tilespmem:$0x5FE0] =	vst v63  }
0x46: {  	_ =	swait.ge [sflag:s7], $0x3E8  }
0x47: {  	[sflag:s7] =	ssyncset.done $0x0  }
0x48: {  	[sflag:s7] =	ssyncadd.s32 $0xFFFFFC18  }
0x49: {  	_ =	swait.ge [sflag:s7], $0x3E8  }
0x4a: {  	[sflag:s7] =	ssyncset.done $0x0  }
0x4b: {  	[sflag:s7] =	ssyncadd.s32 $0xFFFFFC18  }
0x4c: {  	[tilespmem:s9], [sflag:$0x2] =	stream.indirect.gather [spmem:s2], $0x1, s1, s1, $0xb8;
	[tilespmem:$0x5FE0] =	vst v63  }
0x4d: {  	s29 =	simm.s32 $0x7D0;
	s20 =	rddreg [dreg:$0xc]  }
0x4e: {  	[tilespmem:s29], [sflag:$0x7] =	stream.linear.gather [hbm4b:s20+s4], $0x3E8, $0x38;
	[tilespmem:$0x5FE0] =	vst v63  }
0x4f: {  	s10 =	rddreg [dreg:$0xd]  }
0x50: {  	[tilespmem:s11], [sflag:$0x7] =	stream.linear.gather [hbm4b:s10+s4], $0x3E8, $0x38;
	[tilespmem:$0x5FE0] =	vst v63  }
0x51: {  	_ =	swait.ge [sflag:s12], $0x3E8  }
0x52: {  	[sflag:s12] =	ssyncset.done $0x0  }
0x53: {  	[sflag:s12] =	ssyncadd.s32 $0xFFFFFC18  }
0x54: {  	_ =	swait.ge [sflag:s12], $0x3E8  }
0x55: {  	[sflag:s12] =	ssyncset.done $0x0  }
0x56: {  	s18 =	rddreg [dreg:$0xe];
	[sflag:s12] =	ssyncadd.s32 $0xFFFFFC18  }
0x57: {  	[tilespmem:s13], [sflag:$0x3] =	stream.indirect.gather [spmem:s2], $0x1, s29, s1, $0xb8;
	[tilespmem:$0x5FE0] =	vst v63  }
0x58: {  	s19 =	simm.s32 $0xBB8;
	s20 =	rddreg [dreg:$0xf]  }
0x59: {  	[tilespmem:s19], [sflag:$0x8] =	stream.linear.gather [hbm4b:s18+s4], $0x3E8, $0x38;
	[tilespmem:$0x5FE0] =	vst v63  }
0x5a: {  	s28 =	rddreg [dreg:$0x12];
	s29 =	simm.s32 $0x1B58;
	s19 =	simm.s32 $0x0  }
0x5b: {  	[tilespmem:s29], [sflag:$0x8] =	stream.linear.gather [hbm4b:s20+s4], $0x3E8, $0x38;
	[tilespmem:$0x5FE0] =	vst v63  }
.LBB2_2:
0x5c: {  	p0 =	seq.s32 s19, $0x1770  }
0x5d: {  	s20 =	simm.s32 @p0 $0x1  }
0x5e: {  	_ =	swait.ge @p0 [sflag:s20], $0x3E8  }
0x5f: {  	s29 =	simm.s32 @p0 $0xFA0;
	[sflag:s20] =	ssyncset.done @p0 $0x0  }
0x60: {  	s18 =	simm.s32 @p0 $0x1F40;
	[sflag:s20] =	ssyncadd.s32 @p0 $0xFFFFFC18;
	s20 =	simm.s32 @p0 $0x3E8  }
0x61: {  	[spmem:s3] =	stream.indirect.scatter.add.f32 @p0 [tilespmem:s18], [sflag:$0x9], $0x1, s29, s20, $0xb8;
	[tilespmem:$0x5FE0] =	vst v63  }
0x62: {  	s18 =	simm.s32 @p0 $0x9  }
0x63: {  	_ =	swait.ge @p0 [sflag:s18], $0x3E8  }
0x64: {  	[sflag:s18] =	ssyncset.done @p0 $0x0  }
0x65: {  	[sflag:s18] =	ssyncadd.s32 @p0 $0xFFFFFC18;
	s18 =	simm.s32 @!p0 $0x8  }
0x66: {  	_ =	swait.ge @!p0 [sflag:s18], $0x3E8  }
0x67: {  	[sflag:s18] =	ssyncset.done @!p0 $0x0  }
0x68: {  	[sflag:s18] =	ssyncadd.s32 @!p0 $0xFFFFFC18  }
0x69: {  	_ =	swait.ge @!p0 [sflag:s18], $0x3E8  }
0x6a: {  	s20 =	simm.s32 @!p0 $0xBB8;
	[sflag:s18] =	ssyncset.done @!p0 $0x0  }
0x6b: {  	s29 =	simm.s32 @!p0 $0x2AF8;
	[sflag:s18] =	ssyncadd.s32 @!p0 $0xFFFFFC18;
	s18 =	simm.s32 @!p0 $0x3E8  }
0x6c: {  	[tilespmem:s29], [sflag:$0x4] =	stream.indirect.gather @!p0 [spmem:s2], $0x1, s20, s18, $0xb8;
	[tilespmem:$0x5FE0] =	vst v63  }
0x6d: {  	s20 =	simm.s32 @!p0 $0x1  }
0x6e: {  	_ =	swait.ge @!p0 [sflag:s20], $0x3E8  }
0x6f: {  	s10 =	simm.s32 @!p0 $0x9;
	[sflag:s20] =	ssyncset.done @!p0 $0x0  }
0x70: {  	s29 =	simm.s32 @!p0 $0x1F40;
	[sflag:s20] =	ssyncadd.s32 @!p0 $0xFFFFFC18;
	s20 =	simm.s32 @!p0 $0xFA0  }
0x71: {  	[spmem:s3] =	stream.indirect.scatter.add.f32 @!p0 [tilespmem:s29], [sflag:$0x9], $0x1, s20, s18, $0xb8;
	[tilespmem:$0x5FE0] =	vst v63  }
0x72: {  	_ =	swait.ge @!p0 [sflag:s10], $0x3E8  }
0x73: {  	s8 =	sshrl.u32 @!p0 s28, $0x3;
	[sflag:s10] =	ssyncset.done @!p0 $0x0  }
0x74: {  	s0 =	simm.s32 @!p0 $0x0;
	[sflag:s10] =	ssyncadd.s32 @!p0 $0xFFFFFC18;
	s10 =	sadd.s32 @!p0 s5, s8  }
0x75: {  	[tilespmem:s0], [sflag:$0x5] =	stream.linear.gather @!p0 [hbm4b:s10+s0], $0x3E8, $0x38;
	[tilespmem:$0x5FE0] =	vst v63  }
0x76: {  	s8 =	sadd.s32 @!p0 s6, s8  }
0x77: {  	[tilespmem:s20], [sflag:$0x5] =	stream.linear.gather @!p0 [hbm4b:s8+s0], $0x3E8, $0x38;
	[tilespmem:$0x5FE0] =	vst v63  }
0x78: {  	s8 =	simm.s32 @!p0 $0x5  }
0x79: {  	_ =	swait.ge @!p0 [sflag:s8], $0x3E8  }
0x7a: {  	[sflag:s8] =	ssyncset.done @!p0 $0x0  }
0x7b: {  	[sflag:s8] =	ssyncadd.s32 @!p0 $0xFFFFFC18  }
0x7c: {  	_ =	swait.ge @!p0 [sflag:s8], $0x3E8  }
0x7d: {  	[sflag:s8] =	ssyncset.done @!p0 $0x0  }
0x7e: {  	[sflag:s8] =	ssyncadd.s32 @!p0 $0xFFFFFC18  }
0x7f: {  	[tilespmem:s29], [sflag:$0x1] =	stream.indirect.gather @!p0 [spmem:s2], $0x1, s0, s18, $0xb8;
	[tilespmem:$0x5FE0] =	vst v63  }
0x80: {  	_ =	swait.ge [sflag:s14], $0x3E8  }
0x81: {  	[sflag:s14] =	ssyncset.done $0x0  }
.Ltmp2:
0x82: {  	[sflag:s14] =	ssyncadd.s32 $0xFFFFFC18;
	(pc) =	sbr.rel @p0 .LBB2_4-.Ltmp2, $4  }
0x83: {  	[spmem:s3] =	stream.indirect.scatter.add.f32 [tilespmem:s9], [sflag:$0x9], $0x1, s31, s1, $0xb8;
	[tilespmem:$0x5FE0] =	vst v63  }
0x84: {  	_ =	swait.ge [sflag:s30], $0x3E8  }
0x85: {  	[sflag:s30] =	ssyncset.done $0x0  }
0x86: {  	[sflag:s30] =	ssyncadd.s32 $0xFFFFFC18  }
0x87: {  	s0 =	sadd.s32 s19, s26  }
0x88: {  	[tilespmem:s1], [sflag:$0x6] =	stream.linear.gather [hbm4b:s0+s4], $0x3E8, $0x38;
	[tilespmem:$0x5FE0] =	vst v63  }
0x89: {  	s29 =	sadd.s32 s19, s25  }
0x8a: {  	[tilespmem:s31], [sflag:$0x6] =	stream.linear.gather [hbm4b:s29+s4], $0x3E8, $0x38;
	[tilespmem:$0x5FE0] =	vst v63  }
0x8b: {  	_ =	swait.ge [sflag:s7], $0x3E8  }
0x8c: {  	[sflag:s7] =	ssyncset.done $0x0  }
0x8d: {  	[sflag:s7] =	ssyncadd.s32 $0xFFFFFC18  }
0x8e: {  	_ =	swait.ge [sflag:s7], $0x3E8  }
0x8f: {  	[sflag:s7] =	ssyncset.done $0x0  }
0x90: {  	[sflag:s7] =	ssyncadd.s32 $0xFFFFFC18  }
0x91: {  	[tilespmem:s9], [sflag:$0x2] =	stream.indirect.gather [spmem:s2], $0x1, s1, s1, $0xb8;
	[tilespmem:$0x5FE0] =	vst v63  }
0x92: {  	_ =	swait.ge [sflag:s15], $0x3E8  }
0x93: {  	[sflag:s15] =	ssyncset.done $0x0  }
0x94: {  	[sflag:s15] =	ssyncadd.s32 $0xFFFFFC18  }
0x95: {  	[spmem:s3] =	stream.indirect.scatter.add.f32 [tilespmem:s13], [sflag:$0x9], $0x1, s11, s1, $0xb8;
	[tilespmem:$0x5FE0] =	vst v63  }
0x96: {  	_ =	swait.ge [sflag:s30], $0x3E8  }
0x97: {  	p0 =	seq.s32 s19, $0x157C;
	[sflag:s30] =	ssyncset.done $0x0  }
0x98: {  	s0 =	simm.s32 @p0 $0x4;
	[sflag:s30] =	ssyncadd.s32 $0xFFFFFC18  }
0x99: {  	_ =	swait.ge @p0 [sflag:s0], $0x3E8  }
0x9a: {  	s8 =	simm.s32 @p0 $0x1B58;
	[sflag:s0] =	ssyncset.done @p0 $0x0  }
0x9b: {  	s10 =	simm.s32 @p0 $0x2AF8;
	[sflag:s0] =	ssyncadd.s32 @p0 $0xFFFFFC18;
	s0 =	simm.s32 @p0 $0x3E8  }
0x9c: {  	[spmem:s3] =	stream.indirect.scatter.add.f32 @p0 [tilespmem:s10], [sflag:$0x9], $0x1, s8, s0, $0xb8;
	[tilespmem:$0x5FE0] =	vst v63  }
0x9d: {  	s0 =	simm.s32 @p0 $0x9  }
0x9e: {  	_ =	swait.ge @p0 [sflag:s0], $0x3E8  }
0x9f: {  	s8 =	simm.s32 @!p0 $0x0;
	[sflag:s0] =	ssyncset.done @p0 $0x0  }
0xa0: {  	s10 =	simm.s32 @!p0 $0x7D0;
	[sflag:s0] =	ssyncadd.s32 @p0 $0xFFFFFC18;
	s0 =	sadd.s32 @!p0 s19, s24  }
0xa1: {  	[tilespmem:s10], [sflag:$0x7] =	stream.linear.gather @!p0 [hbm4b:s0+s8], $0x3E8, $0x38;
	[tilespmem:$0x5FE0] =	vst v63  }
0xa2: {  	s18 =	simm.s32 @!p0 $0x1770;
	s0 =	sadd.s32 @!p0 s19, s23  }
0xa3: {  	[tilespmem:s18], [sflag:$0x7] =	stream.linear.gather @!p0 [hbm4b:s0+s8], $0x3E8, $0x38;
	[tilespmem:$0x5FE0] =	vst v63  }
0xa4: {  	s0 =	simm.s32 @!p0 $0x7  }
0xa5: {  	_ =	swait.ge @!p0 [sflag:s0], $0x3E8  }
0xa6: {  	[sflag:s0] =	ssyncset.done @!p0 $0x0  }
0xa7: {  	[sflag:s0] =	ssyncadd.s32 @!p0 $0xFFFFFC18  }
0xa8: {  	_ =	swait.ge @!p0 [sflag:s0], $0x3E8  }
0xa9: {  	[sflag:s0] =	ssyncset.done @!p0 $0x0  }
0xaa: {  	s18 =	simm.s32 @!p0 $0x2710;
	[sflag:s0] =	ssyncadd.s32 @!p0 $0xFFFFFC18;
	s0 =	simm.s32 @!p0 $0x3E8  }
0xab: {  	[tilespmem:s18], [sflag:$0x3] =	stream.indirect.gather @!p0 [spmem:s2], $0x1, s10, s0, $0xb8;
	[tilespmem:$0x5FE0] =	vst v63  }
0xac: {  	s10 =	simm.s32 @!p0 $0x4  }
0xad: {  	_ =	swait.ge @!p0 [sflag:s10], $0x3E8  }
0xae: {  	[sflag:s10] =	ssyncset.done @!p0 $0x0  }
0xaf: {  	s18 =	simm.s32 @!p0 $0x2AF8;
	[sflag:s10] =	ssyncadd.s32 @!p0 $0xFFFFFC18;
	s10 =	simm.s32 @!p0 $0x1B58  }
0xb0: {  	[spmem:s3] =	stream.indirect.scatter.add.f32 @!p0 [tilespmem:s18], [sflag:$0x9], $0x1, s10, s0, $0xb8;
	[tilespmem:$0x5FE0] =	vst v63  }
0xb1: {  	s0 =	simm.s32 @!p0 $0x9  }
0xb2: {  	_ =	swait.ge @!p0 [sflag:s0], $0x3E8  }
.Ltmp3:
0xb3: {  	[sflag:s0] =	ssyncset.done @!p0 $0x0;
	(pc) =	sbr.rel .LBB2_2-.Ltmp3, $4  }
0xb4: {  	s18 =	simm.s32 @!p0 $0xBB8;
	[sflag:s0] =	ssyncadd.s32 @!p0 $0xFFFFFC18;
	s0 =	sadd.s32 @!p0 s19, s22  }
0xb5: {  	[tilespmem:s18], [sflag:$0x8] =	stream.linear.gather @!p0 [hbm4b:s0+s8], $0x3E8, $0x38;
	[tilespmem:$0x5FE0] =	vst v63  }
0xb6: {  	s28 =	sadd.s32 $0xFA0, s28;
	s0 =	sadd.s32 @!p0 s19, s21;
	s19 =	sadd.s32 $0x1F4, s19  }
0xb7: {  	[tilespmem:s10], [sflag:$0x8] =	stream.linear.gather @!p0 [hbm4b:s0+s8], $0x3E8, $0x38;
	[tilespmem:$0x5FE0] =	vst v63  }
.LBB2_5:
0xb8: {  	_ =	sfence.sel $0x180000  }
0xb9: {  	[bflag:$0x0] =	sbarrier.arrive $0xFFFF  }
0xba: {  	_ =	strace $0x90000047  }
0xbb: {  	s0 =	stileid.u32;
	[bflag:$0x2] =	sbarrier.arrive $0xFFFF  }
0xbc: {  	p0 =	sne.s32 s0, $0x0;
	s0 =	rddreg [dreg:$0x3]  }
0xbd: {  	s0 =	sadd.s32 @!p0 $0x100000, s0  }
0xbe: {  	[sflag:s0] =	ssyncadd.tile.s32 @!p0 $0x1;
	_ =	shalt  }
.Lfunc_end2:
_tile_overlayer_lowered:
.L_overlay_start_2:
0xbf: {  	(tag) =	ssettag $0x2  }
0xc0: {  	s0 =	rddreg [dreg:$0x0];
	s2 =	stileid.u32  }
0xc1: {  	s1 =	rddreg [dreg:$0x1];
	p0 =	sne.s32 s2, $0x0  }
0xc2: {  	s3 =	rddreg [dreg:$0x2];
	[bflag:$0x3] =	sbarrier.arrive $0xFFFF;
	s2 =	simm.s32 @!p0 $0x1C09  }
0xc3: {  	[timem:s3], [sflag:s2] =	dma.local @!p0 [hbm:s0], s1  }
0xc4: {  	s0 =	simm.s32 @!p0 $0x9  }
0xc5: {  	_ =	swait.ge @!p0 [sflag:s0], s1  }
0xc6: {  	s1 =	ssub.s32 @!p0 $0x0, s1;
	[sflag:s0] =	ssyncset.done @!p0 $0x0  }
0xc7: {  	[sflag:s0] =	ssyncadd.s32 @!p0 s1  }
0xc8: {  	[bflag:$0x3] =	sbarrier.arrive $0xFFFF  }
0xc9: {  	_ =	shalt  }

// kernel: kernel.9.cloned.1.call-start
scs
__scs_entry_jumppad:
0x0: {  	(pc) =	sbr.rel $0x88, $3  }
0x1: {  	(tag) =	ssettag $0x0;
	lr =	simm.s32 $0x1  }
0x2: {  	[smem:$0x3F92] =	sst lr;
	_ =	strace $0xD0000000  }
0x3: {  	_ = 	snop  }
0x4: {  	_ = 	snop  }
0x5: {  	_ = 	snop  }
0x6: {  	_ = 	snop  }
0x7: {  	_ = 	snop  }
__scs_overlays_trampoline_lowered:
0x8: {  	[smem:$0x3FA1] =	sst s0  }
0x9: {  	[smem:$0x3FA2] =	sst s1  }
0xa: {  	[smem:$0x3FA3] =	sst s2  }
0xb: {  	[smem:$0x3FA4] =	sst s3  }
0xc: {  	[smem:$0x3FA5] =	sst s4  }
0xd: {  	[smem:$0x3FA6] =	sst s5  }
0xe: {  	[smem:$0x3FA7] =	sst s6  }
0xf: {  	[smem:$0x3FA8] =	sst s7  }
0x10: {  	[smem:$0x3FA9] =	sst s8  }
0x11: {  	[smem:$0x3FAA] =	sst s9;
	s0 =	simm.s32 @!p0 $0x0  }
0x12: {  	s1 =	sld [smem:$0x3F90];
	s0 =	simm.s32 @p0 $0x1  }
0x13: {  	[smem:$0x3FAB] =	sst s0;
	s0 =	simm.s32 @!p1 $0x0  }
0x14: {  	s2 =	sld [smem:$0x3F8F];
	s0 =	simm.s32 @p1 $0x1  }
0x15: {  	[smem:$0x3FAC] =	sst s0;
	s0 =	simm.s32 @!p2 $0x0  }
0x16: {  	s3 =	sld [smem:$0x3FDB];
	s0 =	simm.s32 @p2 $0x1  }
0x17: {  	s4 =	simm.s32 $0x1BF5;
	[smem:$0x3FAE] =	sst s0  }
0x18: {  	s0 =	sld [smem:$0x3F91];
	_ =	swait.ge [sflag:s4], $0x0  }
0x19: {  	s7 =	sld [smem:$0x3F92]  }
0x1a: {  	s8 =	sadd.s32 $0xFFFFE003, lr  }
0x1b: {  	s9 =	sadd.s32 $0xFFFFFEF7, lr;
	s5 =	simm.s32 $0xFFFFFFFF;
	p2 =	slt.u32 s8, $0xFFFFF086  }
0x1c: {  	p1 =	slt.u32 s9, $0xF7A;
	s5 =	simm.s32 @!p2 $0x0  }
0x1d: {  	s5 =	simm.s32 @p1 $0x1;
	p0 =	seq.s32 s7, s2  }
0x1e: {  	s7 =	smul.u32 @!p0 $0xF7A, s2;
	p2 =	seq.s32 @!p0 s5, $0x0  }
0x1f: {  	s9 =	smul.u32 $0xF7A, s1;
	s8 =	simm.s32 @!p0 $0x1BF5;
	p2 =	por !p2, p0  }
0x20: {  	[sflag:s8] =	ssyncset.s32 @!p0 $0xFFFFF086;
	s6 =	sadd.s32 @!p0 s3, s7;
	s7 =	simm.s32 @!p0 $0x108  }
0x21: {  	s3 =	sadd.s32 s3, s9;
	s6 =	sadd.s32 @!p0 $0x88, s6;
	s7 =	simm.s32 @p2 $0x1082  }
0x22: {  	[simem:s7], [sflag:s8] =	dma.local @!p0 [hbm:s6], $0xF7A  }
0x23: {  	s9 =	sor.u32 $0xD0000000, s2;
	s6 =	simm.s32 $0x108;
	_ =	swait.ge @!p0 [sflag:s8], $0x0  }
0x24: {  	s3 =	sadd.s32 $0x88, s3;
	s6 =	simm.s32 @!p1 $0x1082;
	[sflag:s4] =	ssyncset.s32 $0xFFFFF086  }
0x25: {  	[simem:s6], [sflag:s4] =	dma.local [hbm:s3], $0xF7A  }
0x26: {  	[smem:$0x3F92] =	sst s1;
	(tag) =	ssettag s2;
	_ =	strace s9  }
0x27: {  	s1 =	sld [smem:$0x3FA2]  }
0x28: {  	s2 =	sld [smem:$0x3FA3]  }
0x29: {  	s4 =	sld [smem:$0x3FA5]  }
0x2a: {  	p0 =	seq.s32 s5, $0x0;
	s5 =	sld [smem:$0x3FA6]  }
0x2b: {  	s6 =	sld [smem:$0x3FA7]  }
0x2c: {  	s7 =	sld [smem:$0x3FA8]  }
0x2d: {  	s3 =	simm.s32 $0x108;
	s8 =	sld [smem:$0x3FA9]  }
0x2e: {  	s3 =	simm.s32 @!p0 $0x1082;
	s9 =	sld [smem:$0x3FAA]  }
0x2f: {  	lr =	sadd.s32 s0, s3;
	s0 =	sld [smem:$0x3FA1]  }
0x30: {  	s3 =	sld [smem:$0x3FA4]  }
0x31: {  	[smem:$0x3FAD] =	sst s10  }
0x32: {  	s10 =	sld [smem:$0x3FAB];
	_ =	sdelay $0x3  }
0x33: {  	p0 =	seq.s32 s10, $0x1;
	s10 =	sld [smem:$0x3FAD];
	_ =	sdelay $0x3  }
0x34: {  	[smem:$0x3FAD] =	sst s10  }
0x35: {  	s10 =	sld [smem:$0x3FAC];
	_ =	sdelay $0x3  }
0x36: {  	p1 =	seq.s32 s10, $0x1;
	s10 =	sld [smem:$0x3FAD];
	_ =	sdelay $0x3  }
0x37: {  	[smem:$0x3FAD] =	sst s10  }
0x38: {  	s10 =	sld [smem:$0x3FAE]  }
0x39: {  	_ = 	snop;
	(pc) =	sbr.ind lr, $3  }
0x3a: {  	_ = 	snop  }
0x3b: {  	_ = 	snop  }
0x3c: {  	p2 =	seq.s32 s10, $0x1;
	s10 =	sld [smem:$0x3FAD]  }
0x3d: {  	_ =	shalt  }
0x3e: {  	_ =	shalt  }
0x3f: {  	_ =	shalt  }
0x40: {  	_ =	shalt  }
0x41: {  	_ =	shalt  }
0x42: {  	_ =	shalt  }
0x43: {  	_ =	shalt  }
0x44: {  	_ =	shalt  }
0x45: {  	_ =	shalt  }
0x46: {  	_ =	shalt  }
0x47: {  	_ =	shalt  }
0x48: {  	_ =	shalt  }
0x49: {  	_ =	shalt  }
0x4a: {  	_ =	shalt  }
0x4b: {  	_ =	shalt  }
0x4c: {  	_ =	shalt  }
0x4d: {  	_ =	shalt  }
0x4e: {  	_ =	shalt  }
0x4f: {  	_ =	shalt  }
0x50: {  	_ =	shalt  }
0x51: {  	_ =	shalt  }
0x52: {  	_ =	shalt  }
0x53: {  	_ =	shalt  }
0x54: {  	_ =	shalt  }
0x55: {  	_ =	shalt  }
0x56: {  	_ =	shalt  }
0x57: {  	_ =	shalt  }
0x58: {  	_ =	shalt  }
0x59: {  	_ =	shalt  }
0x5a: {  	_ =	shalt  }
0x5b: {  	_ =	shalt  }
0x5c: {  	_ =	shalt  }
0x5d: {  	_ =	shalt  }
0x5e: {  	_ =	shalt  }
0x5f: {  	_ =	shalt  }
0x60: {  	_ =	shalt  }
0x61: {  	_ =	shalt  }
0x62: {  	_ =	shalt  }
0x63: {  	_ =	shalt  }
0x64: {  	_ =	shalt  }
0x65: {  	_ =	shalt  }
0x66: {  	_ =	shalt  }
0x67: {  	_ =	shalt  }
0x68: {  	_ =	shalt  }
0x69: {  	_ =	shalt  }
0x6a: {  	_ =	shalt  }
0x6b: {  	_ =	shalt  }
0x6c: {  	_ =	shalt  }
0x6d: {  	_ =	shalt  }
0x6e: {  	_ =	shalt  }
0x6f: {  	_ =	shalt  }
0x70: {  	_ =	shalt  }
0x71: {  	_ =	shalt  }
0x72: {  	_ =	shalt  }
0x73: {  	_ =	shalt  }
0x74: {  	_ =	shalt  }
0x75: {  	_ =	shalt  }
0x76: {  	_ =	shalt  }
0x77: {  	_ =	shalt  }
0x78: {  	_ =	shalt  }
0x79: {  	_ =	shalt  }
0x7a: {  	_ =	shalt  }
0x7b: {  	_ =	shalt  }
0x7c: {  	_ =	shalt  }
0x7d: {  	_ =	shalt  }
0x7e: {  	_ =	shalt  }
0x7f: {  	_ =	shalt  }
0x80: {  	_ =	shalt  }
0x81: {  	_ =	shalt  }
0x82: {  	_ =	shalt  }
0x83: {  	_ =	shalt  }
0x84: {  	_ =	shalt  }
0x85: {  	_ =	shalt  }
0x86: {  	_ =	shalt  }
0x87: {  	_ =	shalt  }
.Lfunc_end0:
.L_simem_size_0:
called_computation.1_lowered:
.L_overlay_start_0:
0x88: {  	s2 =	sld [smem:$0x3FD9]  }
0x89: {  	s3 =	sld [smem:$0x3FFE];
	_ =	sdelay $0x1  }
0x8a: {  	s1 =	srdreg.scid  }
0x8b: {  	s0 =	sand.u32 $0x1, s1  }
0x8c: {  	s16 =	sshll.u32 s0, $0xA;
	s2 =	sadd.s32 s3, s2  }
0x8d: {  	s2 =	sadd.s32 s2, s16  }
0x8e: {  	[smem:$0x3FB9] =	sst s2  }
0x8f: {  	_ = 	snop  }
0x90: {  	(tm) =	ssettm $0x1  }
0x91: {  	s17 =	sld [smem:$0x3FFB];
	_ =	sdelay $0x3  }
0x92: {  	_ =	strace s17  }
0x93: {  	s2 =	sld [smem:$0x3FFC];
	_ =	sdelay $0x3  }
0x94: {  	_ =	strace s2  }
0x95: {  	s2 =	sld [smem:$0x3FFD];
	_ =	sdelay $0x3  }
0x96: {  	_ =	strace s2  }
0x97: {  	_ =	strace $0x8FFFFFFF  }
0x98: {  	s18 =	sld [smem:$0x3FDB];
	_ =	sdelay $0x1  }
0x99: {  	s19 =	simm.s32 $_scs_section_size  }
0x9a: {  	s4 =	simm.s32 $_size__tile_overlayer_lowered;
	s5 =	simm.s32 $_tile_overlayer_lowered  }
0x9b: {  	s22 =	simm.s32 $0x1BFF;
	s21 =	sshll.u32 s5, $0x1;
	s2 =	sadd.s32 s19, s18  }
0x9c: {  	s6 =	simm.s32 $0x0;
	s20 =	sshll.u32 s4, $0x1;
	s4 =	sadd.s32 s21, s2  }
0x9d: {  	[timem:s6], [sflag:s22] =	dma.local [hbm:s4], s20  }
0x9e: {  	_ =	swait.ge [sflag:s22], s20  }
0x9f: {  	s3 =	ssub.s32 $0x0, s20;
	[sflag:s22] =	ssyncset.done $0x0  }
0xa0: {  	[sflag:s22] =	ssyncadd.s32 s3;
	_ =	sdelay $0x1  }
0xa1: {  	s23 =	simm.s32 $0x1B8B  }
0xa2: {  	_ =	swait.ge [sflag:s23], $0x1  }
0xa3: {  	[sflag:s23] =	ssyncset.done $0x0  }
0xa4: {  	s25 =	simm.s32 $0x1B8E;
	s24 =	sld [smem:$0x3FFE];
	[sflag:s23] =	ssyncadd.s32 $0xFFFFFFFF  }
0xa5: {  	s26 =	simm.s32 $execute0_lowered;
	[smem:$0x3FD2] =	sst s25  }
0xa6: {  	s4 =	sshll.u32 s26, $0x1;
	_ =	strace $0x80000049;
	[dreg:$0x1] =	wrdreg $0xFFFFFFFF  }
0xa7: {  	s28 =	simm.s32 $_size_execute0_lowered;
	s2 =	sadd.s32 s2, s4;
	[dreg:$0x0] =	wrdreg $0x0  }
0xa8: {  	s4 =	sshll.u32 s28, $0x1;
	[dreg:$0x2] =	wrdreg s2  }
0xa9: {  	[dreg:$0x3] =	wrdreg s4  }
0xaa: {  	[dreg:$0x4] =	wrdreg $0xC0  }
0xab: {  	_ =	task [dreg:s6], $0x5FFFF  }
0xac: {  	[dreg:$0x1] =	wrdreg $0xFFFFFFFF  }
0xad: {  	[dreg:$0x0] =	wrdreg $0x60  }
0xae: {  	[dreg:$0x2] =	wrdreg s24  }
0xaf: {  	[dreg:$0x3] =	wrdreg $0x38400  }
0xb0: {  	[dreg:$0x4] =	wrdreg $0x9  }
0xb1: {  	_ =	task.clear_ibuf [dreg:s6], $0x5FFFF;
	_ =	strace $0x90000049  }
0xb2: {  	s29 =	simm.s32 $0x9;
	_ =	strace $0x8000004B  }
0xb3: {  	_ =	swait.ge [sflag:s29], $0x1  }
0xb4: {  	[sflag:s29] =	ssyncadd.s32 $0xFFFFFFFF  }
0xb5: {  	_ =	strace $0x9000004B  }
0xb6: {  	_ =	sfence  }
0xb7: {  	s30 =	sld [smem:$0x0];
	_ =	sdelay $0x2  }
0xb8: {  	s31 =	sshll.u32 s1, $0xD;
	s1 =	sshrl.u32 s1, $0x2  }
0xb9: {  	s3 =	sand.u32 $0x4000, s31;
	s1 =	sadd.s32 s1, s30  }
0xba: {  	s0 =	sor.u32 s3, s0;
	s1 =	sshll.u32 s1, $0x11  }
0xbb: {  	s0 =	sor.u32 s1, s0  }
0xbc: {  	s0 =	sadd.s32 $0x8F2B, s0  }
0xbd: {  	[sflag:s0] =	ssyncadd.remote.s32 $0x1  }
0xbe: {  	_ =	sfence.sel $0xFFFF  }
0xbf: {  	[dreg:$0x0] =	wrdreg $0xFFFFFFFF;
	(pc) =	sbr.abs _section_cstart, $3  }
0xc0: {  	[dreg:$0x1] =	wrdreg $0xFFFFFFFF  }
0xc1: {  	_ =	task.clear_ibuf [dreg:s6], $0x2FFFF;
	_ =	strace $0x9FFFFFFF  }
0xc2: {  	(tm) =	ssettm $0x7FFFFFFF  }
0xc3: {  	_ =	shalt  }
tec
execute0_lowered:
.L_overlay_start_1:
0x0: {  	(tag) =	ssettag $0x1  }
0x1: {  	s0 =	rddreg [dreg:$0x0]  }
0x2: {  	s1 =	rddreg [dreg:$0x1]  }
0x3: {  	s2 =	simm.s32 $0x0;
	s6 =	srdreg.scid;
	s16 =	stileid.u32  }
0x4: {  	s28 =	simm.s32 $0x640;
	s29 =	simm.s32 $0x7;
	s31 =	simm.s32 $0x1F40  }
0x5: {  	[smem:$0x7FF] =	sst s2;
	s3 =	sadd.s32 $0x64200, s0;
	s5 =	sadd.s32 $0x95200, s0  }
0x6: {  	s4 =	sadd.s32 $0xC6200, s0;
	s7 =	sadd.s32 $0x103800, s0;
	s10 =	smul.u32 $0x18800, s16  }
0x7: {  	s8 =	sadd.s32 $0x33400, s0;
	s11 =	sadd.s32 $0x2600, s0;
	s13 =	smul.u32 $0x186A0, s16  }
0x8: {  	s6 =	sand.u32 $0x1, s6;
	s14 =	sadd.s32 $0x134800, s0;
	s0 =	sadd.s32 $0x165800, s0  }
0x9: {  	s26 =	sshll.u32 s16, $0x6;
	s30 =	smul.u32 $0x30D4, s16;
	_ =	strace $0x8000004A  }
0xa: {  	s9 =	ssub.s32 $0x2, s6;
	p0 =	seq.s32 s6, $0x0;
	s16 =	sor.u32 $0x1C09, s26  }
0xb: {  	s19 =	smov.u32 s5;
	s26 =	simm.s32 $0xC8;
	s12 =	sshrl.u32 s9, $0x1  }
0xc: {  	s20 =	sadd.s32 s10, s1;
	s21 =	sadd.s32 $0xC8, s13;
	s10 =	sshrl.u32 s10, $0x3  }
0xd: {  	s15 =	sshrl.u32 s13, $0x3;
	s13 =	sadd.s32 $0x258, s13;
	s7 =	smov.u32 @p0 s4  }
0xe: {  	s0 =	smov.u32 @p0 s14;
	s19 =	smov.u32 @p0 s3;
	s4 =	simm.s32 $0x4B0  }
0xf: {  	s14 =	simm.s32 $0x0;
	[dreg:$0xe] =	wrdreg s16;
	s9 =	ssub.s32 s9, s12  }
0x10: {  	[dreg:$0x3] =	wrdreg s20;
	s12 =	sshrl.u32 s21, $0x3;
	s17 =	sadd.s32 s8, s15  }
0x11: {  	s22 =	sadd.s32 s11, s15;
	s24 =	sadd.s32 $0x32, s15;
	[dreg:$0x4] =	wrdreg s17  }
0x12: {  	s25 =	sshrl.u32 s13, $0x3;
	s7 =	sadd.s32 s7, s10;
	[dreg:$0x5] =	wrdreg s22  }
0x13: {  	s0 =	sadd.s32 s0, s10;
	s21 =	sadd.s32 s30, s11;
	[dreg:$0xd] =	wrdreg s7  }
0x14: {  	s10 =	simm.s32 $0x2BC0;
	s23 =	sadd.s32 s8, s12;
	[dreg:$0xf] =	wrdreg s0  }
0x15: {  	s12 =	sadd.s32 s11, s12;
	s15 =	sadd.s32 s8, s24;
	[dreg:$0x6] =	wrdreg s23  }
0x16: {  	s13 =	sadd.s32 s8, s25;
	s9 =	smax.u32 s9, $0x1;
	[dreg:$0x7] =	wrdreg s12  }
0x17: {  	s22 =	sadd.s32 s30, s8;
	s0 =	simm.s32 $0x190;
	[dreg:$0x8] =	wrdreg s15  }
.Ltmp0:
0x18: {  	s7 =	simm.s32 $0x258;
	[dreg:$0xa] =	wrdreg s13;
	(pc) =	sbr.rel .LBB2_1-.Ltmp0, $4  }
0x19: {  	s8 =	simm.s32 $0x578;
	s12 =	sadd.s32 s11, s24;
	[dreg:$0xc] =	wrdreg s9  }
0x1a: {  	s23 =	simm.s32 $0x9;
	s24 =	simm.s32 $0x320;
	s9 =	simm.s32 $0x8  }
0x1b: {  	s13 =	simm.s32 $0x4;
	[dreg:$0x9] =	wrdreg s12;
	s12 =	sadd.s32 s11, s25  }
0x1c: {  	s11 =	simm.s32 $0x1;
	[dreg:$0xb] =	wrdreg s12;
	s12 =	simm.s32 $0x3  }
.LBB2_4:
0x1d: {  	_ =	swait.ge [sflag:s13], $0xC80  }
0x1e: {  	[sflag:s13] =	ssyncset.done $0x0  }
0x1f: {  	[sflag:s13] =	ssyncadd.s32 $0xFFFFF380  }
0x20: {  	[spmem:s1] =	stream.indirect.scatter.add.f32 [tilespmem:s10], [sflag:$0x9], $0x10, s8, s26, $0xb8;
	[tilespmem:$0x1C040] =	vst v63  }
0x21: {  	_ =	swait.ge [sflag:s23], $0xC80  }
0x22: {  	[sflag:s23] =	ssyncset.done $0x0  }
0x23: {  	[sflag:s23] =	ssyncadd.s32 $0xFFFFF380  }
0x24: {  	[bflag:$0x0] =	sbarrier.arrive $0xFFFF  }
0x25: {  	s16 =	rddreg [dreg:$0xe]  }
0x26: {  	s15 =	rddreg [dreg:$0xf]  }
0x27: {  	s17 =	rddreg [dreg:$0x10]  }
0x28: {  	[hbm:s15], [sflag:s16] =	dma.local [spmem:s17], $0x3100  }
0x29: {  	_ =	swait.ge [sflag:s23], $0x3100  }
0x2a: {  	s14 =	sadd.s32 $0x1, s14;
	s30 =	rddreg [dreg:$0xc]  }
0x2b: {  	p0 =	sne.s32 s14, s30  }
.Ltmp1:
0x2c: {  	_ = 	snop;
	(pc) =	sbr.rel @!p0 .LBB2_5-.Ltmp1, $3  }
0x2d: {  	_ =	sdelay $0x1  }
0x2e: {  	[sflag:s23] =	ssyncset.done $0x0  }
0x2f: {  	[sflag:s23] =	ssyncadd.s32 $0xFFFFCF00  }
.LBB2_1:
0x30: {  	s15 =	rddreg [dreg:$0x3]  }
0x31: {  	s30 =	rddreg [dreg:$0xd];
	s17 =	sshrl.u32 s15, $0x3  }
0x32: {  	[dreg:$0x10] =	wrdreg s17  }
0x33: {  	[spmem:s17], [sflag:s16] =	dma.local [hbm:s30], $0x3100  }
0x34: {  	_ =	swait.ge [sflag:s23], $0x3100  }
0x35: {  	[sflag:s23] =	ssyncset.done $0x0  }
0x36: {  	[sflag:s23] =	ssyncadd.s32 $0xFFFFCF00  }
0x37: {  	[bflag:$0x0] =	sbarrier.arrive $0xFFFF  }
0x38: {  	s16 =	rddreg [dreg:$0x4]  }
0x39: {  	[tilespmem:s2], [sflag:$0x5] =	stream.linear.gather [hbm4b:s16+s2], $0xC8, $0x38;
	[tilespmem:$0x1C040] =	vst v63  }
0x3a: {  	s18 =	simm.s32 $0x5;
	s17 =	rddreg [dreg:$0x5]  }
0x3b: {  	[tilespmem:s24], [sflag:$0x5] =	stream.linear.gather [hbm4b:s17+s2], $0xC8, $0x38;
	[tilespmem:$0x1C040] =	vst v63  }
0x3c: {  	_ =	swait.ge [sflag:s18], $0xC8  }
0x3d: {  	[sflag:s18] =	ssyncset.done $0x0  }
0x3e: {  	[sflag:s18] =	ssyncadd.s32 $0xFFFFFF38  }
0x3f: {  	_ =	swait.ge [sflag:s18], $0xC8  }
0x40: {  	[sflag:s18] =	ssyncset.done $0x0  }
0x41: {  	[sflag:s18] =	ssyncadd.s32 $0xFFFFFF38  }
0x42: {  	[tilespmem:s28], [sflag:$0x1] =	stream.indirect.gather [hbm4b:s19+s26], $0x10, s2, s26, $0xb8;
	[tilespmem:$0x1C040] =	vst v63  }
0x43: {  	s20 =	rddreg [dreg:$0x6]  }
0x44: {  	[tilespmem:s26], [sflag:$0x6] =	stream.linear.gather [hbm4b:s20+s2], $0xC8, $0x38;
	[tilespmem:$0x1C040] =	vst v63  }
0x45: {  	s30 =	simm.s32 $0x3E8;
	s16 =	simm.s32 $0x6;
	s25 =	rddreg [dreg:$0x7]  }
0x46: {  	[tilespmem:s30], [sflag:$0x6] =	stream.linear.gather [hbm4b:s25+s2], $0xC8, $0x38;
	[tilespmem:$0x1C040] =	vst v63  }
0x47: {  	_ =	swait.ge [sflag:s16], $0xC8  }
0x48: {  	[sflag:s16] =	ssyncset.done $0x0  }
0x49: {  	[sflag:s16] =	ssyncadd.s32 $0xFFFFFF38  }
0x4a: {  	_ =	swait.ge [sflag:s16], $0xC8  }
0x4b: {  	[sflag:s16] =	ssyncset.done $0x0  }
0x4c: {  	s17 =	simm.s32 $0x12C0;
	[sflag:s16] =	ssyncadd.s32 $0xFFFFFF38  }
0x4d: {  	[tilespmem:s17], [sflag:$0x2] =	stream.indirect.gather [hbm4b:s19+s26], $0x10, s26, s26, $0xb8;
	[tilespmem:$0x1C040] =	vst v63  }
0x4e: {  	s18 =	rddreg [dreg:$0x8]  }
0x4f: {  	[tilespmem:s0], [sflag:$0x7] =	stream.linear.gather [hbm4b:s18+s2], $0xC8, $0x38;
	[tilespmem:$0x1C040] =	vst v63  }
0x50: {  	s20 =	rddreg [dreg:$0x9]  }
0x51: {  	[tilespmem:s4], [sflag:$0x7] =	stream.linear.gather [hbm4b:s20+s2], $0xC8, $0x38;
	[tilespmem:$0x1C040] =	vst v63  }
0x52: {  	_ =	swait.ge [sflag:s29], $0xC8  }
0x53: {  	[sflag:s29] =	ssyncset.done $0x0  }
0x54: {  	[sflag:s29] =	ssyncadd.s32 $0xFFFFFF38  }
0x55: {  	_ =	swait.ge [sflag:s29], $0xC8  }
0x56: {  	[sflag:s29] =	ssyncset.done $0x0  }
0x57: {  	[sflag:s29] =	ssyncadd.s32 $0xFFFFFF38  }
0x58: {  	[tilespmem:s31], [sflag:$0x3] =	stream.indirect.gather [hbm4b:s19+s26], $0x10, s0, s26, $0xb8;
	[tilespmem:$0x1C040] =	vst v63  }
0x59: {  	s25 =	rddreg [dreg:$0xa]  }
0x5a: {  	[tilespmem:s7], [sflag:$0x8] =	stream.linear.gather [hbm4b:s25+s2], $0xC8, $0x38;
	[tilespmem:$0x1C040] =	vst v63  }
0x5b: {  	s16 =	simm.s32 $0x0;
	s30 =	rddreg [dreg:$0xb]  }
0x5c: {  	[tilespmem:s8], [sflag:$0x8] =	stream.linear.gather [hbm4b:s30+s2], $0xC8, $0x38;
	[tilespmem:$0x1C040] =	vst v63  }
.LBB2_2:
0x5d: {  	_ =	swait.ge [sflag:s9], $0xC8  }
0x5e: {  	[sflag:s9] =	ssyncset.done $0x0  }
0x5f: {  	[sflag:s9] =	ssyncadd.s32 $0xFFFFFF38  }
0x60: {  	_ =	swait.ge [sflag:s9], $0xC8  }
0x61: {  	[sflag:s9] =	ssyncset.done $0x0  }
0x62: {  	[sflag:s9] =	ssyncadd.s32 $0xFFFFFF38  }
0x63: {  	[tilespmem:s10], [sflag:$0x4] =	stream.indirect.gather [hbm4b:s19+s26], $0x10, s7, s26, $0xb8;
	[tilespmem:$0x1C040] =	vst v63  }
0x64: {  	_ =	swait.ge [sflag:s11], $0xC80  }
0x65: {  	[sflag:s11] =	ssyncset.done $0x0  }
0x66: {  	[sflag:s11] =	ssyncadd.s32 $0xFFFFF380  }
0x67: {  	[spmem:s1] =	stream.indirect.scatter.add.f32 [tilespmem:s28], [sflag:$0x9], $0x10, s24, s26, $0xb8;
	[tilespmem:$0x1C040] =	vst v63  }
0x68: {  	_ =	swait.ge [sflag:s23], $0xC80  }
0x69: {  	p0 =	seq.s32 s16, $0x3070;
	[sflag:s23] =	ssyncset.done $0x0  }
0x6a: {  	s17 =	simm.s32 @p0 $0x2;
	[sflag:s23] =	ssyncadd.s32 $0xFFFFF380  }
0x6b: {  	_ =	swait.ge @p0 [sflag:s17], $0xC80  }
0x6c: {  	s20 =	simm.s32 @p0 $0x3E8;
	[sflag:s17] =	ssyncset.done @p0 $0x0  }
0x6d: {  	s18 =	simm.s32 @p0 $0x12C0;
	[sflag:s17] =	ssyncadd.s32 @p0 $0xFFFFF380;
	s17 =	simm.s32 @p0 $0xC8  }
0x6e: {  	[spmem:s1] =	stream.indirect.scatter.add.f32 @p0 [tilespmem:s18], [sflag:$0x9], $0x10, s20, s17, $0xb8;
	[tilespmem:$0x1C040] =	vst v63  }
0x6f: {  	s17 =	simm.s32 @p0 $0x9  }
0x70: {  	_ =	swait.ge @p0 [sflag:s17], $0xC80  }
0x71: {  	s18 =	sadd.s32 @!p0 s16, s22;
	[sflag:s17] =	ssyncset.done @p0 $0x0  }
0x72: {  	s20 =	simm.s32 @!p0 $0x0;
	[sflag:s17] =	ssyncadd.s32 @p0 $0xFFFFF380;
	s17 =	sadd.s32 @!p0 $0x64, s18  }
0x73: {  	[tilespmem:s20], [sflag:$0x5] =	stream.linear.gather @!p0 [hbm4b:s17+s20], $0xC8, $0x38;
	[tilespmem:$0x1C040] =	vst v63  }
0x74: {  	s17 =	sadd.s32 @!p0 s16, s21  }
0x75: {  	s30 =	simm.s32 @!p0 $0x320;
	s25 =	sadd.s32 @!p0 $0x64, s17  }
0x76: {  	[tilespmem:s30], [sflag:$0x5] =	stream.linear.gather @!p0 [hbm4b:s25+s20], $0xC8, $0x38;
	[tilespmem:$0x1C040] =	vst v63  }
0x77: {  	s25 =	simm.s32 @!p0 $0x5  }
0x78: {  	_ =	swait.ge @!p0 [sflag:s25], $0xC8  }
0x79: {  	[sflag:s25] =	ssyncset.done @!p0 $0x0  }
0x7a: {  	[sflag:s25] =	ssyncadd.s32 @!p0 $0xFFFFFF38  }
0x7b: {  	_ =	swait.ge @!p0 [sflag:s25], $0xC8  }
0x7c: {  	[sflag:s25] =	ssyncset.done @!p0 $0x0  }
0x7d: {  	s30 =	simm.s32 @!p0 $0x640;
	[sflag:s25] =	ssyncadd.s32 @!p0 $0xFFFFFF38;
	s25 =	simm.s32 @!p0 $0xC8  }
0x7e: {  	[tilespmem:s30], [sflag:$0x1] =	stream.indirect.gather @!p0 [hbm4b:s19+s25], $0x10, s20, s25, $0xb8;
	[tilespmem:$0x1C040] =	vst v63  }
0x7f: {  	s30 =	simm.s32 @!p0 $0x2  }
0x80: {  	_ =	swait.ge @!p0 [sflag:s30], $0xC80  }
0x81: {  	[sflag:s30] =	ssyncset.done @!p0 $0x0  }
0x82: {  	s15 =	simm.s32 @!p0 $0x12C0;
	[sflag:s30] =	ssyncadd.s32 @!p0 $0xFFFFF380;
	s30 =	simm.s32 @!p0 $0x3E8  }
0x83: {  	[spmem:s1] =	stream.indirect.scatter.add.f32 @!p0 [tilespmem:s15], [sflag:$0x9], $0x10, s30, s25, $0xb8;
	[tilespmem:$0x1C040] =	vst v63  }
0x84: {  	s15 =	simm.s32 @!p0 $0x9  }
0x85: {  	_ =	swait.ge @!p0 [sflag:s15], $0xC80  }
0x86: {  	[sflag:s15] =	ssyncset.done @!p0 $0x0  }
0x87: {  	[sflag:s15] =	ssyncadd.s32 @!p0 $0xFFFFF380;
	s15 =	sadd.s32 @!p0 $0x7D, s18  }
0x88: {  	[tilespmem:s25], [sflag:$0x6] =	stream.linear.gather @!p0 [hbm4b:s15+s20], $0xC8, $0x38;
	[tilespmem:$0x1C040] =	vst v63  }
0x89: {  	s15 =	sadd.s32 @!p0 $0x7D, s17  }
0x8a: {  	[tilespmem:s30], [sflag:$0x6] =	stream.linear.gather @!p0 [hbm4b:s15+s20], $0xC8, $0x38;
	[tilespmem:$0x1C040] =	vst v63  }
0x8b: {  	s15 =	simm.s32 @!p0 $0x6  }
0x8c: {  	_ =	swait.ge @!p0 [sflag:s15], $0xC8  }
0x8d: {  	[sflag:s15] =	ssyncset.done @!p0 $0x0  }
0x8e: {  	[sflag:s15] =	ssyncadd.s32 @!p0 $0xFFFFFF38  }
0x8f: {  	p1 =	sne.s32 @!p0 s6, $0x0;
	_ =	swait.ge @!p0 [sflag:s15], $0xC8  }
0x90: {  	p2 =	por !p1, p0;
	p1 =	por p1, p0;
	[sflag:s15] =	ssyncset.done @!p0 $0x0  }
0x91: {  	s17 =	simm.s32 @!p2 $0x12C0;
	[sflag:s15] =	ssyncadd.s32 @!p0 $0xFFFFFF38;
	s15 =	simm.s32 @!p2 $0xC8  }
0x92: {  	[tilespmem:s17], [sflag:$0x2] =	stream.indirect.gather @!p2 [hbm4b:s5+s15], $0x10, s15, s15, $0xb8;
	[tilespmem:$0x1C040] =	vst v63  }
0x93: {  	s15 =	simm.s32 @!p1 $0xC8;
	s17 =	simm.s32 @!p1 $0x12C0  }
0x94: {  	[tilespmem:s17], [sflag:$0x2] =	stream.indirect.gather @!p1 [hbm4b:s3+s15], $0x10, s15, s15, $0xb8;
	[tilespmem:$0x1C040] =	vst v63  }
0x95: {  	_ =	swait.ge [sflag:s12], $0xC80  }
0x96: {  	[sflag:s12] =	ssyncset.done $0x0  }
.Ltmp2:
0x97: {  	[sflag:s12] =	ssyncadd.s32 $0xFFFFF380;
	(pc) =	sbr.rel @p0 .LBB2_4-.Ltmp2, $4  }
0x98: {  	[spmem:s1] =	stream.indirect.scatter.add.f32 [tilespmem:s31], [sflag:$0x9], $0x10, s4, s26, $0xb8;
	[tilespmem:$0x1C040] =	vst v63  }
0x99: {  	_ =	swait.ge [sflag:s23], $0xC80  }
0x9a: {  	[sflag:s23] =	ssyncset.done $0x0  }
0x9b: {  	[sflag:s23] =	ssyncadd.s32 $0xFFFFF380  }
0x9c: {  	s15 =	sadd.s32 s16, s22  }
0x9d: {  	s25 =	sadd.s32 s16, s21;
	s17 =	sadd.s32 $0x96, s15  }
0x9e: {  	[tilespmem:s0], [sflag:$0x7] =	stream.linear.gather [hbm4b:s17+s2], $0xC8, $0x38;
	[tilespmem:$0x1C040] =	vst v63  }
0x9f: {  	s18 =	sadd.s32 $0x96, s25  }
0xa0: {  	[tilespmem:s4], [sflag:$0x7] =	stream.linear.gather [hbm4b:s18+s2], $0xC8, $0x38;
	[tilespmem:$0x1C040] =	vst v63  }
0xa1: {  	_ =	swait.ge [sflag:s29], $0xC8  }
0xa2: {  	[sflag:s29] =	ssyncset.done $0x0  }
0xa3: {  	[sflag:s29] =	ssyncadd.s32 $0xFFFFFF38  }
0xa4: {  	_ =	swait.ge [sflag:s29], $0xC8  }
0xa5: {  	[sflag:s29] =	ssyncset.done $0x0  }
0xa6: {  	[sflag:s29] =	ssyncadd.s32 $0xFFFFFF38  }
0xa7: {  	[tilespmem:s31], [sflag:$0x3] =	stream.indirect.gather [hbm4b:s19+s26], $0x10, s0, s26, $0xb8;
	[tilespmem:$0x1C040] =	vst v63  }
0xa8: {  	_ =	swait.ge [sflag:s13], $0xC80  }
0xa9: {  	[sflag:s13] =	ssyncset.done $0x0  }
0xaa: {  	[sflag:s13] =	ssyncadd.s32 $0xFFFFF380  }
0xab: {  	[spmem:s1] =	stream.indirect.scatter.add.f32 [tilespmem:s10], [sflag:$0x9], $0x10, s8, s26, $0xb8;
	[tilespmem:$0x1C040] =	vst v63  }
0xac: {  	_ =	swait.ge [sflag:s23], $0xC80  }
.Ltmp3:
0xad: {  	[sflag:s23] =	ssyncset.done $0x0;
	(pc) =	sbr.rel .LBB2_2-.Ltmp3, $4  }
0xae: {  	s15 =	sadd.s32 $0xAF, s15;
	[sflag:s23] =	ssyncadd.s32 $0xFFFFF380  }
0xaf: {  	[tilespmem:s7], [sflag:$0x8] =	stream.linear.gather [hbm4b:s15+s2], $0xC8, $0x38;
	[tilespmem:$0x1C040] =	vst v63  }
0xb0: {  	s16 =	sadd.s32 $0x64, s16;
	s30 =	sadd.s32 $0xAF, s25  }
0xb1: {  	[tilespmem:s8], [sflag:$0x8] =	stream.linear.gather [hbm4b:s30+s2], $0xC8, $0x38;
	[tilespmem:$0x1C040] =	vst v63  }
.LBB2_5:
0xb2: {  	_ =	sfence.sel $0x180000  }
0xb3: {  	[bflag:$0x0] =	sbarrier.arrive $0xFFFF  }
0xb4: {  	_ =	strace $0x9000004A  }
0xb5: {  	s0 =	stileid.u32;
	[bflag:$0x2] =	sbarrier.arrive $0xFFFF  }
0xb6: {  	p0 =	sne.s32 s0, $0x0;
	s0 =	rddreg [dreg:$0x2]  }
0xb7: {  	s0 =	sadd.s32 @!p0 $0x100000, s0  }
0xb8: {  	[sflag:s0] =	ssyncadd.tile.s32 @!p0 $0x1;
	_ =	shalt  }
.Lfunc_end2:
_tile_overlayer_lowered:
.L_overlay_start_2:
0xb9: {  	(tag) =	ssettag $0x2  }
0xba: {  	s0 =	rddreg [dreg:$0x0];
	s2 =	stileid.u32  }
0xbb: {  	s1 =	rddreg [dreg:$0x1];
	p0 =	sne.s32 s2, $0x0  }
0xbc: {  	s3 =	rddreg [dreg:$0x2];
	[bflag:$0x3] =	sbarrier.arrive $0xFFFF;
	s2 =	simm.s32 @!p0 $0x1C09  }
0xbd: {  	[timem:s3], [sflag:s2] =	dma.local @!p0 [hbm:s0], s1  }
0xbe: {  	s0 =	simm.s32 @!p0 $0x9  }
0xbf: {  	_ =	swait.ge @!p0 [sflag:s0], s1  }
0xc0: {  	s1 =	ssub.s32 @!p0 $0x0, s1;
	[sflag:s0] =	ssyncset.done @!p0 $0x0  }
0xc1: {  	[sflag:s0] =	ssyncadd.s32 @!p0 s1  }
0xc2: {  	[bflag:$0x3] =	sbarrier.arrive $0xFFFF  }
0xc3: {  	_ =	shalt  }

</sc_bundles>
